<compile_context>
chip_gen: v7x
topology: tpu7x:2x2x1
jax: 0.10.2.dev20260603
libtpu: 0.0.44.dev20260713+nightly
codegen_flags: <defaults>
</compile_context>

<pallas_src>
import functools

import jax
import jax.numpy as jnp
from jax import lax
from jax.experimental import pallas as pl
from jax.experimental.pallas import tpu as pltpu
from jax.experimental.pallas import tpu_sc as plsc

DIM = 4096
N_EXPERTS = 64
TOPK = 8
N_GROUPS = 8
GROUP_SIZE = N_EXPERTS // N_GROUPS
TOPK_GROUPS = 4
ROUTE_SCALE = 2.5

BLK = 512
NW = 32
GSEL_ROW = 8


def _scores_body(x_ref, w_ref, s_ref):
    x = x_ref[...].astype(jnp.bfloat16)
    w = w_ref[...].astype(jnp.bfloat16)
    logits = lax.dot_general(
        x, w, (((1,), (1,)), ((), ())),
        preferred_element_type=jnp.float32,
    )
    s_ref[...] = jax.nn.sigmoid(logits)


def _iota16():
    return lax.broadcasted_iota(jnp.int32, (16,), 0)


def _routing_body(tpw, scores_hbm, w_hbm, i_hbm, slab, gsel, wslab, islab):
    nc = 2
    wid = lax.axis_index("s") * nc + lax.axis_index("c")
    base = wid * tpw

    pltpu.sync_copy(scores_hbm.at[pl.ds(base * N_EXPERTS, tpw * N_EXPERTS)],
                    slab)

    iota = _iota16()
    lo8 = iota & 7
    half = iota >= 8

    @plsc.parallel_loop(0, tpw // 16, 1, unroll=4)
    def batch_body(b):
        trow = (b * 16 + iota) * N_EXPERTS
        gmax = []
        for g in range(N_GROUPS):
            m = plsc.load_gather(slab, [trow + (g * GROUP_SIZE)])
            for j in range(1, GROUP_SIZE):
                m = jnp.maximum(
                    m, plsc.load_gather(slab, [trow + (g * GROUP_SIZE + j)]))
            gmax.append(m)
        for k in range(TOPK_GROUPS):
            mx = gmax[0]
            gi = jnp.zeros((16,), jnp.int32)
            for g in range(1, N_GROUPS):
                c = gmax[g] > mx
                mx = jnp.where(c, gmax[g], mx)
                gi = jnp.where(c, g, gi)
            plsc.store_scatter(gsel, [(b * 16 + iota) * GSEL_ROW + k], gi)
            for g in range(N_GROUPS):
                gmax[g] = jnp.where(gi == g, -1.0, gmax[g])

    pat01 = half.astype(jnp.int32)
    pat23 = pat01 + 2
    in8 = iota < 8

    @plsc.parallel_loop(0, tpw, 1, unroll=8)
    def tok_body(t):
        ga = plsc.load_gather(gsel, [t * GSEL_ROW + pat01])
        gb = plsc.load_gather(gsel, [t * GSEL_ROW + pat23])
        expa = ga * GROUP_SIZE + lo8
        expb = gb * GROUP_SIZE + lo8
        va = plsc.load_gather(slab, [t * N_EXPERTS + expa])
        vb = plsc.load_gather(slab, [t * N_EXPERTS + expb])
        ska, sva = plsc.sort_key_val(va, expa, descending=True)
        skb, svb = plsc.sort_key_val(vb, expb, descending=True)
        rkb = lax.rev(skb, (0,))
        rvb = lax.rev(svb, (0,))
        c = ska >= rkb
        mk = jnp.where(c, ska, rkb)
        mv = jnp.where(c, sva, rvb)
        fk, fv = plsc.sort_key_val(mk, mv, descending=True)
        w8 = jnp.where(in8, fk, 0.0)
        s = lax.broadcast_in_dim(jnp.sum(w8), (16,), ())
        wout = w8 * ROUTE_SCALE / s
        plsc.store_scatter(wslab, [t * TOPK + lo8], wout, mask=in8)
        plsc.store_scatter(islab, [t * TOPK + lo8], fv, mask=in8)

    pltpu.sync_copy(wslab, w_hbm.at[pl.ds(base * TOPK, tpw * TOPK)])
    pltpu.sync_copy(islab, i_hbm.at[pl.ds(base * TOPK, tpw * TOPK)])


def _score_chunk(x, W, off_blocks, n_blocks):
    return pl.pallas_call(
        _scores_body,
        grid=(n_blocks,),
        in_specs=[
            pl.BlockSpec((BLK, DIM), lambda i: (i + off_blocks, 0)),
            pl.BlockSpec((N_EXPERTS, DIM), lambda i: (0, 0)),
        ],
        out_specs=pl.BlockSpec((BLK, N_EXPERTS), lambda i: (i, 0)),
        out_shape=jax.ShapeDtypeStruct((n_blocks * BLK, N_EXPERTS),
                                       jnp.float32),
    )(x, W)


def _route_chunk(scores, n_tok):
    tpw = n_tok // NW
    mesh = plsc.VectorSubcoreMesh(core_axis_name="c", subcore_axis_name="s")
    w, i = pl.kernel(
        functools.partial(_routing_body, tpw),
        out_type=[
            jax.ShapeDtypeStruct((n_tok * TOPK,), jnp.float32),
            jax.ShapeDtypeStruct((n_tok * TOPK,), jnp.int32),
        ],
        mesh=mesh,
        compiler_params=pltpu.CompilerParams(needs_layout_passes=False),
        scratch_types=[
            pltpu.VMEM((tpw * N_EXPERTS,), jnp.float32),
            pltpu.VMEM((tpw * GSEL_ROW + 16,), jnp.int32),
            pltpu.VMEM((tpw * TOPK,), jnp.float32),
            pltpu.VMEM((tpw * TOPK,), jnp.int32),
        ],
    )(scores.reshape(-1))
    return w.reshape(n_tok, TOPK), i.reshape(n_tok, TOPK)


SPLITS = (12, 4)


@jax.jit
def kernel(x, W):
    ws, idxs = [], []
    off = 0
    for blocks in SPLITS:
        scores_c = _score_chunk(x, W, off, blocks)
        w_c, i_c = _route_chunk(scores_c, blocks * BLK)
        ws.append(w_c)
        idxs.append(i_c)
        off += blocks
    return jnp.concatenate(ws, axis=0), jnp.concatenate(idxs, axis=0)

# --- scband reference (transcript-rebuilt; emitter-appended) ---
"""Pipeline reference for scband-gate-deep-seek-v3-5282809775020 (READ-ONLY COPY).

The authoritative reference and input builder live on the scoring server;
editing this copy changes nothing except your own understanding.
"""

import jax, jax.numpy as jnp
import numpy as np

DIM = 4096
N_ROUTED_EXPERTS = 64
TOPK = 8
N_GROUPS = 8
TOPK_GROUPS = 4
ROUTE_SCALE = 2.5
N_TOKENS = 8192


def setup_inputs(seed: int = 0) -> dict:
    key = jax.random.key(seed)
    k1, k2 = jax.random.split(key)
    x = jax.random.normal(k1, (N_TOKENS, DIM), dtype=jnp.float32)
    W = jax.random.normal(k2, (N_ROUTED_EXPERTS, DIM), dtype=jnp.float32) * 0.02
    return {"x": x, "W": W}


def reference(x, W):
    # scores = F.linear(x, weight)
    scores = x @ W.T
    # score_func == 'sigmoid'
    scores = jax.nn.sigmoid(scores)
    original_scores = scores
    # bias is None since dim != 7168
    n_tok = x.shape[0]
    # n_groups > 1 path
    s = scores.reshape(n_tok, N_GROUPS, -1)
    # bias is None -> group_scores = amax over group members
    group_scores = jnp.max(s, axis=-1)
    _, gidx = jax.lax.top_k(group_scores, TOPK_GROUPS)  # [n_tok, topk_groups]
    mask = jnp.zeros((n_tok, N_GROUPS), dtype=scores.dtype).at[
        jnp.arange(n_tok)[:, None], gidx
    ].set(1.0)
    masked = (s * mask[:, :, None]).reshape(n_tok, -1)
    _, indices = jax.lax.top_k(masked, TOPK)  # [n_tok, topk]
    weights = jnp.take_along_axis(original_scores, indices, axis=1)
    # sigmoid score func -> normalize
    weights = weights / jnp.sum(weights, axis=-1, keepdims=True)
    weights = weights * ROUTE_SCALE
    return weights.astype(x.dtype), indices

if __name__ == "__main__":
    import jax
    _d = setup_inputs()
    print(jax.jit(kernel)(*tuple(_d.values())))

</pallas_src>

<mosaic_0001>
#map = affine_map<(d0, d1) -> (0)>
module attributes {stable_mosaic.version = 14 : i64} {
  func.func @_routing_body(%arg0: i32, %arg1: i32, %arg2: memref<393216xf32, #tpu.memory_space<hbm>>, %arg3: memref<49152xf32, #tpu.memory_space<hbm>>, %arg4: memref<49152xi32, #tpu.memory_space<hbm>>, %arg5: memref<12288xf32, #tpu.memory_space<vmem>>, %arg6: memref<1552xi32, #tpu.memory_space<vmem>>, %arg7: memref<1536xf32, #tpu.memory_space<vmem>>, %arg8: memref<1536xi32, #tpu.memory_space<vmem>>) attributes {dimension_semantics = [#tpu.dimension_semantics<core_parallel>, #tpu.dimension_semantics<subcore_parallel>], iteration_bounds = array<i64: 2, 16>, scalar_prefetch = 0 : i64, scratch_operands = 4 : i64, tpu.core_type = #tpu.core_type<sc_vector_subcore>, window_params = [{transform_indices = #map}, {transform_indices = #map}, {transform_indices = #map}]} {
    %mul3A = arith.constant 2 : i32
    %mul3A_0 = arith.muli %arg1, %mul3A : i32
    %add3A = arith.addi %mul3A_0, %arg0 : i32
    %mul3A_1 = arith.constant 192 : i32
    %mul3A_2 = arith.muli %add3A, %mul3A_1 : i32
    %mul3A_3 = arith.constant 64 : i32
    %mul3A_4 = arith.muli %mul3A_2, %mul3A_3 : i32
    "tpu.region"() ({
      %run_scoped3A = tpu.sem_alloc : memref<!tpu.dma_semaphore, #tpu.memory_space<semaphore_mem>>
      %dma_start3A = tpu.memref_slice %arg2[%mul3A_4] : memref<393216xf32, #tpu.memory_space<hbm>> -> memref<12288xf32, #tpu.memory_space<hbm>>
      %dma_start3A_23 = tpu.memref_slice %arg2[%mul3A_4] : memref<393216xf32, #tpu.memory_space<hbm>> -> memref<12288xf32, #tpu.memory_space<hbm>>
      tpu.enqueue_dma source(%dma_start3A_23 : memref<12288xf32, #tpu.memory_space<hbm>>) target(%arg5 : memref<12288xf32, #tpu.memory_space<vmem>>) target_semaphore(%run_scoped3A : memref<!tpu.dma_semaphore, #tpu.memory_space<semaphore_mem>>)
      %dma_wait3A = tpu.memref_slice %arg2[%mul3A_4] : memref<393216xf32, #tpu.memory_space<hbm>> -> memref<12288xf32, #tpu.memory_space<hbm>>
      %dma_wait3A_24 = tpu.memref_slice %arg2[%mul3A_4] : memref<393216xf32, #tpu.memory_space<hbm>> -> memref<12288xf32, #tpu.memory_space<hbm>>
      tpu.wait_dma2 semaphore(%run_scoped3A : memref<!tpu.dma_semaphore, #tpu.memory_space<semaphore_mem>>) src(%dma_wait3A_24 : memref<12288xf32, #tpu.memory_space<hbm>>) dst(%arg5 : memref<12288xf32, #tpu.memory_space<vmem>>)
      tpu.yield
    }) : () -> ()
    %iota3A = tpu.iota {dimensions = array<i32: 0>} : vector<16xi32>
    %and3A = arith.constant 7 : i32
    %and3A_5 = vector.broadcast %and3A : i32 to vector<16xi32>
    %and3A_6 = arith.andi %iota3A, %and3A_5 : vector<16xi32>
    %ge3A = arith.constant 8 : i32
    %ge3A_7 = vector.broadcast %ge3A : i32 to vector<16xi32>
    %ge3A_8 = arith.cmpi sge, %iota3A, %ge3A_7 : vector<16xi32>
    %parallel_loop3A = arith.constant 0 : i32
    %parallel_loop3A_9 = arith.constant 12 : i32
    %parallel_loop3A_10 = arith.constant 1 : i32
    scf.for %parallel_loop3A_23 = %parallel_loop3A to %parallel_loop3A_9 step %parallel_loop3A_10  : i32 {
      %parallel_loop3A_24 = arith.constant 16 : i32
      %parallel_loop3A_25 = arith.muli %parallel_loop3A_23, %parallel_loop3A_24 : i32
      %parallel_loop3A_26 = vector.broadcast %parallel_loop3A_25 : i32 to vector<16xi32>
      %parallel_loop3A_27 = arith.addi %parallel_loop3A_26, %iota3A : vector<16xi32>
      %parallel_loop3A_28 = arith.constant 64 : i32
      %parallel_loop3A_29 = vector.broadcast %parallel_loop3A_28 : i32 to vector<16xi32>
      %parallel_loop3A_30 = arith.muli %parallel_loop3A_27, %parallel_loop3A_29 : vector<16xi32>
      %parallel_loop3A_31 = arith.constant 0 : i32
      %parallel_loop3A_32 = vector.broadcast %parallel_loop3A_31 : i32 to vector<16xi32>
      %parallel_loop3A_33 = arith.addi %parallel_loop3A_30, %parallel_loop3A_32 : vector<16xi32>
      %parallel_loop3A_34 = tpu.vector_load_idx %arg5[%parallel_loop3A_33] : memref<12288xf32, #tpu.memory_space<vmem>>[vector<16xi32>], vector<16xf32>,
      %parallel_loop3A_35 = arith.constant 1 : i32
      %parallel_loop3A_36 = vector.broadcast %parallel_loop3A_35 : i32 to vector<16xi32>
      %parallel_loop3A_37 = arith.addi %parallel_loop3A_30, %parallel_loop3A_36 : vector<16xi32>
      %parallel_loop3A_38 = tpu.vector_load_idx %arg5[%parallel_loop3A_37] : memref<12288xf32, #tpu.memory_space<vmem>>[vector<16xi32>], vector<16xf32>,
      %parallel_loop3A_39 = arith.maximumf %parallel_loop3A_34, %parallel_loop3A_38 : vector<16xf32>
      %parallel_loop3A_40 = arith.constant 2 : i32
      %parallel_loop3A_41 = vector.broadcast %parallel_loop3A_40 : i32 to vector<16xi32>
      %parallel_loop3A_42 = arith.addi %parallel_loop3A_30, %parallel_loop3A_41 : vector<16xi32>
      %parallel_loop3A_43 = tpu.vector_load_idx %arg5[%parallel_loop3A_42] : memref<12288xf32, #tpu.memory_space<vmem>>[vector<16xi32>], vector<16xf32>,
      %parallel_loop3A_44 = arith.maximumf %parallel_loop3A_39, %parallel_loop3A_43 : vector<16xf32>
      %parallel_loop3A_45 = arith.constant 3 : i32
      %parallel_loop3A_46 = vector.broadcast %parallel_loop3A_45 : i32 to vector<16xi32>
      %parallel_loop3A_47 = arith.addi %parallel_loop3A_30, %parallel_loop3A_46 : vector<16xi32>
      %parallel_loop3A_48 = tpu.vector_load_idx %arg5[%parallel_loop3A_47] : memref<12288xf32, #tpu.memory_space<vmem>>[vector<16xi32>], vector<16xf32>,
      %parallel_loop3A_49 = arith.maximumf %parallel_loop3A_44, %parallel_loop3A_48 : vector<16xf32>
      %parallel_loop3A_50 = arith.constant 4 : i32
      %parallel_loop3A_51 = vector.broadcast %parallel_loop3A_50 : i32 to vector<16xi32>
      %parallel_loop3A_52 = arith.addi %parallel_loop3A_30, %parallel_loop3A_51 : vector<16xi32>
      %parallel_loop3A_53 = tpu.vector_load_idx %arg5[%parallel_loop3A_52] : memref<12288xf32, #tpu.memory_space<vmem>>[vector<16xi32>], vector<16xf32>,
      %parallel_loop3A_54 = arith.maximumf %parallel_loop3A_49, %parallel_loop3A_53 : vector<16xf32>
      %parallel_loop3A_55 = arith.constant 5 : i32
      %parallel_loop3A_56 = vector.broadcast %parallel_loop3A_55 : i32 to vector<16xi32>
      %parallel_loop3A_57 = arith.addi %parallel_loop3A_30, %parallel_loop3A_56 : vector<16xi32>
      %parallel_loop3A_58 = tpu.vector_load_idx %arg5[%parallel_loop3A_57] : memref<12288xf32, #tpu.memory_space<vmem>>[vector<16xi32>], vector<16xf32>,
      %parallel_loop3A_59 = arith.maximumf %parallel_loop3A_54, %parallel_loop3A_58 : vector<16xf32>
      %parallel_loop3A_60 = arith.constant 6 : i32
      %parallel_loop3A_61 = vector.broadcast %parallel_loop3A_60 : i32 to vector<16xi32>
      %parallel_loop3A_62 = arith.addi %parallel_loop3A_30, %parallel_loop3A_61 : vector<16xi32>
      %parallel_loop3A_63 = tpu.vector_load_idx %arg5[%parallel_loop3A_62] : memref<12288xf32, #tpu.memory_space<vmem>>[vector<16xi32>], vector<16xf32>,
      %parallel_loop3A_64 = arith.maximumf %parallel_loop3A_59, %parallel_loop3A_63 : vector<16xf32>
      %parallel_loop3A_65 = arith.constant 7 : i32
      %parallel_loop3A_66 = vector.broadcast %parallel_loop3A_65 : i32 to vector<16xi32>
      %parallel_loop3A_67 = arith.addi %parallel_loop3A_30, %parallel_loop3A_66 : vector<16xi32>
      %parallel_loop3A_68 = tpu.vector_load_idx %arg5[%parallel_loop3A_67] : memref<12288xf32, #tpu.memory_space<vmem>>[vector<16xi32>], vector<16xf32>,
      %parallel_loop3A_69 = arith.maximumf %parallel_loop3A_64, %parallel_loop3A_68 : vector<16xf32>
      %parallel_loop3A_70 = arith.constant 8 : i32
      %parallel_loop3A_71 = vector.broadcast %parallel_loop3A_70 : i32 to vector<16xi32>
      %parallel_loop3A_72 = arith.addi %parallel_loop3A_30, %parallel_loop3A_71 : vector<16xi32>
      %parallel_loop3A_73 = tpu.vector_load_idx %arg5[%parallel_loop3A_72] : memref<12288xf32, #tpu.memory_space<vmem>>[vector<16xi32>], vector<16xf32>,
      %parallel_loop3A_74 = arith.constant 9 : i32
      %parallel_loop3A_75 = vector.broadcast %parallel_loop3A_74 : i32 to vector<16xi32>
      %parallel_loop3A_76 = arith.addi %parallel_loop3A_30, %parallel_loop3A_75 : vector<16xi32>
      %parallel_loop3A_77 = tpu.vector_load_idx %arg5[%parallel_loop3A_76] : memref<12288xf32, #tpu.memory_space<vmem>>[vector<16xi32>], vector<16xf32>,
      %parallel_loop3A_78 = arith.maximumf %parallel_loop3A_73, %parallel_loop3A_77 : vector<16xf32>
      %parallel_loop3A_79 = arith.constant 10 : i32
      %parallel_loop3A_80 = vector.broadcast %parallel_loop3A_79 : i32 to vector<16xi32>
      %parallel_loop3A_81 = arith.addi %parallel_loop3A_30, %parallel_loop3A_80 : vector<16xi32>
      %parallel_loop3A_82 = tpu.vector_load_idx %arg5[%parallel_loop3A_81] : memref<12288xf32, #tpu.memory_space<vmem>>[vector<16xi32>], vector<16xf32>,
      %parallel_loop3A_83 = arith.maximumf %parallel_loop3A_78, %parallel_loop3A_82 : vector<16xf32>
      %parallel_loop3A_84 = arith.constant 11 : i32
      %parallel_loop3A_85 = vector.broadcast %parallel_loop3A_84 : i32 to vector<16xi32>
      %parallel_loop3A_86 = arith.addi %parallel_loop3A_30, %parallel_loop3A_85 : vector<16xi32>
      %parallel_loop3A_87 = tpu.vector_load_idx %arg5[%parallel_loop3A_86] : memref<12288xf32, #tpu.memory_space<vmem>>[vector<16xi32>], vector<16xf32>,
      %parallel_loop3A_88 = arith.maximumf %parallel_loop3A_83, %parallel_loop3A_87 : vector<16xf32>
      %parallel_loop3A_89 = arith.constant 12 : i32
      %parallel_loop3A_90 = vector.broadcast %parallel_loop3A_89 : i32 to vector<16xi32>
      %parallel_loop3A_91 = arith.addi %parallel_loop3A_30, %parallel_loop3A_90 : vector<16xi32>
      %parallel_loop3A_92 = tpu.vector_load_idx %arg5[%parallel_loop3A_91] : memref<12288xf32, #tpu.memory_space<vmem>>[vector<16xi32>], vector<16xf32>,
      %parallel_loop3A_93 = arith.maximumf %parallel_loop3A_88, %parallel_loop3A_92 : vector<16xf32>
      %parallel_loop3A_94 = arith.constant 13 : i32
      %parallel_loop3A_95 = vector.broadcast %parallel_loop3A_94 : i32 to vector<16xi32>
      %parallel_loop3A_96 = arith.addi %parallel_loop3A_30, %parallel_loop3A_95 : vector<16xi32>
      %parallel_loop3A_97 = tpu.vector_load_idx %arg5[%parallel_loop3A_96] : memref<12288xf32, #tpu.memory_space<vmem>>[vector<16xi32>], vector<16xf32>,
      %parallel_loop3A_98 = arith.maximumf %parallel_loop3A_93, %parallel_loop3A_97 : vector<16xf32>
      %parallel_loop3A_99 = arith.constant 14 : i32
      %parallel_loop3A_100 = vector.broadcast %parallel_loop3A_99 : i32 to vector<16xi32>
      %parallel_loop3A_101 = arith.addi %parallel_loop3A_30, %parallel_loop3A_100 : vector<16xi32>
      %parallel_loop3A_102 = tpu.vector_load_idx %arg5[%parallel_loop3A_101] : memref<12288xf32, #tpu.memory_space<vmem>>[vector<16xi32>], vector<16xf32>,
      %parallel_loop3A_103 = arith.maximumf %parallel_loop3A_98, %parallel_loop3A_102 : vector<16xf32>
      %parallel_loop3A_104 = arith.constant 15 : i32
      %parallel_loop3A_105 = vector.broadcast %parallel_loop3A_104 : i32 to vector<16xi32>
      %parallel_loop3A_106 = arith.addi %parallel_loop3A_30, %parallel_loop3A_105 : vector<16xi32>
      %parallel_loop3A_107 = tpu.vector_load_idx %arg5[%parallel_loop3A_106] : memref<12288xf32, #tpu.memory_space<vmem>>[vector<16xi32>], vector<16xf32>,
      %parallel_loop3A_108 = arith.maximumf %parallel_loop3A_103, %parallel_loop3A_107 : vector<16xf32>
      %parallel_loop3A_109 = arith.constant 16 : i32
      %parallel_loop3A_110 = vector.broadcast %parallel_loop3A_109 : i32 to vector<16xi32>
      %parallel_loop3A_111 = arith.addi %parallel_loop3A_30, %parallel_loop3A_110 : vector<16xi32>
      %parallel_loop3A_112 = tpu.vector_load_idx %arg5[%parallel_loop3A_111] : memref<12288xf32, #tpu.memory_space<vmem>>[vector<16xi32>], vector<16xf32>,
      %parallel_loop3A_113 = arith.constant 17 : i32
      %parallel_loop3A_114 = vector.broadcast %parallel_loop3A_113 : i32 to vector<16xi32>
      %parallel_loop3A_115 = arith.addi %parallel_loop3A_30, %parallel_loop3A_114 : vector<16xi32>
      %parallel_loop3A_116 = tpu.vector_load_idx %arg5[%parallel_loop3A_115] : memref<12288xf32, #tpu.memory_space<vmem>>[vector<16xi32>], vector<16xf32>,
      %parallel_loop3A_117 = arith.maximumf %parallel_loop3A_112, %parallel_loop3A_116 : vector<16xf32>
      %parallel_loop3A_118 = arith.constant 18 : i32
      %parallel_loop3A_119 = vector.broadcast %parallel_loop3A_118 : i32 to vector<16xi32>
      %parallel_loop3A_120 = arith.addi %parallel_loop3A_30, %parallel_loop3A_119 : vector<16xi32>
      %parallel_loop3A_121 = tpu.vector_load_idx %arg5[%parallel_loop3A_120] : memref<12288xf32, #tpu.memory_space<vmem>>[vector<16xi32>], vector<16xf32>,
      %parallel_loop3A_122 = arith.maximumf %parallel_loop3A_117, %parallel_loop3A_121 : vector<16xf32>
      %parallel_loop3A_123 = arith.constant 19 : i32
      %parallel_loop3A_124 = vector.broadcast %parallel_loop3A_123 : i32 to vector<16xi32>
      %parallel_loop3A_125 = arith.addi %parallel_loop3A_30, %parallel_loop3A_124 : vector<16xi32>
      %parallel_loop3A_126 = tpu.vector_load_idx %arg5[%parallel_loop3A_125] : memref<12288xf32, #tpu.memory_space<vmem>>[vector<16xi32>], vector<16xf32>,
      %parallel_loop3A_127 = arith.maximumf %parallel_loop3A_122, %parallel_loop3A_126 : vector<16xf32>
      %parallel_loop3A_128 = arith.constant 20 : i32
      %parallel_loop3A_129 = vector.broadcast %parallel_loop3A_128 : i32 to vector<16xi32>
      %parallel_loop3A_130 = arith.addi %parallel_loop3A_30, %parallel_loop3A_129 : vector<16xi32>
      %parallel_loop3A_131 = tpu.vector_load_idx %arg5[%parallel_loop3A_130] : memref<12288xf32, #tpu.memory_space<vmem>>[vector<16xi32>], vector<16xf32>,
      %parallel_loop3A_132 = arith.maximumf %parallel_loop3A_127, %parallel_loop3A_131 : vector<16xf32>
      %parallel_loop3A_133 = arith.constant 21 : i32
      %parallel_loop3A_134 = vector.broadcast %parallel_loop3A_133 : i32 to vector<16xi32>
      %parallel_loop3A_135 = arith.addi %parallel_loop3A_30, %parallel_loop3A_134 : vector<16xi32>
      %parallel_loop3A_136 = tpu.vector_load_idx %arg5[%parallel_loop3A_135] : memref<12288xf32, #tpu.memory_space<vmem>>[vector<16xi32>], vector<16xf32>,
      %parallel_loop3A_137 = arith.maximumf %parallel_loop3A_132, %parallel_loop3A_136 : vector<16xf32>
      %parallel_loop3A_138 = arith.constant 22 : i32
      %parallel_loop3A_139 = vector.broadcast %parallel_loop3A_138 : i32 to vector<16xi32>
      %parallel_loop3A_140 = arith.addi %parallel_loop3A_30, %parallel_loop3A_139 : vector<16xi32>
      %parallel_loop3A_141 = tpu.vector_load_idx %arg5[%parallel_loop3A_140] : memref<12288xf32, #tpu.memory_space<vmem>>[vector<16xi32>], vector<16xf32>,
      %parallel_loop3A_142 = arith.maximumf %parallel_loop3A_137, %parallel_loop3A_141 : vector<16xf32>
      %parallel_loop3A_143 = arith.constant 23 : i32
      %parallel_loop3A_144 = vector.broadcast %parallel_loop3A_143 : i32 to vector<16xi32>
      %parallel_loop3A_145 = arith.addi %parallel_loop3A_30, %parallel_loop3A_144 : vector<16xi32>
      %parallel_loop3A_146 = tpu.vector_load_idx %arg5[%parallel_loop3A_145] : memref<12288xf32, #tpu.memory_space<vmem>>[vector<16xi32>], vector<16xf32>,
      %parallel_loop3A_147 = arith.maximumf %parallel_loop3A_142, %parallel_loop3A_146 : vector<16xf32>
      %parallel_loop3A_148 = arith.constant 24 : i32
      %parallel_loop3A_149 = vector.broadcast %parallel_loop3A_148 : i32 to vector<16xi32>
      %parallel_loop3A_150 = arith.addi %parallel_loop3A_30, %parallel_loop3A_149 : vector<16xi32>
      %parallel_loop3A_151 = tpu.vector_load_idx %arg5[%parallel_loop3A_150] : memref<12288xf32, #tpu.memory_space<vmem>>[vector<16xi32>], vector<16xf32>,
      %parallel_loop3A_152 = arith.constant 25 : i32
      %parallel_loop3A_153 = vector.broadcast %parallel_loop3A_152 : i32 to vector<16xi32>
      %parallel_loop3A_154 = arith.addi %parallel_loop3A_30, %parallel_loop3A_153 : vector<16xi32>
      %parallel_loop3A_155 = tpu.vector_load_idx %arg5[%parallel_loop3A_154] : memref<12288xf32, #tpu.memory_space<vmem>>[vector<16xi32>], vector<16xf32>,
      %parallel_loop3A_156 = arith.maximumf %parallel_loop3A_151, %parallel_loop3A_155 : vector<16xf32>
      %parallel_loop3A_157 = arith.constant 26 : i32
      %parallel_loop3A_158 = vector.broadcast %parallel_loop3A_157 : i32 to vector<16xi32>
      %parallel_loop3A_159 = arith.addi %parallel_loop3A_30, %parallel_loop3A_158 : vector<16xi32>
      %parallel_loop3A_160 = tpu.vector_load_idx %arg5[%parallel_loop3A_159] : memref<12288xf32, #tpu.memory_space<vmem>>[vector<16xi32>], vector<16xf32>,
      %parallel_loop3A_161 = arith.maximumf %parallel_loop3A_156, %parallel_loop3A_160 : vector<16xf32>
      %parallel_loop3A_162 = arith.constant 27 : i32
      %parallel_loop3A_163 = vector.broadcast %parallel_loop3A_162 : i32 to vector<16xi32>
      %parallel_loop3A_164 = arith.addi %parallel_loop3A_30, %parallel_loop3A_163 : vector<16xi32>
      %parallel_loop3A_165 = tpu.vector_load_idx %arg5[%parallel_loop3A_164] : memref<12288xf32, #tpu.memory_space<vmem>>[vector<16xi32>], vector<16xf32>,
      %parallel_loop3A_166 = arith.maximumf %parallel_loop3A_161, %parallel_loop3A_165 : vector<16xf32>
      %parallel_loop3A_167 = arith.constant 28 : i32
      %parallel_loop3A_168 = vector.broadcast %parallel_loop3A_167 : i32 to vector<16xi32>
      %parallel_loop3A_169 = arith.addi %parallel_loop3A_30, %parallel_loop3A_168 : vector<16xi32>
      %parallel_loop3A_170 = tpu.vector_load_idx %arg5[%parallel_loop3A_169] : memref<12288xf32, #tpu.memory_space<vmem>>[vector<16xi32>], vector<16xf32>,
      %parallel_loop3A_171 = arith.maximumf %parallel_loop3A_166, %parallel_loop3A_170 : vector<16xf32>
      %parallel_loop3A_172 = arith.constant 29 : i32
      %parallel_loop3A_173 = vector.broadcast %parallel_loop3A_172 : i32 to vector<16xi32>
      %parallel_loop3A_174 = arith.addi %parallel_loop3A_30, %parallel_loop3A_173 : vector<16xi32>
      %parallel_loop3A_175 = tpu.vector_load_idx %arg5[%parallel_loop3A_174] : memref<12288xf32, #tpu.memory_space<vmem>>[vector<16xi32>], vector<16xf32>,
      %parallel_loop3A_176 = arith.maximumf %parallel_loop3A_171, %parallel_loop3A_175 : vector<16xf32>
      %parallel_loop3A_177 = arith.constant 30 : i32
      %parallel_loop3A_178 = vector.broadcast %parallel_loop3A_177 : i32 to vector<16xi32>
      %parallel_loop3A_179 = arith.addi %parallel_loop3A_30, %parallel_loop3A_178 : vector<16xi32>
      %parallel_loop3A_180 = tpu.vector_load_idx %arg5[%parallel_loop3A_179] : memref<12288xf32, #tpu.memory_space<vmem>>[vector<16xi32>], vector<16xf32>,
      %parallel_loop3A_181 = arith.maximumf %parallel_loop3A_176, %parallel_loop3A_180 : vector<16xf32>
      %parallel_loop3A_182 = arith.constant 31 : i32
      %parallel_loop3A_183 = vector.broadcast %parallel_loop3A_182 : i32 to vector<16xi32>
      %parallel_loop3A_184 = arith.addi %parallel_loop3A_30, %parallel_loop3A_183 : vector<16xi32>
      %parallel_loop3A_185 = tpu.vector_load_idx %arg5[%parallel_loop3A_184] : memref<12288xf32, #tpu.memory_space<vmem>>[vector<16xi32>], vector<16xf32>,
      %parallel_loop3A_186 = arith.maximumf %parallel_loop3A_181, %parallel_loop3A_185 : vector<16xf32>
      %parallel_loop3A_187 = arith.constant 32 : i32
      %parallel_loop3A_188 = vector.broadcast %parallel_loop3A_187 : i32 to vector<16xi32>
      %parallel_loop3A_189 = arith.addi %parallel_loop3A_30, %parallel_loop3A_188 : vector<16xi32>
      %parallel_loop3A_190 = tpu.vector_load_idx %arg5[%parallel_loop3A_189] : memref<12288xf32, #tpu.memory_space<vmem>>[vector<16xi32>], vector<16xf32>,
      %parallel_loop3A_191 = arith.constant 33 : i32
      %parallel_loop3A_192 = vector.broadcast %parallel_loop3A_191 : i32 to vector<16xi32>
      %parallel_loop3A_193 = arith.addi %parallel_loop3A_30, %parallel_loop3A_192 : vector<16xi32>
      %parallel_loop3A_194 = tpu.vector_load_idx %arg5[%parallel_loop3A_193] : memref<12288xf32, #tpu.memory_space<vmem>>[vector<16xi32>], vector<16xf32>,
      %parallel_loop3A_195 = arith.maximumf %parallel_loop3A_190, %parallel_loop3A_194 : vector<16xf32>
      %parallel_loop3A_196 = arith.constant 34 : i32
      %parallel_loop3A_197 = vector.broadcast %parallel_loop3A_196 : i32 to vector<16xi32>
      %parallel_loop3A_198 = arith.addi %parallel_loop3A_30, %parallel_loop3A_197 : vector<16xi32>
      %parallel_loop3A_199 = tpu.vector_load_idx %arg5[%parallel_loop3A_198] : memref<12288xf32, #tpu.memory_space<vmem>>[vector<16xi32>], vector<16xf32>,
      %parallel_loop3A_200 = arith.maximumf %parallel_loop3A_195, %parallel_loop3A_199 : vector<16xf32>
      %parallel_loop3A_201 = arith.constant 35 : i32
      %parallel_loop3A_202 = vector.broadcast %parallel_loop3A_201 : i32 to vector<16xi32>
      %parallel_loop3A_203 = arith.addi %parallel_loop3A_30, %parallel_loop3A_202 : vector<16xi32>
      %parallel_loop3A_204 = tpu.vector_load_idx %arg5[%parallel_loop3A_203] : memref<12288xf32, #tpu.memory_space<vmem>>[vector<16xi32>], vector<16xf32>,
      %parallel_loop3A_205 = arith.maximumf %parallel_loop3A_200, %parallel_loop3A_204 : vector<16xf32>
      %parallel_loop3A_206 = arith.constant 36 : i32
      %parallel_loop3A_207 = vector.broadcast %parallel_loop3A_206 : i32 to vector<16xi32>
      %parallel_loop3A_208 = arith.addi %parallel_loop3A_30, %parallel_loop3A_207 : vector<16xi32>
      %parallel_loop3A_209 = tpu.vector_load_idx %arg5[%parallel_loop3A_208] : memref<12288xf32, #tpu.memory_space<vmem>>[vector<16xi32>], vector<16xf32>,
      %parallel_loop3A_210 = arith.maximumf %parallel_loop3A_205, %parallel_loop3A_209 : vector<16xf32>
      %parallel_loop3A_211 = arith.constant 37 : i32
      %parallel_loop3A_212 = vector.broadcast %parallel_loop3A_211 : i32 to vector<16xi32>
      %parallel_loop3A_213 = arith.addi %parallel_loop3A_30, %parallel_loop3A_212 : vector<16xi32>
      %parallel_loop3A_214 = tpu.vector_load_idx %arg5[%parallel_loop3A_213] : memref<12288xf32, #tpu.memory_space<vmem>>[vector<16xi32>], vector<16xf32>,
      %parallel_loop3A_215 = arith.maximumf %parallel_loop3A_210, %parallel_loop3A_214 : vector<16xf32>
      %parallel_loop3A_216 = arith.constant 38 : i32
      %parallel_loop3A_217 = vector.broadcast %parallel_loop3A_216 : i32 to vector<16xi32>
      %parallel_loop3A_218 = arith.addi %parallel_loop3A_30, %parallel_loop3A_217 : vector<16xi32>
      %parallel_loop3A_219 = tpu.vector_load_idx %arg5[%parallel_loop3A_218] : memref<12288xf32, #tpu.memory_space<vmem>>[vector<16xi32>], vector<16xf32>,
      %parallel_loop3A_220 = arith.maximumf %parallel_loop3A_215, %parallel_loop3A_219 : vector<16xf32>
      %parallel_loop3A_221 = arith.constant 39 : i32
      %parallel_loop3A_222 = vector.broadcast %parallel_loop3A_221 : i32 to vector<16xi32>
      %parallel_loop3A_223 = arith.addi %parallel_loop3A_30, %parallel_loop3A_222 : vector<16xi32>
      %parallel_loop3A_224 = tpu.vector_load_idx %arg5[%parallel_loop3A_223] : memref<12288xf32, #tpu.memory_space<vmem>>[vector<16xi32>], vector<16xf32>,
      %parallel_loop3A_225 = arith.maximumf %parallel_loop3A_220, %parallel_loop3A_224 : vector<16xf32>
      %parallel_loop3A_226 = arith.constant 40 : i32
      %parallel_loop3A_227 = vector.broadcast %parallel_loop3A_226 : i32 to vector<16xi32>
      %parallel_loop3A_228 = arith.addi %parallel_loop3A_30, %parallel_loop3A_227 : vector<16xi32>
      %parallel_loop3A_229 = tpu.vector_load_idx %arg5[%parallel_loop3A_228] : memref<12288xf32, #tpu.memory_space<vmem>>[vector<16xi32>], vector<16xf32>,
      %parallel_loop3A_230 = arith.constant 41 : i32
      %parallel_loop3A_231 = vector.broadcast %parallel_loop3A_230 : i32 to vector<16xi32>
      %parallel_loop3A_232 = arith.addi %parallel_loop3A_30, %parallel_loop3A_231 : vector<16xi32>
      %parallel_loop3A_233 = tpu.vector_load_idx %arg5[%parallel_loop3A_232] : memref<12288xf32, #tpu.memory_space<vmem>>[vector<16xi32>], vector<16xf32>,
      %parallel_loop3A_234 = arith.maximumf %parallel_loop3A_229, %parallel_loop3A_233 : vector<16xf32>
      %parallel_loop3A_235 = arith.constant 42 : i32
      %parallel_loop3A_236 = vector.broadcast %parallel_loop3A_235 : i32 to vector<16xi32>
      %parallel_loop3A_237 = arith.addi %parallel_loop3A_30, %parallel_loop3A_236 : vector<16xi32>
      %parallel_loop3A_238 = tpu.vector_load_idx %arg5[%parallel_loop3A_237] : memref<12288xf32, #tpu.memory_space<vmem>>[vector<16xi32>], vector<16xf32>,
      %parallel_loop3A_239 = arith.maximumf %parallel_loop3A_234, %parallel_loop3A_238 : vector<16xf32>
      %parallel_loop3A_240 = arith.constant 43 : i32
      %parallel_loop3A_241 = vector.broadcast %parallel_loop3A_240 : i32 to vector<16xi32>
      %parallel_loop3A_242 = arith.addi %parallel_loop3A_30, %parallel_loop3A_241 : vector<16xi32>
      %parallel_loop3A_243 = tpu.vector_load_idx %arg5[%parallel_loop3A_242] : memref<12288xf32, #tpu.memory_space<vmem>>[vector<16xi32>], vector<16xf32>,
      %parallel_loop3A_244 = arith.maximumf %parallel_loop3A_239, %parallel_loop3A_243 : vector<16xf32>
      %parallel_loop3A_245 = arith.constant 44 : i32
      %parallel_loop3A_246 = vector.broadcast %parallel_loop3A_245 : i32 to vector<16xi32>
      %parallel_loop3A_247 = arith.addi %parallel_loop3A_30, %parallel_loop3A_246 : vector<16xi32>
      %parallel_loop3A_248 = tpu.vector_load_idx %arg5[%parallel_loop3A_247] : memref<12288xf32, #tpu.memory_space<vmem>>[vector<16xi32>], vector<16xf32>,
      %parallel_loop3A_249 = arith.maximumf %parallel_loop3A_244, %parallel_loop3A_248 : vector<16xf32>
      %parallel_loop3A_250 = arith.constant 45 : i32
      %parallel_loop3A_251 = vector.broadcast %parallel_loop3A_250 : i32 to vector<16xi32>
      %parallel_loop3A_252 = arith.addi %parallel_loop3A_30, %parallel_loop3A_251 : vector<16xi32>
      %parallel_loop3A_253 = tpu.vector_load_idx %arg5[%parallel_loop3A_252] : memref<12288xf32, #tpu.memory_space<vmem>>[vector<16xi32>], vector<16xf32>,
      %parallel_loop3A_254 = arith.maximumf %parallel_loop3A_249, %parallel_loop3A_253 : vector<16xf32>
      %parallel_loop3A_255 = arith.constant 46 : i32
      %parallel_loop3A_256 = vector.broadcast %parallel_loop3A_255 : i32 to vector<16xi32>
      %parallel_loop3A_257 = arith.addi %parallel_loop3A_30, %parallel_loop3A_256 : vector<16xi32>
      %parallel_loop3A_258 = tpu.vector_load_idx %arg5[%parallel_loop3A_257] : memref<12288xf32, #tpu.memory_space<vmem>>[vector<16xi32>], vector<16xf32>,
      %parallel_loop3A_259 = arith.maximumf %parallel_loop3A_254, %parallel_loop3A_258 : vector<16xf32>
      %parallel_loop3A_260 = arith.constant 47 : i32
      %parallel_loop3A_261 = vector.broadcast %parallel_loop3A_260 : i32 to vector<16xi32>
      %parallel_loop3A_262 = arith.addi %parallel_loop3A_30, %parallel_loop3A_261 : vector<16xi32>
      %parallel_loop3A_263 = tpu.vector_load_idx %arg5[%parallel_loop3A_262] : memref<12288xf32, #tpu.memory_space<vmem>>[vector<16xi32>], vector<16xf32>,
      %parallel_loop3A_264 = arith.maximumf %parallel_loop3A_259, %parallel_loop3A_263 : vector<16xf32>
      %parallel_loop3A_265 = arith.constant 48 : i32
      %parallel_loop3A_266 = vector.broadcast %parallel_loop3A_265 : i32 to vector<16xi32>
      %parallel_loop3A_267 = arith.addi %parallel_loop3A_30, %parallel_loop3A_266 : vector<16xi32>
      %parallel_loop3A_268 = tpu.vector_load_idx %arg5[%parallel_loop3A_267] : memref<12288xf32, #tpu.memory_space<vmem>>[vector<16xi32>], vector<16xf32>,
      %parallel_loop3A_269 = arith.constant 49 : i32
      %parallel_loop3A_270 = vector.broadcast %parallel_loop3A_269 : i32 to vector<16xi32>
      %parallel_loop3A_271 = arith.addi %parallel_loop3A_30, %parallel_loop3A_270 : vector<16xi32>
      %parallel_loop3A_272 = tpu.vector_load_idx %arg5[%parallel_loop3A_271] : memref<12288xf32, #tpu.memory_space<vmem>>[vector<16xi32>], vector<16xf32>,
      %parallel_loop3A_273 = arith.maximumf %parallel_loop3A_268, %parallel_loop3A_272 : vector<16xf32>
      %parallel_loop3A_274 = arith.constant 50 : i32
      %parallel_loop3A_275 = vector.broadcast %parallel_loop3A_274 : i32 to vector<16xi32>
      %parallel_loop3A_276 = arith.addi %parallel_loop3A_30, %parallel_loop3A_275 : vector<16xi32>
      %parallel_loop3A_277 = tpu.vector_load_idx %arg5[%parallel_loop3A_276] : memref<12288xf32, #tpu.memory_space<vmem>>[vector<16xi32>], vector<16xf32>,
      %parallel_loop3A_278 = arith.maximumf %parallel_loop3A_273, %parallel_loop3A_277 : vector<16xf32>
      %parallel_loop3A_279 = arith.constant 51 : i32
      %parallel_loop3A_280 = vector.broadcast %parallel_loop3A_279 : i32 to vector<16xi32>
      %parallel_loop3A_281 = arith.addi %parallel_loop3A_30, %parallel_loop3A_280 : vector<16xi32>
      %parallel_loop3A_282 = tpu.vector_load_idx %arg5[%parallel_loop3A_281] : memref<12288xf32, #tpu.memory_space<vmem>>[vector<16xi32>], vector<16xf32>,
      %parallel_loop3A_283 = arith.maximumf %parallel_loop3A_278, %parallel_loop3A_282 : vector<16xf32>
      %parallel_loop3A_284 = arith.constant 52 : i32
      %parallel_loop3A_285 = vector.broadcast %parallel_loop3A_284 : i32 to vector<16xi32>
      %parallel_loop3A_286 = arith.addi %parallel_loop3A_30, %parallel_loop3A_285 : vector<16xi32>
      %parallel_loop3A_287 = tpu.vector_load_idx %arg5[%parallel_loop3A_286] : memref<12288xf32, #tpu.memory_space<vmem>>[vector<16xi32>], vector<16xf32>,
      %parallel_loop3A_288 = arith.maximumf %parallel_loop3A_283, %parallel_loop3A_287 : vector<16xf32>
      %parallel_loop3A_289 = arith.constant 53 : i32
      %parallel_loop3A_290 = vector.broadcast %parallel_loop3A_289 : i32 to vector<16xi32>
      %parallel_loop3A_291 = arith.addi %parallel_loop3A_30, %parallel_loop3A_290 : vector<16xi32>
      %parallel_loop3A_292 = tpu.vector_load_idx %arg5[%parallel_loop3A_291] : memref<12288xf32, #tpu.memory_space<vmem>>[vector<16xi32>], vector<16xf32>,
      %parallel_loop3A_293 = arith.maximumf %parallel_loop3A_288, %parallel_loop3A_292 : vector<16xf32>
      %parallel_loop3A_294 = arith.constant 54 : i32
      %parallel_loop3A_295 = vector.broadcast %parallel_loop3A_294 : i32 to vector<16xi32>
      %parallel_loop3A_296 = arith.addi %parallel_loop3A_30, %parallel_loop3A_295 : vector<16xi32>
      %parallel_loop3A_297 = tpu.vector_load_idx %arg5[%parallel_loop3A_296] : memref<12288xf32, #tpu.memory_space<vmem>>[vector<16xi32>], vector<16xf32>,
      %parallel_loop3A_298 = arith.maximumf %parallel_loop3A_293, %parallel_loop3A_297 : vector<16xf32>
      %parallel_loop3A_299 = arith.constant 55 : i32
      %parallel_loop3A_300 = vector.broadcast %parallel_loop3A_299 : i32 to vector<16xi32>
      %parallel_loop3A_301 = arith.addi %parallel_loop3A_30, %parallel_loop3A_300 : vector<16xi32>
      %parallel_loop3A_302 = tpu.vector_load_idx %arg5[%parallel_loop3A_301] : memref<12288xf32, #tpu.memory_space<vmem>>[vector<16xi32>], vector<16xf32>,
      %parallel_loop3A_303 = arith.maximumf %parallel_loop3A_298, %parallel_loop3A_302 : vector<16xf32>
      %parallel_loop3A_304 = arith.constant 56 : i32
      %parallel_loop3A_305 = vector.broadcast %parallel_loop3A_304 : i32 to vector<16xi32>
      %parallel_loop3A_306 = arith.addi %parallel_loop3A_30, %parallel_loop3A_305 : vector<16xi32>
      %parallel_loop3A_307 = tpu.vector_load_idx %arg5[%parallel_loop3A_306] : memref<12288xf32, #tpu.memory_space<vmem>>[vector<16xi32>], vector<16xf32>,
      %parallel_loop3A_308 = arith.constant 57 : i32
      %parallel_loop3A_309 = vector.broadcast %parallel_loop3A_308 : i32 to vector<16xi32>
      %parallel_loop3A_310 = arith.addi %parallel_loop3A_30, %parallel_loop3A_309 : vector<16xi32>
      %parallel_loop3A_311 = tpu.vector_load_idx %arg5[%parallel_loop3A_310] : memref<12288xf32, #tpu.memory_space<vmem>>[vector<16xi32>], vector<16xf32>,
      %parallel_loop3A_312 = arith.maximumf %parallel_loop3A_307, %parallel_loop3A_311 : vector<16xf32>
      %parallel_loop3A_313 = arith.constant 58 : i32
      %parallel_loop3A_314 = vector.broadcast %parallel_loop3A_313 : i32 to vector<16xi32>
      %parallel_loop3A_315 = arith.addi %parallel_loop3A_30, %parallel_loop3A_314 : vector<16xi32>
      %parallel_loop3A_316 = tpu.vector_load_idx %arg5[%parallel_loop3A_315] : memref<12288xf32, #tpu.memory_space<vmem>>[vector<16xi32>], vector<16xf32>,
      %parallel_loop3A_317 = arith.maximumf %parallel_loop3A_312, %parallel_loop3A_316 : vector<16xf32>
      %parallel_loop3A_318 = arith.constant 59 : i32
      %parallel_loop3A_319 = vector.broadcast %parallel_loop3A_318 : i32 to vector<16xi32>
      %parallel_loop3A_320 = arith.addi %parallel_loop3A_30, %parallel_loop3A_319 : vector<16xi32>
      %parallel_loop3A_321 = tpu.vector_load_idx %arg5[%parallel_loop3A_320] : memref<12288xf32, #tpu.memory_space<vmem>>[vector<16xi32>], vector<16xf32>,
      %parallel_loop3A_322 = arith.maximumf %parallel_loop3A_317, %parallel_loop3A_321 : vector<16xf32>
      %parallel_loop3A_323 = arith.constant 60 : i32
      %parallel_loop3A_324 = vector.broadcast %parallel_loop3A_323 : i32 to vector<16xi32>
      %parallel_loop3A_325 = arith.addi %parallel_loop3A_30, %parallel_loop3A_324 : vector<16xi32>
      %parallel_loop3A_326 = tpu.vector_load_idx %arg5[%parallel_loop3A_325] : memref<12288xf32, #tpu.memory_space<vmem>>[vector<16xi32>], vector<16xf32>,
      %parallel_loop3A_327 = arith.maximumf %parallel_loop3A_322, %parallel_loop3A_326 : vector<16xf32>
      %parallel_loop3A_328 = arith.constant 61 : i32
      %parallel_loop3A_329 = vector.broadcast %parallel_loop3A_328 : i32 to vector<16xi32>
      %parallel_loop3A_330 = arith.addi %parallel_loop3A_30, %parallel_loop3A_329 : vector<16xi32>
      %parallel_loop3A_331 = tpu.vector_load_idx %arg5[%parallel_loop3A_330] : memref<12288xf32, #tpu.memory_space<vmem>>[vector<16xi32>], vector<16xf32>,
      %parallel_loop3A_332 = arith.maximumf %parallel_loop3A_327, %parallel_loop3A_331 : vector<16xf32>
      %parallel_loop3A_333 = arith.constant 62 : i32
      %parallel_loop3A_334 = vector.broadcast %parallel_loop3A_333 : i32 to vector<16xi32>
      %parallel_loop3A_335 = arith.addi %parallel_loop3A_30, %parallel_loop3A_334 : vector<16xi32>
      %parallel_loop3A_336 = tpu.vector_load_idx %arg5[%parallel_loop3A_335] : memref<12288xf32, #tpu.memory_space<vmem>>[vector<16xi32>], vector<16xf32>,
      %parallel_loop3A_337 = arith.maximumf %parallel_loop3A_332, %parallel_loop3A_336 : vector<16xf32>
      %parallel_loop3A_338 = arith.constant 63 : i32
      %parallel_loop3A_339 = vector.broadcast %parallel_loop3A_338 : i32 to vector<16xi32>
      %parallel_loop3A_340 = arith.addi %parallel_loop3A_30, %parallel_loop3A_339 : vector<16xi32>
      %parallel_loop3A_341 = tpu.vector_load_idx %arg5[%parallel_loop3A_340] : memref<12288xf32, #tpu.memory_space<vmem>>[vector<16xi32>], vector<16xf32>,
      %parallel_loop3A_342 = arith.maximumf %parallel_loop3A_337, %parallel_loop3A_341 : vector<16xf32>
      %parallel_loop3A_343 = arith.constant 0 : i32
      %parallel_loop3A_344 = vector.broadcast %parallel_loop3A_343 : i32 to vector<16xi32>
      %parallel_loop3A_345 = arith.cmpf ogt, %parallel_loop3A_108, %parallel_loop3A_69 : vector<16xf32>
      %parallel_loop3A_346 = arith.select %parallel_loop3A_345, %parallel_loop3A_108, %parallel_loop3A_69 : vector<16xi1>, vector<16xf32>
      %parallel_loop3A_347 = arith.constant 1 : i32
      %parallel_loop3A_348 = vector.broadcast %parallel_loop3A_347 : i32 to vector<16xi32>
      %parallel_loop3A_349 = arith.select %parallel_loop3A_345, %parallel_loop3A_348, %parallel_loop3A_344 : vector<16xi1>, vector<16xi32>
      %parallel_loop3A_350 = arith.cmpf ogt, %parallel_loop3A_147, %parallel_loop3A_346 : vector<16xf32>
      %parallel_loop3A_351 = arith.select %parallel_loop3A_350, %parallel_loop3A_147, %parallel_loop3A_346 : vector<16xi1>, vector<16xf32>
      %parallel_loop3A_352 = arith.constant 2 : i32
      %parallel_loop3A_353 = vector.broadcast %parallel_loop3A_352 : i32 to vector<16xi32>
      %parallel_loop3A_354 = arith.select %parallel_loop3A_350, %parallel_loop3A_353, %parallel_loop3A_349 : vector<16xi1>, vector<16xi32>
      %parallel_loop3A_355 = arith.cmpf ogt, %parallel_loop3A_186, %parallel_loop3A_351 : vector<16xf32>
      %parallel_loop3A_356 = arith.select %parallel_loop3A_355, %parallel_loop3A_186, %parallel_loop3A_351 : vector<16xi1>, vector<16xf32>
      %parallel_loop3A_357 = arith.constant 3 : i32
      %parallel_loop3A_358 = vector.broadcast %parallel_loop3A_357 : i32 to vector<16xi32>
      %parallel_loop3A_359 = arith.select %parallel_loop3A_355, %parallel_loop3A_358, %parallel_loop3A_354 : vector<16xi1>, vector<16xi32>
      %parallel_loop3A_360 = arith.cmpf ogt, %parallel_loop3A_225, %parallel_loop3A_356 : vector<16xf32>
      %parallel_loop3A_361 = arith.select %parallel_loop3A_360, %parallel_loop3A_225, %parallel_loop3A_356 : vector<16xi1>, vector<16xf32>
      %parallel_loop3A_362 = arith.constant 4 : i32
      %parallel_loop3A_363 = vector.broadcast %parallel_loop3A_362 : i32 to vector<16xi32>
      %parallel_loop3A_364 = arith.select %parallel_loop3A_360, %parallel_loop3A_363, %parallel_loop3A_359 : vector<16xi1>, vector<16xi32>
      %parallel_loop3A_365 = arith.cmpf ogt, %parallel_loop3A_264, %parallel_loop3A_361 : vector<16xf32>
      %parallel_loop3A_366 = arith.select %parallel_loop3A_365, %parallel_loop3A_264, %parallel_loop3A_361 : vector<16xi1>, vector<16xf32>
      %parallel_loop3A_367 = arith.constant 5 : i32
      %parallel_loop3A_368 = vector.broadcast %parallel_loop3A_367 : i32 to vector<16xi32>
      %parallel_loop3A_369 = arith.select %parallel_loop3A_365, %parallel_loop3A_368, %parallel_loop3A_364 : vector<16xi1>, vector<16xi32>
      %parallel_loop3A_370 = arith.cmpf ogt, %parallel_loop3A_303, %parallel_loop3A_366 : vector<16xf32>
      %parallel_loop3A_371 = arith.select %parallel_loop3A_370, %parallel_loop3A_303, %parallel_loop3A_366 : vector<16xi1>, vector<16xf32>
      %parallel_loop3A_372 = arith.constant 6 : i32
      %parallel_loop3A_373 = vector.broadcast %parallel_loop3A_372 : i32 to vector<16xi32>
      %parallel_loop3A_374 = arith.select %parallel_loop3A_370, %parallel_loop3A_373, %parallel_loop3A_369 : vector<16xi1>, vector<16xi32>
      %parallel_loop3A_375 = arith.cmpf ogt, %parallel_loop3A_342, %parallel_loop3A_371 : vector<16xf32>
      %parallel_loop3A_376 = arith.select %parallel_loop3A_375, %parallel_loop3A_342, %parallel_loop3A_371 : vector<16xi1>, vector<16xf32>
      %parallel_loop3A_377 = arith.constant 7 : i32
      %parallel_loop3A_378 = vector.broadcast %parallel_loop3A_377 : i32 to vector<16xi32>
      %parallel_loop3A_379 = arith.select %parallel_loop3A_375, %parallel_loop3A_378, %parallel_loop3A_374 : vector<16xi1>, vector<16xi32>
      %parallel_loop3A_380 = arith.constant 16 : i32
      %parallel_loop3A_381 = arith.muli %parallel_loop3A_23, %parallel_loop3A_380 : i32
      %parallel_loop3A_382 = vector.broadcast %parallel_loop3A_381 : i32 to vector<16xi32>
      %parallel_loop3A_383 = arith.addi %parallel_loop3A_382, %iota3A : vector<16xi32>
      %parallel_loop3A_384 = arith.constant 8 : i32
      %parallel_loop3A_385 = vector.broadcast %parallel_loop3A_384 : i32 to vector<16xi32>
      %parallel_loop3A_386 = arith.muli %parallel_loop3A_383, %parallel_loop3A_385 : vector<16xi32>
      %parallel_loop3A_387 = arith.constant 0 : i32
      %parallel_loop3A_388 = vector.broadcast %parallel_loop3A_387 : i32 to vector<16xi32>
      %parallel_loop3A_389 = arith.addi %parallel_loop3A_386, %parallel_loop3A_388 : vector<16xi32>
      tpu.vector_store_idx %arg6[%parallel_loop3A_389], %parallel_loop3A_379 : memref<1552xi32, #tpu.memory_space<vmem>>[vector<16xi32>], vector<16xi32>,
      %parallel_loop3A_390 = arith.constant 0 : i32
      %parallel_loop3A_391 = vector.broadcast %parallel_loop3A_390 : i32 to vector<16xi32>
      %parallel_loop3A_392 = arith.cmpi eq, %parallel_loop3A_379, %parallel_loop3A_391 : vector<16xi32>
      %parallel_loop3A_393 = arith.constant -1.000000e+00 : f32
      %parallel_loop3A_394 = vector.broadcast %parallel_loop3A_393 : f32 to vector<16xf32>
      %parallel_loop3A_395 = arith.select %parallel_loop3A_392, %parallel_loop3A_394, %parallel_loop3A_69 : vector<16xi1>, vector<16xf32>
      %parallel_loop3A_396 = arith.constant 1 : i32
      %parallel_loop3A_397 = vector.broadcast %parallel_loop3A_396 : i32 to vector<16xi32>
      %parallel_loop3A_398 = arith.cmpi eq, %parallel_loop3A_379, %parallel_loop3A_397 : vector<16xi32>
      %parallel_loop3A_399 = arith.constant -1.000000e+00 : f32
      %parallel_loop3A_400 = vector.broadcast %parallel_loop3A_399 : f32 to vector<16xf32>
      %parallel_loop3A_401 = arith.select %parallel_loop3A_398, %parallel_loop3A_400, %parallel_loop3A_108 : vector<16xi1>, vector<16xf32>
      %parallel_loop3A_402 = arith.constant 2 : i32
      %parallel_loop3A_403 = vector.broadcast %parallel_loop3A_402 : i32 to vector<16xi32>
      %parallel_loop3A_404 = arith.cmpi eq, %parallel_loop3A_379, %parallel_loop3A_403 : vector<16xi32>
      %parallel_loop3A_405 = arith.constant -1.000000e+00 : f32
      %parallel_loop3A_406 = vector.broadcast %parallel_loop3A_405 : f32 to vector<16xf32>
      %parallel_loop3A_407 = arith.select %parallel_loop3A_404, %parallel_loop3A_406, %parallel_loop3A_147 : vector<16xi1>, vector<16xf32>
      %parallel_loop3A_408 = arith.constant 3 : i32
      %parallel_loop3A_409 = vector.broadcast %parallel_loop3A_408 : i32 to vector<16xi32>
      %parallel_loop3A_410 = arith.cmpi eq, %parallel_loop3A_379, %parallel_loop3A_409 : vector<16xi32>
      %parallel_loop3A_411 = arith.constant -1.000000e+00 : f32
      %parallel_loop3A_412 = vector.broadcast %parallel_loop3A_411 : f32 to vector<16xf32>
      %parallel_loop3A_413 = arith.select %parallel_loop3A_410, %parallel_loop3A_412, %parallel_loop3A_186 : vector<16xi1>, vector<16xf32>
      %parallel_loop3A_414 = arith.constant 4 : i32
      %parallel_loop3A_415 = vector.broadcast %parallel_loop3A_414 : i32 to vector<16xi32>
      %parallel_loop3A_416 = arith.cmpi eq, %parallel_loop3A_379, %parallel_loop3A_415 : vector<16xi32>
      %parallel_loop3A_417 = arith.constant -1.000000e+00 : f32
      %parallel_loop3A_418 = vector.broadcast %parallel_loop3A_417 : f32 to vector<16xf32>
      %parallel_loop3A_419 = arith.select %parallel_loop3A_416, %parallel_loop3A_418, %parallel_loop3A_225 : vector<16xi1>, vector<16xf32>
      %parallel_loop3A_420 = arith.constant 5 : i32
      %parallel_loop3A_421 = vector.broadcast %parallel_loop3A_420 : i32 to vector<16xi32>
      %parallel_loop3A_422 = arith.cmpi eq, %parallel_loop3A_379, %parallel_loop3A_421 : vector<16xi32>
      %parallel_loop3A_423 = arith.constant -1.000000e+00 : f32
      %parallel_loop3A_424 = vector.broadcast %parallel_loop3A_423 : f32 to vector<16xf32>
      %parallel_loop3A_425 = arith.select %parallel_loop3A_422, %parallel_loop3A_424, %parallel_loop3A_264 : vector<16xi1>, vector<16xf32>
      %parallel_loop3A_426 = arith.constant 6 : i32
      %parallel_loop3A_427 = vector.broadcast %parallel_loop3A_426 : i32 to vector<16xi32>
      %parallel_loop3A_428 = arith.cmpi eq, %parallel_loop3A_379, %parallel_loop3A_427 : vector<16xi32>
      %parallel_loop3A_429 = arith.constant -1.000000e+00 : f32
      %parallel_loop3A_430 = vector.broadcast %parallel_loop3A_429 : f32 to vector<16xf32>
      %parallel_loop3A_431 = arith.select %parallel_loop3A_428, %parallel_loop3A_430, %parallel_loop3A_303 : vector<16xi1>, vector<16xf32>
      %parallel_loop3A_432 = arith.constant 7 : i32
      %parallel_loop3A_433 = vector.broadcast %parallel_loop3A_432 : i32 to vector<16xi32>
      %parallel_loop3A_434 = arith.cmpi eq, %parallel_loop3A_379, %parallel_loop3A_433 : vector<16xi32>
      %parallel_loop3A_435 = arith.constant -1.000000e+00 : f32
      %parallel_loop3A_436 = vector.broadcast %parallel_loop3A_435 : f32 to vector<16xf32>
      %parallel_loop3A_437 = arith.select %parallel_loop3A_434, %parallel_loop3A_436, %parallel_loop3A_342 : vector<16xi1>, vector<16xf32>
      %parallel_loop3A_438 = arith.constant 0 : i32
      %parallel_loop3A_439 = vector.broadcast %parallel_loop3A_438 : i32 to vector<16xi32>
      %parallel_loop3A_440 = arith.cmpf ogt, %parallel_loop3A_401, %parallel_loop3A_395 : vector<16xf32>
      %parallel_loop3A_441 = arith.select %parallel_loop3A_440, %parallel_loop3A_401, %parallel_loop3A_395 : vector<16xi1>, vector<16xf32>
      %parallel_loop3A_442 = arith.constant 1 : i32
      %parallel_loop3A_443 = vector.broadcast %parallel_loop3A_442 : i32 to vector<16xi32>
      %parallel_loop3A_444 = arith.select %parallel_loop3A_440, %parallel_loop3A_443, %parallel_loop3A_439 : vector<16xi1>, vector<16xi32>
      %parallel_loop3A_445 = arith.cmpf ogt, %parallel_loop3A_407, %parallel_loop3A_441 : vector<16xf32>
      %parallel_loop3A_446 = arith.select %parallel_loop3A_445, %parallel_loop3A_407, %parallel_loop3A_441 : vector<16xi1>, vector<16xf32>
      %parallel_loop3A_447 = arith.constant 2 : i32
      %parallel_loop3A_448 = vector.broadcast %parallel_loop3A_447 : i32 to vector<16xi32>
      %parallel_loop3A_449 = arith.select %parallel_loop3A_445, %parallel_loop3A_448, %parallel_loop3A_444 : vector<16xi1>, vector<16xi32>
      %parallel_loop3A_450 = arith.cmpf ogt, %parallel_loop3A_413, %parallel_loop3A_446 : vector<16xf32>
      %parallel_loop3A_451 = arith.select %parallel_loop3A_450, %parallel_loop3A_413, %parallel_loop3A_446 : vector<16xi1>, vector<16xf32>
      %parallel_loop3A_452 = arith.constant 3 : i32
      %parallel_loop3A_453 = vector.broadcast %parallel_loop3A_452 : i32 to vector<16xi32>
      %parallel_loop3A_454 = arith.select %parallel_loop3A_450, %parallel_loop3A_453, %parallel_loop3A_449 : vector<16xi1>, vector<16xi32>
      %parallel_loop3A_455 = arith.cmpf ogt, %parallel_loop3A_419, %parallel_loop3A_451 : vector<16xf32>
      %parallel_loop3A_456 = arith.select %parallel_loop3A_455, %parallel_loop3A_419, %parallel_loop3A_451 : vector<16xi1>, vector<16xf32>
      %parallel_loop3A_457 = arith.constant 4 : i32
      %parallel_loop3A_458 = vector.broadcast %parallel_loop3A_457 : i32 to vector<16xi32>
      %parallel_loop3A_459 = arith.select %parallel_loop3A_455, %parallel_loop3A_458, %parallel_loop3A_454 : vector<16xi1>, vector<16xi32>
      %parallel_loop3A_460 = arith.cmpf ogt, %parallel_loop3A_425, %parallel_loop3A_456 : vector<16xf32>
      %parallel_loop3A_461 = arith.select %parallel_loop3A_460, %parallel_loop3A_425, %parallel_loop3A_456 : vector<16xi1>, vector<16xf32>
      %parallel_loop3A_462 = arith.constant 5 : i32
      %parallel_loop3A_463 = vector.broadcast %parallel_loop3A_462 : i32 to vector<16xi32>
      %parallel_loop3A_464 = arith.select %parallel_loop3A_460, %parallel_loop3A_463, %parallel_loop3A_459 : vector<16xi1>, vector<16xi32>
      %parallel_loop3A_465 = arith.cmpf ogt, %parallel_loop3A_431, %parallel_loop3A_461 : vector<16xf32>
      %parallel_loop3A_466 = arith.select %parallel_loop3A_465, %parallel_loop3A_431, %parallel_loop3A_461 : vector<16xi1>, vector<16xf32>
      %parallel_loop3A_467 = arith.constant 6 : i32
      %parallel_loop3A_468 = vector.broadcast %parallel_loop3A_467 : i32 to vector<16xi32>
      %parallel_loop3A_469 = arith.select %parallel_loop3A_465, %parallel_loop3A_468, %parallel_loop3A_464 : vector<16xi1>, vector<16xi32>
      %parallel_loop3A_470 = arith.cmpf ogt, %parallel_loop3A_437, %parallel_loop3A_466 : vector<16xf32>
      %parallel_loop3A_471 = arith.select %parallel_loop3A_470, %parallel_loop3A_437, %parallel_loop3A_466 : vector<16xi1>, vector<16xf32>
      %parallel_loop3A_472 = arith.constant 7 : i32
      %parallel_loop3A_473 = vector.broadcast %parallel_loop3A_472 : i32 to vector<16xi32>
      %parallel_loop3A_474 = arith.select %parallel_loop3A_470, %parallel_loop3A_473, %parallel_loop3A_469 : vector<16xi1>, vector<16xi32>
      %parallel_loop3A_475 = arith.constant 16 : i32
      %parallel_loop3A_476 = arith.muli %parallel_loop3A_23, %parallel_loop3A_475 : i32
      %parallel_loop3A_477 = vector.broadcast %parallel_loop3A_476 : i32 to vector<16xi32>
      %parallel_loop3A_478 = arith.addi %parallel_loop3A_477, %iota3A : vector<16xi32>
      %parallel_loop3A_479 = arith.constant 8 : i32
      %parallel_loop3A_480 = vector.broadcast %parallel_loop3A_479 : i32 to vector<16xi32>
      %parallel_loop3A_481 = arith.muli %parallel_loop3A_478, %parallel_loop3A_480 : vector<16xi32>
      %parallel_loop3A_482 = arith.constant 1 : i32
      %parallel_loop3A_483 = vector.broadcast %parallel_loop3A_482 : i32 to vector<16xi32>
      %parallel_loop3A_484 = arith.addi %parallel_loop3A_481, %parallel_loop3A_483 : vector<16xi32>
      tpu.vector_store_idx %arg6[%parallel_loop3A_484], %parallel_loop3A_474 : memref<1552xi32, #tpu.memory_space<vmem>>[vector<16xi32>], vector<16xi32>,
      %parallel_loop3A_485 = arith.constant 0 : i32
      %parallel_loop3A_486 = vector.broadcast %parallel_loop3A_485 : i32 to vector<16xi32>
      %parallel_loop3A_487 = arith.cmpi eq, %parallel_loop3A_474, %parallel_loop3A_486 : vector<16xi32>
      %parallel_loop3A_488 = arith.constant -1.000000e+00 : f32
      %parallel_loop3A_489 = vector.broadcast %parallel_loop3A_488 : f32 to vector<16xf32>
      %parallel_loop3A_490 = arith.select %parallel_loop3A_487, %parallel_loop3A_489, %parallel_loop3A_395 : vector<16xi1>, vector<16xf32>
      %parallel_loop3A_491 = arith.constant 1 : i32
      %parallel_loop3A_492 = vector.broadcast %parallel_loop3A_491 : i32 to vector<16xi32>
      %parallel_loop3A_493 = arith.cmpi eq, %parallel_loop3A_474, %parallel_loop3A_492 : vector<16xi32>
      %parallel_loop3A_494 = arith.constant -1.000000e+00 : f32
      %parallel_loop3A_495 = vector.broadcast %parallel_loop3A_494 : f32 to vector<16xf32>
      %parallel_loop3A_496 = arith.select %parallel_loop3A_493, %parallel_loop3A_495, %parallel_loop3A_401 : vector<16xi1>, vector<16xf32>
      %parallel_loop3A_497 = arith.constant 2 : i32
      %parallel_loop3A_498 = vector.broadcast %parallel_loop3A_497 : i32 to vector<16xi32>
      %parallel_loop3A_499 = arith.cmpi eq, %parallel_loop3A_474, %parallel_loop3A_498 : vector<16xi32>
      %parallel_loop3A_500 = arith.constant -1.000000e+00 : f32
      %parallel_loop3A_501 = vector.broadcast %parallel_loop3A_500 : f32 to vector<16xf32>
      %parallel_loop3A_502 = arith.select %parallel_loop3A_499, %parallel_loop3A_501, %parallel_loop3A_407 : vector<16xi1>, vector<16xf32>
      %parallel_loop3A_503 = arith.constant 3 : i32
      %parallel_loop3A_504 = vector.broadcast %parallel_loop3A_503 : i32 to vector<16xi32>
      %parallel_loop3A_505 = arith.cmpi eq, %parallel_loop3A_474, %parallel_loop3A_504 : vector<16xi32>
      %parallel_loop3A_506 = arith.constant -1.000000e+00 : f32
      %parallel_loop3A_507 = vector.broadcast %parallel_loop3A_506 : f32 to vector<16xf32>
      %parallel_loop3A_508 = arith.select %parallel_loop3A_505, %parallel_loop3A_507, %parallel_loop3A_413 : vector<16xi1>, vector<16xf32>
      %parallel_loop3A_509 = arith.constant 4 : i32
      %parallel_loop3A_510 = vector.broadcast %parallel_loop3A_509 : i32 to vector<16xi32>
      %parallel_loop3A_511 = arith.cmpi eq, %parallel_loop3A_474, %parallel_loop3A_510 : vector<16xi32>
      %parallel_loop3A_512 = arith.constant -1.000000e+00 : f32
      %parallel_loop3A_513 = vector.broadcast %parallel_loop3A_512 : f32 to vector<16xf32>
      %parallel_loop3A_514 = arith.select %parallel_loop3A_511, %parallel_loop3A_513, %parallel_loop3A_419 : vector<16xi1>, vector<16xf32>
      %parallel_loop3A_515 = arith.constant 5 : i32
      %parallel_loop3A_516 = vector.broadcast %parallel_loop3A_515 : i32 to vector<16xi32>
      %parallel_loop3A_517 = arith.cmpi eq, %parallel_loop3A_474, %parallel_loop3A_516 : vector<16xi32>
      %parallel_loop3A_518 = arith.constant -1.000000e+00 : f32
      %parallel_loop3A_519 = vector.broadcast %parallel_loop3A_518 : f32 to vector<16xf32>
      %parallel_loop3A_520 = arith.select %parallel_loop3A_517, %parallel_loop3A_519, %parallel_loop3A_425 : vector<16xi1>, vector<16xf32>
      %parallel_loop3A_521 = arith.constant 6 : i32
      %parallel_loop3A_522 = vector.broadcast %parallel_loop3A_521 : i32 to vector<16xi32>
      %parallel_loop3A_523 = arith.cmpi eq, %parallel_loop3A_474, %parallel_loop3A_522 : vector<16xi32>
      %parallel_loop3A_524 = arith.constant -1.000000e+00 : f32
      %parallel_loop3A_525 = vector.broadcast %parallel_loop3A_524 : f32 to vector<16xf32>
      %parallel_loop3A_526 = arith.select %parallel_loop3A_523, %parallel_loop3A_525, %parallel_loop3A_431 : vector<16xi1>, vector<16xf32>
      %parallel_loop3A_527 = arith.constant 7 : i32
      %parallel_loop3A_528 = vector.broadcast %parallel_loop3A_527 : i32 to vector<16xi32>
      %parallel_loop3A_529 = arith.cmpi eq, %parallel_loop3A_474, %parallel_loop3A_528 : vector<16xi32>
      %parallel_loop3A_530 = arith.constant -1.000000e+00 : f32
      %parallel_loop3A_531 = vector.broadcast %parallel_loop3A_530 : f32 to vector<16xf32>
      %parallel_loop3A_532 = arith.select %parallel_loop3A_529, %parallel_loop3A_531, %parallel_loop3A_437 : vector<16xi1>, vector<16xf32>
      %parallel_loop3A_533 = arith.constant 0 : i32
      %parallel_loop3A_534 = vector.broadcast %parallel_loop3A_533 : i32 to vector<16xi32>
      %parallel_loop3A_535 = arith.cmpf ogt, %parallel_loop3A_496, %parallel_loop3A_490 : vector<16xf32>
      %parallel_loop3A_536 = arith.select %parallel_loop3A_535, %parallel_loop3A_496, %parallel_loop3A_490 : vector<16xi1>, vector<16xf32>
      %parallel_loop3A_537 = arith.constant 1 : i32
      %parallel_loop3A_538 = vector.broadcast %parallel_loop3A_537 : i32 to vector<16xi32>
      %parallel_loop3A_539 = arith.select %parallel_loop3A_535, %parallel_loop3A_538, %parallel_loop3A_534 : vector<16xi1>, vector<16xi32>
      %parallel_loop3A_540 = arith.cmpf ogt, %parallel_loop3A_502, %parallel_loop3A_536 : vector<16xf32>
      %parallel_loop3A_541 = arith.select %parallel_loop3A_540, %parallel_loop3A_502, %parallel_loop3A_536 : vector<16xi1>, vector<16xf32>
      %parallel_loop3A_542 = arith.constant 2 : i32
      %parallel_loop3A_543 = vector.broadcast %parallel_loop3A_542 : i32 to vector<16xi32>
      %parallel_loop3A_544 = arith.select %parallel_loop3A_540, %parallel_loop3A_543, %parallel_loop3A_539 : vector<16xi1>, vector<16xi32>
      %parallel_loop3A_545 = arith.cmpf ogt, %parallel_loop3A_508, %parallel_loop3A_541 : vector<16xf32>
      %parallel_loop3A_546 = arith.select %parallel_loop3A_545, %parallel_loop3A_508, %parallel_loop3A_541 : vector<16xi1>, vector<16xf32>
      %parallel_loop3A_547 = arith.constant 3 : i32
      %parallel_loop3A_548 = vector.broadcast %parallel_loop3A_547 : i32 to vector<16xi32>
      %parallel_loop3A_549 = arith.select %parallel_loop3A_545, %parallel_loop3A_548, %parallel_loop3A_544 : vector<16xi1>, vector<16xi32>
      %parallel_loop3A_550 = arith.cmpf ogt, %parallel_loop3A_514, %parallel_loop3A_546 : vector<16xf32>
      %parallel_loop3A_551 = arith.select %parallel_loop3A_550, %parallel_loop3A_514, %parallel_loop3A_546 : vector<16xi1>, vector<16xf32>
      %parallel_loop3A_552 = arith.constant 4 : i32
      %parallel_loop3A_553 = vector.broadcast %parallel_loop3A_552 : i32 to vector<16xi32>
      %parallel_loop3A_554 = arith.select %parallel_loop3A_550, %parallel_loop3A_553, %parallel_loop3A_549 : vector<16xi1>, vector<16xi32>
      %parallel_loop3A_555 = arith.cmpf ogt, %parallel_loop3A_520, %parallel_loop3A_551 : vector<16xf32>
      %parallel_loop3A_556 = arith.select %parallel_loop3A_555, %parallel_loop3A_520, %parallel_loop3A_551 : vector<16xi1>, vector<16xf32>
      %parallel_loop3A_557 = arith.constant 5 : i32
      %parallel_loop3A_558 = vector.broadcast %parallel_loop3A_557 : i32 to vector<16xi32>
      %parallel_loop3A_559 = arith.select %parallel_loop3A_555, %parallel_loop3A_558, %parallel_loop3A_554 : vector<16xi1>, vector<16xi32>
      %parallel_loop3A_560 = arith.cmpf ogt, %parallel_loop3A_526, %parallel_loop3A_556 : vector<16xf32>
      %parallel_loop3A_561 = arith.select %parallel_loop3A_560, %parallel_loop3A_526, %parallel_loop3A_556 : vector<16xi1>, vector<16xf32>
      %parallel_loop3A_562 = arith.constant 6 : i32
      %parallel_loop3A_563 = vector.broadcast %parallel_loop3A_562 : i32 to vector<16xi32>
      %parallel_loop3A_564 = arith.select %parallel_loop3A_560, %parallel_loop3A_563, %parallel_loop3A_559 : vector<16xi1>, vector<16xi32>
      %parallel_loop3A_565 = arith.cmpf ogt, %parallel_loop3A_532, %parallel_loop3A_561 : vector<16xf32>
      %parallel_loop3A_566 = arith.select %parallel_loop3A_565, %parallel_loop3A_532, %parallel_loop3A_561 : vector<16xi1>, vector<16xf32>
      %parallel_loop3A_567 = arith.constant 7 : i32
      %parallel_loop3A_568 = vector.broadcast %parallel_loop3A_567 : i32 to vector<16xi32>
      %parallel_loop3A_569 = arith.select %parallel_loop3A_565, %parallel_loop3A_568, %parallel_loop3A_564 : vector<16xi1>, vector<16xi32>
      %parallel_loop3A_570 = arith.constant 16 : i32
      %parallel_loop3A_571 = arith.muli %parallel_loop3A_23, %parallel_loop3A_570 : i32
      %parallel_loop3A_572 = vector.broadcast %parallel_loop3A_571 : i32 to vector<16xi32>
      %parallel_loop3A_573 = arith.addi %parallel_loop3A_572, %iota3A : vector<16xi32>
      %parallel_loop3A_574 = arith.constant 8 : i32
      %parallel_loop3A_575 = vector.broadcast %parallel_loop3A_574 : i32 to vector<16xi32>
      %parallel_loop3A_576 = arith.muli %parallel_loop3A_573, %parallel_loop3A_575 : vector<16xi32>
      %parallel_loop3A_577 = arith.constant 2 : i32
      %parallel_loop3A_578 = vector.broadcast %parallel_loop3A_577 : i32 to vector<16xi32>
      %parallel_loop3A_579 = arith.addi %parallel_loop3A_576, %parallel_loop3A_578 : vector<16xi32>
      tpu.vector_store_idx %arg6[%parallel_loop3A_579], %parallel_loop3A_569 : memref<1552xi32, #tpu.memory_space<vmem>>[vector<16xi32>], vector<16xi32>,
      %parallel_loop3A_580 = arith.constant 0 : i32
      %parallel_loop3A_581 = vector.broadcast %parallel_loop3A_580 : i32 to vector<16xi32>
      %parallel_loop3A_582 = arith.cmpi eq, %parallel_loop3A_569, %parallel_loop3A_581 : vector<16xi32>
      %parallel_loop3A_583 = arith.constant -1.000000e+00 : f32
      %parallel_loop3A_584 = vector.broadcast %parallel_loop3A_583 : f32 to vector<16xf32>
      %parallel_loop3A_585 = arith.select %parallel_loop3A_582, %parallel_loop3A_584, %parallel_loop3A_490 : vector<16xi1>, vector<16xf32>
      %parallel_loop3A_586 = arith.constant 1 : i32
      %parallel_loop3A_587 = vector.broadcast %parallel_loop3A_586 : i32 to vector<16xi32>
      %parallel_loop3A_588 = arith.cmpi eq, %parallel_loop3A_569, %parallel_loop3A_587 : vector<16xi32>
      %parallel_loop3A_589 = arith.constant -1.000000e+00 : f32
      %parallel_loop3A_590 = vector.broadcast %parallel_loop3A_589 : f32 to vector<16xf32>
      %parallel_loop3A_591 = arith.select %parallel_loop3A_588, %parallel_loop3A_590, %parallel_loop3A_496 : vector<16xi1>, vector<16xf32>
      %parallel_loop3A_592 = arith.constant 2 : i32
      %parallel_loop3A_593 = vector.broadcast %parallel_loop3A_592 : i32 to vector<16xi32>
      %parallel_loop3A_594 = arith.cmpi eq, %parallel_loop3A_569, %parallel_loop3A_593 : vector<16xi32>
      %parallel_loop3A_595 = arith.constant -1.000000e+00 : f32
      %parallel_loop3A_596 = vector.broadcast %parallel_loop3A_595 : f32 to vector<16xf32>
      %parallel_loop3A_597 = arith.select %parallel_loop3A_594, %parallel_loop3A_596, %parallel_loop3A_502 : vector<16xi1>, vector<16xf32>
      %parallel_loop3A_598 = arith.constant 3 : i32
      %parallel_loop3A_599 = vector.broadcast %parallel_loop3A_598 : i32 to vector<16xi32>
      %parallel_loop3A_600 = arith.cmpi eq, %parallel_loop3A_569, %parallel_loop3A_599 : vector<16xi32>
      %parallel_loop3A_601 = arith.constant -1.000000e+00 : f32
      %parallel_loop3A_602 = vector.broadcast %parallel_loop3A_601 : f32 to vector<16xf32>
      %parallel_loop3A_603 = arith.select %parallel_loop3A_600, %parallel_loop3A_602, %parallel_loop3A_508 : vector<16xi1>, vector<16xf32>
      %parallel_loop3A_604 = arith.constant 4 : i32
      %parallel_loop3A_605 = vector.broadcast %parallel_loop3A_604 : i32 to vector<16xi32>
      %parallel_loop3A_606 = arith.cmpi eq, %parallel_loop3A_569, %parallel_loop3A_605 : vector<16xi32>
      %parallel_loop3A_607 = arith.constant -1.000000e+00 : f32
      %parallel_loop3A_608 = vector.broadcast %parallel_loop3A_607 : f32 to vector<16xf32>
      %parallel_loop3A_609 = arith.select %parallel_loop3A_606, %parallel_loop3A_608, %parallel_loop3A_514 : vector<16xi1>, vector<16xf32>
      %parallel_loop3A_610 = arith.constant 5 : i32
      %parallel_loop3A_611 = vector.broadcast %parallel_loop3A_610 : i32 to vector<16xi32>
      %parallel_loop3A_612 = arith.cmpi eq, %parallel_loop3A_569, %parallel_loop3A_611 : vector<16xi32>
      %parallel_loop3A_613 = arith.constant -1.000000e+00 : f32
      %parallel_loop3A_614 = vector.broadcast %parallel_loop3A_613 : f32 to vector<16xf32>
      %parallel_loop3A_615 = arith.select %parallel_loop3A_612, %parallel_loop3A_614, %parallel_loop3A_520 : vector<16xi1>, vector<16xf32>
      %parallel_loop3A_616 = arith.constant 6 : i32
      %parallel_loop3A_617 = vector.broadcast %parallel_loop3A_616 : i32 to vector<16xi32>
      %parallel_loop3A_618 = arith.cmpi eq, %parallel_loop3A_569, %parallel_loop3A_617 : vector<16xi32>
      %parallel_loop3A_619 = arith.constant -1.000000e+00 : f32
      %parallel_loop3A_620 = vector.broadcast %parallel_loop3A_619 : f32 to vector<16xf32>
      %parallel_loop3A_621 = arith.select %parallel_loop3A_618, %parallel_loop3A_620, %parallel_loop3A_526 : vector<16xi1>, vector<16xf32>
      %parallel_loop3A_622 = arith.constant 7 : i32
      %parallel_loop3A_623 = vector.broadcast %parallel_loop3A_622 : i32 to vector<16xi32>
      %parallel_loop3A_624 = arith.cmpi eq, %parallel_loop3A_569, %parallel_loop3A_623 : vector<16xi32>
      %parallel_loop3A_625 = arith.constant -1.000000e+00 : f32
      %parallel_loop3A_626 = vector.broadcast %parallel_loop3A_625 : f32 to vector<16xf32>
      %parallel_loop3A_627 = arith.select %parallel_loop3A_624, %parallel_loop3A_626, %parallel_loop3A_532 : vector<16xi1>, vector<16xf32>
      %parallel_loop3A_628 = arith.constant 0 : i32
      %parallel_loop3A_629 = vector.broadcast %parallel_loop3A_628 : i32 to vector<16xi32>
      %parallel_loop3A_630 = arith.cmpf ogt, %parallel_loop3A_591, %parallel_loop3A_585 : vector<16xf32>
      %parallel_loop3A_631 = arith.select %parallel_loop3A_630, %parallel_loop3A_591, %parallel_loop3A_585 : vector<16xi1>, vector<16xf32>
      %parallel_loop3A_632 = arith.constant 1 : i32
      %parallel_loop3A_633 = vector.broadcast %parallel_loop3A_632 : i32 to vector<16xi32>
      %parallel_loop3A_634 = arith.select %parallel_loop3A_630, %parallel_loop3A_633, %parallel_loop3A_629 : vector<16xi1>, vector<16xi32>
      %parallel_loop3A_635 = arith.cmpf ogt, %parallel_loop3A_597, %parallel_loop3A_631 : vector<16xf32>
      %parallel_loop3A_636 = arith.select %parallel_loop3A_635, %parallel_loop3A_597, %parallel_loop3A_631 : vector<16xi1>, vector<16xf32>
      %parallel_loop3A_637 = arith.constant 2 : i32
      %parallel_loop3A_638 = vector.broadcast %parallel_loop3A_637 : i32 to vector<16xi32>
      %parallel_loop3A_639 = arith.select %parallel_loop3A_635, %parallel_loop3A_638, %parallel_loop3A_634 : vector<16xi1>, vector<16xi32>
      %parallel_loop3A_640 = arith.cmpf ogt, %parallel_loop3A_603, %parallel_loop3A_636 : vector<16xf32>
      %parallel_loop3A_641 = arith.select %parallel_loop3A_640, %parallel_loop3A_603, %parallel_loop3A_636 : vector<16xi1>, vector<16xf32>
      %parallel_loop3A_642 = arith.constant 3 : i32
      %parallel_loop3A_643 = vector.broadcast %parallel_loop3A_642 : i32 to vector<16xi32>
      %parallel_loop3A_644 = arith.select %parallel_loop3A_640, %parallel_loop3A_643, %parallel_loop3A_639 : vector<16xi1>, vector<16xi32>
      %parallel_loop3A_645 = arith.cmpf ogt, %parallel_loop3A_609, %parallel_loop3A_641 : vector<16xf32>
      %parallel_loop3A_646 = arith.select %parallel_loop3A_645, %parallel_loop3A_609, %parallel_loop3A_641 : vector<16xi1>, vector<16xf32>
      %parallel_loop3A_647 = arith.constant 4 : i32
      %parallel_loop3A_648 = vector.broadcast %parallel_loop3A_647 : i32 to vector<16xi32>
      %parallel_loop3A_649 = arith.select %parallel_loop3A_645, %parallel_loop3A_648, %parallel_loop3A_644 : vector<16xi1>, vector<16xi32>
      %parallel_loop3A_650 = arith.cmpf ogt, %parallel_loop3A_615, %parallel_loop3A_646 : vector<16xf32>
      %parallel_loop3A_651 = arith.select %parallel_loop3A_650, %parallel_loop3A_615, %parallel_loop3A_646 : vector<16xi1>, vector<16xf32>
      %parallel_loop3A_652 = arith.constant 5 : i32
      %parallel_loop3A_653 = vector.broadcast %parallel_loop3A_652 : i32 to vector<16xi32>
      %parallel_loop3A_654 = arith.select %parallel_loop3A_650, %parallel_loop3A_653, %parallel_loop3A_649 : vector<16xi1>, vector<16xi32>
      %parallel_loop3A_655 = arith.cmpf ogt, %parallel_loop3A_621, %parallel_loop3A_651 : vector<16xf32>
      %parallel_loop3A_656 = arith.select %parallel_loop3A_655, %parallel_loop3A_621, %parallel_loop3A_651 : vector<16xi1>, vector<16xf32>
      %parallel_loop3A_657 = arith.constant 6 : i32
      %parallel_loop3A_658 = vector.broadcast %parallel_loop3A_657 : i32 to vector<16xi32>
      %parallel_loop3A_659 = arith.select %parallel_loop3A_655, %parallel_loop3A_658, %parallel_loop3A_654 : vector<16xi1>, vector<16xi32>
      %parallel_loop3A_660 = arith.cmpf ogt, %parallel_loop3A_627, %parallel_loop3A_656 : vector<16xf32>
      %parallel_loop3A_661 = arith.select %parallel_loop3A_660, %parallel_loop3A_627, %parallel_loop3A_656 : vector<16xi1>, vector<16xf32>
      %parallel_loop3A_662 = arith.constant 7 : i32
      %parallel_loop3A_663 = vector.broadcast %parallel_loop3A_662 : i32 to vector<16xi32>
      %parallel_loop3A_664 = arith.select %parallel_loop3A_660, %parallel_loop3A_663, %parallel_loop3A_659 : vector<16xi1>, vector<16xi32>
      %parallel_loop3A_665 = arith.constant 16 : i32
      %parallel_loop3A_666 = arith.muli %parallel_loop3A_23, %parallel_loop3A_665 : i32
      %parallel_loop3A_667 = vector.broadcast %parallel_loop3A_666 : i32 to vector<16xi32>
      %parallel_loop3A_668 = arith.addi %parallel_loop3A_667, %iota3A : vector<16xi32>
      %parallel_loop3A_669 = arith.constant 8 : i32
      %parallel_loop3A_670 = vector.broadcast %parallel_loop3A_669 : i32 to vector<16xi32>
      %parallel_loop3A_671 = arith.muli %parallel_loop3A_668, %parallel_loop3A_670 : vector<16xi32>
      %parallel_loop3A_672 = arith.constant 3 : i32
      %parallel_loop3A_673 = vector.broadcast %parallel_loop3A_672 : i32 to vector<16xi32>
      %parallel_loop3A_674 = arith.addi %parallel_loop3A_671, %parallel_loop3A_673 : vector<16xi32>
      tpu.vector_store_idx %arg6[%parallel_loop3A_674], %parallel_loop3A_664 : memref<1552xi32, #tpu.memory_space<vmem>>[vector<16xi32>], vector<16xi32>,
      %parallel_loop3A_675 = arith.constant 0 : i32
      %parallel_loop3A_676 = vector.broadcast %parallel_loop3A_675 : i32 to vector<16xi32>
      %parallel_loop3A_677 = arith.cmpi eq, %parallel_loop3A_664, %parallel_loop3A_676 : vector<16xi32>
      %parallel_loop3A_678 = arith.constant -1.000000e+00 : f32
      %parallel_loop3A_679 = vector.broadcast %parallel_loop3A_678 : f32 to vector<16xf32>
      %parallel_loop3A_680 = arith.select %parallel_loop3A_677, %parallel_loop3A_679, %parallel_loop3A_585 : vector<16xi1>, vector<16xf32>
      %parallel_loop3A_681 = arith.constant 1 : i32
      %parallel_loop3A_682 = vector.broadcast %parallel_loop3A_681 : i32 to vector<16xi32>
      %parallel_loop3A_683 = arith.cmpi eq, %parallel_loop3A_664, %parallel_loop3A_682 : vector<16xi32>
      %parallel_loop3A_684 = arith.constant -1.000000e+00 : f32
      %parallel_loop3A_685 = vector.broadcast %parallel_loop3A_684 : f32 to vector<16xf32>
      %parallel_loop3A_686 = arith.select %parallel_loop3A_683, %parallel_loop3A_685, %parallel_loop3A_591 : vector<16xi1>, vector<16xf32>
      %parallel_loop3A_687 = arith.constant 2 : i32
      %parallel_loop3A_688 = vector.broadcast %parallel_loop3A_687 : i32 to vector<16xi32>
      %parallel_loop3A_689 = arith.cmpi eq, %parallel_loop3A_664, %parallel_loop3A_688 : vector<16xi32>
      %parallel_loop3A_690 = arith.constant -1.000000e+00 : f32
      %parallel_loop3A_691 = vector.broadcast %parallel_loop3A_690 : f32 to vector<16xf32>
      %parallel_loop3A_692 = arith.select %parallel_loop3A_689, %parallel_loop3A_691, %parallel_loop3A_597 : vector<16xi1>, vector<16xf32>
      %parallel_loop3A_693 = arith.constant 3 : i32
      %parallel_loop3A_694 = vector.broadcast %parallel_loop3A_693 : i32 to vector<16xi32>
      %parallel_loop3A_695 = arith.cmpi eq, %parallel_loop3A_664, %parallel_loop3A_694 : vector<16xi32>
      %parallel_loop3A_696 = arith.constant -1.000000e+00 : f32
      %parallel_loop3A_697 = vector.broadcast %parallel_loop3A_696 : f32 to vector<16xf32>
      %parallel_loop3A_698 = arith.select %parallel_loop3A_695, %parallel_loop3A_697, %parallel_loop3A_603 : vector<16xi1>, vector<16xf32>
      %parallel_loop3A_699 = arith.constant 4 : i32
      %parallel_loop3A_700 = vector.broadcast %parallel_loop3A_699 : i32 to vector<16xi32>
      %parallel_loop3A_701 = arith.cmpi eq, %parallel_loop3A_664, %parallel_loop3A_700 : vector<16xi32>
      %parallel_loop3A_702 = arith.constant -1.000000e+00 : f32
      %parallel_loop3A_703 = vector.broadcast %parallel_loop3A_702 : f32 to vector<16xf32>
      %parallel_loop3A_704 = arith.select %parallel_loop3A_701, %parallel_loop3A_703, %parallel_loop3A_609 : vector<16xi1>, vector<16xf32>
      %parallel_loop3A_705 = arith.constant 5 : i32
      %parallel_loop3A_706 = vector.broadcast %parallel_loop3A_705 : i32 to vector<16xi32>
      %parallel_loop3A_707 = arith.cmpi eq, %parallel_loop3A_664, %parallel_loop3A_706 : vector<16xi32>
      %parallel_loop3A_708 = arith.constant -1.000000e+00 : f32
      %parallel_loop3A_709 = vector.broadcast %parallel_loop3A_708 : f32 to vector<16xf32>
      %parallel_loop3A_710 = arith.select %parallel_loop3A_707, %parallel_loop3A_709, %parallel_loop3A_615 : vector<16xi1>, vector<16xf32>
      %parallel_loop3A_711 = arith.constant 6 : i32
      %parallel_loop3A_712 = vector.broadcast %parallel_loop3A_711 : i32 to vector<16xi32>
      %parallel_loop3A_713 = arith.cmpi eq, %parallel_loop3A_664, %parallel_loop3A_712 : vector<16xi32>
      %parallel_loop3A_714 = arith.constant -1.000000e+00 : f32
      %parallel_loop3A_715 = vector.broadcast %parallel_loop3A_714 : f32 to vector<16xf32>
      %parallel_loop3A_716 = arith.select %parallel_loop3A_713, %parallel_loop3A_715, %parallel_loop3A_621 : vector<16xi1>, vector<16xf32>
      %parallel_loop3A_717 = arith.constant 7 : i32
      %parallel_loop3A_718 = vector.broadcast %parallel_loop3A_717 : i32 to vector<16xi32>
      %parallel_loop3A_719 = arith.cmpi eq, %parallel_loop3A_664, %parallel_loop3A_718 : vector<16xi32>
      %parallel_loop3A_720 = arith.constant -1.000000e+00 : f32
      %parallel_loop3A_721 = vector.broadcast %parallel_loop3A_720 : f32 to vector<16xf32>
      %parallel_loop3A_722 = arith.select %parallel_loop3A_719, %parallel_loop3A_721, %parallel_loop3A_627 : vector<16xi1>, vector<16xf32>
    } {sc.loop_unroll_factor = 4 : i64, sc.parallel_access}
    %convert_element_type3A = arith.extui %ge3A_8 : vector<16xi1> to vector<16xi32>
    %add3A_11 = arith.constant 2 : i32
    %add3A_12 = vector.broadcast %add3A_11 : i32 to vector<16xi32>
    %add3A_13 = arith.addi %convert_element_type3A, %add3A_12 : vector<16xi32>
    %lt3A = arith.constant 8 : i32
    %lt3A_14 = vector.broadcast %lt3A : i32 to vector<16xi32>
    %lt3A_15 = arith.cmpi slt, %iota3A, %lt3A_14 : vector<16xi32>
    %parallel_loop3A_16 = arith.constant 0 : i32
    %parallel_loop3A_17 = arith.constant 192 : i32
    %parallel_loop3A_18 = arith.constant 1 : i32
    scf.for %parallel_loop3A_23 = %parallel_loop3A_16 to %parallel_loop3A_17 step %parallel_loop3A_18  : i32 {
      %parallel_loop3A_24 = arith.constant 8 : i32
      %parallel_loop3A_25 = arith.muli %parallel_loop3A_23, %parallel_loop3A_24 : i32
      %parallel_loop3A_26 = vector.broadcast %parallel_loop3A_25 : i32 to vector<16xi32>
      %parallel_loop3A_27 = arith.addi %parallel_loop3A_26, %convert_element_type3A : vector<16xi32>
      %parallel_loop3A_28 = tpu.vector_load_idx %arg6[%parallel_loop3A_27] : memref<1552xi32, #tpu.memory_space<vmem>>[vector<16xi32>], vector<16xi32>,
      %parallel_loop3A_29 = arith.constant 8 : i32
      %parallel_loop3A_30 = arith.muli %parallel_loop3A_23, %parallel_loop3A_29 : i32
      %parallel_loop3A_31 = vector.broadcast %parallel_loop3A_30 : i32 to vector<16xi32>
      %parallel_loop3A_32 = arith.addi %parallel_loop3A_31, %add3A_13 : vector<16xi32>
      %parallel_loop3A_33 = tpu.vector_load_idx %arg6[%parallel_loop3A_32] : memref<1552xi32, #tpu.memory_space<vmem>>[vector<16xi32>], vector<16xi32>,
      %parallel_loop3A_34 = arith.constant 8 : i32
      %parallel_loop3A_35 = vector.broadcast %parallel_loop3A_34 : i32 to vector<16xi32>
      %parallel_loop3A_36 = arith.muli %parallel_loop3A_28, %parallel_loop3A_35 : vector<16xi32>
      %parallel_loop3A_37 = arith.addi %parallel_loop3A_36, %and3A_6 : vector<16xi32>
      %parallel_loop3A_38 = arith.constant 8 : i32
      %parallel_loop3A_39 = vector.broadcast %parallel_loop3A_38 : i32 to vector<16xi32>
      %parallel_loop3A_40 = arith.muli %parallel_loop3A_33, %parallel_loop3A_39 : vector<16xi32>
      %parallel_loop3A_41 = arith.addi %parallel_loop3A_40, %and3A_6 : vector<16xi32>
      %parallel_loop3A_42 = arith.constant 64 : i32
      %parallel_loop3A_43 = arith.muli %parallel_loop3A_23, %parallel_loop3A_42 : i32
      %parallel_loop3A_44 = vector.broadcast %parallel_loop3A_43 : i32 to vector<16xi32>
      %parallel_loop3A_45 = arith.addi %parallel_loop3A_44, %parallel_loop3A_37 : vector<16xi32>
      %parallel_loop3A_46 = tpu.vector_load_idx %arg5[%parallel_loop3A_45] : memref<12288xf32, #tpu.memory_space<vmem>>[vector<16xi32>], vector<16xf32>,
      %parallel_loop3A_47 = arith.constant 64 : i32
      %parallel_loop3A_48 = arith.muli %parallel_loop3A_23, %parallel_loop3A_47 : i32
      %parallel_loop3A_49 = vector.broadcast %parallel_loop3A_48 : i32 to vector<16xi32>
      %parallel_loop3A_50 = arith.addi %parallel_loop3A_49, %parallel_loop3A_41 : vector<16xi32>
      %parallel_loop3A_51 = tpu.vector_load_idx %arg5[%parallel_loop3A_50] : memref<12288xf32, #tpu.memory_space<vmem>>[vector<16xi32>], vector<16xf32>,
      %parallel_loop3A_52 = arith.constant dense<true> : vector<16xi1>
      %parallel_loop3A_53, %parallel_loop3A_54, %parallel_loop3A_55 = tpu.sort %parallel_loop3A_46, %parallel_loop3A_37 masked %parallel_loop3A_52 {descending = true} : (vector<16xf32>, vector<16xi32>, vector<16xi1>) -> (vector<16xi1>, vector<16xf32>, vector<16xi32>)
      %parallel_loop3A_56 = arith.constant dense<true> : vector<16xi1>
      %parallel_loop3A_57, %parallel_loop3A_58, %parallel_loop3A_59 = tpu.sort %parallel_loop3A_51, %parallel_loop3A_41 masked %parallel_loop3A_56 {descending = true} : (vector<16xf32>, vector<16xi32>, vector<16xi1>) -> (vector<16xi1>, vector<16xf32>, vector<16xi32>)
      %parallel_loop3A_60 = arith.constant 15 : i32
      %parallel_loop3A_61 = vector.broadcast %parallel_loop3A_60 : i32 to vector<16xi32>
      %parallel_loop3A_62 = tpu.iota {dimensions = array<i32: 0>} : vector<16xi32>
      %parallel_loop3A_63 = arith.subi %parallel_loop3A_61, %parallel_loop3A_62 : vector<16xi32>
      %parallel_loop3A_64 = tpu.dynamic_gather %parallel_loop3A_58[%parallel_loop3A_63] in [0] : vector<16xf32>, vector<16xi32> -> vector<16xf32>
      %parallel_loop3A_65 = arith.constant 15 : i32
      %parallel_loop3A_66 = vector.broadcast %parallel_loop3A_65 : i32 to vector<16xi32>
      %parallel_loop3A_67 = tpu.iota {dimensions = array<i32: 0>} : vector<16xi32>
      %parallel_loop3A_68 = arith.subi %parallel_loop3A_66, %parallel_loop3A_67 : vector<16xi32>
      %parallel_loop3A_69 = tpu.dynamic_gather %parallel_loop3A_59[%parallel_loop3A_68] in [0] : vector<16xi32>, vector<16xi32> -> vector<16xi32>
      %parallel_loop3A_70 = arith.cmpf oge, %parallel_loop3A_54, %parallel_loop3A_64 : vector<16xf32>
      %parallel_loop3A_71 = arith.select %parallel_loop3A_70, %parallel_loop3A_54, %parallel_loop3A_64 : vector<16xi1>, vector<16xf32>
      %parallel_loop3A_72 = arith.select %parallel_loop3A_70, %parallel_loop3A_55, %parallel_loop3A_69 : vector<16xi1>, vector<16xi32>
      %parallel_loop3A_73 = arith.constant dense<true> : vector<16xi1>
      %parallel_loop3A_74, %parallel_loop3A_75, %parallel_loop3A_76 = tpu.sort %parallel_loop3A_71, %parallel_loop3A_72 masked %parallel_loop3A_73 {descending = true} : (vector<16xf32>, vector<16xi32>, vector<16xi1>) -> (vector<16xi1>, vector<16xf32>, vector<16xi32>)
      %parallel_loop3A_77 = arith.constant 0.000000e+00 : f32
      %parallel_loop3A_78 = vector.broadcast %parallel_loop3A_77 : f32 to vector<16xf32>
      %parallel_loop3A_79 = arith.select %lt3A_15, %parallel_loop3A_75, %parallel_loop3A_78 : vector<16xi1>, vector<16xf32>
      %parallel_loop3A_80 = arith.constant true
      %parallel_loop3A_81 = vector.broadcast %parallel_loop3A_80 : i1 to vector<16xi1>
      %parallel_loop3A_82 = tpu.scan <sum>, %parallel_loop3A_79 masked %parallel_loop3A_81 : vector<16xf32>, vector<16xi1> -> vector<16xf32>
      %parallel_loop3A_83 = vector.extract %parallel_loop3A_82[15] : f32 from vector<16xf32>
      %parallel_loop3A_84 = vector.broadcast %parallel_loop3A_83 : f32 to vector<16xf32>
      %parallel_loop3A_85 = arith.constant 2.500000e+00 : f32
      %parallel_loop3A_86 = vector.broadcast %parallel_loop3A_85 : f32 to vector<16xf32>
      %parallel_loop3A_87 = arith.mulf %parallel_loop3A_79, %parallel_loop3A_86 : vector<16xf32>
      %parallel_loop3A_88 = arith.divf %parallel_loop3A_87, %parallel_loop3A_84 : vector<16xf32>
      %parallel_loop3A_89 = arith.constant 8 : i32
      %parallel_loop3A_90 = arith.muli %parallel_loop3A_23, %parallel_loop3A_89 : i32
      %parallel_loop3A_91 = vector.broadcast %parallel_loop3A_90 : i32 to vector<16xi32>
      %parallel_loop3A_92 = arith.addi %parallel_loop3A_91, %and3A_6 : vector<16xi32>
      tpu.vector_store_idx %arg7[%parallel_loop3A_92], %parallel_loop3A_88 masked %lt3A_15 : memref<1536xf32, #tpu.memory_space<vmem>>[vector<16xi32>], vector<16xf32>, vector<16xi1>
      %parallel_loop3A_93 = arith.constant 8 : i32
      %parallel_loop3A_94 = arith.muli %parallel_loop3A_23, %parallel_loop3A_93 : i32
      %parallel_loop3A_95 = vector.broadcast %parallel_loop3A_94 : i32 to vector<16xi32>
      %parallel_loop3A_96 = arith.addi %parallel_loop3A_95, %and3A_6 : vector<16xi32>
      tpu.vector_store_idx %arg8[%parallel_loop3A_96], %parallel_loop3A_76 masked %lt3A_15 : memref<1536xi32, #tpu.memory_space<vmem>>[vector<16xi32>], vector<16xi32>, vector<16xi1>
    } {sc.loop_unroll_factor = 8 : i64, sc.parallel_access}
    %mul3A_19 = arith.constant 8 : i32
    %mul3A_20 = arith.muli %mul3A_2, %mul3A_19 : i32
    "tpu.region"() ({
      %run_scoped3A = tpu.sem_alloc : memref<!tpu.dma_semaphore, #tpu.memory_space<semaphore_mem>>
      %dma_start3A = tpu.memref_slice %arg3[%mul3A_20] : memref<49152xf32, #tpu.memory_space<hbm>> -> memref<1536xf32, #tpu.memory_space<hbm>>
      %dma_start3A_23 = tpu.memref_slice %arg3[%mul3A_20] : memref<49152xf32, #tpu.memory_space<hbm>> -> memref<1536xf32, #tpu.memory_space<hbm>>
      tpu.enqueue_dma source(%arg7 : memref<1536xf32, #tpu.memory_space<vmem>>) target(%dma_start3A_23 : memref<1536xf32, #tpu.memory_space<hbm>>) target_semaphore(%run_scoped3A : memref<!tpu.dma_semaphore, #tpu.memory_space<semaphore_mem>>)
      %dma_wait3A = tpu.memref_slice %arg3[%mul3A_20] : memref<49152xf32, #tpu.memory_space<hbm>> -> memref<1536xf32, #tpu.memory_space<hbm>>
      %dma_wait3A_24 = tpu.memref_slice %arg3[%mul3A_20] : memref<49152xf32, #tpu.memory_space<hbm>> -> memref<1536xf32, #tpu.memory_space<hbm>>
      tpu.wait_dma2 semaphore(%run_scoped3A : memref<!tpu.dma_semaphore, #tpu.memory_space<semaphore_mem>>) src(%arg7 : memref<1536xf32, #tpu.memory_space<vmem>>) dst(%dma_wait3A_24 : memref<1536xf32, #tpu.memory_space<hbm>>)
      tpu.yield
    }) : () -> ()
    %mul3A_21 = arith.constant 8 : i32
    %mul3A_22 = arith.muli %mul3A_2, %mul3A_21 : i32
    "tpu.region"() ({
      %run_scoped3A = tpu.sem_alloc : memref<!tpu.dma_semaphore, #tpu.memory_space<semaphore_mem>>
      %dma_start3A = tpu.memref_slice %arg4[%mul3A_22] : memref<49152xi32, #tpu.memory_space<hbm>> -> memref<1536xi32, #tpu.memory_space<hbm>>
      %dma_start3A_23 = tpu.memref_slice %arg4[%mul3A_22] : memref<49152xi32, #tpu.memory_space<hbm>> -> memref<1536xi32, #tpu.memory_space<hbm>>
      tpu.enqueue_dma source(%arg8 : memref<1536xi32, #tpu.memory_space<vmem>>) target(%dma_start3A_23 : memref<1536xi32, #tpu.memory_space<hbm>>) target_semaphore(%run_scoped3A : memref<!tpu.dma_semaphore, #tpu.memory_space<semaphore_mem>>)
      %dma_wait3A = tpu.memref_slice %arg4[%mul3A_22] : memref<49152xi32, #tpu.memory_space<hbm>> -> memref<1536xi32, #tpu.memory_space<hbm>>
      %dma_wait3A_24 = tpu.memref_slice %arg4[%mul3A_22] : memref<49152xi32, #tpu.memory_space<hbm>> -> memref<1536xi32, #tpu.memory_space<hbm>>
      tpu.wait_dma2 semaphore(%run_scoped3A : memref<!tpu.dma_semaphore, #tpu.memory_space<semaphore_mem>>) src(%arg8 : memref<1536xi32, #tpu.memory_space<vmem>>) dst(%dma_wait3A_24 : memref<1536xi32, #tpu.memory_space<hbm>>)
      tpu.yield
    }) : () -> ()
    return
  }
}

#map = affine_map<(d0, d1) -> (0)>
module attributes {stable_mosaic.version = 14 : i64} {
  func.func @_routing_body(%arg0: i32, %arg1: i32, %arg2: memref<131072xf32, #tpu.memory_space<hbm>>, %arg3: memref<16384xf32, #tpu.memory_space<hbm>>, %arg4: memref<16384xi32, #tpu.memory_space<hbm>>, %arg5: memref<4096xf32, #tpu.memory_space<vmem>>, %arg6: memref<528xi32, #tpu.memory_space<vmem>>, %arg7: memref<512xf32, #tpu.memory_space<vmem>>, %arg8: memref<512xi32, #tpu.memory_space<vmem>>) attributes {dimension_semantics = [#tpu.dimension_semantics<core_parallel>, #tpu.dimension_semantics<subcore_parallel>], iteration_bounds = array<i64: 2, 16>, scalar_prefetch = 0 : i64, scratch_operands = 4 : i64, tpu.core_type = #tpu.core_type<sc_vector_subcore>, window_params = [{transform_indices = #map}, {transform_indices = #map}, {transform_indices = #map}]} {
    %mul3A = arith.constant 2 : i32
    %mul3A_0 = arith.muli %arg1, %mul3A : i32
    %add3A = arith.addi %mul3A_0, %arg0 : i32
    %mul3A_1 = arith.constant 64 : i32
    %mul3A_2 = arith.muli %add3A, %mul3A_1 : i32
    %mul3A_3 = arith.constant 64 : i32
    %mul3A_4 = arith.muli %mul3A_2, %mul3A_3 : i32
    "tpu.region"() ({
      %run_scoped3A = tpu.sem_alloc : memref<!tpu.dma_semaphore, #tpu.memory_space<semaphore_mem>>
      %dma_start3A = tpu.memref_slice %arg2[%mul3A_4] : memref<131072xf32, #tpu.memory_space<hbm>> -> memref<4096xf32, #tpu.memory_space<hbm>>
      %dma_start3A_23 = tpu.memref_slice %arg2[%mul3A_4] : memref<131072xf32, #tpu.memory_space<hbm>> -> memref<4096xf32, #tpu.memory_space<hbm>>
      tpu.enqueue_dma source(%dma_start3A_23 : memref<4096xf32, #tpu.memory_space<hbm>>) target(%arg5 : memref<4096xf32, #tpu.memory_space<vmem>>) target_semaphore(%run_scoped3A : memref<!tpu.dma_semaphore, #tpu.memory_space<semaphore_mem>>)
      %dma_wait3A = tpu.memref_slice %arg2[%mul3A_4] : memref<131072xf32, #tpu.memory_space<hbm>> -> memref<4096xf32, #tpu.memory_space<hbm>>
      %dma_wait3A_24 = tpu.memref_slice %arg2[%mul3A_4] : memref<131072xf32, #tpu.memory_space<hbm>> -> memref<4096xf32, #tpu.memory_space<hbm>>
      tpu.wait_dma2 semaphore(%run_scoped3A : memref<!tpu.dma_semaphore, #tpu.memory_space<semaphore_mem>>) src(%dma_wait3A_24 : memref<4096xf32, #tpu.memory_space<hbm>>) dst(%arg5 : memref<4096xf32, #tpu.memory_space<vmem>>)
      tpu.yield
    }) : () -> ()
    %iota3A = tpu.iota {dimensions = array<i32: 0>} : vector<16xi32>
    %and3A = arith.constant 7 : i32
    %and3A_5 = vector.broadcast %and3A : i32 to vector<16xi32>
    %and3A_6 = arith.andi %iota3A, %and3A_5 : vector<16xi32>
    %ge3A = arith.constant 8 : i32
    %ge3A_7 = vector.broadcast %ge3A : i32 to vector<16xi32>
    %ge3A_8 = arith.cmpi sge, %iota3A, %ge3A_7 : vector<16xi32>
    %parallel_loop3A = arith.constant 0 : i32
    %parallel_loop3A_9 = arith.constant 4 : i32
    %parallel_loop3A_10 = arith.constant 1 : i32
    scf.for %parallel_loop3A_23 = %parallel_loop3A to %parallel_loop3A_9 step %parallel_loop3A_10  : i32 {
      %parallel_loop3A_24 = arith.constant 16 : i32
      %parallel_loop3A_25 = arith.muli %parallel_loop3A_23, %parallel_loop3A_24 : i32
      %parallel_loop3A_26 = vector.broadcast %parallel_loop3A_25 : i32 to vector<16xi32>
      %parallel_loop3A_27 = arith.addi %parallel_loop3A_26, %iota3A : vector<16xi32>
      %parallel_loop3A_28 = arith.constant 64 : i32
      %parallel_loop3A_29 = vector.broadcast %parallel_loop3A_28 : i32 to vector<16xi32>
      %parallel_loop3A_30 = arith.muli %parallel_loop3A_27, %parallel_loop3A_29 : vector<16xi32>
      %parallel_loop3A_31 = arith.constant 0 : i32
      %parallel_loop3A_32 = vector.broadcast %parallel_loop3A_31 : i32 to vector<16xi32>
      %parallel_loop3A_33 = arith.addi %parallel_loop3A_30, %parallel_loop3A_32 : vector<16xi32>
      %parallel_loop3A_34 = tpu.vector_load_idx %arg5[%parallel_loop3A_33] : memref<4096xf32, #tpu.memory_space<vmem>>[vector<16xi32>], vector<16xf32>,
      %parallel_loop3A_35 = arith.constant 1 : i32
      %parallel_loop3A_36 = vector.broadcast %parallel_loop3A_35 : i32 to vector<16xi32>
      %parallel_loop3A_37 = arith.addi %parallel_loop3A_30, %parallel_loop3A_36 : vector<16xi32>
      %parallel_loop3A_38 = tpu.vector_load_idx %arg5[%parallel_loop3A_37] : memref<4096xf32, #tpu.memory_space<vmem>>[vector<16xi32>], vector<16xf32>,
      %parallel_loop3A_39 = arith.maximumf %parallel_loop3A_34, %parallel_loop3A_38 : vector<16xf32>
      %parallel_loop3A_40 = arith.constant 2 : i32
      %parallel_loop3A_41 = vector.broadcast %parallel_loop3A_40 : i32 to vector<16xi32>
      %parallel_loop3A_42 = arith.addi %parallel_loop3A_30, %parallel_loop3A_41 : vector<16xi32>
      %parallel_loop3A_43 = tpu.vector_load_idx %arg5[%parallel_loop3A_42] : memref<4096xf32, #tpu.memory_space<vmem>>[vector<16xi32>], vector<16xf32>,
      %parallel_loop3A_44 = arith.maximumf %parallel_loop3A_39, %parallel_loop3A_43 : vector<16xf32>
      %parallel_loop3A_45 = arith.constant 3 : i32
      %parallel_loop3A_46 = vector.broadcast %parallel_loop3A_45 : i32 to vector<16xi32>
      %parallel_loop3A_47 = arith.addi %parallel_loop3A_30, %parallel_loop3A_46 : vector<16xi32>
      %parallel_loop3A_48 = tpu.vector_load_idx %arg5[%parallel_loop3A_47] : memref<4096xf32, #tpu.memory_space<vmem>>[vector<16xi32>], vector<16xf32>,
      %parallel_loop3A_49 = arith.maximumf %parallel_loop3A_44, %parallel_loop3A_48 : vector<16xf32>
      %parallel_loop3A_50 = arith.constant 4 : i32
      %parallel_loop3A_51 = vector.broadcast %parallel_loop3A_50 : i32 to vector<16xi32>
      %parallel_loop3A_52 = arith.addi %parallel_loop3A_30, %parallel_loop3A_51 : vector<16xi32>
      %parallel_loop3A_53 = tpu.vector_load_idx %arg5[%parallel_loop3A_52] : memref<4096xf32, #tpu.memory_space<vmem>>[vector<16xi32>], vector<16xf32>,
      %parallel_loop3A_54 = arith.maximumf %parallel_loop3A_49, %parallel_loop3A_53 : vector<16xf32>
      %parallel_loop3A_55 = arith.constant 5 : i32
      %parallel_loop3A_56 = vector.broadcast %parallel_loop3A_55 : i32 to vector<16xi32>
      %parallel_loop3A_57 = arith.addi %parallel_loop3A_30, %parallel_loop3A_56 : vector<16xi32>
      %parallel_loop3A_58 = tpu.vector_load_idx %arg5[%parallel_loop3A_57] : memref<4096xf32, #tpu.memory_space<vmem>>[vector<16xi32>], vector<16xf32>,
      %parallel_loop3A_59 = arith.maximumf %parallel_loop3A_54, %parallel_loop3A_58 : vector<16xf32>
      %parallel_loop3A_60 = arith.constant 6 : i32
      %parallel_loop3A_61 = vector.broadcast %parallel_loop3A_60 : i32 to vector<16xi32>
      %parallel_loop3A_62 = arith.addi %parallel_loop3A_30, %parallel_loop3A_61 : vector<16xi32>
      %parallel_loop3A_63 = tpu.vector_load_idx %arg5[%parallel_loop3A_62] : memref<4096xf32, #tpu.memory_space<vmem>>[vector<16xi32>], vector<16xf32>,
      %parallel_loop3A_64 = arith.maximumf %parallel_loop3A_59, %parallel_loop3A_63 : vector<16xf32>
      %parallel_loop3A_65 = arith.constant 7 : i32
      %parallel_loop3A_66 = vector.broadcast %parallel_loop3A_65 : i32 to vector<16xi32>
      %parallel_loop3A_67 = arith.addi %parallel_loop3A_30, %parallel_loop3A_66 : vector<16xi32>
      %parallel_loop3A_68 = tpu.vector_load_idx %arg5[%parallel_loop3A_67] : memref<4096xf32, #tpu.memory_space<vmem>>[vector<16xi32>], vector<16xf32>,
      %parallel_loop3A_69 = arith.maximumf %parallel_loop3A_64, %parallel_loop3A_68 : vector<16xf32>
      %parallel_loop3A_70 = arith.constant 8 : i32
      %parallel_loop3A_71 = vector.broadcast %parallel_loop3A_70 : i32 to vector<16xi32>
      %parallel_loop3A_72 = arith.addi %parallel_loop3A_30, %parallel_loop3A_71 : vector<16xi32>
      %parallel_loop3A_73 = tpu.vector_load_idx %arg5[%parallel_loop3A_72] : memref<4096xf32, #tpu.memory_space<vmem>>[vector<16xi32>], vector<16xf32>,
      %parallel_loop3A_74 = arith.constant 9 : i32
      %parallel_loop3A_75 = vector.broadcast %parallel_loop3A_74 : i32 to vector<16xi32>
      %parallel_loop3A_76 = arith.addi %parallel_loop3A_30, %parallel_loop3A_75 : vector<16xi32>
      %parallel_loop3A_77 = tpu.vector_load_idx %arg5[%parallel_loop3A_76] : memref<4096xf32, #tpu.memory_space<vmem>>[vector<16xi32>], vector<16xf32>,
      %parallel_loop3A_78 = arith.maximumf %parallel_loop3A_73, %parallel_loop3A_77 : vector<16xf32>
      %parallel_loop3A_79 = arith.constant 10 : i32
      %parallel_loop3A_80 = vector.broadcast %parallel_loop3A_79 : i32 to vector<16xi32>
      %parallel_loop3A_81 = arith.addi %parallel_loop3A_30, %parallel_loop3A_80 : vector<16xi32>
      %parallel_loop3A_82 = tpu.vector_load_idx %arg5[%parallel_loop3A_81] : memref<4096xf32, #tpu.memory_space<vmem>>[vector<16xi32>], vector<16xf32>,
      %parallel_loop3A_83 = arith.maximumf %parallel_loop3A_78, %parallel_loop3A_82 : vector<16xf32>
      %parallel_loop3A_84 = arith.constant 11 : i32
      %parallel_loop3A_85 = vector.broadcast %parallel_loop3A_84 : i32 to vector<16xi32>
      %parallel_loop3A_86 = arith.addi %parallel_loop3A_30, %parallel_loop3A_85 : vector<16xi32>
      %parallel_loop3A_87 = tpu.vector_load_idx %arg5[%parallel_loop3A_86] : memref<4096xf32, #tpu.memory_space<vmem>>[vector<16xi32>], vector<16xf32>,
      %parallel_loop3A_88 = arith.maximumf %parallel_loop3A_83, %parallel_loop3A_87 : vector<16xf32>
      %parallel_loop3A_89 = arith.constant 12 : i32
      %parallel_loop3A_90 = vector.broadcast %parallel_loop3A_89 : i32 to vector<16xi32>
      %parallel_loop3A_91 = arith.addi %parallel_loop3A_30, %parallel_loop3A_90 : vector<16xi32>
      %parallel_loop3A_92 = tpu.vector_load_idx %arg5[%parallel_loop3A_91] : memref<4096xf32, #tpu.memory_space<vmem>>[vector<16xi32>], vector<16xf32>,
      %parallel_loop3A_93 = arith.maximumf %parallel_loop3A_88, %parallel_loop3A_92 : vector<16xf32>
      %parallel_loop3A_94 = arith.constant 13 : i32
      %parallel_loop3A_95 = vector.broadcast %parallel_loop3A_94 : i32 to vector<16xi32>
      %parallel_loop3A_96 = arith.addi %parallel_loop3A_30, %parallel_loop3A_95 : vector<16xi32>
      %parallel_loop3A_97 = tpu.vector_load_idx %arg5[%parallel_loop3A_96] : memref<4096xf32, #tpu.memory_space<vmem>>[vector<16xi32>], vector<16xf32>,
      %parallel_loop3A_98 = arith.maximumf %parallel_loop3A_93, %parallel_loop3A_97 : vector<16xf32>
      %parallel_loop3A_99 = arith.constant 14 : i32
      %parallel_loop3A_100 = vector.broadcast %parallel_loop3A_99 : i32 to vector<16xi32>
      %parallel_loop3A_101 = arith.addi %parallel_loop3A_30, %parallel_loop3A_100 : vector<16xi32>
      %parallel_loop3A_102 = tpu.vector_load_idx %arg5[%parallel_loop3A_101] : memref<4096xf32, #tpu.memory_space<vmem>>[vector<16xi32>], vector<16xf32>,
      %parallel_loop3A_103 = arith.maximumf %parallel_loop3A_98, %parallel_loop3A_102 : vector<16xf32>
      %parallel_loop3A_104 = arith.constant 15 : i32
      %parallel_loop3A_105 = vector.broadcast %parallel_loop3A_104 : i32 to vector<16xi32>
      %parallel_loop3A_106 = arith.addi %parallel_loop3A_30, %parallel_loop3A_105 : vector<16xi32>
      %parallel_loop3A_107 = tpu.vector_load_idx %arg5[%parallel_loop3A_106] : memref<4096xf32, #tpu.memory_space<vmem>>[vector<16xi32>], vector<16xf32>,
      %parallel_loop3A_108 = arith.maximumf %parallel_loop3A_103, %parallel_loop3A_107 : vector<16xf32>
      %parallel_loop3A_109 = arith.constant 16 : i32
      %parallel_loop3A_110 = vector.broadcast %parallel_loop3A_109 : i32 to vector<16xi32>
      %parallel_loop3A_111 = arith.addi %parallel_loop3A_30, %parallel_loop3A_110 : vector<16xi32>
      %parallel_loop3A_112 = tpu.vector_load_idx %arg5[%parallel_loop3A_111] : memref<4096xf32, #tpu.memory_space<vmem>>[vector<16xi32>], vector<16xf32>,
      %parallel_loop3A_113 = arith.constant 17 : i32
      %parallel_loop3A_114 = vector.broadcast %parallel_loop3A_113 : i32 to vector<16xi32>
      %parallel_loop3A_115 = arith.addi %parallel_loop3A_30, %parallel_loop3A_114 : vector<16xi32>
      %parallel_loop3A_116 = tpu.vector_load_idx %arg5[%parallel_loop3A_115] : memref<4096xf32, #tpu.memory_space<vmem>>[vector<16xi32>], vector<16xf32>,
      %parallel_loop3A_117 = arith.maximumf %parallel_loop3A_112, %parallel_loop3A_116 : vector<16xf32>
      %parallel_loop3A_118 = arith.constant 18 : i32
      %parallel_loop3A_119 = vector.broadcast %parallel_loop3A_118 : i32 to vector<16xi32>
      %parallel_loop3A_120 = arith.addi %parallel_loop3A_30, %parallel_loop3A_119 : vector<16xi32>
      %parallel_loop3A_121 = tpu.vector_load_idx %arg5[%parallel_loop3A_120] : memref<4096xf32, #tpu.memory_space<vmem>>[vector<16xi32>], vector<16xf32>,
      %parallel_loop3A_122 = arith.maximumf %parallel_loop3A_117, %parallel_loop3A_121 : vector<16xf32>
      %parallel_loop3A_123 = arith.constant 19 : i32
      %parallel_loop3A_124 = vector.broadcast %parallel_loop3A_123 : i32 to vector<16xi32>
      %parallel_loop3A_125 = arith.addi %parallel_loop3A_30, %parallel_loop3A_124 : vector<16xi32>
      %parallel_loop3A_126 = tpu.vector_load_idx %arg5[%parallel_loop3A_125] : memref<4096xf32, #tpu.memory_space<vmem>>[vector<16xi32>], vector<16xf32>,
      %parallel_loop3A_127 = arith.maximumf %parallel_loop3A_122, %parallel_loop3A_126 : vector<16xf32>
      %parallel_loop3A_128 = arith.constant 20 : i32
      %parallel_loop3A_129 = vector.broadcast %parallel_loop3A_128 : i32 to vector<16xi32>
      %parallel_loop3A_130 = arith.addi %parallel_loop3A_30, %parallel_loop3A_129 : vector<16xi32>
      %parallel_loop3A_131 = tpu.vector_load_idx %arg5[%parallel_loop3A_130] : memref<4096xf32, #tpu.memory_space<vmem>>[vector<16xi32>], vector<16xf32>,
      %parallel_loop3A_132 = arith.maximumf %parallel_loop3A_127, %parallel_loop3A_131 : vector<16xf32>
      %parallel_loop3A_133 = arith.constant 21 : i32
      %parallel_loop3A_134 = vector.broadcast %parallel_loop3A_133 : i32 to vector<16xi32>
      %parallel_loop3A_135 = arith.addi %parallel_loop3A_30, %parallel_loop3A_134 : vector<16xi32>
      %parallel_loop3A_136 = tpu.vector_load_idx %arg5[%parallel_loop3A_135] : memref<4096xf32, #tpu.memory_space<vmem>>[vector<16xi32>], vector<16xf32>,
      %parallel_loop3A_137 = arith.maximumf %parallel_loop3A_132, %parallel_loop3A_136 : vector<16xf32>
      %parallel_loop3A_138 = arith.constant 22 : i32
      %parallel_loop3A_139 = vector.broadcast %parallel_loop3A_138 : i32 to vector<16xi32>
      %parallel_loop3A_140 = arith.addi %parallel_loop3A_30, %parallel_loop3A_139 : vector<16xi32>
      %parallel_loop3A_141 = tpu.vector_load_idx %arg5[%parallel_loop3A_140] : memref<4096xf32, #tpu.memory_space<vmem>>[vector<16xi32>], vector<16xf32>,
      %parallel_loop3A_142 = arith.maximumf %parallel_loop3A_137, %parallel_loop3A_141 : vector<16xf32>
      %parallel_loop3A_143 = arith.constant 23 : i32
      %parallel_loop3A_144 = vector.broadcast %parallel_loop3A_143 : i32 to vector<16xi32>
      %parallel_loop3A_145 = arith.addi %parallel_loop3A_30, %parallel_loop3A_144 : vector<16xi32>
      %parallel_loop3A_146 = tpu.vector_load_idx %arg5[%parallel_loop3A_145] : memref<4096xf32, #tpu.memory_space<vmem>>[vector<16xi32>], vector<16xf32>,
      %parallel_loop3A_147 = arith.maximumf %parallel_loop3A_142, %parallel_loop3A_146 : vector<16xf32>
      %parallel_loop3A_148 = arith.constant 24 : i32
      %parallel_loop3A_149 = vector.broadcast %parallel_loop3A_148 : i32 to vector<16xi32>
      %parallel_loop3A_150 = arith.addi %parallel_loop3A_30, %parallel_loop3A_149 : vector<16xi32>
      %parallel_loop3A_151 = tpu.vector_load_idx %arg5[%parallel_loop3A_150] : memref<4096xf32, #tpu.memory_space<vmem>>[vector<16xi32>], vector<16xf32>,
      %parallel_loop3A_152 = arith.constant 25 : i32
      %parallel_loop3A_153 = vector.broadcast %parallel_loop3A_152 : i32 to vector<16xi32>
      %parallel_loop3A_154 = arith.addi %parallel_loop3A_30, %parallel_loop3A_153 : vector<16xi32>
      %parallel_loop3A_155 = tpu.vector_load_idx %arg5[%parallel_loop3A_154] : memref<4096xf32, #tpu.memory_space<vmem>>[vector<16xi32>], vector<16xf32>,
      %parallel_loop3A_156 = arith.maximumf %parallel_loop3A_151, %parallel_loop3A_155 : vector<16xf32>
      %parallel_loop3A_157 = arith.constant 26 : i32
      %parallel_loop3A_158 = vector.broadcast %parallel_loop3A_157 : i32 to vector<16xi32>
      %parallel_loop3A_159 = arith.addi %parallel_loop3A_30, %parallel_loop3A_158 : vector<16xi32>
      %parallel_loop3A_160 = tpu.vector_load_idx %arg5[%parallel_loop3A_159] : memref<4096xf32, #tpu.memory_space<vmem>>[vector<16xi32>], vector<16xf32>,
      %parallel_loop3A_161 = arith.maximumf %parallel_loop3A_156, %parallel_loop3A_160 : vector<16xf32>
      %parallel_loop3A_162 = arith.constant 27 : i32
      %parallel_loop3A_163 = vector.broadcast %parallel_loop3A_162 : i32 to vector<16xi32>
      %parallel_loop3A_164 = arith.addi %parallel_loop3A_30, %parallel_loop3A_163 : vector<16xi32>
      %parallel_loop3A_165 = tpu.vector_load_idx %arg5[%parallel_loop3A_164] : memref<4096xf32, #tpu.memory_space<vmem>>[vector<16xi32>], vector<16xf32>,
      %parallel_loop3A_166 = arith.maximumf %parallel_loop3A_161, %parallel_loop3A_165 : vector<16xf32>
      %parallel_loop3A_167 = arith.constant 28 : i32
      %parallel_loop3A_168 = vector.broadcast %parallel_loop3A_167 : i32 to vector<16xi32>
      %parallel_loop3A_169 = arith.addi %parallel_loop3A_30, %parallel_loop3A_168 : vector<16xi32>
      %parallel_loop3A_170 = tpu.vector_load_idx %arg5[%parallel_loop3A_169] : memref<4096xf32, #tpu.memory_space<vmem>>[vector<16xi32>], vector<16xf32>,
      %parallel_loop3A_171 = arith.maximumf %parallel_loop3A_166, %parallel_loop3A_170 : vector<16xf32>
      %parallel_loop3A_172 = arith.constant 29 : i32
      %parallel_loop3A_173 = vector.broadcast %parallel_loop3A_172 : i32 to vector<16xi32>
      %parallel_loop3A_174 = arith.addi %parallel_loop3A_30, %parallel_loop3A_173 : vector<16xi32>
      %parallel_loop3A_175 = tpu.vector_load_idx %arg5[%parallel_loop3A_174] : memref<4096xf32, #tpu.memory_space<vmem>>[vector<16xi32>], vector<16xf32>,
      %parallel_loop3A_176 = arith.maximumf %parallel_loop3A_171, %parallel_loop3A_175 : vector<16xf32>
      %parallel_loop3A_177 = arith.constant 30 : i32
      %parallel_loop3A_178 = vector.broadcast %parallel_loop3A_177 : i32 to vector<16xi32>
      %parallel_loop3A_179 = arith.addi %parallel_loop3A_30, %parallel_loop3A_178 : vector<16xi32>
      %parallel_loop3A_180 = tpu.vector_load_idx %arg5[%parallel_loop3A_179] : memref<4096xf32, #tpu.memory_space<vmem>>[vector<16xi32>], vector<16xf32>,
      %parallel_loop3A_181 = arith.maximumf %parallel_loop3A_176, %parallel_loop3A_180 : vector<16xf32>
      %parallel_loop3A_182 = arith.constant 31 : i32
      %parallel_loop3A_183 = vector.broadcast %parallel_loop3A_182 : i32 to vector<16xi32>
      %parallel_loop3A_184 = arith.addi %parallel_loop3A_30, %parallel_loop3A_183 : vector<16xi32>
      %parallel_loop3A_185 = tpu.vector_load_idx %arg5[%parallel_loop3A_184] : memref<4096xf32, #tpu.memory_space<vmem>>[vector<16xi32>], vector<16xf32>,
      %parallel_loop3A_186 = arith.maximumf %parallel_loop3A_181, %parallel_loop3A_185 : vector<16xf32>
      %parallel_loop3A_187 = arith.constant 32 : i32
      %parallel_loop3A_188 = vector.broadcast %parallel_loop3A_187 : i32 to vector<16xi32>
      %parallel_loop3A_189 = arith.addi %parallel_loop3A_30, %parallel_loop3A_188 : vector<16xi32>
      %parallel_loop3A_190 = tpu.vector_load_idx %arg5[%parallel_loop3A_189] : memref<4096xf32, #tpu.memory_space<vmem>>[vector<16xi32>], vector<16xf32>,
      %parallel_loop3A_191 = arith.constant 33 : i32
      %parallel_loop3A_192 = vector.broadcast %parallel_loop3A_191 : i32 to vector<16xi32>
      %parallel_loop3A_193 = arith.addi %parallel_loop3A_30, %parallel_loop3A_192 : vector<16xi32>
      %parallel_loop3A_194 = tpu.vector_load_idx %arg5[%parallel_loop3A_193] : memref<4096xf32, #tpu.memory_space<vmem>>[vector<16xi32>], vector<16xf32>,
      %parallel_loop3A_195 = arith.maximumf %parallel_loop3A_190, %parallel_loop3A_194 : vector<16xf32>
      %parallel_loop3A_196 = arith.constant 34 : i32
      %parallel_loop3A_197 = vector.broadcast %parallel_loop3A_196 : i32 to vector<16xi32>
      %parallel_loop3A_198 = arith.addi %parallel_loop3A_30, %parallel_loop3A_197 : vector<16xi32>
      %parallel_loop3A_199 = tpu.vector_load_idx %arg5[%parallel_loop3A_198] : memref<4096xf32, #tpu.memory_space<vmem>>[vector<16xi32>], vector<16xf32>,
      %parallel_loop3A_200 = arith.maximumf %parallel_loop3A_195, %parallel_loop3A_199 : vector<16xf32>
      %parallel_loop3A_201 = arith.constant 35 : i32
      %parallel_loop3A_202 = vector.broadcast %parallel_loop3A_201 : i32 to vector<16xi32>
      %parallel_loop3A_203 = arith.addi %parallel_loop3A_30, %parallel_loop3A_202 : vector<16xi32>
      %parallel_loop3A_204 = tpu.vector_load_idx %arg5[%parallel_loop3A_203] : memref<4096xf32, #tpu.memory_space<vmem>>[vector<16xi32>], vector<16xf32>,
      %parallel_loop3A_205 = arith.maximumf %parallel_loop3A_200, %parallel_loop3A_204 : vector<16xf32>
      %parallel_loop3A_206 = arith.constant 36 : i32
      %parallel_loop3A_207 = vector.broadcast %parallel_loop3A_206 : i32 to vector<16xi32>
      %parallel_loop3A_208 = arith.addi %parallel_loop3A_30, %parallel_loop3A_207 : vector<16xi32>
      %parallel_loop3A_209 = tpu.vector_load_idx %arg5[%parallel_loop3A_208] : memref<4096xf32, #tpu.memory_space<vmem>>[vector<16xi32>], vector<16xf32>,
      %parallel_loop3A_210 = arith.maximumf %parallel_loop3A_205, %parallel_loop3A_209 : vector<16xf32>
      %parallel_loop3A_211 = arith.constant 37 : i32
      %parallel_loop3A_212 = vector.broadcast %parallel_loop3A_211 : i32 to vector<16xi32>
      %parallel_loop3A_213 = arith.addi %parallel_loop3A_30, %parallel_loop3A_212 : vector<16xi32>
      %parallel_loop3A_214 = tpu.vector_load_idx %arg5[%parallel_loop3A_213] : memref<4096xf32, #tpu.memory_space<vmem>>[vector<16xi32>], vector<16xf32>,
      %parallel_loop3A_215 = arith.maximumf %parallel_loop3A_210, %parallel_loop3A_214 : vector<16xf32>
      %parallel_loop3A_216 = arith.constant 38 : i32
      %parallel_loop3A_217 = vector.broadcast %parallel_loop3A_216 : i32 to vector<16xi32>
      %parallel_loop3A_218 = arith.addi %parallel_loop3A_30, %parallel_loop3A_217 : vector<16xi32>
      %parallel_loop3A_219 = tpu.vector_load_idx %arg5[%parallel_loop3A_218] : memref<4096xf32, #tpu.memory_space<vmem>>[vector<16xi32>], vector<16xf32>,
      %parallel_loop3A_220 = arith.maximumf %parallel_loop3A_215, %parallel_loop3A_219 : vector<16xf32>
      %parallel_loop3A_221 = arith.constant 39 : i32
      %parallel_loop3A_222 = vector.broadcast %parallel_loop3A_221 : i32 to vector<16xi32>
      %parallel_loop3A_223 = arith.addi %parallel_loop3A_30, %parallel_loop3A_222 : vector<16xi32>
      %parallel_loop3A_224 = tpu.vector_load_idx %arg5[%parallel_loop3A_223] : memref<4096xf32, #tpu.memory_space<vmem>>[vector<16xi32>], vector<16xf32>,
      %parallel_loop3A_225 = arith.maximumf %parallel_loop3A_220, %parallel_loop3A_224 : vector<16xf32>
      %parallel_loop3A_226 = arith.constant 40 : i32
      %parallel_loop3A_227 = vector.broadcast %parallel_loop3A_226 : i32 to vector<16xi32>
      %parallel_loop3A_228 = arith.addi %parallel_loop3A_30, %parallel_loop3A_227 : vector<16xi32>
      %parallel_loop3A_229 = tpu.vector_load_idx %arg5[%parallel_loop3A_228] : memref<4096xf32, #tpu.memory_space<vmem>>[vector<16xi32>], vector<16xf32>,
      %parallel_loop3A_230 = arith.constant 41 : i32
      %parallel_loop3A_231 = vector.broadcast %parallel_loop3A_230 : i32 to vector<16xi32>
      %parallel_loop3A_232 = arith.addi %parallel_loop3A_30, %parallel_loop3A_231 : vector<16xi32>
      %parallel_loop3A_233 = tpu.vector_load_idx %arg5[%parallel_loop3A_232] : memref<4096xf32, #tpu.memory_space<vmem>>[vector<16xi32>], vector<16xf32>,
      %parallel_loop3A_234 = arith.maximumf %parallel_loop3A_229, %parallel_loop3A_233 : vector<16xf32>
      %parallel_loop3A_235 = arith.constant 42 : i32
      %parallel_loop3A_236 = vector.broadcast %parallel_loop3A_235 : i32 to vector<16xi32>
      %parallel_loop3A_237 = arith.addi %parallel_loop3A_30, %parallel_loop3A_236 : vector<16xi32>
      %parallel_loop3A_238 = tpu.vector_load_idx %arg5[%parallel_loop3A_237] : memref<4096xf32, #tpu.memory_space<vmem>>[vector<16xi32>], vector<16xf32>,
      %parallel_loop3A_239 = arith.maximumf %parallel_loop3A_234, %parallel_loop3A_238 : vector<16xf32>
      %parallel_loop3A_240 = arith.constant 43 : i32
      %parallel_loop3A_241 = vector.broadcast %parallel_loop3A_240 : i32 to vector<16xi32>
      %parallel_loop3A_242 = arith.addi %parallel_loop3A_30, %parallel_loop3A_241 : vector<16xi32>
      %parallel_loop3A_243 = tpu.vector_load_idx %arg5[%parallel_loop3A_242] : memref<4096xf32, #tpu.memory_space<vmem>>[vector<16xi32>], vector<16xf32>,
      %parallel_loop3A_244 = arith.maximumf %parallel_loop3A_239, %parallel_loop3A_243 : vector<16xf32>
      %parallel_loop3A_245 = arith.constant 44 : i32
      %parallel_loop3A_246 = vector.broadcast %parallel_loop3A_245 : i32 to vector<16xi32>
      %parallel_loop3A_247 = arith.addi %parallel_loop3A_30, %parallel_loop3A_246 : vector<16xi32>
      %parallel_loop3A_248 = tpu.vector_load_idx %arg5[%parallel_loop3A_247] : memref<4096xf32, #tpu.memory_space<vmem>>[vector<16xi32>], vector<16xf32>,
      %parallel_loop3A_249 = arith.maximumf %parallel_loop3A_244, %parallel_loop3A_248 : vector<16xf32>
      %parallel_loop3A_250 = arith.constant 45 : i32
      %parallel_loop3A_251 = vector.broadcast %parallel_loop3A_250 : i32 to vector<16xi32>
      %parallel_loop3A_252 = arith.addi %parallel_loop3A_30, %parallel_loop3A_251 : vector<16xi32>
      %parallel_loop3A_253 = tpu.vector_load_idx %arg5[%parallel_loop3A_252] : memref<4096xf32, #tpu.memory_space<vmem>>[vector<16xi32>], vector<16xf32>,
      %parallel_loop3A_254 = arith.maximumf %parallel_loop3A_249, %parallel_loop3A_253 : vector<16xf32>
      %parallel_loop3A_255 = arith.constant 46 : i32
      %parallel_loop3A_256 = vector.broadcast %parallel_loop3A_255 : i32 to vector<16xi32>
      %parallel_loop3A_257 = arith.addi %parallel_loop3A_30, %parallel_loop3A_256 : vector<16xi32>
      %parallel_loop3A_258 = tpu.vector_load_idx %arg5[%parallel_loop3A_257] : memref<4096xf32, #tpu.memory_space<vmem>>[vector<16xi32>], vector<16xf32>,
      %parallel_loop3A_259 = arith.maximumf %parallel_loop3A_254, %parallel_loop3A_258 : vector<16xf32>
      %parallel_loop3A_260 = arith.constant 47 : i32
      %parallel_loop3A_261 = vector.broadcast %parallel_loop3A_260 : i32 to vector<16xi32>
      %parallel_loop3A_262 = arith.addi %parallel_loop3A_30, %parallel_loop3A_261 : vector<16xi32>
      %parallel_loop3A_263 = tpu.vector_load_idx %arg5[%parallel_loop3A_262] : memref<4096xf32, #tpu.memory_space<vmem>>[vector<16xi32>], vector<16xf32>,
      %parallel_loop3A_264 = arith.maximumf %parallel_loop3A_259, %parallel_loop3A_263 : vector<16xf32>
      %parallel_loop3A_265 = arith.constant 48 : i32
      %parallel_loop3A_266 = vector.broadcast %parallel_loop3A_265 : i32 to vector<16xi32>
      %parallel_loop3A_267 = arith.addi %parallel_loop3A_30, %parallel_loop3A_266 : vector<16xi32>
      %parallel_loop3A_268 = tpu.vector_load_idx %arg5[%parallel_loop3A_267] : memref<4096xf32, #tpu.memory_space<vmem>>[vector<16xi32>], vector<16xf32>,
      %parallel_loop3A_269 = arith.constant 49 : i32
      %parallel_loop3A_270 = vector.broadcast %parallel_loop3A_269 : i32 to vector<16xi32>
      %parallel_loop3A_271 = arith.addi %parallel_loop3A_30, %parallel_loop3A_270 : vector<16xi32>
      %parallel_loop3A_272 = tpu.vector_load_idx %arg5[%parallel_loop3A_271] : memref<4096xf32, #tpu.memory_space<vmem>>[vector<16xi32>], vector<16xf32>,
      %parallel_loop3A_273 = arith.maximumf %parallel_loop3A_268, %parallel_loop3A_272 : vector<16xf32>
      %parallel_loop3A_274 = arith.constant 50 : i32
      %parallel_loop3A_275 = vector.broadcast %parallel_loop3A_274 : i32 to vector<16xi32>
      %parallel_loop3A_276 = arith.addi %parallel_loop3A_30, %parallel_loop3A_275 : vector<16xi32>
      %parallel_loop3A_277 = tpu.vector_load_idx %arg5[%parallel_loop3A_276] : memref<4096xf32, #tpu.memory_space<vmem>>[vector<16xi32>], vector<16xf32>,
      %parallel_loop3A_278 = arith.maximumf %parallel_loop3A_273, %parallel_loop3A_277 : vector<16xf32>
      %parallel_loop3A_279 = arith.constant 51 : i32
      %parallel_loop3A_280 = vector.broadcast %parallel_loop3A_279 : i32 to vector<16xi32>
      %parallel_loop3A_281 = arith.addi %parallel_loop3A_30, %parallel_loop3A_280 : vector<16xi32>
      %parallel_loop3A_282 = tpu.vector_load_idx %arg5[%parallel_loop3A_281] : memref<4096xf32, #tpu.memory_space<vmem>>[vector<16xi32>], vector<16xf32>,
      %parallel_loop3A_283 = arith.maximumf %parallel_loop3A_278, %parallel_loop3A_282 : vector<16xf32>
      %parallel_loop3A_284 = arith.constant 52 : i32
      %parallel_loop3A_285 = vector.broadcast %parallel_loop3A_284 : i32 to vector<16xi32>
      %parallel_loop3A_286 = arith.addi %parallel_loop3A_30, %parallel_loop3A_285 : vector<16xi32>
      %parallel_loop3A_287 = tpu.vector_load_idx %arg5[%parallel_loop3A_286] : memref<4096xf32, #tpu.memory_space<vmem>>[vector<16xi32>], vector<16xf32>,
      %parallel_loop3A_288 = arith.maximumf %parallel_loop3A_283, %parallel_loop3A_287 : vector<16xf32>
      %parallel_loop3A_289 = arith.constant 53 : i32
      %parallel_loop3A_290 = vector.broadcast %parallel_loop3A_289 : i32 to vector<16xi32>
      %parallel_loop3A_291 = arith.addi %parallel_loop3A_30, %parallel_loop3A_290 : vector<16xi32>
      %parallel_loop3A_292 = tpu.vector_load_idx %arg5[%parallel_loop3A_291] : memref<4096xf32, #tpu.memory_space<vmem>>[vector<16xi32>], vector<16xf32>,
      %parallel_loop3A_293 = arith.maximumf %parallel_loop3A_288, %parallel_loop3A_292 : vector<16xf32>
      %parallel_loop3A_294 = arith.constant 54 : i32
      %parallel_loop3A_295 = vector.broadcast %parallel_loop3A_294 : i32 to vector<16xi32>
      %parallel_loop3A_296 = arith.addi %parallel_loop3A_30, %parallel_loop3A_295 : vector<16xi32>
      %parallel_loop3A_297 = tpu.vector_load_idx %arg5[%parallel_loop3A_296] : memref<4096xf32, #tpu.memory_space<vmem>>[vector<16xi32>], vector<16xf32>,
      %parallel_loop3A_298 = arith.maximumf %parallel_loop3A_293, %parallel_loop3A_297 : vector<16xf32>
      %parallel_loop3A_299 = arith.constant 55 : i32
      %parallel_loop3A_300 = vector.broadcast %parallel_loop3A_299 : i32 to vector<16xi32>
      %parallel_loop3A_301 = arith.addi %parallel_loop3A_30, %parallel_loop3A_300 : vector<16xi32>
      %parallel_loop3A_302 = tpu.vector_load_idx %arg5[%parallel_loop3A_301] : memref<4096xf32, #tpu.memory_space<vmem>>[vector<16xi32>], vector<16xf32>,
      %parallel_loop3A_303 = arith.maximumf %parallel_loop3A_298, %parallel_loop3A_302 : vector<16xf32>
      %parallel_loop3A_304 = arith.constant 56 : i32
      %parallel_loop3A_305 = vector.broadcast %parallel_loop3A_304 : i32 to vector<16xi32>
      %parallel_loop3A_306 = arith.addi %parallel_loop3A_30, %parallel_loop3A_305 : vector<16xi32>
      %parallel_loop3A_307 = tpu.vector_load_idx %arg5[%parallel_loop3A_306] : memref<4096xf32, #tpu.memory_space<vmem>>[vector<16xi32>], vector<16xf32>,
      %parallel_loop3A_308 = arith.constant 57 : i32
      %parallel_loop3A_309 = vector.broadcast %parallel_loop3A_308 : i32 to vector<16xi32>
      %parallel_loop3A_310 = arith.addi %parallel_loop3A_30, %parallel_loop3A_309 : vector<16xi32>
      %parallel_loop3A_311 = tpu.vector_load_idx %arg5[%parallel_loop3A_310] : memref<4096xf32, #tpu.memory_space<vmem>>[vector<16xi32>], vector<16xf32>,
      %parallel_loop3A_312 = arith.maximumf %parallel_loop3A_307, %parallel_loop3A_311 : vector<16xf32>
      %parallel_loop3A_313 = arith.constant 58 : i32
      %parallel_loop3A_314 = vector.broadcast %parallel_loop3A_313 : i32 to vector<16xi32>
      %parallel_loop3A_315 = arith.addi %parallel_loop3A_30, %parallel_loop3A_314 : vector<16xi32>
      %parallel_loop3A_316 = tpu.vector_load_idx %arg5[%parallel_loop3A_315] : memref<4096xf32, #tpu.memory_space<vmem>>[vector<16xi32>], vector<16xf32>,
      %parallel_loop3A_317 = arith.maximumf %parallel_loop3A_312, %parallel_loop3A_316 : vector<16xf32>
      %parallel_loop3A_318 = arith.constant 59 : i32
      %parallel_loop3A_319 = vector.broadcast %parallel_loop3A_318 : i32 to vector<16xi32>
      %parallel_loop3A_320 = arith.addi %parallel_loop3A_30, %parallel_loop3A_319 : vector<16xi32>
      %parallel_loop3A_321 = tpu.vector_load_idx %arg5[%parallel_loop3A_320] : memref<4096xf32, #tpu.memory_space<vmem>>[vector<16xi32>], vector<16xf32>,
      %parallel_loop3A_322 = arith.maximumf %parallel_loop3A_317, %parallel_loop3A_321 : vector<16xf32>
      %parallel_loop3A_323 = arith.constant 60 : i32
      %parallel_loop3A_324 = vector.broadcast %parallel_loop3A_323 : i32 to vector<16xi32>
      %parallel_loop3A_325 = arith.addi %parallel_loop3A_30, %parallel_loop3A_324 : vector<16xi32>
      %parallel_loop3A_326 = tpu.vector_load_idx %arg5[%parallel_loop3A_325] : memref<4096xf32, #tpu.memory_space<vmem>>[vector<16xi32>], vector<16xf32>,
      %parallel_loop3A_327 = arith.maximumf %parallel_loop3A_322, %parallel_loop3A_326 : vector<16xf32>
      %parallel_loop3A_328 = arith.constant 61 : i32
      %parallel_loop3A_329 = vector.broadcast %parallel_loop3A_328 : i32 to vector<16xi32>
      %parallel_loop3A_330 = arith.addi %parallel_loop3A_30, %parallel_loop3A_329 : vector<16xi32>
      %parallel_loop3A_331 = tpu.vector_load_idx %arg5[%parallel_loop3A_330] : memref<4096xf32, #tpu.memory_space<vmem>>[vector<16xi32>], vector<16xf32>,
      %parallel_loop3A_332 = arith.maximumf %parallel_loop3A_327, %parallel_loop3A_331 : vector<16xf32>
      %parallel_loop3A_333 = arith.constant 62 : i32
      %parallel_loop3A_334 = vector.broadcast %parallel_loop3A_333 : i32 to vector<16xi32>
      %parallel_loop3A_335 = arith.addi %parallel_loop3A_30, %parallel_loop3A_334 : vector<16xi32>
      %parallel_loop3A_336 = tpu.vector_load_idx %arg5[%parallel_loop3A_335] : memref<4096xf32, #tpu.memory_space<vmem>>[vector<16xi32>], vector<16xf32>,
      %parallel_loop3A_337 = arith.maximumf %parallel_loop3A_332, %parallel_loop3A_336 : vector<16xf32>
      %parallel_loop3A_338 = arith.constant 63 : i32
      %parallel_loop3A_339 = vector.broadcast %parallel_loop3A_338 : i32 to vector<16xi32>
      %parallel_loop3A_340 = arith.addi %parallel_loop3A_30, %parallel_loop3A_339 : vector<16xi32>
      %parallel_loop3A_341 = tpu.vector_load_idx %arg5[%parallel_loop3A_340] : memref<4096xf32, #tpu.memory_space<vmem>>[vector<16xi32>], vector<16xf32>,
      %parallel_loop3A_342 = arith.maximumf %parallel_loop3A_337, %parallel_loop3A_341 : vector<16xf32>
      %parallel_loop3A_343 = arith.constant 0 : i32
      %parallel_loop3A_344 = vector.broadcast %parallel_loop3A_343 : i32 to vector<16xi32>
      %parallel_loop3A_345 = arith.cmpf ogt, %parallel_loop3A_108, %parallel_loop3A_69 : vector<16xf32>
      %parallel_loop3A_346 = arith.select %parallel_loop3A_345, %parallel_loop3A_108, %parallel_loop3A_69 : vector<16xi1>, vector<16xf32>
      %parallel_loop3A_347 = arith.constant 1 : i32
      %parallel_loop3A_348 = vector.broadcast %parallel_loop3A_347 : i32 to vector<16xi32>
      %parallel_loop3A_349 = arith.select %parallel_loop3A_345, %parallel_loop3A_348, %parallel_loop3A_344 : vector<16xi1>, vector<16xi32>
      %parallel_loop3A_350 = arith.cmpf ogt, %parallel_loop3A_147, %parallel_loop3A_346 : vector<16xf32>
      %parallel_loop3A_351 = arith.select %parallel_loop3A_350, %parallel_loop3A_147, %parallel_loop3A_346 : vector<16xi1>, vector<16xf32>
      %parallel_loop3A_352 = arith.constant 2 : i32
      %parallel_loop3A_353 = vector.broadcast %parallel_loop3A_352 : i32 to vector<16xi32>
      %parallel_loop3A_354 = arith.select %parallel_loop3A_350, %parallel_loop3A_353, %parallel_loop3A_349 : vector<16xi1>, vector<16xi32>
      %parallel_loop3A_355 = arith.cmpf ogt, %parallel_loop3A_186, %parallel_loop3A_351 : vector<16xf32>
      %parallel_loop3A_356 = arith.select %parallel_loop3A_355, %parallel_loop3A_186, %parallel_loop3A_351 : vector<16xi1>, vector<16xf32>
      %parallel_loop3A_357 = arith.constant 3 : i32
      %parallel_loop3A_358 = vector.broadcast %parallel_loop3A_357 : i32 to vector<16xi32>
      %parallel_loop3A_359 = arith.select %parallel_loop3A_355, %parallel_loop3A_358, %parallel_loop3A_354 : vector<16xi1>, vector<16xi32>
      %parallel_loop3A_360 = arith.cmpf ogt, %parallel_loop3A_225, %parallel_loop3A_356 : vector<16xf32>
      %parallel_loop3A_361 = arith.select %parallel_loop3A_360, %parallel_loop3A_225, %parallel_loop3A_356 : vector<16xi1>, vector<16xf32>
      %parallel_loop3A_362 = arith.constant 4 : i32
      %parallel_loop3A_363 = vector.broadcast %parallel_loop3A_362 : i32 to vector<16xi32>
      %parallel_loop3A_364 = arith.select %parallel_loop3A_360, %parallel_loop3A_363, %parallel_loop3A_359 : vector<16xi1>, vector<16xi32>
      %parallel_loop3A_365 = arith.cmpf ogt, %parallel_loop3A_264, %parallel_loop3A_361 : vector<16xf32>
      %parallel_loop3A_366 = arith.select %parallel_loop3A_365, %parallel_loop3A_264, %parallel_loop3A_361 : vector<16xi1>, vector<16xf32>
      %parallel_loop3A_367 = arith.constant 5 : i32
      %parallel_loop3A_368 = vector.broadcast %parallel_loop3A_367 : i32 to vector<16xi32>
      %parallel_loop3A_369 = arith.select %parallel_loop3A_365, %parallel_loop3A_368, %parallel_loop3A_364 : vector<16xi1>, vector<16xi32>
      %parallel_loop3A_370 = arith.cmpf ogt, %parallel_loop3A_303, %parallel_loop3A_366 : vector<16xf32>
      %parallel_loop3A_371 = arith.select %parallel_loop3A_370, %parallel_loop3A_303, %parallel_loop3A_366 : vector<16xi1>, vector<16xf32>
      %parallel_loop3A_372 = arith.constant 6 : i32
      %parallel_loop3A_373 = vector.broadcast %parallel_loop3A_372 : i32 to vector<16xi32>
      %parallel_loop3A_374 = arith.select %parallel_loop3A_370, %parallel_loop3A_373, %parallel_loop3A_369 : vector<16xi1>, vector<16xi32>
      %parallel_loop3A_375 = arith.cmpf ogt, %parallel_loop3A_342, %parallel_loop3A_371 : vector<16xf32>
      %parallel_loop3A_376 = arith.select %parallel_loop3A_375, %parallel_loop3A_342, %parallel_loop3A_371 : vector<16xi1>, vector<16xf32>
      %parallel_loop3A_377 = arith.constant 7 : i32
      %parallel_loop3A_378 = vector.broadcast %parallel_loop3A_377 : i32 to vector<16xi32>
      %parallel_loop3A_379 = arith.select %parallel_loop3A_375, %parallel_loop3A_378, %parallel_loop3A_374 : vector<16xi1>, vector<16xi32>
      %parallel_loop3A_380 = arith.constant 16 : i32
      %parallel_loop3A_381 = arith.muli %parallel_loop3A_23, %parallel_loop3A_380 : i32
      %parallel_loop3A_382 = vector.broadcast %parallel_loop3A_381 : i32 to vector<16xi32>
      %parallel_loop3A_383 = arith.addi %parallel_loop3A_382, %iota3A : vector<16xi32>
      %parallel_loop3A_384 = arith.constant 8 : i32
      %parallel_loop3A_385 = vector.broadcast %parallel_loop3A_384 : i32 to vector<16xi32>
      %parallel_loop3A_386 = arith.muli %parallel_loop3A_383, %parallel_loop3A_385 : vector<16xi32>
      %parallel_loop3A_387 = arith.constant 0 : i32
      %parallel_loop3A_388 = vector.broadcast %parallel_loop3A_387 : i32 to vector<16xi32>
      %parallel_loop3A_389 = arith.addi %parallel_loop3A_386, %parallel_loop3A_388 : vector<16xi32>
      tpu.vector_store_idx %arg6[%parallel_loop3A_389], %parallel_loop3A_379 : memref<528xi32, #tpu.memory_space<vmem>>[vector<16xi32>], vector<16xi32>,
      %parallel_loop3A_390 = arith.constant 0 : i32
      %parallel_loop3A_391 = vector.broadcast %parallel_loop3A_390 : i32 to vector<16xi32>
      %parallel_loop3A_392 = arith.cmpi eq, %parallel_loop3A_379, %parallel_loop3A_391 : vector<16xi32>
      %parallel_loop3A_393 = arith.constant -1.000000e+00 : f32
      %parallel_loop3A_394 = vector.broadcast %parallel_loop3A_393 : f32 to vector<16xf32>
      %parallel_loop3A_395 = arith.select %parallel_loop3A_392, %parallel_loop3A_394, %parallel_loop3A_69 : vector<16xi1>, vector<16xf32>
      %parallel_loop3A_396 = arith.constant 1 : i32
      %parallel_loop3A_397 = vector.broadcast %parallel_loop3A_396 : i32 to vector<16xi32>
      %parallel_loop3A_398 = arith.cmpi eq, %parallel_loop3A_379, %parallel_loop3A_397 : vector<16xi32>
      %parallel_loop3A_399 = arith.constant -1.000000e+00 : f32
      %parallel_loop3A_400 = vector.broadcast %parallel_loop3A_399 : f32 to vector<16xf32>
      %parallel_loop3A_401 = arith.select %parallel_loop3A_398, %parallel_loop3A_400, %parallel_loop3A_108 : vector<16xi1>, vector<16xf32>
      %parallel_loop3A_402 = arith.constant 2 : i32
      %parallel_loop3A_403 = vector.broadcast %parallel_loop3A_402 : i32 to vector<16xi32>
      %parallel_loop3A_404 = arith.cmpi eq, %parallel_loop3A_379, %parallel_loop3A_403 : vector<16xi32>
      %parallel_loop3A_405 = arith.constant -1.000000e+00 : f32
      %parallel_loop3A_406 = vector.broadcast %parallel_loop3A_405 : f32 to vector<16xf32>
      %parallel_loop3A_407 = arith.select %parallel_loop3A_404, %parallel_loop3A_406, %parallel_loop3A_147 : vector<16xi1>, vector<16xf32>
      %parallel_loop3A_408 = arith.constant 3 : i32
      %parallel_loop3A_409 = vector.broadcast %parallel_loop3A_408 : i32 to vector<16xi32>
      %parallel_loop3A_410 = arith.cmpi eq, %parallel_loop3A_379, %parallel_loop3A_409 : vector<16xi32>
      %parallel_loop3A_411 = arith.constant -1.000000e+00 : f32
      %parallel_loop3A_412 = vector.broadcast %parallel_loop3A_411 : f32 to vector<16xf32>
      %parallel_loop3A_413 = arith.select %parallel_loop3A_410, %parallel_loop3A_412, %parallel_loop3A_186 : vector<16xi1>, vector<16xf32>
      %parallel_loop3A_414 = arith.constant 4 : i32
      %parallel_loop3A_415 = vector.broadcast %parallel_loop3A_414 : i32 to vector<16xi32>
      %parallel_loop3A_416 = arith.cmpi eq, %parallel_loop3A_379, %parallel_loop3A_415 : vector<16xi32>
      %parallel_loop3A_417 = arith.constant -1.000000e+00 : f32
      %parallel_loop3A_418 = vector.broadcast %parallel_loop3A_417 : f32 to vector<16xf32>
      %parallel_loop3A_419 = arith.select %parallel_loop3A_416, %parallel_loop3A_418, %parallel_loop3A_225 : vector<16xi1>, vector<16xf32>
      %parallel_loop3A_420 = arith.constant 5 : i32
      %parallel_loop3A_421 = vector.broadcast %parallel_loop3A_420 : i32 to vector<16xi32>
      %parallel_loop3A_422 = arith.cmpi eq, %parallel_loop3A_379, %parallel_loop3A_421 : vector<16xi32>
      %parallel_loop3A_423 = arith.constant -1.000000e+00 : f32
      %parallel_loop3A_424 = vector.broadcast %parallel_loop3A_423 : f32 to vector<16xf32>
      %parallel_loop3A_425 = arith.select %parallel_loop3A_422, %parallel_loop3A_424, %parallel_loop3A_264 : vector<16xi1>, vector<16xf32>
      %parallel_loop3A_426 = arith.constant 6 : i32
      %parallel_loop3A_427 = vector.broadcast %parallel_loop3A_426 : i32 to vector<16xi32>
      %parallel_loop3A_428 = arith.cmpi eq, %parallel_loop3A_379, %parallel_loop3A_427 : vector<16xi32>
      %parallel_loop3A_429 = arith.constant -1.000000e+00 : f32
      %parallel_loop3A_430 = vector.broadcast %parallel_loop3A_429 : f32 to vector<16xf32>
      %parallel_loop3A_431 = arith.select %parallel_loop3A_428, %parallel_loop3A_430, %parallel_loop3A_303 : vector<16xi1>, vector<16xf32>
      %parallel_loop3A_432 = arith.constant 7 : i32
      %parallel_loop3A_433 = vector.broadcast %parallel_loop3A_432 : i32 to vector<16xi32>
      %parallel_loop3A_434 = arith.cmpi eq, %parallel_loop3A_379, %parallel_loop3A_433 : vector<16xi32>
      %parallel_loop3A_435 = arith.constant -1.000000e+00 : f32
      %parallel_loop3A_436 = vector.broadcast %parallel_loop3A_435 : f32 to vector<16xf32>
      %parallel_loop3A_437 = arith.select %parallel_loop3A_434, %parallel_loop3A_436, %parallel_loop3A_342 : vector<16xi1>, vector<16xf32>
      %parallel_loop3A_438 = arith.constant 0 : i32
      %parallel_loop3A_439 = vector.broadcast %parallel_loop3A_438 : i32 to vector<16xi32>
      %parallel_loop3A_440 = arith.cmpf ogt, %parallel_loop3A_401, %parallel_loop3A_395 : vector<16xf32>
      %parallel_loop3A_441 = arith.select %parallel_loop3A_440, %parallel_loop3A_401, %parallel_loop3A_395 : vector<16xi1>, vector<16xf32>
      %parallel_loop3A_442 = arith.constant 1 : i32
      %parallel_loop3A_443 = vector.broadcast %parallel_loop3A_442 : i32 to vector<16xi32>
      %parallel_loop3A_444 = arith.select %parallel_loop3A_440, %parallel_loop3A_443, %parallel_loop3A_439 : vector<16xi1>, vector<16xi32>
      %parallel_loop3A_445 = arith.cmpf ogt, %parallel_loop3A_407, %parallel_loop3A_441 : vector<16xf32>
      %parallel_loop3A_446 = arith.select %parallel_loop3A_445, %parallel_loop3A_407, %parallel_loop3A_441 : vector<16xi1>, vector<16xf32>
      %parallel_loop3A_447 = arith.constant 2 : i32
      %parallel_loop3A_448 = vector.broadcast %parallel_loop3A_447 : i32 to vector<16xi32>
      %parallel_loop3A_449 = arith.select %parallel_loop3A_445, %parallel_loop3A_448, %parallel_loop3A_444 : vector<16xi1>, vector<16xi32>
      %parallel_loop3A_450 = arith.cmpf ogt, %parallel_loop3A_413, %parallel_loop3A_446 : vector<16xf32>
      %parallel_loop3A_451 = arith.select %parallel_loop3A_450, %parallel_loop3A_413, %parallel_loop3A_446 : vector<16xi1>, vector<16xf32>
      %parallel_loop3A_452 = arith.constant 3 : i32
      %parallel_loop3A_453 = vector.broadcast %parallel_loop3A_452 : i32 to vector<16xi32>
      %parallel_loop3A_454 = arith.select %parallel_loop3A_450, %parallel_loop3A_453, %parallel_loop3A_449 : vector<16xi1>, vector<16xi32>
      %parallel_loop3A_455 = arith.cmpf ogt, %parallel_loop3A_419, %parallel_loop3A_451 : vector<16xf32>
      %parallel_loop3A_456 = arith.select %parallel_loop3A_455, %parallel_loop3A_419, %parallel_loop3A_451 : vector<16xi1>, vector<16xf32>
      %parallel_loop3A_457 = arith.constant 4 : i32
      %parallel_loop3A_458 = vector.broadcast %parallel_loop3A_457 : i32 to vector<16xi32>
      %parallel_loop3A_459 = arith.select %parallel_loop3A_455, %parallel_loop3A_458, %parallel_loop3A_454 : vector<16xi1>, vector<16xi32>
      %parallel_loop3A_460 = arith.cmpf ogt, %parallel_loop3A_425, %parallel_loop3A_456 : vector<16xf32>
      %parallel_loop3A_461 = arith.select %parallel_loop3A_460, %parallel_loop3A_425, %parallel_loop3A_456 : vector<16xi1>, vector<16xf32>
      %parallel_loop3A_462 = arith.constant 5 : i32
      %parallel_loop3A_463 = vector.broadcast %parallel_loop3A_462 : i32 to vector<16xi32>
      %parallel_loop3A_464 = arith.select %parallel_loop3A_460, %parallel_loop3A_463, %parallel_loop3A_459 : vector<16xi1>, vector<16xi32>
      %parallel_loop3A_465 = arith.cmpf ogt, %parallel_loop3A_431, %parallel_loop3A_461 : vector<16xf32>
      %parallel_loop3A_466 = arith.select %parallel_loop3A_465, %parallel_loop3A_431, %parallel_loop3A_461 : vector<16xi1>, vector<16xf32>
      %parallel_loop3A_467 = arith.constant 6 : i32
      %parallel_loop3A_468 = vector.broadcast %parallel_loop3A_467 : i32 to vector<16xi32>
      %parallel_loop3A_469 = arith.select %parallel_loop3A_465, %parallel_loop3A_468, %parallel_loop3A_464 : vector<16xi1>, vector<16xi32>
      %parallel_loop3A_470 = arith.cmpf ogt, %parallel_loop3A_437, %parallel_loop3A_466 : vector<16xf32>
      %parallel_loop3A_471 = arith.select %parallel_loop3A_470, %parallel_loop3A_437, %parallel_loop3A_466 : vector<16xi1>, vector<16xf32>
      %parallel_loop3A_472 = arith.constant 7 : i32
      %parallel_loop3A_473 = vector.broadcast %parallel_loop3A_472 : i32 to vector<16xi32>
      %parallel_loop3A_474 = arith.select %parallel_loop3A_470, %parallel_loop3A_473, %parallel_loop3A_469 : vector<16xi1>, vector<16xi32>
      %parallel_loop3A_475 = arith.constant 16 : i32
      %parallel_loop3A_476 = arith.muli %parallel_loop3A_23, %parallel_loop3A_475 : i32
      %parallel_loop3A_477 = vector.broadcast %parallel_loop3A_476 : i32 to vector<16xi32>
      %parallel_loop3A_478 = arith.addi %parallel_loop3A_477, %iota3A : vector<16xi32>
      %parallel_loop3A_479 = arith.constant 8 : i32
      %parallel_loop3A_480 = vector.broadcast %parallel_loop3A_479 : i32 to vector<16xi32>
      %parallel_loop3A_481 = arith.muli %parallel_loop3A_478, %parallel_loop3A_480 : vector<16xi32>
      %parallel_loop3A_482 = arith.constant 1 : i32
      %parallel_loop3A_483 = vector.broadcast %parallel_loop3A_482 : i32 to vector<16xi32>
      %parallel_loop3A_484 = arith.addi %parallel_loop3A_481, %parallel_loop3A_483 : vector<16xi32>
      tpu.vector_store_idx %arg6[%parallel_loop3A_484], %parallel_loop3A_474 : memref<528xi32, #tpu.memory_space<vmem>>[vector<16xi32>], vector<16xi32>,
      %parallel_loop3A_485 = arith.constant 0 : i32
      %parallel_loop3A_486 = vector.broadcast %parallel_loop3A_485 : i32 to vector<16xi32>
      %parallel_loop3A_487 = arith.cmpi eq, %parallel_loop3A_474, %parallel_loop3A_486 : vector<16xi32>
      %parallel_loop3A_488 = arith.constant -1.000000e+00 : f32
      %parallel_loop3A_489 = vector.broadcast %parallel_loop3A_488 : f32 to vector<16xf32>
      %parallel_loop3A_490 = arith.select %parallel_loop3A_487, %parallel_loop3A_489, %parallel_loop3A_395 : vector<16xi1>, vector<16xf32>
      %parallel_loop3A_491 = arith.constant 1 : i32
      %parallel_loop3A_492 = vector.broadcast %parallel_loop3A_491 : i32 to vector<16xi32>
      %parallel_loop3A_493 = arith.cmpi eq, %parallel_loop3A_474, %parallel_loop3A_492 : vector<16xi32>
      %parallel_loop3A_494 = arith.constant -1.000000e+00 : f32
      %parallel_loop3A_495 = vector.broadcast %parallel_loop3A_494 : f32 to vector<16xf32>
      %parallel_loop3A_496 = arith.select %parallel_loop3A_493, %parallel_loop3A_495, %parallel_loop3A_401 : vector<16xi1>, vector<16xf32>
      %parallel_loop3A_497 = arith.constant 2 : i32
      %parallel_loop3A_498 = vector.broadcast %parallel_loop3A_497 : i32 to vector<16xi32>
      %parallel_loop3A_499 = arith.cmpi eq, %parallel_loop3A_474, %parallel_loop3A_498 : vector<16xi32>
      %parallel_loop3A_500 = arith.constant -1.000000e+00 : f32
      %parallel_loop3A_501 = vector.broadcast %parallel_loop3A_500 : f32 to vector<16xf32>
      %parallel_loop3A_502 = arith.select %parallel_loop3A_499, %parallel_loop3A_501, %parallel_loop3A_407 : vector<16xi1>, vector<16xf32>
      %parallel_loop3A_503 = arith.constant 3 : i32
      %parallel_loop3A_504 = vector.broadcast %parallel_loop3A_503 : i32 to vector<16xi32>
      %parallel_loop3A_505 = arith.cmpi eq, %parallel_loop3A_474, %parallel_loop3A_504 : vector<16xi32>
      %parallel_loop3A_506 = arith.constant -1.000000e+00 : f32
      %parallel_loop3A_507 = vector.broadcast %parallel_loop3A_506 : f32 to vector<16xf32>
      %parallel_loop3A_508 = arith.select %parallel_loop3A_505, %parallel_loop3A_507, %parallel_loop3A_413 : vector<16xi1>, vector<16xf32>
      %parallel_loop3A_509 = arith.constant 4 : i32
      %parallel_loop3A_510 = vector.broadcast %parallel_loop3A_509 : i32 to vector<16xi32>
      %parallel_loop3A_511 = arith.cmpi eq, %parallel_loop3A_474, %parallel_loop3A_510 : vector<16xi32>
      %parallel_loop3A_512 = arith.constant -1.000000e+00 : f32
      %parallel_loop3A_513 = vector.broadcast %parallel_loop3A_512 : f32 to vector<16xf32>
      %parallel_loop3A_514 = arith.select %parallel_loop3A_511, %parallel_loop3A_513, %parallel_loop3A_419 : vector<16xi1>, vector<16xf32>
      %parallel_loop3A_515 = arith.constant 5 : i32
      %parallel_loop3A_516 = vector.broadcast %parallel_loop3A_515 : i32 to vector<16xi32>
      %parallel_loop3A_517 = arith.cmpi eq, %parallel_loop3A_474, %parallel_loop3A_516 : vector<16xi32>
      %parallel_loop3A_518 = arith.constant -1.000000e+00 : f32
      %parallel_loop3A_519 = vector.broadcast %parallel_loop3A_518 : f32 to vector<16xf32>
      %parallel_loop3A_520 = arith.select %parallel_loop3A_517, %parallel_loop3A_519, %parallel_loop3A_425 : vector<16xi1>, vector<16xf32>
      %parallel_loop3A_521 = arith.constant 6 : i32
      %parallel_loop3A_522 = vector.broadcast %parallel_loop3A_521 : i32 to vector<16xi32>
      %parallel_loop3A_523 = arith.cmpi eq, %parallel_loop3A_474, %parallel_loop3A_522 : vector<16xi32>
      %parallel_loop3A_524 = arith.constant -1.000000e+00 : f32
      %parallel_loop3A_525 = vector.broadcast %parallel_loop3A_524 : f32 to vector<16xf32>
      %parallel_loop3A_526 = arith.select %parallel_loop3A_523, %parallel_loop3A_525, %parallel_loop3A_431 : vector<16xi1>, vector<16xf32>
      %parallel_loop3A_527 = arith.constant 7 : i32
      %parallel_loop3A_528 = vector.broadcast %parallel_loop3A_527 : i32 to vector<16xi32>
      %parallel_loop3A_529 = arith.cmpi eq, %parallel_loop3A_474, %parallel_loop3A_528 : vector<16xi32>
      %parallel_loop3A_530 = arith.constant -1.000000e+00 : f32
      %parallel_loop3A_531 = vector.broadcast %parallel_loop3A_530 : f32 to vector<16xf32>
      %parallel_loop3A_532 = arith.select %parallel_loop3A_529, %parallel_loop3A_531, %parallel_loop3A_437 : vector<16xi1>, vector<16xf32>
      %parallel_loop3A_533 = arith.constant 0 : i32
      %parallel_loop3A_534 = vector.broadcast %parallel_loop3A_533 : i32 to vector<16xi32>
      %parallel_loop3A_535 = arith.cmpf ogt, %parallel_loop3A_496, %parallel_loop3A_490 : vector<16xf32>
      %parallel_loop3A_536 = arith.select %parallel_loop3A_535, %parallel_loop3A_496, %parallel_loop3A_490 : vector<16xi1>, vector<16xf32>
      %parallel_loop3A_537 = arith.constant 1 : i32
      %parallel_loop3A_538 = vector.broadcast %parallel_loop3A_537 : i32 to vector<16xi32>
      %parallel_loop3A_539 = arith.select %parallel_loop3A_535, %parallel_loop3A_538, %parallel_loop3A_534 : vector<16xi1>, vector<16xi32>
      %parallel_loop3A_540 = arith.cmpf ogt, %parallel_loop3A_502, %parallel_loop3A_536 : vector<16xf32>
      %parallel_loop3A_541 = arith.select %parallel_loop3A_540, %parallel_loop3A_502, %parallel_loop3A_536 : vector<16xi1>, vector<16xf32>
      %parallel_loop3A_542 = arith.constant 2 : i32
      %parallel_loop3A_543 = vector.broadcast %parallel_loop3A_542 : i32 to vector<16xi32>
      %parallel_loop3A_544 = arith.select %parallel_loop3A_540, %parallel_loop3A_543, %parallel_loop3A_539 : vector<16xi1>, vector<16xi32>
      %parallel_loop3A_545 = arith.cmpf ogt, %parallel_loop3A_508, %parallel_loop3A_541 : vector<16xf32>
      %parallel_loop3A_546 = arith.select %parallel_loop3A_545, %parallel_loop3A_508, %parallel_loop3A_541 : vector<16xi1>, vector<16xf32>
      %parallel_loop3A_547 = arith.constant 3 : i32
      %parallel_loop3A_548 = vector.broadcast %parallel_loop3A_547 : i32 to vector<16xi32>
      %parallel_loop3A_549 = arith.select %parallel_loop3A_545, %parallel_loop3A_548, %parallel_loop3A_544 : vector<16xi1>, vector<16xi32>
      %parallel_loop3A_550 = arith.cmpf ogt, %parallel_loop3A_514, %parallel_loop3A_546 : vector<16xf32>
      %parallel_loop3A_551 = arith.select %parallel_loop3A_550, %parallel_loop3A_514, %parallel_loop3A_546 : vector<16xi1>, vector<16xf32>
      %parallel_loop3A_552 = arith.constant 4 : i32
      %parallel_loop3A_553 = vector.broadcast %parallel_loop3A_552 : i32 to vector<16xi32>
      %parallel_loop3A_554 = arith.select %parallel_loop3A_550, %parallel_loop3A_553, %parallel_loop3A_549 : vector<16xi1>, vector<16xi32>
      %parallel_loop3A_555 = arith.cmpf ogt, %parallel_loop3A_520, %parallel_loop3A_551 : vector<16xf32>
      %parallel_loop3A_556 = arith.select %parallel_loop3A_555, %parallel_loop3A_520, %parallel_loop3A_551 : vector<16xi1>, vector<16xf32>
      %parallel_loop3A_557 = arith.constant 5 : i32
      %parallel_loop3A_558 = vector.broadcast %parallel_loop3A_557 : i32 to vector<16xi32>
      %parallel_loop3A_559 = arith.select %parallel_loop3A_555, %parallel_loop3A_558, %parallel_loop3A_554 : vector<16xi1>, vector<16xi32>
      %parallel_loop3A_560 = arith.cmpf ogt, %parallel_loop3A_526, %parallel_loop3A_556 : vector<16xf32>
      %parallel_loop3A_561 = arith.select %parallel_loop3A_560, %parallel_loop3A_526, %parallel_loop3A_556 : vector<16xi1>, vector<16xf32>
      %parallel_loop3A_562 = arith.constant 6 : i32
      %parallel_loop3A_563 = vector.broadcast %parallel_loop3A_562 : i32 to vector<16xi32>
      %parallel_loop3A_564 = arith.select %parallel_loop3A_560, %parallel_loop3A_563, %parallel_loop3A_559 : vector<16xi1>, vector<16xi32>
      %parallel_loop3A_565 = arith.cmpf ogt, %parallel_loop3A_532, %parallel_loop3A_561 : vector<16xf32>
      %parallel_loop3A_566 = arith.select %parallel_loop3A_565, %parallel_loop3A_532, %parallel_loop3A_561 : vector<16xi1>, vector<16xf32>
      %parallel_loop3A_567 = arith.constant 7 : i32
      %parallel_loop3A_568 = vector.broadcast %parallel_loop3A_567 : i32 to vector<16xi32>
      %parallel_loop3A_569 = arith.select %parallel_loop3A_565, %parallel_loop3A_568, %parallel_loop3A_564 : vector<16xi1>, vector<16xi32>
      %parallel_loop3A_570 = arith.constant 16 : i32
      %parallel_loop3A_571 = arith.muli %parallel_loop3A_23, %parallel_loop3A_570 : i32
      %parallel_loop3A_572 = vector.broadcast %parallel_loop3A_571 : i32 to vector<16xi32>
      %parallel_loop3A_573 = arith.addi %parallel_loop3A_572, %iota3A : vector<16xi32>
      %parallel_loop3A_574 = arith.constant 8 : i32
      %parallel_loop3A_575 = vector.broadcast %parallel_loop3A_574 : i32 to vector<16xi32>
      %parallel_loop3A_576 = arith.muli %parallel_loop3A_573, %parallel_loop3A_575 : vector<16xi32>
      %parallel_loop3A_577 = arith.constant 2 : i32
      %parallel_loop3A_578 = vector.broadcast %parallel_loop3A_577 : i32 to vector<16xi32>
      %parallel_loop3A_579 = arith.addi %parallel_loop3A_576, %parallel_loop3A_578 : vector<16xi32>
      tpu.vector_store_idx %arg6[%parallel_loop3A_579], %parallel_loop3A_569 : memref<528xi32, #tpu.memory_space<vmem>>[vector<16xi32>], vector<16xi32>,
      %parallel_loop3A_580 = arith.constant 0 : i32
      %parallel_loop3A_581 = vector.broadcast %parallel_loop3A_580 : i32 to vector<16xi32>
      %parallel_loop3A_582 = arith.cmpi eq, %parallel_loop3A_569, %parallel_loop3A_581 : vector<16xi32>
      %parallel_loop3A_583 = arith.constant -1.000000e+00 : f32
      %parallel_loop3A_584 = vector.broadcast %parallel_loop3A_583 : f32 to vector<16xf32>
      %parallel_loop3A_585 = arith.select %parallel_loop3A_582, %parallel_loop3A_584, %parallel_loop3A_490 : vector<16xi1>, vector<16xf32>
      %parallel_loop3A_586 = arith.constant 1 : i32
      %parallel_loop3A_587 = vector.broadcast %parallel_loop3A_586 : i32 to vector<16xi32>
      %parallel_loop3A_588 = arith.cmpi eq, %parallel_loop3A_569, %parallel_loop3A_587 : vector<16xi32>
      %parallel_loop3A_589 = arith.constant -1.000000e+00 : f32
      %parallel_loop3A_590 = vector.broadcast %parallel_loop3A_589 : f32 to vector<16xf32>
      %parallel_loop3A_591 = arith.select %parallel_loop3A_588, %parallel_loop3A_590, %parallel_loop3A_496 : vector<16xi1>, vector<16xf32>
      %parallel_loop3A_592 = arith.constant 2 : i32
      %parallel_loop3A_593 = vector.broadcast %parallel_loop3A_592 : i32 to vector<16xi32>
      %parallel_loop3A_594 = arith.cmpi eq, %parallel_loop3A_569, %parallel_loop3A_593 : vector<16xi32>
      %parallel_loop3A_595 = arith.constant -1.000000e+00 : f32
      %parallel_loop3A_596 = vector.broadcast %parallel_loop3A_595 : f32 to vector<16xf32>
      %parallel_loop3A_597 = arith.select %parallel_loop3A_594, %parallel_loop3A_596, %parallel_loop3A_502 : vector<16xi1>, vector<16xf32>
      %parallel_loop3A_598 = arith.constant 3 : i32
      %parallel_loop3A_599 = vector.broadcast %parallel_loop3A_598 : i32 to vector<16xi32>
      %parallel_loop3A_600 = arith.cmpi eq, %parallel_loop3A_569, %parallel_loop3A_599 : vector<16xi32>
      %parallel_loop3A_601 = arith.constant -1.000000e+00 : f32
      %parallel_loop3A_602 = vector.broadcast %parallel_loop3A_601 : f32 to vector<16xf32>
      %parallel_loop3A_603 = arith.select %parallel_loop3A_600, %parallel_loop3A_602, %parallel_loop3A_508 : vector<16xi1>, vector<16xf32>
      %parallel_loop3A_604 = arith.constant 4 : i32
      %parallel_loop3A_605 = vector.broadcast %parallel_loop3A_604 : i32 to vector<16xi32>
      %parallel_loop3A_606 = arith.cmpi eq, %parallel_loop3A_569, %parallel_loop3A_605 : vector<16xi32>
      %parallel_loop3A_607 = arith.constant -1.000000e+00 : f32
      %parallel_loop3A_608 = vector.broadcast %parallel_loop3A_607 : f32 to vector<16xf32>
      %parallel_loop3A_609 = arith.select %parallel_loop3A_606, %parallel_loop3A_608, %parallel_loop3A_514 : vector<16xi1>, vector<16xf32>
      %parallel_loop3A_610 = arith.constant 5 : i32
      %parallel_loop3A_611 = vector.broadcast %parallel_loop3A_610 : i32 to vector<16xi32>
      %parallel_loop3A_612 = arith.cmpi eq, %parallel_loop3A_569, %parallel_loop3A_611 : vector<16xi32>
      %parallel_loop3A_613 = arith.constant -1.000000e+00 : f32
      %parallel_loop3A_614 = vector.broadcast %parallel_loop3A_613 : f32 to vector<16xf32>
      %parallel_loop3A_615 = arith.select %parallel_loop3A_612, %parallel_loop3A_614, %parallel_loop3A_520 : vector<16xi1>, vector<16xf32>
      %parallel_loop3A_616 = arith.constant 6 : i32
      %parallel_loop3A_617 = vector.broadcast %parallel_loop3A_616 : i32 to vector<16xi32>
      %parallel_loop3A_618 = arith.cmpi eq, %parallel_loop3A_569, %parallel_loop3A_617 : vector<16xi32>
      %parallel_loop3A_619 = arith.constant -1.000000e+00 : f32
      %parallel_loop3A_620 = vector.broadcast %parallel_loop3A_619 : f32 to vector<16xf32>
      %parallel_loop3A_621 = arith.select %parallel_loop3A_618, %parallel_loop3A_620, %parallel_loop3A_526 : vector<16xi1>, vector<16xf32>
      %parallel_loop3A_622 = arith.constant 7 : i32
      %parallel_loop3A_623 = vector.broadcast %parallel_loop3A_622 : i32 to vector<16xi32>
      %parallel_loop3A_624 = arith.cmpi eq, %parallel_loop3A_569, %parallel_loop3A_623 : vector<16xi32>
      %parallel_loop3A_625 = arith.constant -1.000000e+00 : f32
      %parallel_loop3A_626 = vector.broadcast %parallel_loop3A_625 : f32 to vector<16xf32>
      %parallel_loop3A_627 = arith.select %parallel_loop3A_624, %parallel_loop3A_626, %parallel_loop3A_532 : vector<16xi1>, vector<16xf32>
      %parallel_loop3A_628 = arith.constant 0 : i32
      %parallel_loop3A_629 = vector.broadcast %parallel_loop3A_628 : i32 to vector<16xi32>
      %parallel_loop3A_630 = arith.cmpf ogt, %parallel_loop3A_591, %parallel_loop3A_585 : vector<16xf32>
      %parallel_loop3A_631 = arith.select %parallel_loop3A_630, %parallel_loop3A_591, %parallel_loop3A_585 : vector<16xi1>, vector<16xf32>
      %parallel_loop3A_632 = arith.constant 1 : i32
      %parallel_loop3A_633 = vector.broadcast %parallel_loop3A_632 : i32 to vector<16xi32>
      %parallel_loop3A_634 = arith.select %parallel_loop3A_630, %parallel_loop3A_633, %parallel_loop3A_629 : vector<16xi1>, vector<16xi32>
      %parallel_loop3A_635 = arith.cmpf ogt, %parallel_loop3A_597, %parallel_loop3A_631 : vector<16xf32>
      %parallel_loop3A_636 = arith.select %parallel_loop3A_635, %parallel_loop3A_597, %parallel_loop3A_631 : vector<16xi1>, vector<16xf32>
      %parallel_loop3A_637 = arith.constant 2 : i32
      %parallel_loop3A_638 = vector.broadcast %parallel_loop3A_637 : i32 to vector<16xi32>
      %parallel_loop3A_639 = arith.select %parallel_loop3A_635, %parallel_loop3A_638, %parallel_loop3A_634 : vector<16xi1>, vector<16xi32>
      %parallel_loop3A_640 = arith.cmpf ogt, %parallel_loop3A_603, %parallel_loop3A_636 : vector<16xf32>
      %parallel_loop3A_641 = arith.select %parallel_loop3A_640, %parallel_loop3A_603, %parallel_loop3A_636 : vector<16xi1>, vector<16xf32>
      %parallel_loop3A_642 = arith.constant 3 : i32
      %parallel_loop3A_643 = vector.broadcast %parallel_loop3A_642 : i32 to vector<16xi32>
      %parallel_loop3A_644 = arith.select %parallel_loop3A_640, %parallel_loop3A_643, %parallel_loop3A_639 : vector<16xi1>, vector<16xi32>
      %parallel_loop3A_645 = arith.cmpf ogt, %parallel_loop3A_609, %parallel_loop3A_641 : vector<16xf32>
      %parallel_loop3A_646 = arith.select %parallel_loop3A_645, %parallel_loop3A_609, %parallel_loop3A_641 : vector<16xi1>, vector<16xf32>
      %parallel_loop3A_647 = arith.constant 4 : i32
      %parallel_loop3A_648 = vector.broadcast %parallel_loop3A_647 : i32 to vector<16xi32>
      %parallel_loop3A_649 = arith.select %parallel_loop3A_645, %parallel_loop3A_648, %parallel_loop3A_644 : vector<16xi1>, vector<16xi32>
      %parallel_loop3A_650 = arith.cmpf ogt, %parallel_loop3A_615, %parallel_loop3A_646 : vector<16xf32>
      %parallel_loop3A_651 = arith.select %parallel_loop3A_650, %parallel_loop3A_615, %parallel_loop3A_646 : vector<16xi1>, vector<16xf32>
      %parallel_loop3A_652 = arith.constant 5 : i32
      %parallel_loop3A_653 = vector.broadcast %parallel_loop3A_652 : i32 to vector<16xi32>
      %parallel_loop3A_654 = arith.select %parallel_loop3A_650, %parallel_loop3A_653, %parallel_loop3A_649 : vector<16xi1>, vector<16xi32>
      %parallel_loop3A_655 = arith.cmpf ogt, %parallel_loop3A_621, %parallel_loop3A_651 : vector<16xf32>
      %parallel_loop3A_656 = arith.select %parallel_loop3A_655, %parallel_loop3A_621, %parallel_loop3A_651 : vector<16xi1>, vector<16xf32>
      %parallel_loop3A_657 = arith.constant 6 : i32
      %parallel_loop3A_658 = vector.broadcast %parallel_loop3A_657 : i32 to vector<16xi32>
      %parallel_loop3A_659 = arith.select %parallel_loop3A_655, %parallel_loop3A_658, %parallel_loop3A_654 : vector<16xi1>, vector<16xi32>
      %parallel_loop3A_660 = arith.cmpf ogt, %parallel_loop3A_627, %parallel_loop3A_656 : vector<16xf32>
      %parallel_loop3A_661 = arith.select %parallel_loop3A_660, %parallel_loop3A_627, %parallel_loop3A_656 : vector<16xi1>, vector<16xf32>
      %parallel_loop3A_662 = arith.constant 7 : i32
      %parallel_loop3A_663 = vector.broadcast %parallel_loop3A_662 : i32 to vector<16xi32>
      %parallel_loop3A_664 = arith.select %parallel_loop3A_660, %parallel_loop3A_663, %parallel_loop3A_659 : vector<16xi1>, vector<16xi32>
      %parallel_loop3A_665 = arith.constant 16 : i32
      %parallel_loop3A_666 = arith.muli %parallel_loop3A_23, %parallel_loop3A_665 : i32
      %parallel_loop3A_667 = vector.broadcast %parallel_loop3A_666 : i32 to vector<16xi32>
      %parallel_loop3A_668 = arith.addi %parallel_loop3A_667, %iota3A : vector<16xi32>
      %parallel_loop3A_669 = arith.constant 8 : i32
      %parallel_loop3A_670 = vector.broadcast %parallel_loop3A_669 : i32 to vector<16xi32>
      %parallel_loop3A_671 = arith.muli %parallel_loop3A_668, %parallel_loop3A_670 : vector<16xi32>
      %parallel_loop3A_672 = arith.constant 3 : i32
      %parallel_loop3A_673 = vector.broadcast %parallel_loop3A_672 : i32 to vector<16xi32>
      %parallel_loop3A_674 = arith.addi %parallel_loop3A_671, %parallel_loop3A_673 : vector<16xi32>
      tpu.vector_store_idx %arg6[%parallel_loop3A_674], %parallel_loop3A_664 : memref<528xi32, #tpu.memory_space<vmem>>[vector<16xi32>], vector<16xi32>,
      %parallel_loop3A_675 = arith.constant 0 : i32
      %parallel_loop3A_676 = vector.broadcast %parallel_loop3A_675 : i32 to vector<16xi32>
      %parallel_loop3A_677 = arith.cmpi eq, %parallel_loop3A_664, %parallel_loop3A_676 : vector<16xi32>
      %parallel_loop3A_678 = arith.constant -1.000000e+00 : f32
      %parallel_loop3A_679 = vector.broadcast %parallel_loop3A_678 : f32 to vector<16xf32>
      %parallel_loop3A_680 = arith.select %parallel_loop3A_677, %parallel_loop3A_679, %parallel_loop3A_585 : vector<16xi1>, vector<16xf32>
      %parallel_loop3A_681 = arith.constant 1 : i32
      %parallel_loop3A_682 = vector.broadcast %parallel_loop3A_681 : i32 to vector<16xi32>
      %parallel_loop3A_683 = arith.cmpi eq, %parallel_loop3A_664, %parallel_loop3A_682 : vector<16xi32>
      %parallel_loop3A_684 = arith.constant -1.000000e+00 : f32
      %parallel_loop3A_685 = vector.broadcast %parallel_loop3A_684 : f32 to vector<16xf32>
      %parallel_loop3A_686 = arith.select %parallel_loop3A_683, %parallel_loop3A_685, %parallel_loop3A_591 : vector<16xi1>, vector<16xf32>
      %parallel_loop3A_687 = arith.constant 2 : i32
      %parallel_loop3A_688 = vector.broadcast %parallel_loop3A_687 : i32 to vector<16xi32>
      %parallel_loop3A_689 = arith.cmpi eq, %parallel_loop3A_664, %parallel_loop3A_688 : vector<16xi32>
      %parallel_loop3A_690 = arith.constant -1.000000e+00 : f32
      %parallel_loop3A_691 = vector.broadcast %parallel_loop3A_690 : f32 to vector<16xf32>
      %parallel_loop3A_692 = arith.select %parallel_loop3A_689, %parallel_loop3A_691, %parallel_loop3A_597 : vector<16xi1>, vector<16xf32>
      %parallel_loop3A_693 = arith.constant 3 : i32
      %parallel_loop3A_694 = vector.broadcast %parallel_loop3A_693 : i32 to vector<16xi32>
      %parallel_loop3A_695 = arith.cmpi eq, %parallel_loop3A_664, %parallel_loop3A_694 : vector<16xi32>
      %parallel_loop3A_696 = arith.constant -1.000000e+00 : f32
      %parallel_loop3A_697 = vector.broadcast %parallel_loop3A_696 : f32 to vector<16xf32>
      %parallel_loop3A_698 = arith.select %parallel_loop3A_695, %parallel_loop3A_697, %parallel_loop3A_603 : vector<16xi1>, vector<16xf32>
      %parallel_loop3A_699 = arith.constant 4 : i32
      %parallel_loop3A_700 = vector.broadcast %parallel_loop3A_699 : i32 to vector<16xi32>
      %parallel_loop3A_701 = arith.cmpi eq, %parallel_loop3A_664, %parallel_loop3A_700 : vector<16xi32>
      %parallel_loop3A_702 = arith.constant -1.000000e+00 : f32
      %parallel_loop3A_703 = vector.broadcast %parallel_loop3A_702 : f32 to vector<16xf32>
      %parallel_loop3A_704 = arith.select %parallel_loop3A_701, %parallel_loop3A_703, %parallel_loop3A_609 : vector<16xi1>, vector<16xf32>
      %parallel_loop3A_705 = arith.constant 5 : i32
      %parallel_loop3A_706 = vector.broadcast %parallel_loop3A_705 : i32 to vector<16xi32>
      %parallel_loop3A_707 = arith.cmpi eq, %parallel_loop3A_664, %parallel_loop3A_706 : vector<16xi32>
      %parallel_loop3A_708 = arith.constant -1.000000e+00 : f32
      %parallel_loop3A_709 = vector.broadcast %parallel_loop3A_708 : f32 to vector<16xf32>
      %parallel_loop3A_710 = arith.select %parallel_loop3A_707, %parallel_loop3A_709, %parallel_loop3A_615 : vector<16xi1>, vector<16xf32>
      %parallel_loop3A_711 = arith.constant 6 : i32
      %parallel_loop3A_712 = vector.broadcast %parallel_loop3A_711 : i32 to vector<16xi32>
      %parallel_loop3A_713 = arith.cmpi eq, %parallel_loop3A_664, %parallel_loop3A_712 : vector<16xi32>
      %parallel_loop3A_714 = arith.constant -1.000000e+00 : f32
      %parallel_loop3A_715 = vector.broadcast %parallel_loop3A_714 : f32 to vector<16xf32>
      %parallel_loop3A_716 = arith.select %parallel_loop3A_713, %parallel_loop3A_715, %parallel_loop3A_621 : vector<16xi1>, vector<16xf32>
      %parallel_loop3A_717 = arith.constant 7 : i32
      %parallel_loop3A_718 = vector.broadcast %parallel_loop3A_717 : i32 to vector<16xi32>
      %parallel_loop3A_719 = arith.cmpi eq, %parallel_loop3A_664, %parallel_loop3A_718 : vector<16xi32>
      %parallel_loop3A_720 = arith.constant -1.000000e+00 : f32
      %parallel_loop3A_721 = vector.broadcast %parallel_loop3A_720 : f32 to vector<16xf32>
      %parallel_loop3A_722 = arith.select %parallel_loop3A_719, %parallel_loop3A_721, %parallel_loop3A_627 : vector<16xi1>, vector<16xf32>
    } {sc.loop_unroll_factor = 4 : i64, sc.parallel_access}
    %convert_element_type3A = arith.extui %ge3A_8 : vector<16xi1> to vector<16xi32>
    %add3A_11 = arith.constant 2 : i32
    %add3A_12 = vector.broadcast %add3A_11 : i32 to vector<16xi32>
    %add3A_13 = arith.addi %convert_element_type3A, %add3A_12 : vector<16xi32>
    %lt3A = arith.constant 8 : i32
    %lt3A_14 = vector.broadcast %lt3A : i32 to vector<16xi32>
    %lt3A_15 = arith.cmpi slt, %iota3A, %lt3A_14 : vector<16xi32>
    %parallel_loop3A_16 = arith.constant 0 : i32
    %parallel_loop3A_17 = arith.constant 64 : i32
    %parallel_loop3A_18 = arith.constant 1 : i32
    scf.for %parallel_loop3A_23 = %parallel_loop3A_16 to %parallel_loop3A_17 step %parallel_loop3A_18  : i32 {
      %parallel_loop3A_24 = arith.constant 8 : i32
      %parallel_loop3A_25 = arith.muli %parallel_loop3A_23, %parallel_loop3A_24 : i32
      %parallel_loop3A_26 = vector.broadcast %parallel_loop3A_25 : i32 to vector<16xi32>
      %parallel_loop3A_27 = arith.addi %parallel_loop3A_26, %convert_element_type3A : vector<16xi32>
      %parallel_loop3A_28 = tpu.vector_load_idx %arg6[%parallel_loop3A_27] : memref<528xi32, #tpu.memory_space<vmem>>[vector<16xi32>], vector<16xi32>,
      %parallel_loop3A_29 = arith.constant 8 : i32
      %parallel_loop3A_30 = arith.muli %parallel_loop3A_23, %parallel_loop3A_29 : i32
      %parallel_loop3A_31 = vector.broadcast %parallel_loop3A_30 : i32 to vector<16xi32>
      %parallel_loop3A_32 = arith.addi %parallel_loop3A_31, %add3A_13 : vector<16xi32>
      %parallel_loop3A_33 = tpu.vector_load_idx %arg6[%parallel_loop3A_32] : memref<528xi32, #tpu.memory_space<vmem>>[vector<16xi32>], vector<16xi32>,
      %parallel_loop3A_34 = arith.constant 8 : i32
      %parallel_loop3A_35 = vector.broadcast %parallel_loop3A_34 : i32 to vector<16xi32>
      %parallel_loop3A_36 = arith.muli %parallel_loop3A_28, %parallel_loop3A_35 : vector<16xi32>
      %parallel_loop3A_37 = arith.addi %parallel_loop3A_36, %and3A_6 : vector<16xi32>
      %parallel_loop3A_38 = arith.constant 8 : i32
      %parallel_loop3A_39 = vector.broadcast %parallel_loop3A_38 : i32 to vector<16xi32>
      %parallel_loop3A_40 = arith.muli %parallel_loop3A_33, %parallel_loop3A_39 : vector<16xi32>
      %parallel_loop3A_41 = arith.addi %parallel_loop3A_40, %and3A_6 : vector<16xi32>
      %parallel_loop3A_42 = arith.constant 64 : i32
      %parallel_loop3A_43 = arith.muli %parallel_loop3A_23, %parallel_loop3A_42 : i32
      %parallel_loop3A_44 = vector.broadcast %parallel_loop3A_43 : i32 to vector<16xi32>
      %parallel_loop3A_45 = arith.addi %parallel_loop3A_44, %parallel_loop3A_37 : vector<16xi32>
      %parallel_loop3A_46 = tpu.vector_load_idx %arg5[%parallel_loop3A_45] : memref<4096xf32, #tpu.memory_space<vmem>>[vector<16xi32>], vector<16xf32>,
      %parallel_loop3A_47 = arith.constant 64 : i32
      %parallel_loop3A_48 = arith.muli %parallel_loop3A_23, %parallel_loop3A_47 : i32
      %parallel_loop3A_49 = vector.broadcast %parallel_loop3A_48 : i32 to vector<16xi32>
      %parallel_loop3A_50 = arith.addi %parallel_loop3A_49, %parallel_loop3A_41 : vector<16xi32>
      %parallel_loop3A_51 = tpu.vector_load_idx %arg5[%parallel_loop3A_50] : memref<4096xf32, #tpu.memory_space<vmem>>[vector<16xi32>], vector<16xf32>,
      %parallel_loop3A_52 = arith.constant dense<true> : vector<16xi1>
      %parallel_loop3A_53, %parallel_loop3A_54, %parallel_loop3A_55 = tpu.sort %parallel_loop3A_46, %parallel_loop3A_37 masked %parallel_loop3A_52 {descending = true} : (vector<16xf32>, vector<16xi32>, vector<16xi1>) -> (vector<16xi1>, vector<16xf32>, vector<16xi32>)
      %parallel_loop3A_56 = arith.constant dense<true> : vector<16xi1>
      %parallel_loop3A_57, %parallel_loop3A_58, %parallel_loop3A_59 = tpu.sort %parallel_loop3A_51, %parallel_loop3A_41 masked %parallel_loop3A_56 {descending = true} : (vector<16xf32>, vector<16xi32>, vector<16xi1>) -> (vector<16xi1>, vector<16xf32>, vector<16xi32>)
      %parallel_loop3A_60 = arith.constant 15 : i32
      %parallel_loop3A_61 = vector.broadcast %parallel_loop3A_60 : i32 to vector<16xi32>
      %parallel_loop3A_62 = tpu.iota {dimensions = array<i32: 0>} : vector<16xi32>
      %parallel_loop3A_63 = arith.subi %parallel_loop3A_61, %parallel_loop3A_62 : vector<16xi32>
      %parallel_loop3A_64 = tpu.dynamic_gather %parallel_loop3A_58[%parallel_loop3A_63] in [0] : vector<16xf32>, vector<16xi32> -> vector<16xf32>
      %parallel_loop3A_65 = arith.constant 15 : i32
      %parallel_loop3A_66 = vector.broadcast %parallel_loop3A_65 : i32 to vector<16xi32>
      %parallel_loop3A_67 = tpu.iota {dimensions = array<i32: 0>} : vector<16xi32>
      %parallel_loop3A_68 = arith.subi %parallel_loop3A_66, %parallel_loop3A_67 : vector<16xi32>
      %parallel_loop3A_69 = tpu.dynamic_gather %parallel_loop3A_59[%parallel_loop3A_68] in [0] : vector<16xi32>, vector<16xi32> -> vector<16xi32>
      %parallel_loop3A_70 = arith.cmpf oge, %parallel_loop3A_54, %parallel_loop3A_64 : vector<16xf32>
      %parallel_loop3A_71 = arith.select %parallel_loop3A_70, %parallel_loop3A_54, %parallel_loop3A_64 : vector<16xi1>, vector<16xf32>
      %parallel_loop3A_72 = arith.select %parallel_loop3A_70, %parallel_loop3A_55, %parallel_loop3A_69 : vector<16xi1>, vector<16xi32>
      %parallel_loop3A_73 = arith.constant dense<true> : vector<16xi1>
      %parallel_loop3A_74, %parallel_loop3A_75, %parallel_loop3A_76 = tpu.sort %parallel_loop3A_71, %parallel_loop3A_72 masked %parallel_loop3A_73 {descending = true} : (vector<16xf32>, vector<16xi32>, vector<16xi1>) -> (vector<16xi1>, vector<16xf32>, vector<16xi32>)
      %parallel_loop3A_77 = arith.constant 0.000000e+00 : f32
      %parallel_loop3A_78 = vector.broadcast %parallel_loop3A_77 : f32 to vector<16xf32>
      %parallel_loop3A_79 = arith.select %lt3A_15, %parallel_loop3A_75, %parallel_loop3A_78 : vector<16xi1>, vector<16xf32>
      %parallel_loop3A_80 = arith.constant true
      %parallel_loop3A_81 = vector.broadcast %parallel_loop3A_80 : i1 to vector<16xi1>
      %parallel_loop3A_82 = tpu.scan <sum>, %parallel_loop3A_79 masked %parallel_loop3A_81 : vector<16xf32>, vector<16xi1> -> vector<16xf32>
      %parallel_loop3A_83 = vector.extract %parallel_loop3A_82[15] : f32 from vector<16xf32>
      %parallel_loop3A_84 = vector.broadcast %parallel_loop3A_83 : f32 to vector<16xf32>
      %parallel_loop3A_85 = arith.constant 2.500000e+00 : f32
      %parallel_loop3A_86 = vector.broadcast %parallel_loop3A_85 : f32 to vector<16xf32>
      %parallel_loop3A_87 = arith.mulf %parallel_loop3A_79, %parallel_loop3A_86 : vector<16xf32>
      %parallel_loop3A_88 = arith.divf %parallel_loop3A_87, %parallel_loop3A_84 : vector<16xf32>
      %parallel_loop3A_89 = arith.constant 8 : i32
      %parallel_loop3A_90 = arith.muli %parallel_loop3A_23, %parallel_loop3A_89 : i32
      %parallel_loop3A_91 = vector.broadcast %parallel_loop3A_90 : i32 to vector<16xi32>
      %parallel_loop3A_92 = arith.addi %parallel_loop3A_91, %and3A_6 : vector<16xi32>
      tpu.vector_store_idx %arg7[%parallel_loop3A_92], %parallel_loop3A_88 masked %lt3A_15 : memref<512xf32, #tpu.memory_space<vmem>>[vector<16xi32>], vector<16xf32>, vector<16xi1>
      %parallel_loop3A_93 = arith.constant 8 : i32
      %parallel_loop3A_94 = arith.muli %parallel_loop3A_23, %parallel_loop3A_93 : i32
      %parallel_loop3A_95 = vector.broadcast %parallel_loop3A_94 : i32 to vector<16xi32>
      %parallel_loop3A_96 = arith.addi %parallel_loop3A_95, %and3A_6 : vector<16xi32>
      tpu.vector_store_idx %arg8[%parallel_loop3A_96], %parallel_loop3A_76 masked %lt3A_15 : memref<512xi32, #tpu.memory_space<vmem>>[vector<16xi32>], vector<16xi32>, vector<16xi1>
    } {sc.loop_unroll_factor = 8 : i64, sc.parallel_access}
    %mul3A_19 = arith.constant 8 : i32
    %mul3A_20 = arith.muli %mul3A_2, %mul3A_19 : i32
    "tpu.region"() ({
      %run_scoped3A = tpu.sem_alloc : memref<!tpu.dma_semaphore, #tpu.memory_space<semaphore_mem>>
      %dma_start3A = tpu.memref_slice %arg3[%mul3A_20] : memref<16384xf32, #tpu.memory_space<hbm>> -> memref<512xf32, #tpu.memory_space<hbm>>
      %dma_start3A_23 = tpu.memref_slice %arg3[%mul3A_20] : memref<16384xf32, #tpu.memory_space<hbm>> -> memref<512xf32, #tpu.memory_space<hbm>>
      tpu.enqueue_dma source(%arg7 : memref<512xf32, #tpu.memory_space<vmem>>) target(%dma_start3A_23 : memref<512xf32, #tpu.memory_space<hbm>>) target_semaphore(%run_scoped3A : memref<!tpu.dma_semaphore, #tpu.memory_space<semaphore_mem>>)
      %dma_wait3A = tpu.memref_slice %arg3[%mul3A_20] : memref<16384xf32, #tpu.memory_space<hbm>> -> memref<512xf32, #tpu.memory_space<hbm>>
      %dma_wait3A_24 = tpu.memref_slice %arg3[%mul3A_20] : memref<16384xf32, #tpu.memory_space<hbm>> -> memref<512xf32, #tpu.memory_space<hbm>>
      tpu.wait_dma2 semaphore(%run_scoped3A : memref<!tpu.dma_semaphore, #tpu.memory_space<semaphore_mem>>) src(%arg7 : memref<512xf32, #tpu.memory_space<vmem>>) dst(%dma_wait3A_24 : memref<512xf32, #tpu.memory_space<hbm>>)
      tpu.yield
    }) : () -> ()
    %mul3A_21 = arith.constant 8 : i32
    %mul3A_22 = arith.muli %mul3A_2, %mul3A_21 : i32
    "tpu.region"() ({
      %run_scoped3A = tpu.sem_alloc : memref<!tpu.dma_semaphore, #tpu.memory_space<semaphore_mem>>
      %dma_start3A = tpu.memref_slice %arg4[%mul3A_22] : memref<16384xi32, #tpu.memory_space<hbm>> -> memref<512xi32, #tpu.memory_space<hbm>>
      %dma_start3A_23 = tpu.memref_slice %arg4[%mul3A_22] : memref<16384xi32, #tpu.memory_space<hbm>> -> memref<512xi32, #tpu.memory_space<hbm>>
      tpu.enqueue_dma source(%arg8 : memref<512xi32, #tpu.memory_space<vmem>>) target(%dma_start3A_23 : memref<512xi32, #tpu.memory_space<hbm>>) target_semaphore(%run_scoped3A : memref<!tpu.dma_semaphore, #tpu.memory_space<semaphore_mem>>)
      %dma_wait3A = tpu.memref_slice %arg4[%mul3A_22] : memref<16384xi32, #tpu.memory_space<hbm>> -> memref<512xi32, #tpu.memory_space<hbm>>
      %dma_wait3A_24 = tpu.memref_slice %arg4[%mul3A_22] : memref<16384xi32, #tpu.memory_space<hbm>> -> memref<512xi32, #tpu.memory_space<hbm>>
      tpu.wait_dma2 semaphore(%run_scoped3A : memref<!tpu.dma_semaphore, #tpu.memory_space<semaphore_mem>>) src(%arg8 : memref<512xi32, #tpu.memory_space<vmem>>) dst(%dma_wait3A_24 : memref<512xi32, #tpu.memory_space<hbm>>)
      tpu.yield
    }) : () -> ()
    return
  }
}

module attributes {stable_mosaic.version = 14 : i64} {
  func.func @_scores_body(%arg0: i32, %arg1: memref<512x4096xf32, #tpu.memory_space<vmem>>, %arg2: memref<64x4096xf32, #tpu.memory_space<vmem>>, %arg3: memref<512x64xf32, #tpu.memory_space<vmem>>) attributes {dimension_semantics = [#tpu.dimension_semantics<arbitrary>], iteration_bounds = array<i64: 4>, scalar_prefetch = 0 : i64, scratch_operands = 0 : i64, tpu.core_type = #tpu.core_type<tc>, window_params = [{transform_indices = @transform_0, window_bounds = array<i64: 512, 4096>}, {pipeline_mode = #tpu.pipeline_mode<synchronous>, transform_indices = @transform_1, window_bounds = array<i64: 64, 4096>}, {transform_indices = @transform_2, window_bounds = array<i64: 512, 64>}]} {
    %get3A = arith.constant 0 : index
    %get3A_0 = arith.constant 0 : index
    %get3A_1 = vector.load %arg1[%get3A, %get3A_0] : memref<512x4096xf32, #tpu.memory_space<vmem>>, vector<512x4096xf32>
    %convert_element_type3A = arith.truncf %get3A_1 : vector<512x4096xf32> to vector<512x4096xbf16>
    %get3A_2 = arith.constant 0 : index
    %get3A_3 = arith.constant 0 : index
    %get3A_4 = vector.load %arg2[%get3A_2, %get3A_3] : memref<64x4096xf32, #tpu.memory_space<vmem>>, vector<64x4096xf32>
    %convert_element_type3A_5 = arith.truncf %get3A_4 : vector<64x4096xf32> to vector<64x4096xbf16>
    %dot_general3A = arith.constant dense<0.000000e+00> : vector<512x64xf32>
    %dot_general3A_6 = tpu.matmul %convert_element_type3A, %convert_element_type3A_5, %dot_general3A {dimension_numbers = #tpu.dot_dimension_numbers<[1], [1], [0], [0], [0, 0, 1, 0], [], []>, transpose_lhs_hint = false} : vector<512x4096xbf16>, vector<64x4096xbf16>, vector<512x64xf32> -> vector<512x64xf32>
    %logistic3A = arith.negf %dot_general3A_6 : vector<512x64xf32>
    %logistic3A_7 = math.exp %logistic3A : vector<512x64xf32>
    %logistic3A_8 = arith.constant 1.000000e+00 : f32
    %logistic3A_9 = vector.broadcast %logistic3A_8 : f32 to vector<512x64xf32>
    %logistic3A_10 = arith.addf %logistic3A_9, %logistic3A_7 : vector<512x64xf32>
    %logistic3A_11 = arith.divf %logistic3A_9, %logistic3A_10 : vector<512x64xf32>
    %swap3A = arith.constant 0 : index
    %swap3A_12 = arith.constant 0 : index
    %swap3A_13 = vector.load %arg3[%swap3A, %swap3A_12] : memref<512x64xf32, #tpu.memory_space<vmem>>, vector<512x64xf32>
    tpu.vector_store %arg3[%swap3A, %swap3A_12], %logistic3A_11 {strides = array<i32>} : memref<512x64xf32, #tpu.memory_space<vmem>>, vector<512x64xf32>,
    return
  }
  func.func @transform_0(%arg0: i32) -> (i32, i32) {
    %add3A = arith.constant 12 : i32
    %add3A_0 = arith.addi %arg0, %add3A : i32
    %c0_i32 = arith.constant 0 : i32
    %c0_i32_1 = arith.constant 0 : i32
    return %add3A_0, %c0_i32 : i32, i32
  }
  func.func @transform_1(%arg0: i32) -> (i32, i32) {
    %c0_i32 = arith.constant 0 : i32
    %c0_i32_0 = arith.constant 0 : i32
    %c0_i32_1 = arith.constant 0 : i32
    return %c0_i32, %c0_i32_0 : i32, i32
  }
  func.func @transform_2(%arg0: i32) -> (i32, i32) {
    %c0_i32 = arith.constant 0 : i32
    %c0_i32_0 = arith.constant 0 : i32
    return %arg0, %c0_i32 : i32, i32
  }
}

module attributes {stable_mosaic.version = 14 : i64} {
  func.func @_scores_body(%arg0: i32, %arg1: memref<512x4096xf32, #tpu.memory_space<vmem>>, %arg2: memref<64x4096xf32, #tpu.memory_space<vmem>>, %arg3: memref<512x64xf32, #tpu.memory_space<vmem>>) attributes {dimension_semantics = [#tpu.dimension_semantics<arbitrary>], iteration_bounds = array<i64: 12>, scalar_prefetch = 0 : i64, scratch_operands = 0 : i64, tpu.core_type = #tpu.core_type<tc>, window_params = [{transform_indices = @transform_0, window_bounds = array<i64: 512, 4096>}, {pipeline_mode = #tpu.pipeline_mode<synchronous>, transform_indices = @transform_1, window_bounds = array<i64: 64, 4096>}, {transform_indices = @transform_2, window_bounds = array<i64: 512, 64>}]} {
    %get3A = arith.constant 0 : index
    %get3A_0 = arith.constant 0 : index
    %get3A_1 = vector.load %arg1[%get3A, %get3A_0] : memref<512x4096xf32, #tpu.memory_space<vmem>>, vector<512x4096xf32>
    %convert_element_type3A = arith.truncf %get3A_1 : vector<512x4096xf32> to vector<512x4096xbf16>
    %get3A_2 = arith.constant 0 : index
    %get3A_3 = arith.constant 0 : index
    %get3A_4 = vector.load %arg2[%get3A_2, %get3A_3] : memref<64x4096xf32, #tpu.memory_space<vmem>>, vector<64x4096xf32>
    %convert_element_type3A_5 = arith.truncf %get3A_4 : vector<64x4096xf32> to vector<64x4096xbf16>
    %dot_general3A = arith.constant dense<0.000000e+00> : vector<512x64xf32>
    %dot_general3A_6 = tpu.matmul %convert_element_type3A, %convert_element_type3A_5, %dot_general3A {dimension_numbers = #tpu.dot_dimension_numbers<[1], [1], [0], [0], [0, 0, 1, 0], [], []>, transpose_lhs_hint = false} : vector<512x4096xbf16>, vector<64x4096xbf16>, vector<512x64xf32> -> vector<512x64xf32>
    %logistic3A = arith.negf %dot_general3A_6 : vector<512x64xf32>
    %logistic3A_7 = math.exp %logistic3A : vector<512x64xf32>
    %logistic3A_8 = arith.constant 1.000000e+00 : f32
    %logistic3A_9 = vector.broadcast %logistic3A_8 : f32 to vector<512x64xf32>
    %logistic3A_10 = arith.addf %logistic3A_9, %logistic3A_7 : vector<512x64xf32>
    %logistic3A_11 = arith.divf %logistic3A_9, %logistic3A_10 : vector<512x64xf32>
    %swap3A = arith.constant 0 : index
    %swap3A_12 = arith.constant 0 : index
    %swap3A_13 = vector.load %arg3[%swap3A, %swap3A_12] : memref<512x64xf32, #tpu.memory_space<vmem>>, vector<512x64xf32>
    tpu.vector_store %arg3[%swap3A, %swap3A_12], %logistic3A_11 {strides = array<i32>} : memref<512x64xf32, #tpu.memory_space<vmem>>, vector<512x64xf32>,
    return
  }
  func.func @transform_0(%arg0: i32) -> (i32, i32) {
    %add3A = arith.constant 0 : i32
    %add3A_0 = arith.addi %arg0, %add3A : i32
    %c0_i32 = arith.constant 0 : i32
    %c0_i32_1 = arith.constant 0 : i32
    return %add3A_0, %c0_i32 : i32, i32
  }
  func.func @transform_1(%arg0: i32) -> (i32, i32) {
    %c0_i32 = arith.constant 0 : i32
    %c0_i32_0 = arith.constant 0 : i32
    %c0_i32_1 = arith.constant 0 : i32
    return %c0_i32, %c0_i32_0 : i32, i32
  }
  func.func @transform_2(%arg0: i32) -> (i32, i32) {
    %c0_i32 = arith.constant 0 : i32
    %c0_i32_0 = arith.constant 0 : i32
    return %arg0, %c0_i32 : i32, i32
  }
}

</mosaic_0001>

<sc_bundles>
// kernel: kernel.6.cloned.1.call-start
scs
__scs_entry_jumppad:
0x0: {  	(pc) =	sbr.rel $0x88, $3  }
0x1: {  	(tag) =	ssettag $0x0;
	lr =	simm.s32 $0x1  }
0x2: {  	[smem:$0x3F9F] =	sst lr;
	_ =	strace $0xD0000000  }
0x3: {  	_ = 	snop  }
0x4: {  	_ = 	snop  }
0x5: {  	_ = 	snop  }
0x6: {  	_ = 	snop  }
0x7: {  	_ = 	snop  }
__scs_overlays_trampoline_lowered:
0x8: {  	[smem:$0x3FAE] =	sst s0  }
0x9: {  	[smem:$0x3FAF] =	sst s1  }
0xa: {  	[smem:$0x3FB0] =	sst s2  }
0xb: {  	[smem:$0x3FB1] =	sst s3  }
0xc: {  	[smem:$0x3FB2] =	sst s4  }
0xd: {  	[smem:$0x3FB3] =	sst s5  }
0xe: {  	[smem:$0x3FB4] =	sst s6  }
0xf: {  	[smem:$0x3FB5] =	sst s7  }
0x10: {  	[smem:$0x3FB6] =	sst s8  }
0x11: {  	[smem:$0x3FB7] =	sst s9;
	s0 =	simm.s32 @!p0 $0x0  }
0x12: {  	s1 =	sld [smem:$0x3F9D];
	s0 =	simm.s32 @p0 $0x1  }
0x13: {  	[smem:$0x3FB8] =	sst s0;
	s0 =	simm.s32 @!p1 $0x0  }
0x14: {  	s2 =	sld [smem:$0x3F9C];
	s0 =	simm.s32 @p1 $0x1  }
0x15: {  	[smem:$0x3FB9] =	sst s0;
	s0 =	simm.s32 @!p2 $0x0  }
0x16: {  	s3 =	sld [smem:$0x3FDB];
	s0 =	simm.s32 @p2 $0x1  }
0x17: {  	s4 =	simm.s32 $0x1BF5;
	[smem:$0x3FBB] =	sst s0  }
0x18: {  	s0 =	sld [smem:$0x3F9E];
	_ =	swait.ge [sflag:s4], $0x0  }
0x19: {  	s7 =	sld [smem:$0x3F9F]  }
0x1a: {  	s8 =	sadd.s32 $0xFFFFE003, lr  }
0x1b: {  	s9 =	sadd.s32 $0xFFFFFEF7, lr;
	s5 =	simm.s32 $0xFFFFFFFF;
	p2 =	slt.u32 s8, $0xFFFFF086  }
0x1c: {  	p1 =	slt.u32 s9, $0xF7A;
	s5 =	simm.s32 @!p2 $0x0  }
0x1d: {  	s5 =	simm.s32 @p1 $0x1;
	p0 =	seq.s32 s7, s2  }
0x1e: {  	s7 =	smul.u32 @!p0 $0xF7A, s2;
	p2 =	seq.s32 @!p0 s5, $0x0  }
0x1f: {  	s9 =	smul.u32 $0xF7A, s1;
	s8 =	simm.s32 @!p0 $0x1BF5;
	p2 =	por !p2, p0  }
0x20: {  	[sflag:s8] =	ssyncset.s32 @!p0 $0xFFFFF086;
	s6 =	sadd.s32 @!p0 s3, s7;
	s7 =	simm.s32 @!p0 $0x108  }
0x21: {  	s3 =	sadd.s32 s3, s9;
	s6 =	sadd.s32 @!p0 $0x88, s6;
	s7 =	simm.s32 @p2 $0x1082  }
0x22: {  	[simem:s7], [sflag:s8] =	dma.local @!p0 [hbm:s6], $0xF7A  }
0x23: {  	s9 =	sor.u32 $0xD0000000, s2;
	s6 =	simm.s32 $0x108;
	_ =	swait.ge @!p0 [sflag:s8], $0x0  }
0x24: {  	s3 =	sadd.s32 $0x88, s3;
	s6 =	simm.s32 @!p1 $0x1082;
	[sflag:s4] =	ssyncset.s32 $0xFFFFF086  }
0x25: {  	[simem:s6], [sflag:s4] =	dma.local [hbm:s3], $0xF7A  }
0x26: {  	[smem:$0x3F9F] =	sst s1;
	(tag) =	ssettag s2;
	_ =	strace s9  }
0x27: {  	s1 =	sld [smem:$0x3FAF]  }
0x28: {  	s2 =	sld [smem:$0x3FB0]  }
0x29: {  	s4 =	sld [smem:$0x3FB2]  }
0x2a: {  	p0 =	seq.s32 s5, $0x0;
	s5 =	sld [smem:$0x3FB3]  }
0x2b: {  	s6 =	sld [smem:$0x3FB4]  }
0x2c: {  	s7 =	sld [smem:$0x3FB5]  }
0x2d: {  	s3 =	simm.s32 $0x108;
	s8 =	sld [smem:$0x3FB6]  }
0x2e: {  	s3 =	simm.s32 @!p0 $0x1082;
	s9 =	sld [smem:$0x3FB7]  }
0x2f: {  	lr =	sadd.s32 s0, s3;
	s0 =	sld [smem:$0x3FAE]  }
0x30: {  	s3 =	sld [smem:$0x3FB1]  }
0x31: {  	[smem:$0x3FBA] =	sst s10  }
0x32: {  	s10 =	sld [smem:$0x3FB8];
	_ =	sdelay $0x3  }
0x33: {  	p0 =	seq.s32 s10, $0x1;
	s10 =	sld [smem:$0x3FBA];
	_ =	sdelay $0x3  }
0x34: {  	[smem:$0x3FBA] =	sst s10  }
0x35: {  	s10 =	sld [smem:$0x3FB9];
	_ =	sdelay $0x3  }
0x36: {  	p1 =	seq.s32 s10, $0x1;
	s10 =	sld [smem:$0x3FBA];
	_ =	sdelay $0x3  }
0x37: {  	[smem:$0x3FBA] =	sst s10  }
0x38: {  	s10 =	sld [smem:$0x3FBB]  }
0x39: {  	_ = 	snop;
	(pc) =	sbr.ind lr, $3  }
0x3a: {  	_ = 	snop  }
0x3b: {  	_ = 	snop  }
0x3c: {  	p2 =	seq.s32 s10, $0x1;
	s10 =	sld [smem:$0x3FBA]  }
0x3d: {  	_ =	shalt  }
0x3e: {  	_ =	shalt  }
0x3f: {  	_ =	shalt  }
0x40: {  	_ =	shalt  }
0x41: {  	_ =	shalt  }
0x42: {  	_ =	shalt  }
0x43: {  	_ =	shalt  }
0x44: {  	_ =	shalt  }
0x45: {  	_ =	shalt  }
0x46: {  	_ =	shalt  }
0x47: {  	_ =	shalt  }
0x48: {  	_ =	shalt  }
0x49: {  	_ =	shalt  }
0x4a: {  	_ =	shalt  }
0x4b: {  	_ =	shalt  }
0x4c: {  	_ =	shalt  }
0x4d: {  	_ =	shalt  }
0x4e: {  	_ =	shalt  }
0x4f: {  	_ =	shalt  }
0x50: {  	_ =	shalt  }
0x51: {  	_ =	shalt  }
0x52: {  	_ =	shalt  }
0x53: {  	_ =	shalt  }
0x54: {  	_ =	shalt  }
0x55: {  	_ =	shalt  }
0x56: {  	_ =	shalt  }
0x57: {  	_ =	shalt  }
0x58: {  	_ =	shalt  }
0x59: {  	_ =	shalt  }
0x5a: {  	_ =	shalt  }
0x5b: {  	_ =	shalt  }
0x5c: {  	_ =	shalt  }
0x5d: {  	_ =	shalt  }
0x5e: {  	_ =	shalt  }
0x5f: {  	_ =	shalt  }
0x60: {  	_ =	shalt  }
0x61: {  	_ =	shalt  }
0x62: {  	_ =	shalt  }
0x63: {  	_ =	shalt  }
0x64: {  	_ =	shalt  }
0x65: {  	_ =	shalt  }
0x66: {  	_ =	shalt  }
0x67: {  	_ =	shalt  }
0x68: {  	_ =	shalt  }
0x69: {  	_ =	shalt  }
0x6a: {  	_ =	shalt  }
0x6b: {  	_ =	shalt  }
0x6c: {  	_ =	shalt  }
0x6d: {  	_ =	shalt  }
0x6e: {  	_ =	shalt  }
0x6f: {  	_ =	shalt  }
0x70: {  	_ =	shalt  }
0x71: {  	_ =	shalt  }
0x72: {  	_ =	shalt  }
0x73: {  	_ =	shalt  }
0x74: {  	_ =	shalt  }
0x75: {  	_ =	shalt  }
0x76: {  	_ =	shalt  }
0x77: {  	_ =	shalt  }
0x78: {  	_ =	shalt  }
0x79: {  	_ =	shalt  }
0x7a: {  	_ =	shalt  }
0x7b: {  	_ =	shalt  }
0x7c: {  	_ =	shalt  }
0x7d: {  	_ =	shalt  }
0x7e: {  	_ =	shalt  }
0x7f: {  	_ =	shalt  }
0x80: {  	_ =	shalt  }
0x81: {  	_ =	shalt  }
0x82: {  	_ =	shalt  }
0x83: {  	_ =	shalt  }
0x84: {  	_ =	shalt  }
0x85: {  	_ =	shalt  }
0x86: {  	_ =	shalt  }
0x87: {  	_ =	shalt  }
.Lfunc_end0:
.L_simem_size_0:
called_computation_lowered:
.L_overlay_start_0:
0x88: {  	s2 =	sld [smem:$0x3FD9]  }
0x89: {  	s3 =	sld [smem:$0x3FFE];
	_ =	sdelay $0x1  }
0x8a: {  	s1 =	srdreg.scid  }
0x8b: {  	s0 =	sand.u32 $0x1, s1  }
0x8c: {  	s14 =	sshll.u32 s0, $0xA;
	s2 =	sadd.s32 s3, s2  }
0x8d: {  	s2 =	sadd.s32 s2, s14  }
0x8e: {  	[smem:$0x3FC6] =	sst s2  }
0x8f: {  	_ = 	snop  }
0x90: {  	s2 =	sld [smem:$0x3FD0];
	_ =	sdelay $0x2  }
0x91: {  	s15 =	simm.s32 $0xB;
	s4 =	simm.s32 $0x10  }
0x92: {  	[smem:s4], [sflag:s15] =	dma.local [hbm:s2], $0x1  }
0x93: {  	_ =	swait.eq [sflag:s15], $0x1  }
0x94: {  	[sflag:s15] =	ssyncset.done $0x0  }
0x95: {  	s16 =	sld [smem:$0x10];
	[sflag:s15] =	ssyncadd.s32 $0xFFFFFFFF  }
0x96: {  	s17 =	sld [smem:$0x11];
	(tm) =	ssettm $0x1  }
0x97: {  	s18 =	sld [smem:$0x3FFB];
	_ =	sdelay $0x3  }
0x98: {  	_ =	strace s18  }
0x99: {  	s4 =	sld [smem:$0x3FFC];
	_ =	sdelay $0x3  }
0x9a: {  	_ =	strace s4  }
0x9b: {  	s4 =	sld [smem:$0x3FFD];
	_ =	sdelay $0x3  }
0x9c: {  	_ =	strace s4  }
0x9d: {  	_ =	strace $0x8FFFFFFF  }
0x9e: {  	s19 =	sld [smem:$0x3FDB];
	_ =	sdelay $0x1  }
0x9f: {  	s5 =	simm.s32 $_scs_section_size  }
0xa0: {  	s6 =	simm.s32 $_size__tile_overlayer_lowered;
	s7 =	simm.s32 $_tile_overlayer_lowered  }
0xa1: {  	s22 =	simm.s32 $0x1BFF;
	s21 =	sshll.u32 s7, $0x1;
	s4 =	sadd.s32 s5, s19  }
0xa2: {  	s8 =	simm.s32 $0x0;
	s20 =	sshll.u32 s6, $0x1;
	s6 =	sadd.s32 s21, s4  }
0xa3: {  	[timem:s8], [sflag:s22] =	dma.local [hbm:s6], s20  }
0xa4: {  	_ =	swait.ge [sflag:s22], s20  }
0xa5: {  	s5 =	ssub.s32 $0x0, s20;
	[sflag:s22] =	ssyncset.done $0x0  }
0xa6: {  	[sflag:s22] =	ssyncadd.s32 s5;
	_ =	sdelay $0x1  }
0xa7: {  	s23 =	simm.s32 $0x1B8B  }
0xa8: {  	_ =	swait.ge [sflag:s23], $0x1  }
0xa9: {  	[sflag:s23] =	ssyncset.done $0x0  }
0xaa: {  	s25 =	simm.s32 $0x1B8E;
	s24 =	sld [smem:$0x3FFE];
	[sflag:s23] =	ssyncadd.s32 $0xFFFFFFFF  }
0xab: {  	s26 =	simm.s32 $execute0_lowered;
	[smem:$0x3FD2] =	sst s25  }
0xac: {  	s6 =	sshll.u32 s26, $0x1;
	_ =	strace $0x80000046;
	[dreg:$0x1] =	wrdreg $0xFFFFFFFF  }
0xad: {  	s28 =	simm.s32 $_size_execute0_lowered;
	s4 =	sadd.s32 s4, s6;
	[dreg:$0x0] =	wrdreg $0x0  }
0xae: {  	s6 =	sshll.u32 s28, $0x1;
	[dreg:$0x2] =	wrdreg s4  }
0xaf: {  	[dreg:$0x3] =	wrdreg s6  }
0xb0: {  	[dreg:$0x4] =	wrdreg $0xC0  }
0xb1: {  	_ =	task [dreg:s8], $0x5FFFF  }
0xb2: {  	[dreg:$0x1] =	wrdreg $0xFFFFFFFF  }
0xb3: {  	[dreg:$0x0] =	wrdreg $0x60  }
0xb4: {  	[dreg:$0x2] =	wrdreg s24  }
0xb5: {  	[dreg:$0x3] =	wrdreg s17  }
0xb6: {  	[dreg:$0x4] =	wrdreg s16  }
0xb7: {  	[dreg:$0x5] =	wrdreg $0x9  }
0xb8: {  	_ =	task.clear_ibuf [dreg:s8], $0x6FFFF;
	_ =	strace $0x90000046  }
0xb9: {  	s29 =	simm.s32 $0x9;
	_ =	strace $0x80000048  }
0xba: {  	_ =	swait.ge [sflag:s29], $0x1  }
0xbb: {  	[sflag:s29] =	ssyncadd.s32 $0xFFFFFFFF  }
0xbc: {  	_ =	strace $0x90000048  }
0xbd: {  	_ =	sfence  }
0xbe: {  	s30 =	sld [smem:$0x0];
	_ =	sdelay $0x2  }
0xbf: {  	s31 =	sshll.u32 s1, $0xD;
	s1 =	sshrl.u32 s1, $0x2  }
0xc0: {  	s3 =	sand.u32 $0x4000, s31;
	s1 =	sadd.s32 s1, s30  }
0xc1: {  	s0 =	sor.u32 s3, s0;
	s1 =	sshll.u32 s1, $0x11  }
0xc2: {  	s0 =	sor.u32 s1, s0  }
0xc3: {  	s0 =	sadd.s32 $0x8F2B, s0  }
0xc4: {  	[sflag:s0] =	ssyncadd.remote.s32 $0x1  }
0xc5: {  	_ =	sfence.sel $0xFFFF  }
0xc6: {  	[dreg:$0x0] =	wrdreg $0xFFFFFFFF;
	(pc) =	sbr.abs _section_cstart, $3  }
0xc7: {  	[dreg:$0x1] =	wrdreg $0xFFFFFFFF  }
0xc8: {  	_ =	task.clear_ibuf [dreg:s8], $0x2FFFF;
	_ =	strace $0x9FFFFFFF  }
0xc9: {  	(tm) =	ssettm $0x7FFFFFFF  }
tec
execute0_lowered:
.L_overlay_start_1:
0x0: {  	(tag) =	ssettag $0x1  }
0x1: {  	s3 =	rddreg [dreg:$0x0]  }
0x2: {  	s4 =	rddreg [dreg:$0x1]  }
0x3: {  	s1 =	srdreg.scid;
	s0 =	stileid.u32  }
0x4: {  	s5 =	rddreg [dreg:$0x2];
	s10 =	simm.s32 $0x3C80;
	s11 =	simm.s32 $0x0  }
0x5: {  	s31 =	simm.s32 $0x200;
	s6 =	sand.u32 $0x1, s1;
	s2 =	sshll.u32 s0, $0x1  }
0x6: {  	s1 =	simm.s32 $0x240;
	s7 =	sor.u32 s6, s2;
	s2 =	simm.s32 $0x0  }
0x7: {  	s6 =	ssub.s32 $0x2, s6;
	s8 =	smul.u32 $0x600, s7;
	[smem:$0x7FF] =	sst s2  }
0x8: {  	s9 =	sshrl.u32 s6, $0x1;
	s7 =	smul.u32 $0xC0, s7;
	_ =	strace $0x80000047  }
0x9: {  	s6 =	ssub.s32 s6, s9;
	s9 =	simm.s32 $0x3680;
	s3 =	sadd.s32 s8, s3  }
0xa: {  	s29 =	sadd.s32 s4, s7;
	s30 =	sadd.s32 s5, s7;
	s6 =	smax.u32 s6, $0x1  }
0xb: {  	s7 =	simm.s32 $0x1;
	s8 =	simm.s32 $0x3000;
	[dreg:$0x5] =	wrdreg s29  }
0xc: {  	s4 =	simm.s32 $0x300;
	s28 =	sadd.s32 $0x1600, s3;
	[dreg:$0x6] =	wrdreg s30  }
0xd: {  	v28 =	vlaneseq.u32;
	v45 =	vimm.s32 $0x0;
	s5 =	simm.s32 $0x340;
	s3 =	simm.s32 $0x2C0;
	[dreg:$0x4] =	wrdreg s28  }
.LBB2_1:
0xe: {  	s0 =	rddreg [dreg:$0x4]  }
0xf: {  	[tilespmem:s2], [sflag:$0x1] =	stream.linear.gather [hbm4b:s0+s2], $0x3000, $0x38;
	[tilespmem:$0x4280] =	vst v63  }
0x10: {  	_ =	swait.ge [sflag:s7], $0x3000  }
0x11: {  	[sflag:s7] =	ssyncset.done $0x0  }
0x12: {  	s12 =	simm.s32 $0xFFFFFFFC;
	s13 =	simm.s32 $0x30;
	[sflag:s7] =	ssyncadd.s32 $0xFFFFD000  }
.LBB2_2:
0x13: {  	s14 =	sadd.s32 $0xFFFFFFD0, s13  }
0x14: {  	v0 =	vor.u32 s14, v28  }
0x15: {  	v3 =	vshll.u32 v0, $0x6  }
0x16: {  	v4 =	vor.u32 $0x1, v3  }
0x17: {  	v5 =	vor.u32 $0x2, v3  }
0x18: {  	v6 =	vor.u32 $0x3, v3  }
0x19: {  	v7 =	vor.u32 $0x4, v3  }
0x1a: {  	v9 =	vor.u32 $0x5, v3;
	v8 =	vld.idx.msk [tilespmem:v3+s2+$0x0], $0xffff  }
0x1b: {  	v10 =	vor.u32 $0x6, v3;
	v4 =	vld.idx.msk [tilespmem:v4+s2+$0x0], $0xffff  }
0x1c: {  	v11 =	vor.u32 $0x7, v3;
	v5 =	vld.idx.msk [tilespmem:v5+s2+$0x0], $0xffff  }
0x1d: {  	v12 =	vor.u32 $0x8, v3;
	v6 =	vld.idx.msk [tilespmem:v6+s2+$0x0], $0xffff  }
0x1e: {  	v13 =	vor.u32 $0x9, v3;
	v7 =	vld.idx.msk [tilespmem:v7+s2+$0x0], $0xffff  }
0x1f: {  	v14 =	vor.u32 $0xA, v3;
	v9 =	vld.idx.msk [tilespmem:v9+s2+$0x0], $0xffff  }
0x20: {  	v15 =	vor.u32 $0xB, v3;
	v10 =	vld.idx.msk [tilespmem:v10+s2+$0x0], $0xffff  }
0x21: {  	v16 =	vor.u32 $0xC, v3;
	v11 =	vld.idx.msk [tilespmem:v11+s2+$0x0], $0xffff  }
0x22: {  	v17 =	vor.u32 $0xD, v3;
	v12 =	vld.idx.msk [tilespmem:v12+s2+$0x0], $0xffff  }
0x23: {  	v18 =	vor.u32 $0xE, v3;
	v13 =	vld.idx.msk [tilespmem:v13+s2+$0x0], $0xffff  }
0x24: {  	v19 =	vor.u32 $0xF, v3;
	v14 =	vld.idx.msk [tilespmem:v14+s2+$0x0], $0xffff  }
0x25: {  	v20 =	vor.u32 $0x10, v3;
	v15 =	vld.idx.msk [tilespmem:v15+s2+$0x0], $0xffff  }
0x26: {  	v21 =	vor.u32 $0x11, v3;
	v16 =	vld.idx.msk [tilespmem:v16+s2+$0x0], $0xffff  }
0x27: {  	v22 =	vor.u32 $0x12, v3;
	v17 =	vld.idx.msk [tilespmem:v17+s2+$0x0], $0xffff  }
0x28: {  	v23 =	vor.u32 $0x13, v3;
	v18 =	vld.idx.msk [tilespmem:v18+s2+$0x0], $0xffff  }
0x29: {  	v24 =	vor.u32 $0x14, v3;
	v19 =	vld.idx.msk [tilespmem:v19+s2+$0x0], $0xffff  }
0x2a: {  	v25 =	vor.u32 $0x15, v3;
	v20 =	vld.idx.msk [tilespmem:v20+s2+$0x0], $0xffff  }
0x2b: {  	v26 =	vor.u32 $0x16, v3;
	v21 =	vld.idx.msk [tilespmem:v21+s2+$0x0], $0xffff  }
0x2c: {  	v27 =	vor.u32 $0x17, v3;
	v22 =	vld.idx.msk [tilespmem:v22+s2+$0x0], $0xffff  }
0x2d: {  	v28 =	vor.u32 $0x18, v3;
	v23 =	vld.idx.msk [tilespmem:v23+s2+$0x0], $0xffff  }
0x2e: {  	v29 =	vor.u32 $0x19, v3;
	v24 =	vld.idx.msk [tilespmem:v24+s2+$0x0], $0xffff  }
0x2f: {  	v30 =	vor.u32 $0x1A, v3;
	v25 =	vld.idx.msk [tilespmem:v25+s2+$0x0], $0xffff  }
0x30: {  	v31 =	vor.u32 $0x1B, v3;
	v26 =	vld.idx.msk [tilespmem:v26+s2+$0x0], $0xffff  }
0x31: {  	v32 =	vor.u32 $0x1C, v3;
	v27 =	vld.idx.msk [tilespmem:v27+s2+$0x0], $0xffff  }
0x32: {  	v33 =	vor.u32 $0x1D, v3;
	v28 =	vld.idx.msk [tilespmem:v28+s2+$0x0], $0xffff  }
0x33: {  	v34 =	vor.u32 $0x1E, v3;
	v29 =	vld.idx.msk [tilespmem:v29+s2+$0x0], $0xffff  }
0x34: {  	v35 =	vor.u32 $0x1F, v3;
	v30 =	vld.idx.msk [tilespmem:v30+s2+$0x0], $0xffff  }
0x35: {  	v36 =	vor.u32 $0x20, v3;
	v31 =	vld.idx.msk [tilespmem:v31+s2+$0x0], $0xffff  }
0x36: {  	v37 =	vor.u32 $0x21, v3;
	v32 =	vld.idx.msk [tilespmem:v32+s2+$0x0], $0xffff  }
0x37: {  	v38 =	vor.u32 $0x22, v3;
	v33 =	vld.idx.msk [tilespmem:v33+s2+$0x0], $0xffff  }
0x38: {  	v39 =	vor.u32 $0x23, v3;
	v34 =	vld.idx.msk [tilespmem:v34+s2+$0x0], $0xffff  }
0x39: {  	v40 =	vor.u32 $0x24, v3;
	v35 =	vld.idx.msk [tilespmem:v35+s2+$0x0], $0xffff  }
0x3a: {  	v41 =	vor.u32 $0x25, v3;
	v36 =	vld.idx.msk [tilespmem:v36+s2+$0x0], $0xffff  }
0x3b: {  	v42 =	vor.u32 $0x26, v3;
	v37 =	vld.idx.msk [tilespmem:v37+s2+$0x0], $0xffff  }
0x3c: {  	v44 =	vor.u32 $0x28, v3;
	v38 =	vld.idx.msk [tilespmem:v38+s2+$0x0], $0xffff  }
0x3d: {  	v54 =	vor.u32 $0x29, v3;
	v39 =	vld.idx.msk [tilespmem:v39+s2+$0x0], $0xffff  }
0x3e: {  	v56 =	vor.u32 $0x2A, v3;
	v53 =	vld.idx.msk [tilespmem:v40+s2+$0x0], $0xffff  }
0x3f: {  	v43 =	vor.u32 $0x27, v3;
	v58 =	vor.u32 $0x2B, v3;
	v59 =	vor.u32 $0x2C, v3;
	v55 =	vld.idx.msk [tilespmem:v41+s2+$0x0], $0xffff  }
0x40: {  	[tilespmem:$0x1FFD0] =	vst v0;
	v62 =	vor.u32 $0x2D, v3;
	v0 =	vor.u32 $0x2E, v3;
	v2 =	vor.u32 $0x2F, v3;
	v57 =	vld.idx.msk [tilespmem:v42+s2+$0x0], $0xffff  }
0x41: {  	v46 =	vor.u32 $0x31, v3;
	v52 =	vor.u32 $0x36, v3;
	v61 =	vld.idx.msk [tilespmem:v44+s2+$0x0], $0xffff;
	v4 =	vmax.f32 v8, v4  }
0x42: {  	v47 =	vor.u32 $0x32, v3;
	v48 =	vor.u32 $0x33, v3;
	v63 =	vld.idx.msk [tilespmem:v54+s2+$0x0], $0xffff;
	v4 =	vmax.f32 v4, v5  }
0x43: {  	v50 =	vor.u32 $0x34, v3;
	v1 =	vld.idx.msk [tilespmem:v56+s2+$0x0], $0xffff;
	v42 =	vor.u32 $0x30, v3;
	v4 =	vmax.f32 v4, v6  }
0x44: {  	v51 =	vor.u32 $0x35, v3;
	v41 =	vld.idx.msk [tilespmem:v58+s2+$0x0], $0xffff;
	v60 =	vmax.f32 v12, v13;
	v4 =	vmax.f32 v4, v7  }
0x45: {  	v44 =	vld.idx.msk [tilespmem:v59+s2+$0x0], $0xffff;
	v58 =	vor.u32 $0x3C, v3;
	v4 =	vmax.f32 v4, v9;
	v9 =	vmax.f32 v60, v14  }
0x46: {  	v54 =	vld.idx.msk [tilespmem:v52+s2+$0x0], $0xffff;
	v40 =	vmax.f32 v20, v21;
	v49 =	vmax.f32 v28, v29;
	v9 =	vmax.f32 v9, v15  }
0x47: {  	v13 =	vld.idx.msk [tilespmem:v62+s2+$0x0], $0xffff;
	v28 =	vor.u32 $0x37, v3;
	v9 =	vmax.f32 v9, v16;
	v16 =	vmax.f32 v40, v22  }
0x48: {  	v21 =	vld.idx.msk [tilespmem:v42+s2+$0x0], $0xffff;
	v29 =	vor.u32 $0x38, v3;
	v62 =	vor.u32 $0x3E, v3;
	v16 =	vmax.f32 v16, v23  }
0x49: {  	v7 =	vld.idx.msk [tilespmem:v43+s2+$0x0], $0xffff;
	v60 =	vor.u32 $0x3D, v3;
	v4 =	vmax.f32 v4, v10;
	v16 =	vmax.f32 v16, v24  }
0x4a: {  	v14 =	vld.idx.msk [tilespmem:v0+s2+$0x0], $0xffff;
	v4 =	vmax.f32 v4, v11;
	v9 =	vmax.f32 v9, v17;
	v16 =	vmax.f32 v16, v25  }
0x4b: {  	v15 =	vld.idx.msk [tilespmem:v2+s2+$0x0], $0xffff;
	v23 =	vmax.f32 v49, v30;
	v30 =	vor.u32 $0x39, v3;
	v16 =	vmax.f32 v16, v26  }
0x4c: {  	v22 =	vld.idx.msk [tilespmem:v46+s2+$0x0], $0xffff;
	v23 =	vmax.f32 v23, v31;
	v16 =	vmax.f32 v16, v27;
	v27 =	vmax.f32 v36, v37  }
0x4d: {  	v59 =	vld.idx.msk [tilespmem:v29+s2+$0x0], $0xffff;
	v9 =	vmax.f32 v9, v18;
	v23 =	vmax.f32 v23, v32;
	v27 =	vmax.f32 v27, v38  }
0x4e: {  	v18 =	vld.idx.msk [tilespmem:v47+s2+$0x0], $0xffff;
	v9 =	vmax.f32 v9, v19;
	v23 =	vmax.f32 v23, v33;
	v27 =	vmax.f32 v27, v39  }
0x4f: {  	v11 =	vld.idx.msk [tilespmem:v58+s2+$0x0], $0xffff;
	vm0 =	vgt.f32 v9, v4;
	v8 =	vmax.f32 v27, v53;
	v27 =	vor.u32 $0x3A, v3  }
0x50: {  	v24 =	vld.idx.msk [tilespmem:v50+s2+$0x0], $0xffff;
	v23 =	vmax.f32 v23, v34;
	v5 =	vmax.f32 v8, v55;
	v55 =	vor.u32 $0x3B, v3  }
0x51: {  	v19 =	vld.idx.msk [tilespmem:v48+s2+$0x0], $0xffff;
	v21 =	vmax.f32 v21, v22;
	v26 =	vsel vm0, $0x1, v45;
	v53 =	vmax.f32 v61, v63  }
0x52: {  	v25 =	vld.idx.msk [tilespmem:v51+s2+$0x0], $0xffff;
	v23 =	vmax.f32 v23, v35;
	v56 =	vmax.f32 v53, v1;
	v3 =	vor.u32 $0x3F, v3  }
0x53: {  	v61 =	vld.idx.msk [tilespmem:v30+s2+$0x0], $0xffff;
	v1 =	vmax.f32 v21, v18;
	v5 =	vmax.f32 v5, v57;
	v6 =	vmax.f32 v56, v41  }
0x54: {  	s29 =	sadd.s32 $0xFFFFFFE0, s13;
	v41 =	vlaneseq.u32;
	v5 =	vmax.f32 v5, v7;
	v63 =	vld.idx.msk [tilespmem:v27+s2+$0x0], $0xffff;
	v27 =	vsel vm0, v9, v4  }
0x55: {  	v6 =	vmax.f32 v6, v44;
	v0 =	vor.u32 s29, v41;
	v12 =	vld.idx.msk [tilespmem:v55+s2+$0x0], $0xffff;
	vm1 =	vgt.f32 v16, v27  }
0x56: {  	v57 =	vld.idx.msk [tilespmem:v28+s2+$0x0], $0xffff;
	v6 =	vmax.f32 v6, v13;
	v13 =	vmax.f32 v1, v19;
	v2 =	vsel vm1, v16, v27  }
0x57: {  	v21 =	vld.idx.msk [tilespmem:v60+s2+$0x0], $0xffff;
	v6 =	vmax.f32 v6, v14;
	v13 =	vmax.f32 v13, v24;
	vm2 =	vgt.f32 v23, v2  }
0x58: {  	v7 =	vmax.f32 v59, v61;
	v24 =	vld.idx.msk [tilespmem:v62+s2+$0x0], $0xffff;
	v6 =	vmax.f32 v6, v15;
	v14 =	vsel vm2, v23, v2  }
0x59: {  	v13 =	vmax.f32 v13, v25;
	v3 =	vld.idx.msk [tilespmem:v3+s2+$0x0], $0xffff;
	v7 =	vmax.f32 v7, v63;
	vm3 =	vgt.f32 v5, v14  }
0x5a: {  	v10 =	vmax.f32 v13, v54;
	v7 =	vmax.f32 v7, v12;
	v25 =	vsel vm3, v5, v14  }
0x5b: {  	v8 =	vmax.f32 v10, v57;
	v7 =	vmax.f32 v7, v11;
	vm6 =	vgt.f32 v6, v25  }
0x5c: {  	v11 =	vsel vm1, $0x2, v26;
	v7 =	vmax.f32 v7, v21;
	v10 =	vsel vm6, v6, v25  }
0x5d: {  	v11 =	vsel vm2, $0x3, v11;
	v7 =	vmax.f32 v7, v24;
	vm1 =	vgt.f32 v8, v10  }
0x5e: {  	v33 =	vsel vm3, $0x4, v11;
	v32 =	vmax.f32 v7, v3;
	v34 =	vsel vm1, v8, v10  }
0x5f: {  	v3 =	vsel vm6, $0x5, v33;
	v7 =	vshll.u32 v0, $0x6;
	vm7 =	vgt.f32 v32, v34  }
0x60: {  	v3 =	vsel vm1, $0x6, v3;
	v42 =	vor.u32 $0x1, v7;
	v44 =	vor.u32 $0x2, v7  }
0x61: {  	v46 =	vor.u32 $0x3, v7;
	v48 =	vor.u32 $0x4, v7;
	v50 =	vor.u32 $0x5, v7  }
0x62: {  	v52 =	vor.u32 $0x6, v7;
	v54 =	vor.u32 $0x7, v7;
	v55 =	vor.u32 $0x8, v7  }
0x63: {  	v57 =	vor.u32 $0x9, v7;
	v58 =	vor.u32 $0xA, v7;
	v59 =	vor.u32 $0xB, v7  }
0x64: {  	v27 =	vor.u32 $0xC, v7;
	v28 =	vor.u32 $0xD, v7;
	v29 =	vor.u32 $0xE, v7  }
0x65: {  	v30 =	vor.u32 $0xF, v7;
	v60 =	vor.u32 $0x10, v7;
	v61 =	vor.u32 $0x11, v7  }
0x66: {  	[tilespmem:$0x1FFE0] =	vst v0;
	v62 =	vor.u32 $0x12, v7;
	v0 =	vor.u32 $0x13, v7;
	vm0 =	vmneg vm7  }
0x67: {  	v1 =	vor.u32 $0x14, v7;
	v35 =	vnsel vm0, $0x7, v3;
	vm1 =	vmand vm1, vm0  }
0x68: {  	vm8 =	veq.s32 v35, $0x0;
	vm9 =	veq.s32 v35, $0x1;
	v43 =	vsel vm1, $0xBF800000, v8;
	v8 =	vld.idx.msk [tilespmem:v7+s2+$0x0], $0xffff  }
0x69: {  	v2 =	vor.u32 $0x15, v7;
	v36 =	vsel vm8, $0xBF800000, v4;
	v9 =	vsel vm9, $0xBF800000, v9;
	v14 =	vld.idx.msk [tilespmem:v42+s2+$0x0], $0xffff  }
0x6a: {  	v12 =	vnsel vm0, $0xBF800000, v32;
	vm10 =	veq.s32 v35, $0x2;
	vm11 =	vgt.f32 v9, v36;
	v15 =	vld.idx.msk [tilespmem:v44+s2+$0x0], $0xffff  }
0x6b: {  	vm12 =	veq.s32 v35, $0x3;
	v37 =	vsel vm10, $0xBF800000, v16;
	v16 =	vld.idx.msk [tilespmem:v46+s2+$0x0], $0xffff;
	v4 =	vsel vm11, v9, v36  }
0x6c: {  	vm4 =	veq.s32 v35, $0x4;
	vm14 =	veq.s32 v35, $0x5;
	v24 =	vld.idx.msk [tilespmem:v55+s2+$0x0], $0xffff;
	vm13 =	vgt.f32 v37, v4  }
0x6d: {  	v38 =	vsel vm12, $0xBF800000, v23;
	v39 =	vsel vm4, $0xBF800000, v5;
	v25 =	vld.idx.msk [tilespmem:v58+s2+$0x0], $0xffff;
	v40 =	vsel vm13, v37, v4  }
0x6e: {  	v6 =	vsel vm14, $0xBF800000, v6;
	v26 =	vld.idx.msk [tilespmem:v59+s2+$0x0], $0xffff;
	v55 =	vor.u32 $0x17, v7;
	vm15 =	vgt.f32 v38, v40  }
0x6f: {  	v32 =	vld.idx.msk [tilespmem:v60+s2+$0x0], $0xffff;
	v58 =	vor.u32 $0x19, v7;
	v60 =	vor.u32 $0x1B, v7;
	v5 =	vsel vm15, v38, v40  }
0x70: {  	v34 =	vld.idx.msk [tilespmem:v62+s2+$0x0], $0xffff;
	v59 =	vor.u32 $0x1A, v7;
	v62 =	vor.u32 $0x1D, v7;
	vm6 =	vgt.f32 v39, v5  }
0x71: {  	v17 =	vld.idx.msk [tilespmem:v48+s2+$0x0], $0xffff;
	v46 =	vor.u32 $0x1E, v7;
	v48 =	vor.u32 $0x1F, v7;
	v5 =	vsel vm6, v39, v5  }
0x72: {  	v18 =	vld.idx.msk [tilespmem:v50+s2+$0x0], $0xffff;
	v50 =	vor.u32 $0x20, v7;
	v47 =	vsel vm11, $0x1, v45;
	vm7 =	vgt.f32 v6, v5  }
0x73: {  	v41 =	vld.idx.msk [tilespmem:v0+s2+$0x0], $0xffff;
	v0 =	vor.u32 $0x29, v7;
	v49 =	vsel vm13, $0x2, v47;
	v5 =	vsel vm7, v6, v5  }
0x74: {  	v51 =	vsel vm15, $0x3, v49;
	v49 =	vld.idx.msk [tilespmem:v60+s2+$0x0], $0xffff;
	v60 =	vor.u32 $0x27, v7;
	vm0 =	vgt.f32 v43, v5  }
0x75: {  	v40 =	vld.idx.msk [tilespmem:v55+s2+$0x0], $0xffff;
	v55 =	vor.u32 $0x28, v7;
	v53 =	vsel vm6, $0x4, v51;
	v5 =	vsel vm0, v43, v5  }
0x76: {  	v8 =	vmax.f32 v8, v14;
	v23 =	vsel vm7, $0x5, v53;
	vm8 =	vgt.f32 v12, v5  }
0x77: {  	v11 =	vld.idx.msk [tilespmem:v52+s2+$0x0], $0xffff;
	v8 =	vmax.f32 v8, v15;
	v56 =	vsel vm0, $0x6, v23;
	vm1 =	vmneg vm8  }
0x78: {  	v51 =	vor.u32 $0x21, v7;
	v8 =	vmax.f32 v8, v16;
	v5 =	vnsel vm1, $0x7, v56  }
0x79: {  	v8 =	vmax.f32 v8, v17;
	vm9 =	veq.s32 v5, $0x0;
	vm10 =	veq.s32 v5, $0x1  }
0x7a: {  	v53 =	vor.u32 $0x16, v7;
	v10 =	vsel vm9, $0xBF800000, v36;
	v9 =	vsel vm10, $0xBF800000, v9  }
0x7b: {  	v13 =	vld.idx.msk [tilespmem:v54+s2+$0x0], $0xffff;
	v8 =	vmax.f32 v8, v18;
	vm11 =	veq.s32 v5, $0x2;
	vm13 =	vgt.f32 v9, v10  }
0x7c: {  	v27 =	vld.idx.msk [tilespmem:v27+s2+$0x0], $0xffff;
	v8 =	vmax.f32 v8, v11;
	v19 =	vsel vm11, $0xBF800000, v37;
	v31 =	vsel vm13, v9, v10  }
0x7d: {  	v28 =	vld.idx.msk [tilespmem:v28+s2+$0x0], $0xffff;
	vm0 =	vmand vm0, vm1;
	vm12 =	veq.s32 v5, $0x3;
	vm15 =	vgt.f32 v19, v31  }
0x7e: {  	v29 =	vld.idx.msk [tilespmem:v29+s2+$0x0], $0xffff;
	v3 =	vnsel vm1, $0xBF800000, v12;
	v20 =	vsel vm12, $0xBF800000, v38;
	v31 =	vsel vm15, v19, v31  }
0x7f: {  	v30 =	vld.idx.msk [tilespmem:v30+s2+$0x0], $0xffff;
	v56 =	vor.u32 $0x18, v7;
	vm14 =	veq.s32 v5, $0x4;
	vm9 =	vgt.f32 v20, v31  }
0x80: {  	v33 =	vld.idx.msk [tilespmem:v53+s2+$0x0], $0xffff;
	v53 =	vor.u32 $0x24, v7;
	v21 =	vsel vm14, $0xBF800000, v39;
	v31 =	vsel vm9, v20, v31  }
0x81: {  	[tilespmem:$0x1FFF0] =	vst v35;
	v35 =	vld.idx.msk [tilespmem:v46+s2+$0x0], $0xffff;
	vm8 =	veq.s32 v5, $0x5;
	v54 =	vsel vm13, $0x1, v45;
	vm5 =	vgt.f32 v21, v31  }
0x82: {  	v23 =	vld.idx.msk [tilespmem:v57+s2+$0x0], $0xffff;
	v63 =	vsel vm8, $0xBF800000, v6;
	v39 =	vsel vm15, $0x2, v54;
	v52 =	vsel vm5, v21, v31  }
0x83: {  	v22 =	vsel vm0, $0xBF800000, v43;
	v43 =	vld.idx.msk [tilespmem:v59+s2+$0x0], $0xffff;
	v57 =	vsel vm9, $0x3, v39;
	vm10 =	vgt.f32 v63, v52  }
0x84: {  	v36 =	vld.idx.msk [tilespmem:v1+s2+$0x0], $0xffff;
	v6 =	vsel vm5, $0x4, v57;
	v57 =	vor.u32 $0x25, v7;
	v12 =	vsel vm10, v63, v52  }
0x85: {  	v59 =	vimm.s32 $0x0;
	v37 =	vld.idx.msk [tilespmem:v2+s2+$0x0], $0xffff;
	v1 =	vor.u32 $0x2A, v7;
	vm0 =	vgt.f32 v22, v12  }
0x86: {  	v2 =	vor.u32 $0x2B, v7;
	v45 =	vld.idx.msk [tilespmem:v62+s2+$0x0], $0xffff;
	v62 =	vor.u32 $0x2F, v7;
	v12 =	vsel vm0, v22, v12  }
0x87: {  	v39 =	vld.idx.msk [tilespmem:v58+s2+$0x0], $0xffff;
	v58 =	vor.u32 $0x26, v7;
	v6 =	vsel vm10, $0x5, v6;
	vm11 =	vgt.f32 v3, v12  }
0x88: {  	v31 =	vld.idx.msk [tilespmem:v61+s2+$0x0], $0xffff;
	v61 =	vor.u32 $0x1C, v7;
	v6 =	vsel vm0, $0x6, v6;
	vm1 =	vmneg vm11  }
0x89: {  	v52 =	vor.u32 $0x22, v7;
	v15 =	vld.idx.msk [tilespmem:v57+s2+$0x0], $0xffff;
	v57 =	vor.u32 $0x2E, v7;
	v6 =	vnsel vm1, $0x7, v6  }
0x8a: {  	v38 =	vld.idx.msk [tilespmem:v51+s2+$0x0], $0xffff;
	vm0 =	vmand vm0, vm1;
	vm12 =	veq.s32 v6, $0x0;
	vm13 =	veq.s32 v6, $0x1  }
0x8b: {  	v42 =	vld.idx.msk [tilespmem:v56+s2+$0x0], $0xffff;
	vm14 =	veq.s32 v6, $0x2;
	vm15 =	veq.s32 v6, $0x3;
	vm6 =	veq.s32 v6, $0x4  }
0x8c: {  	v56 =	vld.idx.msk [tilespmem:v0+s2+$0x0], $0xffff;
	vm7 =	veq.s32 v6, $0x5;
	v12 =	vsel vm0, $0xBF800000, v22;
	v10 =	vsel vm12, $0xBF800000, v10  }
0x8d: {  	v16 =	vld.idx.msk [tilespmem:v58+s2+$0x0], $0xffff;
	v47 =	vsel vm13, $0xBF800000, v9;
	v19 =	vsel vm14, $0xBF800000, v19;
	v20 =	vsel vm15, $0xBF800000, v20  }
0x8e: {  	v44 =	vld.idx.msk [tilespmem:v61+s2+$0x0], $0xffff;
	v9 =	vsel vm7, $0xBF800000, v63;
	v63 =	vor.u32 $0x23, v7;
	vm8 =	vgt.f32 v47, v10  }
0x8f: {  	v22 =	vld.idx.msk [tilespmem:v52+s2+$0x0], $0xffff;
	v21 =	vsel vm6, $0xBF800000, v21;
	v4 =	vsel vm8, v47, v10;
	v10 =	vnsel vm1, $0xBF800000, v3  }
0x90: {  	v52 =	vld.idx.msk [tilespmem:v55+s2+$0x0], $0xffff;
	v54 =	vsel vm8, $0x1, v59;
	v3 =	vor.u32 $0x2C, v7;
	vm9 =	vgt.f32 v19, v4  }
0x91: {  	v59 =	vld.idx.msk [tilespmem:v1+s2+$0x0], $0xffff;
	v1 =	vor.u32 $0x33, v7;
	v19 =	vsel vm9, v19, v4;
	v4 =	vmax.f32 v24, v23  }
0x92: {  	v61 =	vld.idx.msk [tilespmem:v53+s2+$0x0], $0xffff;
	v54 =	vsel vm9, $0x2, v54;
	vm10 =	vgt.f32 v20, v19;
	v55 =	vmax.f32 v4, v25  }
0x93: {  	v46 =	vld.idx.msk [tilespmem:v63+s2+$0x0], $0xffff;
	v25 =	vmax.f32 v8, v13;
	v63 =	vmax.f32 v32, v31;
	v31 =	vor.u32 $0x30, v7  }
0x94: {  	v13 =	vld.idx.msk [tilespmem:v62+s2+$0x0], $0xffff;
	v4 =	vor.u32 $0x35, v7;
	v62 =	vor.u32 $0x3A, v7;
	v19 =	vsel vm10, v20, v19  }
0x95: {  	v47 =	vld.idx.msk [tilespmem:v50+s2+$0x0], $0xffff;
	v53 =	vsel vm10, $0x3, v54;
	v54 =	vor.u32 $0x2D, v7;
	v58 =	vmax.f32 v55, v26  }
0x96: {  	v26 =	vmax.f32 v63, v34;
	v20 =	vld.idx.msk [tilespmem:v57+s2+$0x0], $0xffff;
	v63 =	vmax.f32 v52, v56;
	v57 =	vimm.s32 $0x0  }
0x97: {  	v48 =	vld.idx.msk [tilespmem:v48+s2+$0x0], $0xffff;
	vm11 =	vgt.f32 v21, v19;
	v8 =	vmax.f32 v58, v27;
	v26 =	vmax.f32 v26, v41  }
0x98: {  	v27 =	vld.idx.msk [tilespmem:v2+s2+$0x0], $0xffff;
	v2 =	vmax.f32 v42, v39;
	v42 =	vor.u32 $0x36, v7;
	v11 =	vmax.f32 v63, v59  }
0x99: {  	v17 =	vld.idx.msk [tilespmem:v60+s2+$0x0], $0xffff;
	v63 =	vlaneseq.u32;
	v19 =	vsel vm11, v21, v19;
	v8 =	vmax.f32 v8, v28  }
0x9a: {  	v21 =	vld.idx.msk [tilespmem:v3+s2+$0x0], $0xffff;
	v28 =	vor.u32 $0x31, v7;
	v0 =	vmax.f32 v26, v36;
	v3 =	vor.u32 $0x34, v7  }
0x9b: {  	v32 =	vmax.f32 v2, v43;
	v43 =	vmax.f32 v47, v38;
	v26 =	vld.idx.msk [tilespmem:v1+s2+$0x0], $0xffff;
	v47 =	vor.u32 $0x39, v7  }
0x9c: {  	v8 =	vmax.f32 v8, v29;
	v29 =	vor.u32 $0x32, v7;
	v22 =	vmax.f32 v43, v22;
	v31 =	vld.idx.msk [tilespmem:v31+s2+$0x0], $0xffff  }
0x9d: {  	v30 =	vmax.f32 v8, v30;
	v8 =	vmax.f32 v0, v37;
	v22 =	vmax.f32 v22, v46;
	v24 =	vld.idx.msk [tilespmem:v54+s2+$0x0], $0xffff  }
0x9e: {  	v41 =	vmax.f32 v32, v49;
	v8 =	vmax.f32 v8, v33;
	v60 =	vmax.f32 v22, v61;
	v61 =	vld.idx.msk [tilespmem:v4+s2+$0x0], $0xffff  }
0x9f: {  	v1 =	vor.u32 $0x3B, v7;
	v22 =	vld.idx.msk [tilespmem:v62+s2+$0x0], $0xffff;
	v36 =	vmax.f32 v8, v40;
	v8 =	vmax.f32 v41, v44  }
0xa0: {  	vm1 =	vgt.f32 v9, v19;
	v28 =	vld.idx.msk [tilespmem:v28+s2+$0x0], $0xffff;
	v8 =	vmax.f32 v8, v45;
	v45 =	vor.u32 $0x38, v7  }
0xa1: {  	vm12 =	vgt.f32 v30, v25;
	v44 =	vor.u32 $0x37, v7;
	v33 =	vmax.f32 v11, v27;
	v29 =	vld.idx.msk [tilespmem:v29+s2+$0x0], $0xffff  }
0xa2: {  	v0 =	vld.idx.msk [tilespmem:v42+s2+$0x0], $0xffff;
	v27 =	vor.u32 $0x3D, v7;
	v41 =	vor.u32 $0x3E, v7;
	v8 =	vmax.f32 v8, v35  }
0xa3: {  	v34 =	vld.idx.msk [tilespmem:v3+s2+$0x0], $0xffff;
	v3 =	vor.u32 $0x3C, v7;
	v48 =	vmax.f32 v8, v48;
	v8 =	vmax.f32 v60, v15  }
0xa4: {  	v58 =	vsel vm12, $0x1, v57;
	v40 =	vld.idx.msk [tilespmem:v47+s2+$0x0], $0xffff;
	v7 =	vor.u32 $0x3F, v7;
	v8 =	vmax.f32 v8, v16  }
0xa5: {  	v17 =	vmax.f32 v8, v17;
	v8 =	vmax.f32 v33, v21;
	v38 =	vld.idx.msk [tilespmem:v45+s2+$0x0], $0xffff;
	v28 =	vmax.f32 v31, v28  }
0xa6: {  	v23 =	vld.idx.msk [tilespmem:v1+s2+$0x0], $0xffff;
	v31 =	vsel vm12, v30, v25;
	v8 =	vmax.f32 v8, v24;
	v42 =	vmax.f32 v28, v29  }
0xa7: {  	v2 =	vld.idx.msk [tilespmem:v44+s2+$0x0], $0xffff;
	vm13 =	vgt.f32 v36, v31;
	v8 =	vmax.f32 v8, v20;
	v29 =	vsel vm1, v9, v19  }
0xa8: {  	v16 =	vld.idx.msk [tilespmem:v3+s2+$0x0], $0xffff;
	v43 =	vmax.f32 v42, v26;
	v44 =	vsel vm13, v36, v31;
	v45 =	vmax.f32 v8, v13  }
0xa9: {  	v50 =	vld.idx.msk [tilespmem:v27+s2+$0x0], $0xffff;
	v59 =	vsel vm13, $0x2, v58;
	v49 =	vmax.f32 v43, v34;
	vm14 =	vgt.f32 v48, v44  }
0xaa: {  	v51 =	vld.idx.msk [tilespmem:v41+s2+$0x0], $0xffff;
	v8 =	vmax.f32 v49, v61;
	v52 =	vsel vm14, v48, v44;
	v11 =	vmax.f32 v38, v40  }
0xab: {  	v7 =	vld.idx.msk [tilespmem:v7+s2+$0x0], $0xffff;
	v13 =	vsel vm14, $0x3, v59;
	vm15 =	vgt.f32 v17, v52;
	v11 =	vmax.f32 v11, v22  }
0xac: {  	v8 =	vmax.f32 v8, v0;
	v56 =	vsel vm15, v17, v52;
	v55 =	vmax.f32 v11, v23  }
0xad: {  	v54 =	vmax.f32 v8, v2;
	vm5 =	vgt.f32 v45, v56;
	v8 =	vmax.f32 v55, v16  }
0xae: {  	v61 =	vsel vm15, $0x4, v13;
	v11 =	vsel vm5, v45, v56;
	v8 =	vmax.f32 v8, v50  }
0xaf: {  	v13 =	vsel vm11, $0x4, v53;
	vm2 =	vgt.f32 v54, v11;
	v8 =	vmax.f32 v8, v51  }
0xb0: {  	s30 =	sadd.s32 $0xFFFFFFF0, s13;
	v13 =	vsel vm1, $0x5, v13;
	v62 =	vsel vm2, v54, v11;
	v60 =	vmax.f32 v8, v7  }
0xb1: {  	v7 =	vsel vm5, $0x5, v61;
	v8 =	vor.u32 s30, v63;
	vm6 =	vgt.f32 v60, v62  }
0xb2: {  	v7 =	vsel vm2, $0x6, v7;
	v11 =	vshll.u32 v8, $0x6;
	v8 =	vshll.u32 v8, $0x3  }
0xb3: {  	vm0 =	vmneg vm6;
	v0 =	vor.u32 $0x1, v11;
	v1 =	vor.u32 $0x2, v11  }
0xb4: {  	v2 =	vor.u32 $0x3, v11;
	v3 =	vor.u32 $0x4, v11;
	v46 =	vor.u32 $0x5, v11  }
0xb5: {  	v49 =	vor.u32 $0x7, v11;
	v50 =	vor.u32 $0x8, v11;
	v51 =	vor.u32 $0x9, v11  }
0xb6: {  	v27 =	vor.u32 $0xA, v11;
	v52 =	vor.u32 $0xB, v11;
	v53 =	vor.u32 $0xC, v11  }
0xb7: {  	v55 =	vor.u32 $0xD, v11;
	v56 =	vor.u32 $0xE, v11;
	v57 =	vor.u32 $0xF, v11  }
0xb8: {  	v59 =	vor.u32 $0x10, v11;
	v61 =	vor.u32 $0x11, v11;
	v62 =	vor.u32 $0x12, v11  }
0xb9: {  	v63 =	vor.u32 $0x13, v11;
	v42 =	vor.u32 $0x1C, v11;
	v7 =	vnsel vm0, $0x7, v7  }
0xba: {  	vm2 =	vmand vm2, vm0;
	v39 =	vnsel vm0, $0xBF800000, v60;
	vm7 =	veq.s32 v7, $0x0;
	v14 =	vld.idx.msk [tilespmem:v11+s2+$0x0], $0xffff  }
0xbb: {  	vm8 =	veq.s32 v7, $0x1;
	vm9 =	veq.s32 v7, $0x2;
	vm10 =	veq.s32 v7, $0x3;
	v15 =	vld.idx.msk [tilespmem:v0+s2+$0x0], $0xffff  }
0xbc: {  	vm12 =	veq.s32 v7, $0x4;
	vm14 =	veq.s32 v7, $0x5;
	v38 =	vsel vm2, $0xBF800000, v54;
	v16 =	vld.idx.msk [tilespmem:v1+s2+$0x0], $0xffff  }
0xbd: {  	v54 =	vimm.s32 $0x0;
	vm2 =	vgt.f32 v12, v29;
	v34 =	vsel vm12, $0xBF800000, v17;
	v17 =	vld.idx.msk [tilespmem:v2+s2+$0x0], $0xffff  }
0xbe: {  	v31 =	vsel vm7, $0xBF800000, v25;
	v30 =	vsel vm8, $0xBF800000, v30;
	v32 =	vsel vm9, $0xBF800000, v36;
	v18 =	vld.idx.msk [tilespmem:v3+s2+$0x0], $0xffff  }
0xbf: {  	v4 =	vsel vm10, $0xBF800000, v48;
	v48 =	vor.u32 $0x6, v11;
	v36 =	vsel vm14, $0xBF800000, v45;
	v19 =	vld.idx.msk [tilespmem:v46+s2+$0x0], $0xffff  }
0xc0: {  	v45 =	vsel vm2, v12, v29;
	vm11 =	vgt.f32 v30, v31;
	v22 =	vld.idx.msk [tilespmem:v50+s2+$0x0], $0xffff;
	v0 =	vor.u32 $0x14, v11  }
0xc1: {  	v13 =	vsel vm2, $0x6, v13;
	v47 =	vsel vm11, v30, v31;
	v29 =	vld.idx.msk [tilespmem:v59+s2+$0x0], $0xffff;
	v59 =	vor.u32 $0x1B, v11  }
0xc2: {  	v28 =	vsel vm11, $0x1, v54;
	v26 =	vld.idx.msk [tilespmem:v51+s2+$0x0], $0xffff;
	v1 =	vor.u32 $0x15, v11;
	vm13 =	vgt.f32 v32, v47  }
0xc3: {  	v25 =	vld.idx.msk [tilespmem:v56+s2+$0x0], $0xffff;
	v2 =	vor.u32 $0x16, v11;
	v3 =	vor.u32 $0x17, v11;
	v23 =	vsel vm13, v32, v47  }
0xc4: {  	v12 =	vld.idx.msk [tilespmem:v57+s2+$0x0], $0xffff;
	v56 =	vor.u32 $0x19, v11;
	v28 =	vsel vm13, $0x2, v28;
	vm15 =	vgt.f32 v4, v23  }
0xc5: {  	v57 =	vor.u32 $0x1A, v11;
	v23 =	vsel vm15, v4, v23;
	v28 =	vsel vm15, $0x3, v28;
	v33 =	vld.idx.msk [tilespmem:v0+s2+$0x0], $0xffff  }
0xc6: {  	vm6 =	vgt.f32 v34, v23;
	v40 =	vld.idx.msk [tilespmem:v59+s2+$0x0], $0xffff;
	v59 =	vor.u32 $0x22, v11;
	v0 =	vor.u32 $0x23, v11  }
0xc7: {  	v35 =	vld.idx.msk [tilespmem:v1+s2+$0x0], $0xffff;
	v1 =	vor.u32 $0x24, v11;
	v14 =	vmax.f32 v14, v15;
	v15 =	vor.u32 $0x31, v11  }
0xc8: {  	v21 =	vld.idx.msk [tilespmem:v49+s2+$0x0], $0xffff;
	v26 =	vmax.f32 v22, v26;
	v22 =	vor.u32 $0x38, v11;
	v23 =	vsel vm6, v34, v23  }
0xc9: {  	v20 =	vld.idx.msk [tilespmem:v48+s2+$0x0], $0xffff;
	v58 =	vsel vm6, $0x4, v28;
	v14 =	vmax.f32 v14, v16;
	vm7 =	vgt.f32 v36, v23  }
0xca: {  	v27 =	vld.idx.msk [tilespmem:v27+s2+$0x0], $0xffff;
	v16 =	vor.u32 $0x32, v11;
	v14 =	vmax.f32 v14, v17;
	v23 =	vsel vm7, v36, v23  }
0xcb: {  	v24 =	vld.idx.msk [tilespmem:v55+s2+$0x0], $0xffff;
	v17 =	vor.u32 $0x33, v11;
	v14 =	vmax.f32 v14, v18;
	vm0 =	vgt.f32 v38, v23  }
0xcc: {  	v41 =	vld.idx.msk [tilespmem:v42+s2+$0x0], $0xffff;
	v60 =	vsel vm7, $0x5, v58;
	v14 =	vmax.f32 v14, v19;
	v23 =	vsel vm0, v38, v23  }
0xcd: {  	v28 =	vld.idx.msk [tilespmem:v52+s2+$0x0], $0xffff;
	v9 =	vsel vm0, $0x6, v60;
	v60 =	vor.u32 $0x1E, v11;
	vm8 =	vgt.f32 v39, v23  }
0xce: {  	v50 =	vld.idx.msk [tilespmem:v0+s2+$0x0], $0xffff;
	v0 =	vor.u32 $0x34, v11;
	v14 =	vmax.f32 v14, v20;
	vm3 =	vmneg vm8  }
0xcf: {  	v23 =	vld.idx.msk [tilespmem:v53+s2+$0x0], $0xffff;
	v18 =	vmax.f32 v14, v21;
	v21 =	vimm.s32 $0x0;
	v9 =	vnsel vm3, $0x7, v9  }
0xd0: {  	v16 =	vld.idx.msk [tilespmem:v16+s2+$0x0], $0xffff;
	vm0 =	vmand vm0, vm3;
	v54 =	vnsel vm3, $0xBF800000, v39;
	vm9 =	veq.s32 v9, $0x0  }
0xd1: {  	v17 =	vld.idx.msk [tilespmem:v17+s2+$0x0], $0xffff;
	vm10 =	veq.s32 v9, $0x1;
	vm11 =	veq.s32 v9, $0x2;
	vm12 =	veq.s32 v9, $0x3  }
0xd2: {  	v39 =	vld.idx.msk [tilespmem:v57+s2+$0x0], $0xffff;
	v53 =	vsel vm0, $0xBF800000, v38;
	v46 =	vsel vm9, $0xBF800000, v31;
	v47 =	vsel vm10, $0xBF800000, v30  }
0xd3: {  	v38 =	vld.idx.msk [tilespmem:v56+s2+$0x0], $0xffff;
	v49 =	vsel vm12, $0xBF800000, v4;
	v4 =	vor.u32 $0x18, v11;
	vm13 =	vgt.f32 v47, v46  }
0xd4: {  	vm14 =	veq.s32 v9, $0x4;
	v30 =	vld.idx.msk [tilespmem:v61+s2+$0x0], $0xffff;
	v48 =	vsel vm11, $0xBF800000, v32;
	v55 =	vsel vm13, v47, v46  }
0xd5: {  	vm6 =	veq.s32 v9, $0x5;
	v56 =	vor.u32 $0x20, v11;
	v31 =	vld.idx.msk [tilespmem:v62+s2+$0x0], $0xffff;
	vm15 =	vgt.f32 v48, v55  }
0xd6: {  	vm0 =	vgt.f32 v10, v45;
	v32 =	vld.idx.msk [tilespmem:v63+s2+$0x0], $0xffff;
	v51 =	vsel vm14, $0xBF800000, v34;
	v58 =	vsel vm15, v48, v55  }
0xd7: {  	v34 =	vld.idx.msk [tilespmem:v2+s2+$0x0], $0xffff;
	v52 =	vsel vm6, $0xBF800000, v36;
	v61 =	vor.u32 $0x1F, v11;
	vm9 =	vgt.f32 v49, v58  }
0xd8: {  	v62 =	vimm.s32 $0x0;
	v37 =	vld.idx.msk [tilespmem:v4+s2+$0x0], $0xffff;
	v4 =	vor.u32 $0x1D, v11;
	v44 =	vsel vm9, v49, v58  }
0xd9: {  	v43 =	vld.idx.msk [tilespmem:v60+s2+$0x0], $0xffff;
	v60 =	vor.u32 $0x25, v11;
	v58 =	vor.u32 $0x21, v11;
	vm10 =	vgt.f32 v51, v44  }
0xda: {  	v36 =	vld.idx.msk [tilespmem:v3+s2+$0x0], $0xffff;
	v2 =	vor.u32 $0x26, v11;
	v63 =	vsel vm13, $0x1, v62;
	v44 =	vsel vm10, v51, v44  }
0xdb: {  	v3 =	vor.u32 $0x27, v11;
	v0 =	vld.idx.msk [tilespmem:v0+s2+$0x0], $0xffff;
	v57 =	vsel vm15, $0x2, v63;
	vm11 =	vgt.f32 v52, v44  }
0xdc: {  	v62 =	vor.u32 $0x29, v11;
	v55 =	vld.idx.msk [tilespmem:v1+s2+$0x0], $0xffff;
	v57 =	vsel vm9, $0x3, v57;
	v44 =	vsel vm11, v52, v44  }
0xdd: {  	v63 =	vor.u32 $0x2B, v11;
	v57 =	vsel vm10, $0x4, v57;
	v42 =	vld.idx.msk [tilespmem:v4+s2+$0x0], $0xffff;
	vm3 =	vgt.f32 v53, v44  }
0xde: {  	v1 =	vor.u32 $0x2F, v11;
	v57 =	vsel vm11, $0x5, v57;
	v45 =	vld.idx.msk [tilespmem:v58+s2+$0x0], $0xffff;
	v44 =	vsel vm3, v53, v44  }
0xdf: {  	v4 =	vor.u32 $0x2D, v11;
	v58 =	vld.idx.msk [tilespmem:v59+s2+$0x0], $0xffff;
	v59 =	vor.u32 $0x2C, v11;
	vm12 =	vgt.f32 v54, v44  }
0xe0: {  	v57 =	vsel vm3, $0x6, v57;
	v44 =	vld.idx.msk [tilespmem:v61+s2+$0x0], $0xffff;
	v61 =	vor.u32 $0x28, v11;
	vm13 =	vmneg vm12  }
0xe1: {  	v10 =	vnsel vm13, $0x7, v57;
	v57 =	vld.idx.msk [tilespmem:v2+s2+$0x0], $0xffff;
	vm11 =	vmand vm3, vm13;
	v54 =	vnsel vm13, $0xBF800000, v54  }
0xe2: {  	v2 =	vld.idx.msk [tilespmem:v15+s2+$0x0], $0xffff;
	v15 =	vor.u32 $0x36, v11;
	vm14 =	veq.s32 v10, $0x0;
	vm15 =	veq.s32 v10, $0x1  }
0xe3: {  	v56 =	vld.idx.msk [tilespmem:v56+s2+$0x0], $0xffff;
	vm9 =	veq.s32 v10, $0x2;
	vm7 =	veq.s32 v10, $0x3;
	vm8 =	veq.s32 v10, $0x4  }
0xe4: {  	v4 =	vld.idx.msk [tilespmem:v4+s2+$0x0], $0xffff;
	vm10 =	veq.s32 v10, $0x5;
	v46 =	vsel vm14, $0xBF800000, v46;
	v47 =	vsel vm15, $0xBF800000, v47  }
0xe5: {  	v59 =	vld.idx.msk [tilespmem:v59+s2+$0x0], $0xffff;
	v53 =	vsel vm11, $0xBF800000, v53;
	v48 =	vsel vm9, $0xBF800000, v48;
	vm5 =	vgt.f32 v47, v46  }
0xe6: {  	v49 =	vsel vm7, $0xBF800000, v49;
	v46 =	vsel vm5, v47, v46;
	v47 =	vld.idx.msk [tilespmem:v60+s2+$0x0], $0xffff;
	v60 =	vor.u32 $0x2A, v11  }
0xe7: {  	v61 =	vld.idx.msk [tilespmem:v61+s2+$0x0], $0xffff;
	v14 =	vsel vm5, $0x1, v21;
	v21 =	vmax.f32 v26, v27;
	vm6 =	vgt.f32 v48, v46  }
0xe8: {  	v26 =	vor.u32 $0x39, v11;
	v21 =	vmax.f32 v21, v28;
	v46 =	vsel vm6, v48, v46;
	v48 =	vld.idx.msk [tilespmem:v3+s2+$0x0], $0xffff  }
0xe9: {  	v51 =	vsel vm8, $0xBF800000, v51;
	v27 =	vor.u32 $0x3A, v11;
	v3 =	vld.idx.msk [tilespmem:v1+s2+$0x0], $0xffff;
	v21 =	vmax.f32 v21, v23  }
0xea: {  	v28 =	vmax.f32 v29, v30;
	vm7 =	vgt.f32 v49, v46;
	v20 =	vmax.f32 v21, v24;
	v24 =	vld.idx.msk [tilespmem:v22+s2+$0x0], $0xffff  }
0xeb: {  	v52 =	vsel vm10, $0xBF800000, v52;
	v23 =	vmax.f32 v28, v31;
	v46 =	vsel vm7, v49, v46;
	v49 =	vld.idx.msk [tilespmem:v62+s2+$0x0], $0xffff  }
0xec: {  	v1 =	vor.u32 $0x35, v11;
	v28 =	vor.u32 $0x3C, v11;
	v32 =	vmax.f32 v23, v32;
	v60 =	vld.idx.msk [tilespmem:v60+s2+$0x0], $0xffff  }
0xed: {  	v20 =	vmax.f32 v20, v25;
	v21 =	vmax.f32 v32, v33;
	vm8 =	vgt.f32 v51, v46;
	v25 =	vld.idx.msk [tilespmem:v26+s2+$0x0], $0xffff  }
0xee: {  	v22 =	vor.u32 $0x3D, v11;
	v21 =	vmax.f32 v21, v35;
	v35 =	vld.idx.msk [tilespmem:v27+s2+$0x0], $0xffff;
	v46 =	vsel vm8, v51, v46  }
0xef: {  	v14 =	vsel vm6, $0x2, v14;
	v62 =	vor.u32 $0x2E, v11;
	v51 =	vld.idx.msk [tilespmem:v63+s2+$0x0], $0xffff;
	vm1 =	vgt.f32 v52, v46  }
0xf0: {  	v14 =	vsel vm7, $0x3, v14;
	v19 =	vsel vm1, v52, v46;
	v46 =	vld.idx.msk [tilespmem:v15+s2+$0x0], $0xffff;
	v15 =	vor.u32 $0x3B, v11  }
0xf1: {  	v33 =	vlaneseq.u32;
	v26 =	vor.u32 $0x3E, v11;
	v23 =	vmax.f32 v21, v34;
	v1 =	vld.idx.msk [tilespmem:v1+s2+$0x0], $0xffff  }
0xf2: {  	v27 =	vor.u32 $0x3F, v11;
	v63 =	vor.u32 $0x30, v11;
	v23 =	vmax.f32 v23, v36;
	v36 =	vld.idx.msk [tilespmem:v28+s2+$0x0], $0xffff  }
0xf3: {  	v52 =	vor.u32 $0x37, v11;
	v11 =	vor.u32 s13, v33;
	v33 =	vmax.f32 v37, v38;
	v37 =	vld.idx.msk [tilespmem:v22+s2+$0x0], $0xffff  }
0xf4: {  	v20 =	vmax.f32 v20, v12;
	v14 =	vsel vm8, $0x4, v14;
	v28 =	vmax.f32 v56, v45;
	v62 =	vld.idx.msk [tilespmem:v62+s2+$0x0], $0xffff  }
0xf5: {  	vm12 =	vgt.f32 v20, v18;
	v28 =	vmax.f32 v28, v58;
	v34 =	vld.idx.msk [tilespmem:v15+s2+$0x0], $0xffff;
	v15 =	vshll.u32 v11, $0x6  }
0xf6: {  	v12 =	vmax.f32 v33, v39;
	v28 =	vmax.f32 v28, v50;
	v26 =	vld.idx.msk [tilespmem:v26+s2+$0x0], $0xffff;
	v21 =	vor.u32 $0x1, v15  }
0xf7: {  	v58 =	vmax.f32 v61, v49;
	vm2 =	vgt.f32 v53, v19;
	v38 =	vld.idx.msk [tilespmem:v27+s2+$0x0], $0xffff;
	v45 =	vor.u32 $0x2, v15  }
0xf8: {  	v12 =	vmax.f32 v12, v40;
	v28 =	vmax.f32 v28, v55;
	v63 =	vld.idx.msk [tilespmem:v63+s2+$0x0], $0xffff;
	v30 =	vor.u32 $0x3, v15  }
0xf9: {  	v24 =	vmax.f32 v24, v25;
	v12 =	vmax.f32 v12, v41;
	v52 =	vld.idx.msk [tilespmem:v52+s2+$0x0], $0xffff;
	v31 =	vor.u32 $0x4, v15  }
0xfa: {  	v29 =	vmax.f32 v28, v47;
	v24 =	vmax.f32 v24, v35;
	v50 =	vor.u32 $0x5, v15;
	v27 =	vld.idx.msk [tilespmem:v15+s2+$0x0], $0xffff  }
0xfb: {  	v12 =	vmax.f32 v12, v42;
	v56 =	vmax.f32 v29, v57;
	v55 =	vor.u32 $0x6, v15;
	v28 =	vld.idx.msk [tilespmem:v21+s2+$0x0], $0xffff  }
0xfc: {  	v12 =	vmax.f32 v12, v43;
	v40 =	vmax.f32 v56, v48;
	v57 =	vor.u32 $0x7, v15;
	v29 =	vld.idx.msk [tilespmem:v45+s2+$0x0], $0xffff  }
0xfd: {  	v39 =	vmax.f32 v12, v44;
	v61 =	vor.u32 $0x8, v15;
	v12 =	vmax.f32 v58, v60;
	v30 =	vld.idx.msk [tilespmem:v30+s2+$0x0], $0xffff  }
0xfe: {  	v44 =	vor.u32 $0xA, v15;
	v47 =	vor.u32 $0xC, v15;
	v48 =	vor.u32 $0xD, v15;
	v31 =	vld.idx.msk [tilespmem:v31+s2+$0x0], $0xffff  }
0xff: {  	v49 =	vor.u32 $0xE, v15;
	v56 =	vor.u32 $0x12, v15;
	v58 =	vor.u32 $0x14, v15;
	v32 =	vld.idx.msk [tilespmem:v50+s2+$0x0], $0xffff  }
0x100: {  	v60 =	vor.u32 $0x16, v15;
	v12 =	vmax.f32 v12, v51;
	v51 =	vsel vm12, v20, v18;
	v21 =	vld.idx.msk [tilespmem:v55+s2+$0x0], $0xffff  }
0x101: {  	v2 =	vmax.f32 v63, v2;
	v63 =	vor.u32 $0x9, v15;
	v12 =	vmax.f32 v12, v59;
	v22 =	vld.idx.msk [tilespmem:v57+s2+$0x0], $0xffff  }
0x102: {  	vm13 =	vgt.f32 v23, v51;
	v59 =	vor.u32 $0x15, v15;
	v2 =	vmax.f32 v2, v16;
	v33 =	vld.idx.msk [tilespmem:v61+s2+$0x0], $0xffff  }
0x103: {  	v4 =	vmax.f32 v12, v4;
	v25 =	vsel vm13, v23, v51;
	v2 =	vmax.f32 v2, v17;
	v16 =	vld.idx.msk [tilespmem:v44+s2+$0x0], $0xffff  }
0x104: {  	v4 =	vmax.f32 v4, v62;
	v24 =	vmax.f32 v24, v34;
	v0 =	vmax.f32 v2, v0;
	v2 =	vld.idx.msk [tilespmem:v47+s2+$0x0], $0xffff  }
0x105: {  	vm14 =	vgt.f32 v39, v25;
	v62 =	vor.u32 $0x17, v15;
	v24 =	vmax.f32 v24, v36;
	v36 =	vld.idx.msk [tilespmem:v49+s2+$0x0], $0xffff  }
0x106: {  	v45 =	vor.u32 $0xB, v15;
	v3 =	vmax.f32 v4, v3;
	v50 =	vor.u32 $0xF, v15;
	v34 =	vld.idx.msk [tilespmem:v56+s2+$0x0], $0xffff  }
0x107: {  	v55 =	vor.u32 $0x11, v15;
	v57 =	vor.u32 $0x13, v15;
	v25 =	vsel vm14, v39, v25;
	v49 =	vld.idx.msk [tilespmem:v60+s2+$0x0], $0xffff  }
0x108: {  	v61 =	vimm.s32 $0x0;
	v56 =	vor.u32 $0x1A, v15;
	v0 =	vmax.f32 v0, v1;
	v1 =	vld.idx.msk [tilespmem:v48+s2+$0x0], $0xffff  }
0x109: {  	v60 =	vor.u32 $0x1F, v15;
	v24 =	vmax.f32 v24, v37;
	vm15 =	vgt.f32 v40, v25;
	v4 =	vld.idx.msk [tilespmem:v63+s2+$0x0], $0xffff  }
0x10a: {  	v0 =	vmax.f32 v0, v46;
	v24 =	vmax.f32 v24, v26;
	v25 =	vsel vm15, v40, v25;
	v47 =	vld.idx.msk [tilespmem:v59+s2+$0x0], $0xffff  }
0x10b: {  	v63 =	vor.u32 $0x18, v15;
	v59 =	vor.u32 $0x1D, v15;
	v0 =	vmax.f32 v0, v52;
	v44 =	vld.idx.msk [tilespmem:v62+s2+$0x0], $0xffff  }
0x10c: {  	v52 =	vor.u32 $0x10, v15;
	v24 =	vmax.f32 v24, v38;
	vm8 =	vgt.f32 v3, v25;
	v42 =	vld.idx.msk [tilespmem:v45+s2+$0x0], $0xffff  }
0x10d: {  	v38 =	vsel vm12, $0x1, v61;
	v61 =	vor.u32 $0x21, v15;
	v25 =	vsel vm8, v3, v25;
	v37 =	vld.idx.msk [tilespmem:v50+s2+$0x0], $0xffff  }
0x10e: {  	v38 =	vsel vm13, $0x2, v38;
	v62 =	vsel vm2, v53, v19;
	v35 =	vld.idx.msk [tilespmem:v55+s2+$0x0], $0xffff;
	vm4 =	vgt.f32 v0, v25  }
0x10f: {  	v45 =	vld.idx.msk [tilespmem:v57+s2+$0x0], $0xffff;
	v55 =	vor.u32 $0x19, v15;
	v57 =	vor.u32 $0x1B, v15;
	vm3 =	vgt.f32 v54, v62  }
0x110: {  	v48 =	vld.idx.msk [tilespmem:v56+s2+$0x0], $0xffff;
	v54 =	vor.u32 $0x20, v15;
	v62 =	vor.u32 $0x22, v15;
	v27 =	vmax.f32 v27, v28  }
0x111: {  	v56 =	vor.u32 $0x27, v15;
	v25 =	vsel vm4, v0, v25;
	v27 =	vmax.f32 v27, v29;
	v46 =	vld.idx.msk [tilespmem:v63+s2+$0x0], $0xffff  }
0x112: {  	vm9 =	vgt.f32 v24, v25;
	v63 =	vor.u32 $0x1E, v15;
	v50 =	vld.idx.msk [tilespmem:v59+s2+$0x0], $0xffff;
	v59 =	vor.u32 $0x26, v15  }
0x113: {  	v27 =	vmax.f32 v27, v30;
	v4 =	vmax.f32 v33, v4;
	v43 =	vld.idx.msk [tilespmem:v52+s2+$0x0], $0xffff;
	v52 =	vsel vm14, $0x3, v38  }
0x114: {  	v38 =	vld.idx.msk [tilespmem:v58+s2+$0x0], $0xffff;
	vm6 =	vmneg vm9;
	v58 =	vor.u32 $0x1C, v15;
	v27 =	vmax.f32 v27, v31  }
0x115: {  	v4 =	vmax.f32 v4, v16;
	v12 =	vsel vm15, $0x4, v52;
	v52 =	vor.u32 $0x24, v15  }
0x116: {  	v51 =	vld.idx.msk [tilespmem:v60+s2+$0x0], $0xffff;
	v24 =	vnsel vm6, $0xBF800000, v24;
	v27 =	vmax.f32 v27, v32;
	v12 =	vsel vm8, $0x5, v12  }
0x117: {  	v53 =	vld.idx.msk [tilespmem:v57+s2+$0x0], $0xffff;
	v57 =	vor.u32 $0x25, v15;
	v12 =	vsel vm4, $0x6, v12;
	vm4 =	vmand vm4, vm6  }
0x118: {  	v31 =	vld.idx.msk [tilespmem:v56+s2+$0x0], $0xffff;
	v56 =	vor.u32 $0x2C, v15;
	v12 =	vnsel vm6, $0x7, v12;
	v26 =	vsel vm4, $0xBF800000, v0  }
0x119: {  	v41 =	vld.idx.msk [tilespmem:v55+s2+$0x0], $0xffff;
	vm10 =	veq.s32 v12, $0x0;
	vm11 =	veq.s32 v12, $0x1;
	vm12 =	veq.s32 v12, $0x2  }
0x11a: {  	v30 =	vld.idx.msk [tilespmem:v59+s2+$0x0], $0xffff;
	vm13 =	veq.s32 v12, $0x3;
	v17 =	vsel vm10, $0xBF800000, v18;
	v19 =	vsel vm11, $0xBF800000, v20  }
0x11b: {  	v55 =	vld.idx.msk [tilespmem:v58+s2+$0x0], $0xffff;
	vm14 =	veq.s32 v12, $0x4;
	v18 =	vsel vm12, $0xBF800000, v23;
	vm10 =	vgt.f32 v19, v17  }
0x11c: {  	v23 =	vsel vm13, $0xBF800000, v39;
	v39 =	vld.idx.msk [tilespmem:v63+s2+$0x0], $0xffff;
	v63 =	vor.u32 $0x23, v15;
	v60 =	vsel vm10, v19, v17  }
0x11d: {  	vm15 =	veq.s32 v12, $0x5;
	v28 =	vld.idx.msk [tilespmem:v52+s2+$0x0], $0xffff;
	v52 =	vor.u32 $0x29, v15;
	vm12 =	vgt.f32 v18, v60  }
0x11e: {  	v20 =	vsel vm14, $0xBF800000, v40;
	v29 =	vld.idx.msk [tilespmem:v57+s2+$0x0], $0xffff;
	v57 =	vor.u32 $0x2A, v15;
	v0 =	vsel vm12, v18, v60  }
0x11f: {  	v58 =	vld.idx.msk [tilespmem:v61+s2+$0x0], $0xffff;
	v25 =	vsel vm15, $0xBF800000, v3;
	v60 =	vor.u32 $0x28, v15;
	vm13 =	vgt.f32 v23, v0  }
0x120: {  	v3 =	vld.idx.msk [tilespmem:v62+s2+$0x0], $0xffff;
	v62 =	vmax.f32 v4, v42;
	v42 =	vor.u32 $0x30, v15;
	v0 =	vsel vm13, v23, v0  }
0x121: {  	v21 =	vmax.f32 v27, v21;
	v59 =	vor.u32 $0x2B, v15;
	v40 =	vld.idx.msk [tilespmem:v63+s2+$0x0], $0xffff;
	vm7 =	vgt.f32 v20, v0  }
0x122: {  	v27 =	vor.u32 $0x32, v15;
	v21 =	vmax.f32 v21, v22;
	v33 =	vld.idx.msk [tilespmem:v52+s2+$0x0], $0xffff;
	v0 =	vsel vm7, v20, v0  }
0x123: {  	v61 =	vor.u32 $0x2E, v15;
	v16 =	vld.idx.msk [tilespmem:v57+s2+$0x0], $0xffff;
	v57 =	vor.u32 $0x2F, v15;
	vm14 =	vgt.f32 v25, v0  }
0x124: {  	v46 =	vmax.f32 v46, v41;
	v32 =	vld.idx.msk [tilespmem:v60+s2+$0x0], $0xffff;
	v60 =	vor.u32 $0x2D, v15;
	v0 =	vsel vm14, v25, v0  }
0x125: {  	v63 =	vimm.s32 $0x0;
	v41 =	vld.idx.msk [tilespmem:v42+s2+$0x0], $0xffff;
	v42 =	vor.u32 $0x35, v15;
	vm4 =	vgt.f32 v26, v0  }
0x126: {  	v4 =	vld.idx.msk [tilespmem:v59+s2+$0x0], $0xffff;
	v59 =	vsel vm10, $0x1, v63;
	v63 =	vor.u32 $0x34, v15;
	v0 =	vsel vm4, v26, v0  }
0x127: {  	vm9 =	vgt.f32 v24, v0;
	v0 =	vmax.f32 v62, v2;
	v2 =	vld.idx.msk [tilespmem:v56+s2+$0x0], $0xffff;
	v56 =	vor.u32 $0x31, v15  }
0x128: {  	v62 =	vmax.f32 v43, v35;
	v35 =	vld.idx.msk [tilespmem:v57+s2+$0x0], $0xffff;
	v57 =	vor.u32 $0x36, v15;
	v0 =	vmax.f32 v0, v1  }
0x129: {  	v1 =	vld.idx.msk [tilespmem:v60+s2+$0x0], $0xffff;
	v60 =	vor.u32 $0x37, v15;
	v32 =	vmax.f32 v32, v33;
	vm15 =	vmneg vm9  }
0x12a: {  	v0 =	vmax.f32 v0, v36;
	v36 =	vld.idx.msk [tilespmem:v61+s2+$0x0], $0xffff;
	v61 =	vor.u32 $0x33, v15;
	v16 =	vmax.f32 v32, v16  }
0x12b: {  	v54 =	vld.idx.msk [tilespmem:v54+s2+$0x0], $0xffff;
	v22 =	vmax.f32 v0, v37;
	v0 =	vmax.f32 v62, v34;
	v34 =	vmax.f32 v46, v48  }
0x12c: {  	v62 =	vor.u32 $0x38, v15;
	v37 =	vld.idx.msk [tilespmem:v63+s2+$0x0], $0xffff;
	v63 =	vor.u32 $0x39, v15;
	v4 =	vmax.f32 v16, v4  }
0x12d: {  	v0 =	vmax.f32 v0, v45;
	v34 =	vmax.f32 v34, v53;
	v45 =	vimm.s32 $0x0  }
0x12e: {  	vm11 =	vgt.f32 v22, v21;
	v0 =	vmax.f32 v0, v38;
	v34 =	vmax.f32 v34, v55  }
0x12f: {  	v56 =	vld.idx.msk [tilespmem:v56+s2+$0x0], $0xffff;
	v2 =	vmax.f32 v4, v2;
	v0 =	vmax.f32 v0, v47;
	v34 =	vmax.f32 v34, v50  }
0x130: {  	v38 =	vld.idx.msk [tilespmem:v60+s2+$0x0], $0xffff;
	v1 =	vmax.f32 v2, v1;
	v60 =	vsel vm12, $0x2, v59;
	vm12 =	vmand vm4, vm15  }
0x131: {  	v27 =	vld.idx.msk [tilespmem:v27+s2+$0x0], $0xffff;
	v0 =	vmax.f32 v0, v49;
	v34 =	vmax.f32 v34, v39;
	v49 =	vmax.f32 v54, v58  }
0x132: {  	v61 =	vld.idx.msk [tilespmem:v61+s2+$0x0], $0xffff;
	v54 =	vor.u32 $0x3B, v15;
	v1 =	vmax.f32 v1, v36;
	v36 =	vsel vm11, v22, v21  }
0x133: {  	v26 =	vsel vm12, $0xBF800000, v26;
	v0 =	vmax.f32 v0, v44;
	v34 =	vmax.f32 v34, v51  }
0x134: {  	v3 =	vmax.f32 v49, v3;
	v51 =	vor.u32 $0x3A, v15;
	v1 =	vmax.f32 v1, v35  }
0x135: {  	v53 =	vld.idx.msk [tilespmem:v62+s2+$0x0], $0xffff;
	v62 =	vsel vm1, $0x5, v14;
	v3 =	vmax.f32 v3, v40;
	v52 =	vmax.f32 v41, v56  }
0x136: {  	v42 =	vld.idx.msk [tilespmem:v42+s2+$0x0], $0xffff;
	v40 =	vsel vm11, $0x1, v45;
	v3 =	vmax.f32 v3, v28;
	v27 =	vmax.f32 v52, v27  }
0x137: {  	v50 =	vld.idx.msk [tilespmem:v57+s2+$0x0], $0xffff;
	v3 =	vmax.f32 v3, v29;
	v29 =	vsel vm13, $0x3, v60;
	v55 =	vmax.f32 v27, v61  }
0x138: {  	v27 =	vld.idx.msk [tilespmem:v63+s2+$0x0], $0xffff;
	v3 =	vmax.f32 v3, v30;
	v30 =	vor.u32 $0x3C, v15;
	v61 =	vsel vm0, $0x7, v13  }
0x139: {  	v28 =	vld.idx.msk [tilespmem:v54+s2+$0x0], $0xffff;
	v63 =	vsel vm7, $0x4, v29;
	v29 =	vsel vm2, $0x6, v62;
	v54 =	vor.u32 $0x2, v8  }
0x13a: {  	v56 =	vmax.f32 v55, v37;
	v58 =	vld.idx.msk [tilespmem:v51+s2+$0x0], $0xffff;
	v3 =	vmax.f32 v3, v31;
	v14 =	vsel vm14, $0x5, v63  }
0x13b: {  	v33 =	vsel vm3, $0x7, v29;
	vm14 =	vgt.f32 v0, v36;
	v55 =	vor.u32 $0x3, v8  }
0x13c: {  	v57 =	vmax.f32 v56, v42;
	v32 =	vsel vm4, $0x6, v14;
	v56 =	vshll.u32 v11, $0x3  }
0x13d: {  	v2 =	vmax.f32 v57, v50;
	v13 =	vnsel vm15, $0x7, v32;
	v59 =	vor.u32 $0x2, v56  }
0x13e: {  	v2 =	vmax.f32 v2, v38;
	vm5 =	veq.s32 v13, $0x0;
	v27 =	vmax.f32 v53, v27  }
0x13f: {  	vm6 =	veq.s32 v13, $0x1;
	v4 =	vmax.f32 v27, v58;
	v27 =	vor.u32 $0x3D, v15  }
0x140: {  	vm7 =	veq.s32 v13, $0x2;
	v4 =	vmax.f32 v4, v28;
	v28 =	vor.u32 $0x3E, v15  }
0x141: {  	v29 =	vld.idx.msk [tilespmem:v30+s2+$0x0], $0xffff;
	v30 =	vsel vm5, $0xBF800000, v17;
	v19 =	vsel vm6, $0xBF800000, v19;
	v15 =	vor.u32 $0x3F, v15  }
0x142: {  	vm8 =	veq.s32 v13, $0x3;
	vm9 =	veq.s32 v13, $0x4;
	vm13 =	vgt.f32 v19, v30  }
0x143: {  	vm10 =	veq.s32 v13, $0x5;
	v31 =	vsel vm7, $0xBF800000, v18;
	v37 =	vsel vm13, v19, v30  }
0x144: {  	v38 =	vnsel vm15, $0xBF800000, v24;
	v23 =	vsel vm8, $0xBF800000, v23;
	vm15 =	vgt.f32 v31, v37;
	v35 =	vld.idx.msk [tilespmem:v27+s2+$0x0], $0xffff  }
0x145: {  	v20 =	vsel vm9, $0xBF800000, v20;
	v17 =	vsel vm15, v31, v37;
	v27 =	vld.idx.msk [tilespmem:v28+s2+$0x0], $0xffff;
	v28 =	vsel vm14, v0, v36  }
0x146: {  	v25 =	vsel vm10, $0xBF800000, v25;
	vm9 =	vgt.f32 v23, v17;
	v15 =	vld.idx.msk [tilespmem:v15+s2+$0x0], $0xffff;
	vm8 =	vgt.f32 v34, v28  }
0x147: {  	v53 =	vor.u32 $0x1, v8;
	v17 =	vsel vm9, v23, v17;
	v39 =	vsel vm8, v34, v28  }
0x148: {  	v4 =	vmax.f32 v4, v29;
	vm12 =	vgt.f32 v20, v17;
	vm10 =	vgt.f32 v3, v39  }
0x149: {  	v17 =	vsel vm12, v20, v17;
	v4 =	vmax.f32 v4, v35;
	v24 =	vsel vm10, v3, v39  }
0x14a: {  	v4 =	vmax.f32 v4, v27;
	v27 =	vsel vm13, $0x1, v45;
	vm11 =	vgt.f32 v1, v24  }
0x14b: {  	v27 =	vsel vm15, $0x2, v27;
	v4 =	vmax.f32 v4, v15;
	v15 =	vsel vm14, $0x2, v40  }
0x14c: {  	v24 =	vsel vm11, v1, v24;
	vm14 =	vgt.f32 v25, v17;
	v27 =	vsel vm9, $0x3, v27  }
0x14d: {  	v15 =	vsel vm8, $0x3, v15;
	vm2 =	vgt.f32 v2, v24;
	v17 =	vsel vm14, v25, v17  }
0x14e: {  	v15 =	vsel vm10, $0x4, v15;
	v24 =	vsel vm2, v2, v24;
	v27 =	vsel vm12, $0x4, v27  }
0x14f: {  	vm1 =	vgt.f32 v26, v17;
	v15 =	vsel vm11, $0x5, v15;
	vm13 =	vgt.f32 v4, v24  }
0x150: {  	v41 =	vsel vm14, $0x5, v27;
	v17 =	vsel vm1, v26, v17;
	v15 =	vsel vm2, $0x6, v15  }
0x151: {  	vm3 =	vmneg vm13;
	v24 =	vsel vm1, $0x6, v41;
	vm10 =	vgt.f32 v38, v17  }
0x152: {  	v15 =	vnsel vm3, $0x7, v15;
	vm0 =	vmneg vm10;
	vm2 =	vmand vm2, vm3  }
0x153: {  	v4 =	vnsel vm3, $0xBF800000, v4;
	vm15 =	veq.s32 v15, $0x0;
	vm8 =	veq.s32 v15, $0x1  }
0x154: {  	vm9 =	veq.s32 v15, $0x2;
	v21 =	vsel vm15, $0xBF800000, v21;
	v22 =	vsel vm8, $0xBF800000, v22  }
0x155: {  	vm11 =	veq.s32 v15, $0x3;
	v42 =	vnsel vm0, $0x7, v24;
	vm4 =	vgt.f32 v22, v21  }
0x156: {  	vm13 =	veq.s32 v15, $0x4;
	v0 =	vsel vm9, $0xBF800000, v0;
	v27 =	vsel vm4, v22, v21  }
0x157: {  	v2 =	vsel vm2, $0xBF800000, v2;
	v18 =	vnsel vm0, $0xBF800000, v38;
	vm6 =	vgt.f32 v0, v27  }
0x158: {  	v43 =	vsel vm11, $0xBF800000, v34;
	vm12 =	veq.s32 v42, $0x0;
	v27 =	vsel vm6, v0, v27  }
0x159: {  	v3 =	vsel vm13, $0xBF800000, v3;
	vm14 =	veq.s32 v42, $0x1;
	vm8 =	vgt.f32 v43, v27  }
0x15a: {  	vm15 =	veq.s32 v15, $0x5;
	vm13 =	veq.s32 v42, $0x3;
	v27 =	vsel vm8, v43, v27  }
0x15b: {  	v28 =	vsel vm12, $0xBF800000, v30;
	v19 =	vsel vm14, $0xBF800000, v19;
	vm9 =	vgt.f32 v3, v27  }
0x15c: {  	v1 =	vsel vm15, $0xBF800000, v1;
	vm12 =	veq.s32 v42, $0x2;
	v27 =	vsel vm9, v3, v27  }
0x15d: {  	v23 =	vsel vm13, $0xBF800000, v23;
	vm15 =	veq.s32 v42, $0x4;
	vm7 =	vgt.f32 v1, v27  }
0x15e: {  	v29 =	vsel vm12, $0xBF800000, v31;
	v30 =	vsel vm4, $0x1, v45;
	v27 =	vsel vm7, v1, v27  }
0x15f: {  	v20 =	vsel vm15, $0xBF800000, v20;
	vm10 =	vgt.f32 v19, v28;
	vm2 =	vgt.f32 v2, v27  }
0x160: {  	v19 =	vsel vm10, v19, v28;
	v30 =	vsel vm6, $0x2, v30;
	v27 =	vsel vm2, v2, v27  }
0x161: {  	vm13 =	vgt.f32 v29, v19;
	vm14 =	vgt.f32 v4, v27;
	v27 =	vsel vm8, $0x3, v30  }
0x162: {  	v28 =	vsel vm10, $0x1, v45;
	v19 =	vsel vm13, v29, v19;
	v27 =	vsel vm9, $0x4, v27  }
0x163: {  	v28 =	vsel vm13, $0x2, v28;
	vm8 =	veq.s32 v42, $0x5;
	v27 =	vsel vm7, $0x5, v27  }
0x164: {  	vm9 =	vmand vm1, vm0;
	vm1 =	vmneg vm14;
	v27 =	vsel vm2, $0x6, v27  }
0x165: {  	v25 =	vsel vm8, $0xBF800000, v25;
	v26 =	vsel vm9, $0xBF800000, v26;
	v27 =	vnsel vm1, $0x7, v27  }
0x166: {  	vm9 =	vgt.f32 v23, v19;
	vm11 =	veq.s32 v27, $0x0;
	vm12 =	veq.s32 v27, $0x1  }
0x167: {  	v4 =	vnsel vm1, $0xBF800000, v4;
	v21 =	vsel vm11, $0xBF800000, v21;
	v22 =	vsel vm12, $0xBF800000, v22  }
0x168: {  	v19 =	vsel vm9, v23, v19;
	vm14 =	veq.s32 v27, $0x2;
	vm5 =	vgt.f32 v22, v21  }
0x169: {  	v44 =	vsel vm9, $0x3, v28;
	v0 =	vsel vm14, $0xBF800000, v0;
	v29 =	vsel vm5, v22, v21  }
0x16a: {  	vm2 =	vmand vm2, vm1;
	vm15 =	veq.s32 v27, $0x3;
	vm4 =	vgt.f32 v0, v29  }
0x16b: {  	vm10 =	veq.s32 v27, $0x4;
	v24 =	vsel vm15, $0xBF800000, v43;
	v29 =	vsel vm4, v0, v29  }
0x16c: {  	v2 =	vsel vm2, $0xBF800000, v2;
	v3 =	vsel vm10, $0xBF800000, v3;
	vm11 =	vgt.f32 v24, v29  }
0x16d: {  	vm12 =	veq.s32 v27, $0x5;
	vm15 =	vgt.f32 v20, v19;
	v28 =	vsel vm11, v24, v29  }
0x16e: {  	v1 =	vsel vm12, $0xBF800000, v1;
	v19 =	vsel vm15, v20, v19;
	vm13 =	vgt.f32 v3, v28  }
0x16f: {  	v23 =	vsel vm15, $0x4, v44;
	vm9 =	vgt.f32 v25, v19;
	v28 =	vsel vm13, v3, v28  }
0x170: {  	v19 =	vsel vm9, v25, v19;
	v29 =	vsel vm5, $0x1, v45;
	vm14 =	vgt.f32 v1, v28  }
0x171: {  	v23 =	vsel vm9, $0x5, v23;
	v29 =	vsel vm4, $0x2, v29;
	v28 =	vsel vm14, v1, v28  }
0x172: {  	v46 =	vsel vm11, $0x3, v29;
	v29 =	vld [tilespmem:$0x1FFD0];
	vm11 =	vgt.f32 v26, v19;
	vm2 =	vgt.f32 v2, v28  }
0x173: {  	v20 =	vsel vm13, $0x4, v46;
	v19 =	vsel vm11, v26, v19;
	v28 =	vsel vm2, v2, v28  }
0x174: {  	v23 =	vsel vm11, $0x6, v23;
	v20 =	vsel vm14, $0x5, v20;
	vm8 =	vgt.f32 v4, v28  }
0x175: {  	vm15 =	vgt.f32 v18, v19;
	v20 =	vsel vm2, $0x6, v20;
	vm1 =	vmneg vm8  }
0x176: {  	v58 =	vor.u32 $0x1, v56;
	v18 =	vsel vm15, $0x7, v23;
	v20 =	vnsel vm1, $0x7, v20  }
0x177: {  	v29 =	vshll.u32 v29, $0x3;
	vm10 =	veq.s32 v20, $0x0;
	vm12 =	veq.s32 v20, $0x1  }
0x178: {  	[tilespmem:v8+s8+$0x0] =	vst.idx.msk $0xffff, v12;
	v28 =	vor.u32 $0x1, v29;
	v21 =	vsel vm10, $0xBF800000, v21;
	v22 =	vsel vm12, $0xBF800000, v22  }
0x179: {  	v49 =	vld [tilespmem:$0x1FFE0];
	[tilespmem:v53+s8+$0x0] =	vst.idx.msk $0xffff, v13;
	v47 =	vor.u32 $0x2, v29;
	vm13 =	veq.s32 v20, $0x2;
	vm0 =	vgt.f32 v22, v21  }
0x17a: {  	[tilespmem:v56+s8+$0x0] =	vst.idx.msk $0xffff, v15;
	v30 =	vld [tilespmem:$0x1FFF0];
	v48 =	vor.u32 $0x3, v29;
	v0 =	vsel vm13, $0xBF800000, v0;
	v21 =	vsel vm0, v22, v21  }
0x17b: {  	[tilespmem:v54+s8+$0x0] =	vst.idx.msk $0xffff, v42;
	vm2 =	vmand vm2, vm1;
	vm8 =	veq.s32 v20, $0x3;
	vm14 =	vgt.f32 v0, v21  }
0x17c: {  	[tilespmem:v58+s8+$0x0] =	vst.idx.msk $0xffff, v27;
	vm9 =	veq.s32 v20, $0x4;
	v52 =	vsel vm8, $0xBF800000, v24;
	v0 =	vsel vm14, v0, v21  }
0x17d: {  	[tilespmem:v55+s8+$0x0] =	vst.idx.msk $0xffff, v18;
	v2 =	vsel vm2, $0xBF800000, v2;
	v3 =	vsel vm9, $0xBF800000, v3;
	vm11 =	vgt.f32 v52, v0  }
0x17e: {  	[tilespmem:v59+s8+$0x0] =	vst.idx.msk $0xffff, v20;
	vm10 =	veq.s32 v20, $0x5;
	v22 =	vshll.u32 v49, $0x3;
	v0 =	vsel vm11, v52, v0  }
0x17f: {  	[tilespmem:v29+s8+$0x0] =	vst.idx.msk $0xffff, v30;
	v1 =	vsel vm10, $0xBF800000, v1;
	v29 =	vor.u32 $0x1, v22;
	vm12 =	vgt.f32 v3, v0  }
0x180: {  	[tilespmem:v28+s8+$0x0] =	vst.idx.msk $0xffff, v5;
	v57 =	vsel vm0, $0x1, v45;
	v50 =	vor.u32 $0x2, v22;
	v0 =	vsel vm12, v3, v0  }
0x181: {  	s12 =	sadd.s32 $0x4, s12;
	[tilespmem:v47+s8+$0x0] =	vst.idx.msk $0xffff, v6;
	v51 =	vor.u32 $0x3, v22;
	v60 =	vsel vm14, $0x2, v57;
	vm13 =	vgt.f32 v1, v0  }
0x182: {  	p0 =	slt.u32 s12, $0x8;
	[tilespmem:v48+s8+$0x0] =	vst.idx.msk $0xffff, v61;
	v61 =	vor.u32 $0x3, v56;
	v8 =	vsel vm11, $0x3, v60;
	v0 =	vsel vm13, v1, v0  }
.Ltmp0:
0x183: {  	[tilespmem:v22+s8+$0x0] =	vst.idx.msk $0xffff, v7;
	v62 =	vsel vm12, $0x4, v8;
	vm14 =	vgt.f32 v2, v0;
	(pc) =	sbr.rel @p0 .LBB2_2-.Ltmp0, $4  }
0x184: {  	v4 =	vnsel vm1, $0xBF800000, v4;
	[tilespmem:v29+s8+$0x0] =	vst.idx.msk $0xffff, v9;
	v5 =	vsel vm13, $0x5, v62;
	v0 =	vsel vm14, v2, v0  }
0x185: {  	[tilespmem:v50+s8+$0x0] =	vst.idx.msk $0xffff, v10;
	v63 =	vsel vm14, $0x6, v5;
	vm15 =	vgt.f32 v4, v0  }
0x186: {  	[tilespmem:v51+s8+$0x0] =	vst.idx.msk $0xffff, v33;
	v0 =	vsel vm15, $0x7, v63  }
0x187: {  	s22 =	simm.s32 $0x1C0;
	s15 =	simm.s32 $0x38;
	s13 =	sadd.s32 $0x40, s13;
	v28 =	vlaneseq.u32;
	[tilespmem:v61+s8+$0x0] =	vst.idx.msk $0xffff, v0  }
0x188: {  	v2 =	vshrl.u32 v28, $0x3  }
0x189: {  	v3 =	vor.u32 $0x2, v2  }
0x18a: {  	v0 =	vor.u32 s15, v3;
	_ =	sdelay $0x1  }
0x18b: {  	s21 =	simm.s32 $0x0;
	v1 =	vor.u32 s15, v2  }
0x18c: {  	s16 =	simm.s32 $0x8;
	v12 =	vor.u32 s21, v2  }
0x18d: {  	v13 =	vor.u32 s16, v2  }
0x18e: {  	v4 =	vor.u32 s16, v3;
	v0 =	vld.idx.msk [tilespmem:v0+s8+$0x0], $0xffff  }
0x18f: {  	s19 =	simm.s32 $0x10;
	v5 =	vor.u32 s21, v3  }
0x190: {  	v15 =	vor.u32 s19, v2;
	v1 =	vld.idx.msk [tilespmem:v1+s8+$0x0], $0xffff  }
0x191: {  	s17 =	simm.s32 $0x18;
	v6 =	vor.u32 s19, v3;
	v12 =	vld.idx.msk [tilespmem:v12+s8+$0x0], $0xffff  }
0x192: {  	s18 =	simm.s32 $0x20;
	v7 =	vor.u32 s17, v3;
	v13 =	vld.idx.msk [tilespmem:v13+s8+$0x0], $0xffff  }
0x193: {  	s20 =	simm.s32 $0x28;
	v8 =	vor.u32 s18, v3;
	v10 =	vld.idx.msk [tilespmem:v4+s8+$0x0], $0xffff;
	v4 =	vand.u32 $0x7, v28;
	v0 =	vshll.u32 v0, $0x3  }
0x194: {  	v9 =	vor.u32 s20, v3;
	v5 =	vld.idx.msk [tilespmem:v5+s8+$0x0], $0xffff;
	v0 =	vor.u32 v4, v0  }
0x195: {  	s14 =	simm.s32 $0x30;
	v15 =	vld.idx.msk [tilespmem:v15+s8+$0x0], $0xffff;
	v1 =	vshll.u32 v1, $0x3;
	v14 =	vadd.s32 s22, v0  }
0x196: {  	v11 =	vor.u32 s14, v3;
	v6 =	vld.idx.msk [tilespmem:v6+s8+$0x0], $0xffff;
	v1 =	vor.u32 v4, v1  }
0x197: {  	v7 =	vld.idx.msk [tilespmem:v7+s8+$0x0], $0xffff;
	v16 =	vadd.s32 s22, v1  }
0x198: {  	v17 =	vor.u32 s17, v2;
	v8 =	vld.idx.msk [tilespmem:v8+s8+$0x0], $0xffff  }
0x199: {  	v18 =	vor.u32 s18, v2;
	v9 =	vld.idx.msk [tilespmem:v9+s8+$0x0], $0xffff;
	v5 =	vshll.u32 v5, $0x3  }
0x19a: {  	s12 =	simm.s32 $0x0;
	v19 =	vor.u32 s20, v2;
	v5 =	vor.u32 v4, v5;
	v14 =	vld.idx.msk [tilespmem:v14+s2+$0x0], $0xffff  }
0x19b: {  	v11 =	vld.idx.msk [tilespmem:v11+s8+$0x0], $0xffff;
	v10 =	vshll.u32 v10, $0x3;
	v21 =	vadd.s32 s12, v5  }
0x19c: {  	s13 =	simm.s32 $0x40;
	v20 =	vor.u32 s14, v2;
	v6 =	vshll.u32 v6, $0x3;
	v10 =	vor.u32 v4, v10;
	v16 =	vld.idx.msk [tilespmem:v16+s2+$0x0], $0xffff  }
0x19d: {  	s30 =	simm.s32 $0x80;
	v17 =	vld.idx.msk [tilespmem:v17+s8+$0x0], $0xffff;
	v7 =	vshll.u32 v7, $0x3;
	v6 =	vor.u32 v4, v6;
	v22 =	vadd.s32 s13, v10  }
0x19e: {  	s23 =	simm.s32 $0xC0;
	v18 =	vld.idx.msk [tilespmem:v18+s8+$0x0], $0xffff;
	v8 =	vshll.u32 v8, $0x3;
	v7 =	vor.u32 v4, v7;
	v23 =	vadd.s32 s30, v6  }
0x19f: {  	s24 =	simm.s32 $0x100;
	v19 =	vld.idx.msk [tilespmem:v19+s8+$0x0], $0xffff;
	v9 =	vshll.u32 v9, $0x3;
	v8 =	vor.u32 v4, v8;
	v24 =	vadd.s32 s23, v7;
	(xrf1) =	vsort.dscd.msk.f32 $0xffff, v14, v0  }
0x1a0: {  	s25 =	simm.s32 $0x140;
	v60 =	vshll.u32 v11, $0x3;
	v59 =	vor.u32 v4, v9;
	v61 =	vadd.s32 s24, v8;
	v21 =	vld.idx.msk [tilespmem:v21+s2+$0x0], $0xffff  }
0x1a1: {  	s26 =	simm.s32 $0x180;
	v12 =	vshll.u32 v12, $0x3;
	v9 =	vor.u32 v4, v60;
	v14 =	vld.idx.msk [tilespmem:v20+s8+$0x0], $0xffff;
	v20 =	vadd.s32 s25, v59;
	(xrf1) =	vsort.dscd.msk.f32 $0xffff, v16, v1  }
0x1a2: {  	v13 =	vshll.u32 v13, $0x3;
	v12 =	vor.u32 v4, v12;
	v62 =	vadd.s32 s26, v9;
	v16 =	vld.idx.msk [tilespmem:v22+s2+$0x0], $0xffff  }
0x1a3: {  	v15 =	vshll.u32 v15, $0x3;
	v13 =	vor.u32 v4, v13;
	v23 =	vld.idx.msk [tilespmem:v23+s2+$0x0], $0xffff;
	v22 =	vadd.s32 s12, v12  }
0x1a4: {  	v17 =	vshll.u32 v17, $0x3;
	v15 =	vor.u32 v4, v15;
	v25 =	vadd.s32 s13, v13;
	v24 =	vld.idx.msk [tilespmem:v24+s2+$0x0], $0xffff  }
0x1a5: {  	v18 =	vshll.u32 v18, $0x3;
	v17 =	vor.u32 v4, v17;
	v26 =	vadd.s32 s30, v15;
	v11 =	vld.idx.msk [tilespmem:v61+s2+$0x0], $0xffff  }
0x1a6: {  	v18 =	vor.u32 v4, v18;
	v27 =	vadd.s32 s23, v17;
	(xrf1) =	vsort.dscd.msk.f32 $0xffff, v21, v5;
	v20 =	vld.idx.msk [tilespmem:v20+s2+$0x0], $0xffff  }
0x1a7: {  	v1 =	vld.idx.msk [tilespmem:v62+s2+$0x0], $0xffff;
	v5 =	vadd.s32 s24, v18;
	(xrf1) =	vsort.dscd.msk.f32 $0xffff, v16, v10  }
0x1a8: {  	v63 =	vld.idx.msk [tilespmem:v22+s2+$0x0], $0xffff;
	(xrf1) =	vsort.dscd.msk.f32 $0xffff, v23, v6  }
0x1a9: {  	v6 =	vld.idx.msk [tilespmem:v25+s2+$0x0], $0xffff;
	(xrf1) =	vsort.dscd.msk.f32 $0xffff, v24, v7  }
0x1aa: {  	v7 =	vld.idx.msk [tilespmem:v26+s2+$0x0], $0xffff;
	(xrf1) =	vsort.dscd.msk.f32 $0xffff, v11, v8  }
0x1ab: {  	v33 =	vmul.u32 $0xFFFFFFFF, v28;
	v32 =	vld.idx.msk [tilespmem:v27+s2+$0x0], $0xffff;
	(xrf1) =	vsort.dscd.msk.f32 $0xffff, v20, v59  }
0x1ac: {  	v34 =	vld.idx.msk [tilespmem:v5+s2+$0x0], $0xffff;
	(xrf1) =	vsort.dscd.msk.f32 $0xffff, v1, v9  }
0x1ad: {  	v5 =	vadd.s32 $0xF, v33;
	(xrf1) =	vsort.dscd.msk.f32 $0xffff, v63, v12;
	v36, v37, _ =	vpop (xrf1)  }
0x1ae: {  	v35 =	vshll.u32 v19, $0x3;
	(xrf1) =	vsort.dscd.msk.f32 $0xffff, v6, v13;
	v9 =	vperm.xlane v36, v5  }
0x1af: {  	v1 =	vor.u32 v4, v35;
	v6 =	vshll.u32 v14, $0x3;
	(xrf1) =	vsort.dscd.msk.f32 $0xffff, v7, v15;
	v10 =	vperm.xlane v37, v5;
	v7, v12, _ =	vpop (xrf1)  }
0x1b0: {  	v38 =	vadd.s32 s25, v1;
	v6 =	vor.u32 v4, v6;
	(xrf1) =	vsort.dscd.msk.f32 $0xffff, v32, v17;
	vm0 =	vge.f32 v7, v9  }
0x1b1: {  	v39 =	vadd.s32 s26, v6;
	(xrf1) =	vsort.dscd.msk.f32 $0xffff, v34, v18;
	v7 =	vsel vm0, v7, v9;
	v40 =	vsel vm0, v12, v10  }
0x1b2: {  	(xrf1) =	vsort.dscd.msk.f32 $0xffff, v7, v40;
	_ =	sdelay $0x1  }
0x1b3: {  	v7, v9, _ =	vpop (xrf1)  }
0x1b4: {  	v41 =	vld.idx.msk [tilespmem:v38+s2+$0x0], $0xffff;
	v42, v43, _ =	vpop (xrf1)  }
0x1b5: {  	v8 =	vld.idx.msk [tilespmem:v39+s2+$0x0], $0xffff;
	v12, v13, _ =	vpop (xrf1)  }
0x1b6: {  	v14, v15, _ =	vpop (xrf1)  }
0x1b7: {  	v44 =	vperm.xlane v7, v5;
	v16, v17, _ =	vpop (xrf1)  }
0x1b8: {  	v45 =	vperm.xlane v9, v5;
	v19 =	vperm.xlane v42, v5;
	v7, v46, _ =	vpop (xrf1)  }
0x1b9: {  	(xrf1) =	vsort.dscd.msk.f32 $0xffff, v41, v1;
	v11 =	vperm.xlane v43, v5;
	v48 =	vperm.xlane v13, v5;
	v47, v20, _ =	vpop (xrf1)  }
0x1ba: {  	s22 =	simm.s32 $0x48;
	(xrf1) =	vsort.dscd.msk.f32 $0xffff, v8, v6;
	v6 =	vperm.xlane v12, v5;
	v14 =	vperm.xlane v14, v5;
	v12, v13, _ =	vpop (xrf1)  }
0x1bb: {  	v50 =	vor.u32 s22, v3;
	s12 =	simm.s32 $0x78;
	v15 =	vperm.xlane v15, v5;
	v16 =	vperm.xlane v16, v5;
	v21, v22, _ =	vpop (xrf1)  }
0x1bc: {  	v27 =	vor.u32 s12, v3;
	v17 =	vperm.xlane v17, v5;
	v7 =	vperm.xlane v7, v5;
	v23, v24, _ =	vpop (xrf1)  }
0x1bd: {  	v9 =	vperm.xlane v46, v5;
	v28 =	vperm.xlane v47, v5;
	vm0 =	vge.f32 v12, v44;
	v25, v26, _ =	vpop (xrf1)  }
0x1be: {  	v0 =	vsel vm0, v12, v44;
	v1 =	vsel vm0, v13, v45;
	v13 =	vor.u32 s12, v2;
	v12, v29, _ =	vpop (xrf1)  }
0x1bf: {  	s29 =	simm.s32 $0x40;
	v51 =	vperm.xlane v20, v5;
	vm0 =	vmmov $0xff;
	vm1 =	vge.f32 v21, v19;
	(xrf1) =	vsort.dscd.msk.f32 $0xffff, v0, v1;
	v49, v18, _ =	vpop (xrf1)  }
0x1c0: {  	s25 =	simm.s32 $0x50;
	v20 =	vor.u32 s29, v3;
	v19 =	vsel vm1, v21, v19;
	v10 =	vnsel vm0, $0x0, v49  }
0x1c1: {  	s24 =	simm.s32 $0x70;
	s26 =	simm.s32 $0x58;
	v11 =	vsel vm1, v22, v11;
	vm1 =	vge.f32 v23, v6;
	v21 =	vor.u32 s25, v3;
	v22 =	vld.idx.msk [tilespmem:v27+s8+$0x0], $0xffff;
	(xrf2) =	vadd.scan.msk.f32 $0xffff, v10  }
0x1c2: {  	s28 =	simm.s32 $0x60;
	v27 =	vor.u32 s24, v3;
	v6 =	vsel vm1, v23, v6;
	v23 =	vor.u32 s26, v3  }
0x1c3: {  	s23 =	simm.s32 $0x68;
	vm2 =	vge.f32 v25, v14;
	v8 =	vsel vm1, v24, v48;
	v24 =	vor.u32 s28, v3;
	v13 =	vld.idx.msk [tilespmem:v13+s8+$0x0], $0xffff  }
0x1c4: {  	v0 =	vld.idx.msk [tilespmem:v50+s8+$0x0], $0xffff;
	v14 =	vsel vm2, v25, v14;
	vm1 =	vge.f32 v12, v16;
	v25 =	vor.u32 s23, v3;
	[tilespmem:$0x1FF70] =	vst v3  }
0x1c5: {  	(xrf1) =	vsort.dscd.msk.f32 $0xffff, v19, v11;
	v15 =	vsel vm2, v26, v15;
	v12 =	vsel vm1, v12, v16;
	v20 =	vld.idx.msk [tilespmem:v20+s8+$0x0], $0xffff  }
0x1c6: {  	(xrf1) =	vsort.dscd.msk.f32 $0xffff, v6, v8;
	v17 =	vsel vm1, v29, v17;
	v29 =	vor.u32 s29, v2;
	v21 =	vld.idx.msk [tilespmem:v21+s8+$0x0], $0xffff;
	v22 =	vshll.u32 v22, $0x3  }
0x1c7: {  	s13 =	simm.s32 $0x3C0;
	v6 =	vor.u32 s25, v2;
	(xrf1) =	vsort.dscd.msk.f32 $0xffff, v14, v15;
	v14 =	vor.u32 s26, v2;
	v23 =	vld.idx.msk [tilespmem:v23+s8+$0x0], $0xffff;
	v22 =	vor.u32 v4, v22  }
0x1c8: {  	v15 =	vor.u32 s28, v2;
	(xrf1) =	vsort.dscd.msk.f32 $0xffff, v12, v17;
	v16, v26, _ =	vpop (xrf1);
	v52 =	vld.idx.msk [tilespmem:v24+s8+$0x0], $0xffff;
	v19 =	vadd.s32 s13, v22;
	v13 =	vshll.u32 v13, $0x3  }
0x1c9: {  	v0 =	vshll.u32 v0, $0x3;
	vm1 =	vge.f32 v16, v7;
	v53 =	vld.idx.msk [tilespmem:v25+s8+$0x0], $0xffff;
	v13 =	vor.u32 v4, v13  }
0x1ca: {  	v30, v31, _ =	vpop (xrf1);
	v7 =	vsel vm1, v16, v7;
	v9 =	vsel vm1, v26, v9;
	v26 =	vld.idx.msk [tilespmem:v27+s8+$0x0], $0xffff;
	v27 =	vadd.s32 s13, v13  }
0x1cb: {  	v12 =	vor.u32 s23, v2;
	v0 =	vor.u32 v4, v0;
	v16 =	vor.u32 s22, v2;
	v29 =	vld.idx.msk [tilespmem:v29+s8+$0x0], $0xffff;
	[tilespmem:$0x1FF80] =	vst v2;
	v24, _, _ =	vpop (xrf2)  }
0x1cc: {  	v17 =	vor.u32 s24, v2;
	v55 =	vadd.s32 s1, v0;
	vm2 =	vge.f32 v30, v28;
	v6 =	vld.idx.msk [tilespmem:v6+s8+$0x0], $0xffff  }
0x1cd: {  	(xrf1) =	vsort.dscd.msk.f32 $0xffff, v7, v9;
	v25 =	vsel vm2, v30, v28;
	v54 =	vshll.u32 v20, $0x3;
	v19 =	vld.idx.msk [tilespmem:v19+s2+$0x0], $0xffff;
	v28 =	vbroadcast v24, $0xF;
	v7, v24, _ =	vpop (xrf1)  }
0x1ce: {  	v14 =	vld.idx.msk [tilespmem:v14+s8+$0x0], $0xffff;
	v1 =	vsel vm2, v31, v51;
	v20 =	vnsel vm0, $0x0, v7;
	v7 =	vor.u32 v4, v54  }
0x1cf: {  	v56 =	vshll.u32 v21, $0x3;
	(xrf1) =	vsort.dscd.msk.f32 $0xffff, v25, v1;
	v11 =	vshll.u32 v52, $0x3;
	v25 =	vld.idx.msk [tilespmem:v27+s2+$0x0], $0xffff;
	v21 =	vadd.s32 s31, v7  }
0x1d0: {  	s0 =	simm.s32 $0x280;
	v57 =	vshll.u32 v23, $0x3;
	v11 =	vor.u32 v4, v11;
	v16 =	vld.idx.msk [tilespmem:v16+s8+$0x0], $0xffff;
	v27 =	vor.u32 v4, v56  }
0x1d1: {  	v58 =	vld.idx.msk [tilespmem:v15+s8+$0x0], $0xffff;
	(erf) = vrcp.f32 v28;
	v23 =	vadd.s32 s0, v27;
	v28 =	vor.u32 v4, v57;
	(xrf2) =	vadd.scan.msk.f32 $0xffff, v20  }
0x1d2: {  	v17 =	vld.idx.msk [tilespmem:v17+s8+$0x0], $0xffff;
	v8 =	vshll.u32 v53, $0x3;
	v15 =	vshll.u32 v26, $0x3;
	(xrf1) =	vsort.dscd.msk.f32 $0xffff, v19, v22;
	v26 =	vadd.s32 s3, v28  }
0x1d3: {  	v30 =	vld.idx.msk [tilespmem:v12+s8+$0x0], $0xffff;
	v59 =	vadd.s32 s4, v11;
	v19 =	vor.u32 v4, v8  }
0x1d4: {  	s30 =	simm.s32 $0x380;
	v12 =	vshll.u32 v29, $0x3;
	v15 =	vor.u32 v4, v15;
	v22 =	vadd.s32 s5, v19;
	(xrf1) =	vsort.dscd.msk.f32 $0xffff, v25, v13;
	v21 =	vld.idx.msk [tilespmem:v21+s2+$0x0], $0xffff  }
0x1d5: {  	v1 =	vld.idx.msk [tilespmem:v55+s2+$0x0], $0xffff;
	v16 =	vshll.u32 v16, $0x3;
	v13 =	vadd.s32 s30, v15;
	v25 =	vor.u32 v4, v12  }
0x1d6: {  	v6 =	vshll.u32 v6, $0x3;
	v32, v60, _ =	vpop (xrf1);
	v29 =	vor.u32 v4, v16;
	v16 =	vadd.s32 s31, v25;
	v23 =	vld.idx.msk [tilespmem:v23+s2+$0x0], $0xffff  }
0x1d7: {  	v33 =	vor.u32 v4, v6;
	v32 =	vnsel vm0, $0x0, v32;
	v31 =	vadd.s32 s1, v29;
	v26 =	vld.idx.msk [tilespmem:v26+s2+$0x0], $0xffff  }
0x1d8: {  	v6 =	vshll.u32 v58, $0x3;
	v34 =	vadd.s32 s0, v33;
	v8 =	vld.idx.msk [tilespmem:v59+s2+$0x0], $0xffff;
	(xrf2) =	vadd.scan.msk.f32 $0xffff, v32  }
0x1d9: {  	v14 =	vshll.u32 v14, $0x3;
	v37, v58, _ =	vpop (xrf1);
	v22 =	vld.idx.msk [tilespmem:v22+s2+$0x0], $0xffff;
	(xrf1) =	vsort.dscd.msk.f32 $0xffff, v21, v7  }
0x1da: {  	v35 =	vor.u32 v4, v14;
	v14 =	vshll.u32 v30, $0x3;
	v9, v54, _ =	vpop (xrf1);
	v30 =	vld.idx.msk [tilespmem:v13+s2+$0x0], $0xffff;
	(xrf1) =	vsort.dscd.msk.f32 $0xffff, v1, v0  }
0x1db: {  	v36 =	vadd.s32 s3, v35;
	v38 =	vor.u32 v4, v6;
	v39 =	vld.idx.msk [tilespmem:v16+s2+$0x0], $0xffff;
	v6, _, _ =	vpop (xrf2);
	(xrf1) =	vsort.dscd.msk.f32 $0xffff, v23, v27  }
0x1dc: {  	v31 =	vld.idx.msk [tilespmem:v31+s2+$0x0], $0xffff;
	v21 =	vadd.s32 s4, v38;
	v13 =	vbroadcast v6, $0xF;
	v27, v53, _ =	vpop (xrf1);
	(xrf1) =	vsort.dscd.msk.f32 $0xffff, v26, v28  }
0x1dd: {  	v45 =	vor.u32 v4, v14;
	v26 =	vpop (erf);
	v28 =	vld.idx.msk [tilespmem:v34+s2+$0x0], $0xffff;
	(xrf1) =	vsort.dscd.msk.f32 $0xffff, v8, v11  }
0x1de: {  	v61 =	vor.u32 s19, v4;
	v23 =	vadd.s32 s5, v45;
	(erf) = vrcp.f32 v13;
	v46, v55, _ =	vpop (xrf1);
	(xrf1) =	vsort.dscd.msk.f32 $0xffff, v22, v19  }
0x1df: {  	v62 =	vor.u32 s16, v4;
	v63 =	vor.u32 s29, v4;
	v41 =	vor.u32 s21, v4;
	v19, v47, _ =	vpop (xrf1);
	(xrf1) =	vsort.dscd.msk.f32 $0xffff, v30, v15  }
0x1e0: {  	v42 =	vor.u32 s15, v4;
	v36 =	vld.idx.msk [tilespmem:v36+s2+$0x0], $0xffff;
	[tilespmem:$0x1FF90] =	vst v47;
	v15 =	vshll.u32 v17, $0x3;
	(xrf1) =	vsort.dscd.msk.f32 $0xffff, v39, v25;
	v17, v25, _ =	vpop (xrf1)  }
0x1e1: {  	v40 =	vmul.f32 $2.500000000e+00, v10;
	v37 =	vnsel vm0, $0x0, v37;
	v21 =	vld.idx.msk [tilespmem:v21+s2+$0x0], $0xffff;
	v17 =	vperm.xlane v17, v5;
	(xrf1) =	vsort.dscd.msk.f32 $0xffff, v31, v29  }
0x1e2: {  	v56 =	vor.u32 s17, v4;
	v14 =	vor.u32 s18, v4;
	v49 =	vmul.f32 $2.500000000e+00, v37;
	(xrf1) =	vsort.dscd.msk.f32 $0xffff, v28, v33;
	v28, v29, _ =	vpop (xrf1)  }
0x1e3: {  	v0 =	vnsel vm0, $0x0, v9;
	v48 =	vor.u32 v4, v15;
	v15 =	vld.idx.msk [tilespmem:v23+s2+$0x0], $0xffff;
	vm1 =	vge.f32 v28, v17  }
0x1e4: {  	v23 =	vadd.s32 s30, v48;
	v25 =	vperm.xlane v25, v5;
	v17 =	vsel vm1, v28, v17  }
0x1e5: {  	v50 =	vmul.f32 $2.500000000e+00, v0;
	v43 =	vnsel vm0, $0x0, v27;
	v27 =	vmul.f32 $2.500000000e+00, v20;
	(xrf1) =	vsort.dscd.msk.f32 $0xffff, v36, v35  }
0x1e6: {  	v26 =	vmul.f32 v26, v40;
	[tilespmem:$0x1FFA0] =	vst v49;
	v25 =	vsel vm1, v29, v25;
	v28, _, _ =	vpop (xrf2);
	(xrf1) =	vsort.dscd.msk.f32 $0xffff, v21, v38  }
0x1e7: {  	[tilespmem:$0x1FFB0] =	vst v50;
	v31 =	vmul.f32 $2.500000000e+00, v32;
	v32 =	vmul.f32 $2.500000000e+00, v43;
	(xrf1) =	vsort.dscd.msk.f32 $0xffff, v17, v25;
	v17 =	vpop (erf)  }
0x1e8: {  	v33 =	vnsel vm0, $0x0, v46;
	v36 =	vbroadcast v28, $0xF;
	v25 =	vnsel vm0, $0x0, v19;
	(xrf1) =	vsort.dscd.msk.f32 $0xffff, v15, v45;
	v57, v52, _ =	vpop (xrf1)  }
0x1e9: {  	v59 =	vor.u32 s20, v4;
	v30 =	vmul.f32 $2.500000000e+00, v33;
	v51 =	vld.idx.msk [tilespmem:v23+s2+$0x0], $0xffff;
	v29 =	vmul.f32 $2.500000000e+00, v25;
	v28, v2, _ =	vpop (xrf1)  }
0x1ea: {  	v19 =	vor.u32 s14, v4;
	[tilespmem:$0x1FFC0] =	vst v63;
	(erf) = vrcp.f32 v36;
	v27 =	vmul.f32 v17, v27;
	v9, v8, _ =	vpop (xrf1)  }
0x1eb: {  	v23 =	vor.u32 s22, v4;
	[tilespmem:v42+s9+$0x0] =	vst.idx.msk $0xff, v26;
	v34 =	vperm.xlane v57, v5;
	v44 =	vperm.xlane v52, v5;
	v26, v10, _ =	vpop (xrf1)  }
0x1ec: {  	v63 =	vor.u32 s25, v4;
	[tilespmem:v42+s10+$0x0] =	vst.idx.msk $0xff, v18;
	v45 =	vperm.xlane v28, v5;
	v46 =	vperm.xlane v2, v5;
	v11, v52, _ =	vpop (xrf1)  }
0x1ed: {  	v57 =	vor.u32 s26, v4;
	v42 =	vperm.xlane v9, v5;
	v47 =	vperm.xlane v8, v5;
	[tilespmem:v41+s9+$0x0] =	vst.idx.msk $0xff, v27;
	v8, v2, _ =	vpop (xrf1)  }
0x1ee: {  	v28 =	vor.u32 s28, v4;
	(xrf1) =	vsort.dscd.msk.f32 $0xffff, v51, v48;
	v1 =	vperm.xlane v26, v5;
	v48 =	vperm.xlane v10, v5;
	v9, v50, _ =	vpop (xrf1)  }
0x1ef: {  	v27 =	vor.u32 s24, v4;
	[tilespmem:v41+s10+$0x0] =	vst.idx.msk $0xff, v24;
	v49 =	vperm.xlane v11, v5;
	v40 =	vperm.xlane v52, v5;
	v24, v51, _ =	vpop (xrf1)  }
0x1f0: {  	v41 =	vperm.xlane v8, v5;
	v39 =	vperm.xlane v2, v5;
	vm1 =	vge.f32 v24, v34;
	v10, v52, _ =	vpop (xrf1)  }
0x1f1: {  	(xrf2) =	vadd.scan.msk.f32 $0xffff, v37;
	v24 =	vsel vm1, v24, v34;
	v37 =	vsel vm1, v51, v44;
	vm1 =	vge.f32 v10, v45  }
0x1f2: {  	(xrf2) =	vadd.scan.msk.f32 $0xffff, v0;
	v35 =	vperm.xlane v9, v5;
	v38 =	vperm.xlane v50, v5;
	v34, v11, _ =	vpop (xrf1);
	v0 =	vsel vm1, v10, v45  }
0x1f3: {  	v26 =	vor.u32 s23, v4;
	v8 =	vsel vm1, v52, v46;
	vm1 =	vge.f32 v34, v42;
	v10, v9, _ =	vpop (xrf1);
	(xrf1) =	vsort.dscd.msk.f32 $0xffff, v24, v37  }
0x1f4: {  	v34 =	vsel vm1, v34, v42;
	v42 =	vsel vm1, v11, v47;
	vm2 =	vge.f32 v10, v1;
	v11, v46, _ =	vpop (xrf1)  }
0x1f5: {  	(xrf2) =	vadd.scan.msk.f32 $0xffff, v43;
	v44 =	vsel vm2, v10, v1;
	v45 =	vsel vm2, v9, v48;
	vm1 =	vge.f32 v11, v49;
	v52, v37, _ =	vpop (xrf1)  }
0x1f6: {  	s15 =	simm.s32 $0x8;
	s14 =	simm.s32 $0x78;
	(xrf1) =	vsort.dscd.msk.f32 $0xffff, v0, v8;
	v24 =	vmov v4;
	v36 =	vsel vm1, v11, v49;
	v43 =	vnsel vm0, $0x0, v52;
	v48, v47, _ =	vpop (xrf1)  }
.LBB2_4:
0x1f7: {  	v2 =	vld [tilespmem:$0x1FF70];
	_ =	sdelay $0x1  }
0x1f8: {  	v6 =	vld [tilespmem:$0x1FF80];
	_ =	sdelay $0x1  }
0x1f9: {  	(xrf2) =	vadd.scan.msk.f32 $0xffff, v43;
	s12 =	sadd.s32 $0x40, s12  }
0x1fa: {  	v0 =	vsel vm1, v46, v40;
	v1, v40, _ =	vpop (xrf1);
	(xrf1) =	vsort.dscd.msk.f32 $0xffff, v34, v42;
	s21 =	sadd.s32 $0xFFFFFFD0, s12;
	v46 =	vor.u32 s12, v2  }
0x1fb: {  	(xrf1) =	vsort.dscd.msk.f32 $0xffff, v44, v45;
	v8 =	vor.u32 s21, v2  }
0x1fc: {  	s22 =	sadd.s32 $0xFFFFFFC8, s12;
	(xrf1) =	vsort.dscd.msk.f32 $0xffff, v36, v0;
	v36 =	vor.u32 s12, v6  }
0x1fd: {  	vm2 =	vge.f32 v48, v41;
	v9 =	vld [tilespmem:$0x1FF90];
	s19 =	sadd.s32 $0xFFFFFFD8, s12;
	v50 =	vor.u32 s22, v2  }
0x1fe: {  	[tilespmem:$0x1FF30] =	vst v57;
	v57 =	vsel vm2, v47, v39;
	s20 =	sadd.s32 $0xFFFFFFE0, s12;
	v47 =	vor.u32 s19, v2  }
0x1ff: {  	[tilespmem:$0x1FF20] =	vst v54;
	v41 =	vsel vm2, v48, v41;
	s18 =	sadd.s32 $0xFFFFFFE8, s12;
	v48 =	vor.u32 s20, v2;
	v46 =	vld.idx.msk [tilespmem:v46+s8+$0x0], $0xffff  }
0x200: {  	v10 =	vmovc v32;
	v11 =	vmovc v28;
	v18 =	vmul.f32 $2.500000000e+00, v43;
	s16 =	sadd.s32 $0xFFFFFFF0, s12;
	vm1 =	vge.f32 v1, v35;
	v49 =	vor.u32 s18, v2;
	v45 =	vld.idx.msk [tilespmem:v8+s8+$0x0], $0xffff  }
0x201: {  	[tilespmem:$0x1FF40] =	vst v53;
	s17 =	sadd.s32 $0xFFFFFFF8, s12;
	v1 =	vsel vm1, v1, v35;
	v42, _, _ =	vpop (xrf2);
	v51 =	vor.u32 s16, v2;
	v8 =	vmov v29;
	v29 =	vld.idx.msk [tilespmem:v36+s8+$0x0], $0xffff  }
0x202: {  	[tilespmem:$0x1FF00] =	vst v10;
	v35 =	vmov v56;
	v52 =	vor.u32 s17, v2;
	v3 =	vmov v9;
	v0 =	vpop (erf);
	v9 =	vld.idx.msk [tilespmem:v50+s8+$0x0], $0xffff  }
0x203: {  	v39 =	vmovc v14;
	v14 =	vmovc v23;
	v44 =	vor.u32 s21, v6;
	v22 =	vor.u32 s22, v6;
	v0 =	vmul.f32 v0, v31;
	v31 =	vld.idx.msk [tilespmem:v47+s8+$0x0], $0xffff  }
0x204: {  	(xrf1) =	vsort.dscd.msk.f32 $0xffff, v41, v57;
	v32 =	vor.u32 s19, v6;
	v53 =	vor.u32 s20, v6;
	v54 =	vor.u32 s18, v6;
	v41, _, _ =	vpop (xrf2);
	v10 =	vld.idx.msk [tilespmem:v48+s8+$0x0], $0xffff  }
0x205: {  	[tilespmem:$0x1FF50] =	vst v55;
	v55 =	vor.u32 s16, v6;
	v56 =	vor.u32 s17, v6;
	v6 =	vbroadcast v42, $0xF;
	v28, _, _ =	vpop (xrf2);
	v23 =	vld.idx.msk [tilespmem:v49+s8+$0x0], $0xffff  }
0x206: {  	[tilespmem:$0x1FEF0] =	vst v11;
	v2 =	vmov v27;
	v34 =	vbroadcast v41, $0xF;
	v41 =	vmov v30;
	v30, _, _ =	vpop (xrf2);
	v11 =	vld.idx.msk [tilespmem:v51+s8+$0x0], $0xffff  }
0x207: {  	[tilespmem:$0x1FF60] =	vst v3;
	v3 =	vsel vm1, v40, v38;
	v40 =	vmovc v26;
	(erf) = vrcp.f32 v6;
	v49 =	vld.idx.msk [tilespmem:v52+s8+$0x0], $0xffff;
	v26 =	vbroadcast v30, $0xF  }
0x208: {  	(xrf1) =	vsort.dscd.msk.f32 $0xffff, v1, v3;
	v28 =	vbroadcast v28, $0xF;
	(erf) = vrcp.f32 v34;
	v52 =	vld.idx.msk [tilespmem:v22+s8+$0x0], $0xffff;
	v48 =	vor.u32 s14, v24;
	v27, v42, _ =	vpop (xrf1)  }
0x209: {  	v32 =	vld.idx.msk [tilespmem:v32+s8+$0x0], $0xffff;
	(erf) = vrcp.f32 v26;
	v26 =	vnsel vm0, $0x0, v27;
	v30 =	vshll.u32 v46, $0x3  }
0x20a: {  	v16 =	vmovc v63;
	v38 =	vmovc v59;
	v53 =	vld.idx.msk [tilespmem:v53+s8+$0x0], $0xffff;
	v3 =	vshll.u32 v45, $0x3;
	v29 =	vshll.u32 v29, $0x3;
	v1 =	vshll.u32 v9, $0x3  }
0x20b: {  	s13 =	sadd.s32 $0x200, s13;
	v54 =	vld.idx.msk [tilespmem:v54+s8+$0x0], $0xffff;
	[tilespmem:v62+s9+$0x0] =	vst.idx.msk $0xff, v0;
	v22 =	vshll.u32 v31, $0x3;
	v0 =	vshll.u32 v10, $0x3;
	v30 =	vor.u32 v4, v30  }
0x20c: {  	(xrf2) =	vadd.scan.msk.f32 $0xffff, v33;
	v36 =	vmovc v19;
	v55 =	vld.idx.msk [tilespmem:v55+s8+$0x0], $0xffff;
	v11 =	vshll.u32 v11, $0x3;
	v29 =	vor.u32 v4, v29;
	v50 =	vadd.s32 s13, v30  }
0x20d: {  	s23 =	sadd.s32 $0xFFFFFF80, s13;
	v24 =	vmovc v4;
	[tilespmem:$0x1FF10] =	vst v8;
	v34 =	vmovc v58;
	v10 =	vshll.u32 v49, $0x3;
	v8 =	vor.u32 v4, v11;
	v31 =	vadd.s32 s13, v29  }
0x20e: {  	s24 =	sadd.s32 $0xFFFFFFC0, s13;
	[tilespmem:v62+s10+$0x0] =	vst.idx.msk $0xff, v60;
	v33, v19, _ =	vpop (xrf1);
	v27 =	vor.u32 v4, v3;
	v12 =	vor.u32 v4, v10;
	v10 =	vadd.s32 s23, v8  }
0x20f: {  	s30 =	sadd.s32 $0xFFFFFF00, s13;
	v59 =	vld.idx.msk [tilespmem:v44+s8+$0x0], $0xffff;
	v51, v47, _ =	vpop (xrf1);
	v1 =	vor.u32 v4, v1;
	v0 =	vor.u32 v4, v0;
	v11 =	vadd.s32 s24, v12  }
0x210: {  	s29 =	sadd.s32 $0xFFFFFE40, s13;
	v56 =	vld.idx.msk [tilespmem:v56+s8+$0x0], $0xffff;
	(xrf2) =	vadd.scan.msk.f32 $0xffff, v26;
	v58, v46, _ =	vpop (xrf1);
	v62 =	vor.u32 v4, v22;
	v22 =	vshll.u32 v23, $0x3;
	v43 =	vadd.s32 s30, v0  }
0x211: {  	s28 =	sadd.s32 $0xFFFFFF40, s13;
	v6 =	vpop (erf);
	v7 =	vor.u32 v4, v22;
	v3 =	vmov v61;
	v61 =	vadd.s32 s29, v1;
	v23 =	vld.idx.msk [tilespmem:v50+s2+$0x0], $0xffff  }
0x212: {  	s26 =	sadd.s32 $0xFFFFFE80, s13;
	(xrf2) =	vadd.scan.msk.f32 $0xffff, v25;
	v52 =	vshll.u32 v52, $0x3;
	v32 =	vshll.u32 v32, $0x3;
	v9 =	vadd.s32 s28, v7;
	v49 =	vpop (erf);
	v31 =	vld.idx.msk [tilespmem:v31+s2+$0x0], $0xffff  }
0x213: {  	s25 =	sadd.s32 $0xFFFFFEC0, s13;
	v53 =	vshll.u32 v53, $0x3;
	v52 =	vor.u32 v24, v52;
	v57 =	vadd.s32 s26, v27;
	v22 =	vpop (erf);
	v10 =	vld.idx.msk [tilespmem:v10+s2+$0x0], $0xffff  }
0x214: {  	v60, v45, _ =	vpop (xrf1);
	v25 =	vadd.s32 s25, v62;
	v59 =	vshll.u32 v59, $0x3;
	v11 =	vld.idx.msk [tilespmem:v11+s2+$0x0], $0xffff;
	v18 =	vmul.f32 v22, v18  }
0x215: {  	v20 =	vor.u32 v24, v32;
	v53 =	vor.u32 v24, v53;
	v63, v44, _ =	vpop (xrf1);
	v59 =	vor.u32 v24, v59;
	v22 =	vld.idx.msk [tilespmem:v43+s2+$0x0], $0xffff  }
0x216: {  	v17, v13, _ =	vpop (xrf1);
	[tilespmem:v48+s9+$0x0] =	vst.idx.msk $0xff, v18;
	v18 =	vadd.s32 s29, v52;
	(xrf1) =	vsort.dscd.msk.f32 $0xffff, v23, v30;
	v23 =	vld.idx.msk [tilespmem:v61+s2+$0x0], $0xffff  }
0x217: {  	(erf) = vrcp.f32 v28;
	v9 =	vld.idx.msk [tilespmem:v9+s2+$0x0], $0xffff;
	[tilespmem:v48+s10+$0x0] =	vst.idx.msk $0xff, v37;
	v48 =	vshll.u32 v54, $0x3;
	v30 =	vadd.s32 s26, v59  }
0x218: {  	v54 =	vld.idx.msk [tilespmem:v57+s2+$0x0], $0xffff;
	v57 =	vadd.s32 s25, v20;
	v61 =	vadd.s32 s30, v53;
	v21 =	vor.u32 v24, v48  }
0x219: {  	v50, _, _ =	vpop (xrf2);
	(xrf1) =	vsort.dscd.msk.f32 $0xffff, v31, v29;
	v31 =	vld.idx.msk [tilespmem:v25+s2+$0x0], $0xffff;
	v32 =	vadd.s32 s28, v21;
	v25 =	vshll.u32 v55, $0x3;
	v55 =	vnsel vm0, $0x0, v33  }
0x21a: {  	[tilespmem:$0x1FF90] =	vst v13;
	v15, _, _ =	vpop (xrf2);
	v33 =	vnsel vm0, $0x0, v63;
	v63 =	vld [tilespmem:$0x1FFA0];
	v13 =	vor.u32 v24, v25;
	v25 =	vshll.u32 v56, $0x3  }
0x21b: {  	v56 =	vor.u32 v24, v25;
	v25 =	vnsel vm0, $0x0, v17;
	v17 =	vld.idx.msk [tilespmem:v18+s2+$0x0], $0xffff;
	(xrf1) =	vsort.dscd.msk.f32 $0xffff, v23, v1;
	v1 =	vbroadcast v15, $0xF  }
0x21c: {  	v48 =	vnsel vm0, $0x0, v51;
	v29, _, _ =	vpop (xrf2);
	(xrf2) =	vadd.scan.msk.f32 $0xffff, v55;
	v51 =	vadd.s32 s23, v13;
	v15 =	vbroadcast v50, $0xF;
	v50 =	vld.idx.msk [tilespmem:v30+s2+$0x0], $0xffff  }
0x21d: {  	(xrf1) =	vsort.dscd.msk.f32 $0xffff, v54, v27;
	(erf) = vrcp.f32 v1;
	v1 =	vld.idx.msk [tilespmem:v57+s2+$0x0], $0xffff  }
0x21e: {  	v43 =	vnsel vm0, $0x0, v58;
	v58 =	vadd.s32 s24, v56;
	(xrf1) =	vsort.dscd.msk.f32 $0xffff, v31, v62;
	v31 =	vmul.f32 $2.500000000e+00, v55;
	v55 =	vld.idx.msk [tilespmem:v61+s2+$0x0], $0xffff  }
0x21f: {  	v61 =	vld.idx.msk [tilespmem:v32+s2+$0x0], $0xffff;
	(xrf1) =	vsort.dscd.msk.f32 $0xffff, v22, v0  }
0x220: {  	v28 =	vor.u32 s18, v24;
	v37 =	vnsel vm0, $0x0, v60;
	v30 =	vmul.f32 $2.500000000e+00, v33;
	(xrf1) =	vsort.dscd.msk.f32 $0xffff, v9, v7;
	v9 =	vld [tilespmem:$0x1FF00]  }
0x221: {  	v18 =	vor.u32 s22, v24;
	v27 =	vbroadcast v29, $0xF;
	(erf) = vrcp.f32 v15;
	(xrf1) =	vsort.dscd.msk.f32 $0xffff, v10, v8;
	v10 =	vld.idx.msk [tilespmem:v51+s2+$0x0], $0xffff  }
0x222: {  	v60 =	vmovc v19;
	v19 =	vmovc v2;
	v23 =	vor.u32 s21, v24;
	v54 =	vmul.f32 $2.500000000e+00, v26;
	v29 =	vmul.f32 $2.500000000e+00, v25;
	v51 =	vld [tilespmem:$0x1FFB0]  }
0x223: {  	v26 =	vor.u32 s16, v24;
	v6 =	vmul.f32 v6, v63;
	(erf) = vrcp.f32 v27;
	(xrf1) =	vsort.dscd.msk.f32 $0xffff, v11, v12;
	v11 =	vld.idx.msk [tilespmem:v58+s2+$0x0], $0xffff  }
0x224: {  	v62 =	vmovc v14;
	v57 =	vor.u32 s19, v24;
	v32 =	vmul.f32 $2.500000000e+00, v37;
	v58 =	vmov v47;
	v47 =	vld [tilespmem:$0x1FFC0];
	(xrf1) =	vsort.dscd.msk.f32 $0xffff, v17, v52  }
0x225: {  	v15 =	vor.u32 s20, v24;
	[tilespmem:v3+s9+$0x0] =	vst.idx.msk $0xff, v6;
	v7 =	vmul.f32 $2.500000000e+00, v48;
	v12, v17, _ =	vpop (xrf1);
	(xrf1) =	vsort.dscd.msk.f32 $0xffff, v50, v59  }
0x226: {  	[tilespmem:v3+s10+$0x0] =	vst.idx.msk $0xff, v34;
	v52 =	vpop (erf);
	v59 =	vmov v40;
	v12 =	vperm.xlane v12, v5;
	(xrf1) =	vsort.dscd.msk.f32 $0xffff, v1, v20  }
0x227: {  	v40 =	vmov v7;
	v49 =	vmul.f32 v49, v51;
	v17 =	vperm.xlane v17, v5;
	v1, v20, _ =	vpop (xrf1);
	(xrf1) =	vsort.dscd.msk.f32 $0xffff, v55, v53  }
0x228: {  	v22, _, _ =	vpop (xrf2);
	v0 =	vmul.f32 v52, v9;
	[tilespmem:$0x1FFA0] =	vst v40;
	v40 =	vld [tilespmem:$0x1FF20];
	vm1 =	vge.f32 v1, v12;
	(xrf1) =	vsort.dscd.msk.f32 $0xffff, v61, v21  }
0x229: {  	v63 =	vmov v57;
	v53 =	vpop (erf);
	[tilespmem:v35+s9+$0x0] =	vst.idx.msk $0xff, v49;
	v49 =	vld [tilespmem:$0x1FF10];
	v1 =	vsel vm1, v1, v12;
	v3 =	vsel vm1, v20, v17  }
0x22a: {  	v27 =	vor.u32 s17, v24;
	v8 =	vmul.f32 $2.500000000e+00, v43;
	v55 =	vmul.f32 v53, v54;
	v6 =	vpop (erf);
	(xrf1) =	vsort.dscd.msk.f32 $0xffff, v1, v3  }
0x22b: {  	v22 =	vbroadcast v22, $0xF;
	[tilespmem:v39+s9+$0x0] =	vst.idx.msk $0xff, v0;
	v6 =	vmul.f32 v6, v41;
	v7, v41, _ =	vpop (xrf1);
	(xrf1) =	vsort.dscd.msk.f32 $0xffff, v10, v13  }
0x22c: {  	(xrf2) =	vadd.scan.msk.f32 $0xffff, v48;
	v61 =	vmov v16;
	v34 =	vpop (erf);
	[tilespmem:v47+s9+$0x0] =	vst.idx.msk $0xff, v55;
	v50 =	vperm.xlane v41, v5;
	v41 =	vld [tilespmem:$0x1FF30]  }
0x22d: {  	(erf) = vrcp.f32 v22;
	v7 =	vperm.xlane v7, v5;
	[tilespmem:v47+s10+$0x0] =	vst.idx.msk $0xff, v42;
	v42 =	vld [tilespmem:$0x1FF40];
	(xrf1) =	vsort.dscd.msk.f32 $0xffff, v11, v56;
	v56, v57, _ =	vpop (xrf1)  }
0x22e: {  	[tilespmem:v35+s10+$0x0] =	vst.idx.msk $0xff, v40;
	v47 =	vld [tilespmem:$0x1FF50];
	v11 =	vmov v18;
	v1 =	vmul.f32 v34, v49;
	v9 =	vperm.xlane v56, v5;
	v34, v12, _ =	vpop (xrf1)  }
0x22f: {  	v54 =	vmov v46;
	[tilespmem:$0x1FFC0] =	vst v11;
	v10 =	vperm.xlane v57, v5;
	v49 =	vld [tilespmem:$0x1FF60];
	v11 =	vperm.xlane v34, v5;
	v13, v17, _ =	vpop (xrf1)  }
0x230: {  	v53 =	vmov v45;
	[tilespmem:v38+s9+$0x0] =	vst.idx.msk $0xff, v6;
	v0 =	vperm.xlane v13, v5;
	v13 =	vperm.xlane v17, v5;
	v17, v18, _ =	vpop (xrf1)  }
0x231: {  	v3 =	vmov v8;
	v12 =	vperm.xlane v12, v5;
	[tilespmem:v36+s9+$0x0] =	vst.idx.msk $0xff, v1;
	v17 =	vperm.xlane v17, v5;
	v46, v20, _ =	vpop (xrf1)  }
0x232: {  	v56 =	vmov v41;
	[tilespmem:v39+s10+$0x0] =	vst.idx.msk $0xff, v42;
	v40 =	vperm.xlane v18, v5;
	v41 =	vperm.xlane v46, v5;
	v6, v18, _ =	vpop (xrf1)  }
0x233: {  	s15 =	sadd.s32 $0x8, s15;
	v55 =	vmov v44;
	[tilespmem:v38+s10+$0x0] =	vst.idx.msk $0xff, v47;
	v35 =	vperm.xlane v6, v5;
	v38 =	vperm.xlane v18, v5;
	v6, v18, _ =	vpop (xrf1)  }
0x234: {  	p0 =	slt.u32 s15, $0xB8;
	v57 =	vmov v15;
	v39 =	vperm.xlane v20, v5;
	[tilespmem:v36+s10+$0x0] =	vst.idx.msk $0xff, v49;
	vm1 =	vge.f32 v6, v7;
	v48, v15, _ =	vpop (xrf1)  }
.Ltmp1:
0x235: {  	v6 =	vsel vm1, v6, v7;
	v7 =	vsel vm1, v18, v50;
	vm1 =	vge.f32 v48, v9;
	v8, v18, _ =	vpop (xrf1);
	(pc) =	sbr.rel @p0 .LBB2_4-.Ltmp1, $4  }
0x236: {  	(xrf2) =	vadd.scan.msk.f32 $0xffff, v43;
	v1 =	vsel vm1, v48, v9;
	v50 =	vsel vm1, v15, v10;
	vm1 =	vge.f32 v8, v11;
	v10, v15, _ =	vpop (xrf1)  }
0x237: {  	(xrf2) =	vadd.scan.msk.f32 $0xffff, v37;
	v34 =	vsel vm1, v8, v11;
	v42 =	vsel vm1, v18, v12;
	vm2 =	vge.f32 v10, v0;
	v51, v46, _ =	vpop (xrf1)  }
0x238: {  	[tilespmem:$0x1FFB0] =	vst v3;
	(xrf1) =	vsort.dscd.msk.f32 $0xffff, v6, v7;
	v44 =	vsel vm2, v10, v0;
	vm1 =	vge.f32 v51, v17;
	v52, v37, _ =	vpop (xrf1)  }
0x239: {  	s14 =	smov.u32 s12;
	v14 =	vld [tilespmem:$0x1FEF0];
	v45 =	vsel vm2, v15, v13;
	v36 =	vsel vm1, v51, v17;
	(xrf1) =	vsort.dscd.msk.f32 $0xffff, v1, v50;
	v43 =	vnsel vm0, $0x0, v52;
	v48, v47, _ =	vpop (xrf1)  }
0x23a: {  	_ = 	snop  }
0x23b: {  	(xrf2) =	vadd.scan.msk.f32 $0xffff, v43;
	_ =	sdelay $0x5  }
0x23c: {  	(xrf1) =	vsort.dscd.msk.f32 $0xffff, v34, v42;
	v0 =	vsel vm1, v46, v40;
	v46, _, _ =	vpop (xrf2)  }
0x23d: {  	vm14 =	vge.f32 v48, v41;
	(xrf1) =	vsort.dscd.msk.f32 $0xffff, v44, v45;
	v1, v2, _ =	vpop (xrf1)  }
0x23e: {  	v3 =	vsel vm14, v48, v41;
	v4 =	vsel vm14, v47, v39;
	(xrf1) =	vsort.dscd.msk.f32 $0xffff, v36, v0;
	v5, _, _ =	vpop (xrf2)  }
0x23f: {  	vm15 =	vge.f32 v1, v35;
	(xrf1) =	vsort.dscd.msk.f32 $0xffff, v3, v4;
	v4 =	vbroadcast v46, $0xF;
	v6, _, _ =	vpop (xrf2)  }
0x240: {  	v1 =	vsel vm15, v1, v35;
	v2 =	vsel vm15, v2, v38;
	v5 =	vbroadcast v5, $0xF;
	v47, _, _ =	vpop (xrf2)  }
0x241: {  	(erf) = vrcp.f32 v4;
	v44, v45, _ =	vpop (xrf1);
	(xrf1) =	vsort.dscd.msk.f32 $0xffff, v1, v2;
	v1 =	vbroadcast v47, $0xF  }
0x242: {  	(erf) = vrcp.f32 v5  }
0x243: {  	(erf) = vrcp.f32 v1;
	_ =	sdelay $0x1  }
0x244: {  	(xrf2) =	vadd.scan.msk.f32 $0xffff, v33  }
0x245: {  	v0 =	vnsel vm0, $0x0, v44  }
0x246: {  	(xrf2) =	vadd.scan.msk.f32 $0xffff, v0;
	_ =	sdelay $0x1  }
0x247: {  	v48 =	vpop (erf)  }
0x248: {  	v18 =	vor.u32 s14, v24;
	v51 =	vpop (erf)  }
0x249: {  	v21 =	vmul.f32 $2.500000000e+00, v43;
	v2 =	vmul.f32 v48, v31;
	v52 =	vpop (erf)  }
0x24a: {  	v20 =	vpop (erf)  }
0x24b: {  	[tilespmem:v62+s9+$0x0] =	vst.idx.msk $0xff, v2;
	(xrf2) =	vadd.scan.msk.f32 $0xffff, v25;
	v25 =	vmul.f32 v20, v21  }
0x24c: {  	v49, v5, _ =	vpop (xrf1);
	[tilespmem:v62+s10+$0x0] =	vst.idx.msk $0xff, v60  }
0x24d: {  	v10, _, _ =	vpop (xrf2);
	v4 =	vnsel vm0, $0x0, v49;
	[tilespmem:v18+s9+$0x0] =	vst.idx.msk $0xff, v25  }
0x24e: {  	v6 =	vbroadcast v6, $0xF;
	v50, v7, _ =	vpop (xrf1);
	(xrf2) =	vadd.scan.msk.f32 $0xffff, v4;
	v2 =	vld [tilespmem:$0x1FFA0]  }
0x24f: {  	v1 =	vnsel vm0, $0x0, v50;
	v11, _, _ =	vpop (xrf2);
	[tilespmem:v18+s10+$0x0] =	vst.idx.msk $0xff, v37  }
0x250: {  	v8, v9, _ =	vpop (xrf1);
	(erf) = vrcp.f32 v6;
	(xrf2) =	vadd.scan.msk.f32 $0xffff, v1;
	v11 =	vbroadcast v11, $0xF;
	v35 =	vld [tilespmem:$0x1FFB0]  }
0x251: {  	v8 =	vnsel vm0, $0x0, v8  }
0x252: {  	(xrf2) =	vadd.scan.msk.f32 $0xffff, v8;
	(erf) = vrcp.f32 v11  }
0x253: {  	v12, v13, _ =	vpop (xrf1);
	v2 =	vmul.f32 v51, v2  }
0x254: {  	v12 =	vnsel vm0, $0x0, v12  }
0x255: {  	v10 =	vbroadcast v10, $0xF;
	v15, v17, _ =	vpop (xrf1);
	(xrf2) =	vadd.scan.msk.f32 $0xffff, v12;
	v11 =	vmul.f32 v52, v35;
	[tilespmem:v61+s9+$0x0] =	vst.idx.msk $0xff, v2  }
0x256: {  	v15 =	vnsel vm0, $0x0, v15;
	v22, _, _ =	vpop (xrf2);
	[tilespmem:v61+s10+$0x0] =	vst.idx.msk $0xff, v58  }
0x257: {  	v16, v24, _ =	vpop (xrf1);
	v22 =	vbroadcast v22, $0xF;
	(xrf2) =	vadd.scan.msk.f32 $0xffff, v15;
	(erf) = vrcp.f32 v10;
	[tilespmem:v56+s9+$0x0] =	vst.idx.msk $0xff, v11  }
0x258: {  	v10 =	vnsel vm0, $0x0, v16;
	v16, _, _ =	vpop (xrf2);
	v41 =	vld [tilespmem:$0x1FFC0]  }
0x259: {  	v36 =	vpop (erf);
	(erf) = vrcp.f32 v22;
	(xrf2) =	vadd.scan.msk.f32 $0xffff, v10;
	v34 =	vbroadcast v16, $0xF  }
0x25a: {  	v33, _, _ =	vpop (xrf2)  }
0x25b: {  	v38 =	vbroadcast v33, $0xF;
	v37 =	vpop (erf);
	(erf) = vrcp.f32 v34  }
0x25c: {  	v0 =	vmul.f32 $2.500000000e+00, v0;
	v39, _, _ =	vpop (xrf2)  }
0x25d: {  	v2 =	vbroadcast v39, $0xF;
	(erf) = vrcp.f32 v38  }
0x25e: {  	v0 =	vmul.f32 v37, v0  }
0x25f: {  	v42, _, _ =	vpop (xrf2);
	[tilespmem:v56+s10+$0x0] =	vst.idx.msk $0xff, v54;
	(erf) = vrcp.f32 v2  }
0x260: {  	v40 =	vmul.f32 v36, v32;
	v43 =	vpop (erf);
	[tilespmem:v41+s9+$0x0] =	vst.idx.msk $0xff, v0;
	v0 =	vbroadcast v42, $0xF  }
0x261: {  	v44 =	vmul.f32 v43, v30;
	[tilespmem:v41+s10+$0x0] =	vst.idx.msk $0xff, v45;
	v45, _, _ =	vpop (xrf2)  }
0x262: {  	[tilespmem:v14+s9+$0x0] =	vst.idx.msk $0xff, v40;
	v46 =	vpop (erf);
	v3 =	vbroadcast v45, $0xF;
	(erf) = vrcp.f32 v0  }
0x263: {  	v47 =	vmul.f32 $2.500000000e+00, v4;
	[tilespmem:v14+s10+$0x0] =	vst.idx.msk $0xff, v53;
	v48 =	vmul.f32 v46, v29;
	v49, _, _ =	vpop (xrf2)  }
0x264: {  	[tilespmem:v59+s9+$0x0] =	vst.idx.msk $0xff, v44;
	v51 =	vpop (erf);
	v50 =	vbroadcast v49, $0xF;
	(erf) = vrcp.f32 v3  }
0x265: {  	v1 =	vmul.f32 $2.500000000e+00, v1;
	[tilespmem:v59+s10+$0x0] =	vst.idx.msk $0xff, v55;
	v0 =	vmul.f32 v51, v47  }
0x266: {  	[tilespmem:v19+s9+$0x0] =	vst.idx.msk $0xff, v48;
	v52 =	vpop (erf);
	(erf) = vrcp.f32 v50  }
0x267: {  	v54 =	vmul.f32 $2.500000000e+00, v8;
	v53 =	vld [tilespmem:$0x1FF90];
	v55 =	vmul.f32 v52, v1;
	[tilespmem:v23+s9+$0x0] =	vst.idx.msk $0xff, v0  }
0x268: {  	v56 =	vpop (erf);
	[tilespmem:v23+s10+$0x0] =	vst.idx.msk $0xff, v5  }
0x269: {  	v1 =	vmul.f32 v56, v54;
	[tilespmem:v63+s9+$0x0] =	vst.idx.msk $0xff, v55  }
0x26a: {  	v58 =	vmul.f32 $2.500000000e+00, v12;
	[tilespmem:v63+s10+$0x0] =	vst.idx.msk $0xff, v7  }
0x26b: {  	[tilespmem:v57+s9+$0x0] =	vst.idx.msk $0xff, v1;
	v59 =	vpop (erf)  }
0x26c: {  	v60 =	vmul.f32 $2.500000000e+00, v15;
	[tilespmem:v19+s10+$0x0] =	vst.idx.msk $0xff, v53;
	v0 =	vmul.f32 v59, v58  }
0x26d: {  	[tilespmem:v57+s10+$0x0] =	vst.idx.msk $0xff, v9;
	v61 =	vpop (erf)  }
0x26e: {  	v62 =	vmul.f32 $2.500000000e+00, v10;
	v1 =	vmul.f32 v61, v60;
	[tilespmem:v28+s9+$0x0] =	vst.idx.msk $0xff, v0  }
0x26f: {  	v63 =	vpop (erf);
	[tilespmem:v28+s10+$0x0] =	vst.idx.msk $0xff, v13  }
0x270: {  	v0 =	vmul.f32 v63, v62;
	[tilespmem:v26+s9+$0x0] =	vst.idx.msk $0xff, v1  }
0x271: {  	[tilespmem:v26+s10+$0x0] =	vst.idx.msk $0xff, v17  }
0x272: {  	[tilespmem:v27+s9+$0x0] =	vst.idx.msk $0xff, v0  }
0x273: {  	[tilespmem:v27+s10+$0x0] =	vst.idx.msk $0xff, v24  }
0x274: {  	s0 =	rddreg [dreg:$0x5]  }
0x275: {  	[hbm4b:s0+s2] =	stream.linear.scatter [tilespmem:s9], [sflag:$0x1], $0x600, $0x38;
	[tilespmem:$0x4280] =	vst v63  }
0x276: {  	s11 =	sadd.s32 $0x1, s11;
	_ =	swait.ge [sflag:s7], $0x600  }
0x277: {  	p0 =	sne.s32 s11, s6;
	[sflag:s7] =	ssyncset.done $0x0  }
.Ltmp2:
0x278: {  	s30 =	rddreg [dreg:$0x6];
	[sflag:s7] =	ssyncadd.s32 $0xFFFFFA00;
	(pc) =	sbr.rel @p0 .LBB2_1-.Ltmp2, $4  }
0x279: {  	[hbm4b:s30+s2] =	stream.linear.scatter [tilespmem:s10], [sflag:$0x1], $0x600, $0x38;
	[tilespmem:$0x4280] =	vst v63  }
0x27a: {  	_ =	swait.ge [sflag:s7], $0x600  }
0x27b: {  	[sflag:s7] =	ssyncset.done $0x0  }
0x27c: {  	v45 =	vimm.s32 $0x0;
	v28 =	vlaneseq.u32;
	[sflag:s7] =	ssyncadd.s32 $0xFFFFFA00  }
0x27d: {  	_ =	sfence.sel $0x180000  }
0x27e: {  	[bflag:$0x0] =	sbarrier.arrive $0xFFFF  }
0x27f: {  	_ =	strace $0x90000047  }
0x280: {  	s0 =	stileid.u32;
	[bflag:$0x2] =	sbarrier.arrive $0xFFFF  }
0x281: {  	p0 =	sne.s32 s0, $0x0;
	s0 =	rddreg [dreg:$0x3]  }
0x282: {  	s0 =	sadd.s32 @!p0 $0x100000, s0  }
0x283: {  	[sflag:s0] =	ssyncadd.tile.s32 @!p0 $0x1;
	_ =	shalt  }
.Lfunc_end2:
_tile_overlayer_lowered:
.L_overlay_start_2:
0x284: {  	(tag) =	ssettag $0x2  }
0x285: {  	s0 =	rddreg [dreg:$0x0];
	s2 =	stileid.u32  }
0x286: {  	s1 =	rddreg [dreg:$0x1];
	p0 =	sne.s32 s2, $0x0  }
0x287: {  	s3 =	rddreg [dreg:$0x2];
	[bflag:$0x3] =	sbarrier.arrive $0xFFFF;
	s2 =	simm.s32 @!p0 $0x1C01  }
0x288: {  	[timem:s3], [sflag:s2] =	dma.local @!p0 [hbm:s0], s1  }
0x289: {  	s0 =	simm.s32 @!p0 $0x1  }
0x28a: {  	_ =	swait.ge @!p0 [sflag:s0], s1  }
0x28b: {  	s1 =	ssub.s32 @!p0 $0x0, s1;
	[sflag:s0] =	ssyncset.done @!p0 $0x0  }
0x28c: {  	[sflag:s0] =	ssyncadd.s32 @!p0 s1  }
0x28d: {  	[bflag:$0x3] =	sbarrier.arrive $0xFFFF  }
0x28e: {  	_ =	shalt  }

// kernel: kernel.9.cloned.1.call-start
scs
__scs_entry_jumppad:
0x0: {  	(pc) =	sbr.rel $0x88, $3  }
0x1: {  	(tag) =	ssettag $0x0;
	lr =	simm.s32 $0x1  }
0x2: {  	[smem:$0x3F9F] =	sst lr;
	_ =	strace $0xD0000000  }
0x3: {  	_ = 	snop  }
0x4: {  	_ = 	snop  }
0x5: {  	_ = 	snop  }
0x6: {  	_ = 	snop  }
0x7: {  	_ = 	snop  }
__scs_overlays_trampoline_lowered:
0x8: {  	[smem:$0x3FAE] =	sst s0  }
0x9: {  	[smem:$0x3FAF] =	sst s1  }
0xa: {  	[smem:$0x3FB0] =	sst s2  }
0xb: {  	[smem:$0x3FB1] =	sst s3  }
0xc: {  	[smem:$0x3FB2] =	sst s4  }
0xd: {  	[smem:$0x3FB3] =	sst s5  }
0xe: {  	[smem:$0x3FB4] =	sst s6  }
0xf: {  	[smem:$0x3FB5] =	sst s7  }
0x10: {  	[smem:$0x3FB6] =	sst s8  }
0x11: {  	[smem:$0x3FB7] =	sst s9;
	s0 =	simm.s32 @!p0 $0x0  }
0x12: {  	s1 =	sld [smem:$0x3F9D];
	s0 =	simm.s32 @p0 $0x1  }
0x13: {  	[smem:$0x3FB8] =	sst s0;
	s0 =	simm.s32 @!p1 $0x0  }
0x14: {  	s2 =	sld [smem:$0x3F9C];
	s0 =	simm.s32 @p1 $0x1  }
0x15: {  	[smem:$0x3FB9] =	sst s0;
	s0 =	simm.s32 @!p2 $0x0  }
0x16: {  	s3 =	sld [smem:$0x3FDB];
	s0 =	simm.s32 @p2 $0x1  }
0x17: {  	s4 =	simm.s32 $0x1BF5;
	[smem:$0x3FBB] =	sst s0  }
0x18: {  	s0 =	sld [smem:$0x3F9E];
	_ =	swait.ge [sflag:s4], $0x0  }
0x19: {  	s7 =	sld [smem:$0x3F9F]  }
0x1a: {  	s8 =	sadd.s32 $0xFFFFE003, lr  }
0x1b: {  	s9 =	sadd.s32 $0xFFFFFEF7, lr;
	s5 =	simm.s32 $0xFFFFFFFF;
	p2 =	slt.u32 s8, $0xFFFFF086  }
0x1c: {  	p1 =	slt.u32 s9, $0xF7A;
	s5 =	simm.s32 @!p2 $0x0  }
0x1d: {  	s5 =	simm.s32 @p1 $0x1;
	p0 =	seq.s32 s7, s2  }
0x1e: {  	s7 =	smul.u32 @!p0 $0xF7A, s2;
	p2 =	seq.s32 @!p0 s5, $0x0  }
0x1f: {  	s9 =	smul.u32 $0xF7A, s1;
	s8 =	simm.s32 @!p0 $0x1BF5;
	p2 =	por !p2, p0  }
0x20: {  	[sflag:s8] =	ssyncset.s32 @!p0 $0xFFFFF086;
	s6 =	sadd.s32 @!p0 s3, s7;
	s7 =	simm.s32 @!p0 $0x108  }
0x21: {  	s3 =	sadd.s32 s3, s9;
	s6 =	sadd.s32 @!p0 $0x88, s6;
	s7 =	simm.s32 @p2 $0x1082  }
0x22: {  	[simem:s7], [sflag:s8] =	dma.local @!p0 [hbm:s6], $0xF7A  }
0x23: {  	s9 =	sor.u32 $0xD0000000, s2;
	s6 =	simm.s32 $0x108;
	_ =	swait.ge @!p0 [sflag:s8], $0x0  }
0x24: {  	s3 =	sadd.s32 $0x88, s3;
	s6 =	simm.s32 @!p1 $0x1082;
	[sflag:s4] =	ssyncset.s32 $0xFFFFF086  }
0x25: {  	[simem:s6], [sflag:s4] =	dma.local [hbm:s3], $0xF7A  }
0x26: {  	[smem:$0x3F9F] =	sst s1;
	(tag) =	ssettag s2;
	_ =	strace s9  }
0x27: {  	s1 =	sld [smem:$0x3FAF]  }
0x28: {  	s2 =	sld [smem:$0x3FB0]  }
0x29: {  	s4 =	sld [smem:$0x3FB2]  }
0x2a: {  	p0 =	seq.s32 s5, $0x0;
	s5 =	sld [smem:$0x3FB3]  }
0x2b: {  	s6 =	sld [smem:$0x3FB4]  }
0x2c: {  	s7 =	sld [smem:$0x3FB5]  }
0x2d: {  	s3 =	simm.s32 $0x108;
	s8 =	sld [smem:$0x3FB6]  }
0x2e: {  	s3 =	simm.s32 @!p0 $0x1082;
	s9 =	sld [smem:$0x3FB7]  }
0x2f: {  	lr =	sadd.s32 s0, s3;
	s0 =	sld [smem:$0x3FAE]  }
0x30: {  	s3 =	sld [smem:$0x3FB1]  }
0x31: {  	[smem:$0x3FBA] =	sst s10  }
0x32: {  	s10 =	sld [smem:$0x3FB8];
	_ =	sdelay $0x3  }
0x33: {  	p0 =	seq.s32 s10, $0x1;
	s10 =	sld [smem:$0x3FBA];
	_ =	sdelay $0x3  }
0x34: {  	[smem:$0x3FBA] =	sst s10  }
0x35: {  	s10 =	sld [smem:$0x3FB9];
	_ =	sdelay $0x3  }
0x36: {  	p1 =	seq.s32 s10, $0x1;
	s10 =	sld [smem:$0x3FBA];
	_ =	sdelay $0x3  }
0x37: {  	[smem:$0x3FBA] =	sst s10  }
0x38: {  	s10 =	sld [smem:$0x3FBB]  }
0x39: {  	_ = 	snop;
	(pc) =	sbr.ind lr, $3  }
0x3a: {  	_ = 	snop  }
0x3b: {  	_ = 	snop  }
0x3c: {  	p2 =	seq.s32 s10, $0x1;
	s10 =	sld [smem:$0x3FBA]  }
0x3d: {  	_ =	shalt  }
0x3e: {  	_ =	shalt  }
0x3f: {  	_ =	shalt  }
0x40: {  	_ =	shalt  }
0x41: {  	_ =	shalt  }
0x42: {  	_ =	shalt  }
0x43: {  	_ =	shalt  }
0x44: {  	_ =	shalt  }
0x45: {  	_ =	shalt  }
0x46: {  	_ =	shalt  }
0x47: {  	_ =	shalt  }
0x48: {  	_ =	shalt  }
0x49: {  	_ =	shalt  }
0x4a: {  	_ =	shalt  }
0x4b: {  	_ =	shalt  }
0x4c: {  	_ =	shalt  }
0x4d: {  	_ =	shalt  }
0x4e: {  	_ =	shalt  }
0x4f: {  	_ =	shalt  }
0x50: {  	_ =	shalt  }
0x51: {  	_ =	shalt  }
0x52: {  	_ =	shalt  }
0x53: {  	_ =	shalt  }
0x54: {  	_ =	shalt  }
0x55: {  	_ =	shalt  }
0x56: {  	_ =	shalt  }
0x57: {  	_ =	shalt  }
0x58: {  	_ =	shalt  }
0x59: {  	_ =	shalt  }
0x5a: {  	_ =	shalt  }
0x5b: {  	_ =	shalt  }
0x5c: {  	_ =	shalt  }
0x5d: {  	_ =	shalt  }
0x5e: {  	_ =	shalt  }
0x5f: {  	_ =	shalt  }
0x60: {  	_ =	shalt  }
0x61: {  	_ =	shalt  }
0x62: {  	_ =	shalt  }
0x63: {  	_ =	shalt  }
0x64: {  	_ =	shalt  }
0x65: {  	_ =	shalt  }
0x66: {  	_ =	shalt  }
0x67: {  	_ =	shalt  }
0x68: {  	_ =	shalt  }
0x69: {  	_ =	shalt  }
0x6a: {  	_ =	shalt  }
0x6b: {  	_ =	shalt  }
0x6c: {  	_ =	shalt  }
0x6d: {  	_ =	shalt  }
0x6e: {  	_ =	shalt  }
0x6f: {  	_ =	shalt  }
0x70: {  	_ =	shalt  }
0x71: {  	_ =	shalt  }
0x72: {  	_ =	shalt  }
0x73: {  	_ =	shalt  }
0x74: {  	_ =	shalt  }
0x75: {  	_ =	shalt  }
0x76: {  	_ =	shalt  }
0x77: {  	_ =	shalt  }
0x78: {  	_ =	shalt  }
0x79: {  	_ =	shalt  }
0x7a: {  	_ =	shalt  }
0x7b: {  	_ =	shalt  }
0x7c: {  	_ =	shalt  }
0x7d: {  	_ =	shalt  }
0x7e: {  	_ =	shalt  }
0x7f: {  	_ =	shalt  }
0x80: {  	_ =	shalt  }
0x81: {  	_ =	shalt  }
0x82: {  	_ =	shalt  }
0x83: {  	_ =	shalt  }
0x84: {  	_ =	shalt  }
0x85: {  	_ =	shalt  }
0x86: {  	_ =	shalt  }
0x87: {  	_ =	shalt  }
.Lfunc_end0:
.L_simem_size_0:
called_computation.1_lowered:
.L_overlay_start_0:
0x88: {  	s2 =	sld [smem:$0x3FD9]  }
0x89: {  	s3 =	sld [smem:$0x3FFE];
	_ =	sdelay $0x1  }
0x8a: {  	s1 =	srdreg.scid  }
0x8b: {  	s0 =	sand.u32 $0x1, s1  }
0x8c: {  	s17 =	sshll.u32 s0, $0xA;
	s2 =	sadd.s32 s3, s2  }
0x8d: {  	s2 =	sadd.s32 s2, s17  }
0x8e: {  	[smem:$0x3FC6] =	sst s2  }
0x8f: {  	_ = 	snop  }
0x90: {  	(tm) =	ssettm $0x1  }
0x91: {  	s18 =	sld [smem:$0x3FFB];
	_ =	sdelay $0x3  }
0x92: {  	_ =	strace s18  }
0x93: {  	s2 =	sld [smem:$0x3FFC];
	_ =	sdelay $0x3  }
0x94: {  	_ =	strace s2  }
0x95: {  	s2 =	sld [smem:$0x3FFD];
	_ =	sdelay $0x3  }
0x96: {  	_ =	strace s2  }
0x97: {  	_ =	strace $0x8FFFFFFF  }
0x98: {  	s19 =	sld [smem:$0x3FDB];
	_ =	sdelay $0x1  }
0x99: {  	s20 =	simm.s32 $_scs_section_size  }
0x9a: {  	s4 =	simm.s32 $_size__tile_overlayer_lowered;
	s5 =	simm.s32 $_tile_overlayer_lowered  }
0x9b: {  	s6 =	simm.s32 $0x1BFF;
	s21 =	sshll.u32 s5, $0x1;
	s3 =	sadd.s32 s20, s19  }
0x9c: {  	s22 =	simm.s32 $0x0;
	s4 =	sshll.u32 s4, $0x1;
	s5 =	sadd.s32 s21, s3  }
0x9d: {  	[timem:s22], [sflag:s6] =	dma.local [hbm:s5], s4  }
0x9e: {  	_ =	swait.ge [sflag:s6], s4  }
0x9f: {  	s4 =	ssub.s32 $0x0, s4;
	[sflag:s6] =	ssyncset.done $0x0  }
0xa0: {  	[sflag:s6] =	ssyncadd.s32 s4;
	_ =	sdelay $0x1  }
0xa1: {  	s23 =	simm.s32 $0x1B8B  }
0xa2: {  	_ =	swait.ge [sflag:s23], $0x1  }
0xa3: {  	[sflag:s23] =	ssyncset.done $0x0  }
0xa4: {  	[sflag:s23] =	ssyncadd.s32 $0xFFFFFFFF  }
0xa5: {  	s4 =	sld [smem:$0x0]  }
0xa6: {  	s5 =	sand.u32 $0xFFFFFFFE, s1  }
0xa7: {  	p0 =	sne.s32 s1, s5  }
0xa8: {  	s5 =	sshll.u32 @p0 s5, $0xE  }
0xa9: {  	s5 =	sadd.s32 @p0 $0x11B8D, s5;
	s6 =	sshll.u32 @p0 s4, $0x11  }
0xaa: {  	s5 =	sor.u32 @p0 s6, s5  }
0xab: {  	[sflag:s5] =	ssyncadd.remote.s32 @p0 $0x1;
	_ =	sdelay $0x1  }
0xac: {  	s5 =	simm.s32 @p0 $0x1B8D  }
0xad: {  	_ =	swait.eq @p0 [sflag:s5], $0x1  }
0xae: {  	[sflag:s5] =	ssyncadd.s32 @p0 $0xFFFFFFFF  }
0xaf: {  	s6 =	sshll.u32 @!p0 s1, $0xE  }
0xb0: {  	s6 =	sor.u32 @!p0 $0x4000, s6;
	s5 =	simm.s32 @!p0 $0x1B8D  }
0xb1: {  	s4 =	sshll.u32 @!p0 s4, $0x11;
	s6 =	sadd.s32 @!p0 $0x11B8D, s6;
	_ =	swait.eq @!p0 [sflag:s5], $0x1  }
0xb2: {  	s4 =	sor.u32 @!p0 s4, s6;
	[sflag:s5] =	ssyncadd.s32 @!p0 $0xFFFFFFFF  }
0xb3: {  	s25 =	simm.s32 $0x1B8E;
	s24 =	sld [smem:$0x3FFE];
	[sflag:s4] =	ssyncadd.remote.s32 @!p0 $0x1  }
0xb4: {  	s26 =	simm.s32 $execute0_lowered;
	[smem:$0x3FD2] =	sst s25  }
0xb5: {  	s5 =	sshll.u32 s26, $0x1;
	_ =	strace $0x80000049;
	[dreg:$0x1] =	wrdreg $0xFFFFFFFF  }
0xb6: {  	s28 =	simm.s32 $_size_execute0_lowered;
	s3 =	sadd.s32 s3, s5;
	[dreg:$0x0] =	wrdreg $0x0  }
0xb7: {  	s5 =	sshll.u32 s28, $0x1;
	[dreg:$0x2] =	wrdreg s3  }
0xb8: {  	[dreg:$0x3] =	wrdreg s5  }
0xb9: {  	[dreg:$0x4] =	wrdreg $0xC0  }
0xba: {  	_ =	task [dreg:s22], $0x5FFFF  }
0xbb: {  	[dreg:$0x1] =	wrdreg $0xFFFFFFFF  }
0xbc: {  	[dreg:$0x0] =	wrdreg $0x60  }
0xbd: {  	[dreg:$0x2] =	wrdreg s24  }
0xbe: {  	[dreg:$0x3] =	wrdreg $0xA  }
0xbf: {  	_ =	task.clear_ibuf [dreg:s22], $0x4FFFF;
	_ =	strace $0x90000049  }
0xc0: {  	s29 =	simm.s32 $0xA;
	_ =	strace $0x8000004B  }
0xc1: {  	_ =	swait.ge [sflag:s29], $0x1  }
0xc2: {  	[sflag:s29] =	ssyncadd.s32 $0xFFFFFFFF  }
0xc3: {  	_ =	strace $0x9000004B  }
0xc4: {  	_ =	sfence  }
0xc5: {  	s30 =	sld [smem:$0x0];
	_ =	sdelay $0x2  }
0xc6: {  	s31 =	sshll.u32 s1, $0xD;
	s1 =	sshrl.u32 s1, $0x2  }
0xc7: {  	s4 =	sand.u32 $0x4000, s31;
	s1 =	sadd.s32 s1, s30  }
0xc8: {  	s0 =	sor.u32 s4, s0;
	s1 =	sshll.u32 s1, $0x11  }
0xc9: {  	s0 =	sor.u32 s1, s0  }
0xca: {  	s0 =	sadd.s32 $0x8F2B, s0  }
0xcb: {  	[sflag:s0] =	ssyncadd.remote.s32 $0x1  }
0xcc: {  	_ =	sfence.sel $0xFFFF  }
0xcd: {  	[dreg:$0x0] =	wrdreg $0xFFFFFFFF;
	(pc) =	sbr.abs _section_cstart, $3  }
0xce: {  	[dreg:$0x1] =	wrdreg $0xFFFFFFFF  }
0xcf: {  	_ =	task.clear_ibuf [dreg:s22], $0x2FFFF;
	_ =	strace $0x9FFFFFFF  }
0xd0: {  	(tm) =	ssettm $0x7FFFFFFF  }
0xd1: {  	_ =	shalt  }
tec
execute0_lowered:
.L_overlay_start_1:
0x0: {  	(tag) =	ssettag $0x1  }
0x1: {  	v0 =	vlaneseq.u32  }
0x2: {  	v0 =	vmul.u32 $0x40, v0;
	_ =	sdelay $0x1  }
0x3: {  	v1 =	vor.u32 $0x1, v0  }
0x4: {  	v4 =	vor.u32 $0x2, v0;
	[tilespmem:$0x1FC10] =	vst v1  }
0x5: {  	v5 =	vor.u32 $0x3, v0;
	[tilespmem:$0x1FC20] =	vst v4  }
0x6: {  	v6 =	vor.u32 $0x4, v0;
	[tilespmem:$0x1FC30] =	vst v5  }
0x7: {  	v7 =	vor.u32 $0x5, v0;
	[tilespmem:$0x1FC40] =	vst v6  }
0x8: {  	v8 =	vor.u32 $0x6, v0;
	[tilespmem:$0x1FC50] =	vst v7  }
0x9: {  	v9 =	vor.u32 $0x7, v0;
	[tilespmem:$0x1FC60] =	vst v8  }
0xa: {  	v10 =	vor.u32 $0x8, v0;
	[tilespmem:$0x1FC70] =	vst v9  }
0xb: {  	v11 =	vor.u32 $0x9, v0;
	[tilespmem:$0x1FC80] =	vst v10  }
0xc: {  	v12 =	vor.u32 $0xA, v0;
	[tilespmem:$0x1FC90] =	vst v11  }
0xd: {  	v13 =	vor.u32 $0xB, v0;
	[tilespmem:$0x1FCA0] =	vst v12  }
0xe: {  	v14 =	vor.u32 $0xC, v0;
	[tilespmem:$0x1FCB0] =	vst v13  }
0xf: {  	v15 =	vor.u32 $0xD, v0;
	[tilespmem:$0x1FCC0] =	vst v14  }
0x10: {  	v16 =	vor.u32 $0xE, v0;
	[tilespmem:$0x1FCD0] =	vst v15  }
0x11: {  	v17 =	vor.u32 $0xF, v0;
	[tilespmem:$0x1FCE0] =	vst v16  }
0x12: {  	v18 =	vor.u32 $0x10, v0;
	[tilespmem:$0x1FCF0] =	vst v17  }
0x13: {  	v19 =	vor.u32 $0x11, v0;
	[tilespmem:$0x1FD00] =	vst v18  }
0x14: {  	v20 =	vor.u32 $0x12, v0;
	[tilespmem:$0x1FD10] =	vst v19  }
0x15: {  	v21 =	vor.u32 $0x13, v0;
	[tilespmem:$0x1FD20] =	vst v20  }
0x16: {  	v22 =	vor.u32 $0x14, v0;
	[tilespmem:$0x1FD30] =	vst v21  }
0x17: {  	v23 =	vor.u32 $0x15, v0;
	[tilespmem:$0x1FD40] =	vst v22  }
0x18: {  	v24 =	vor.u32 $0x16, v0;
	[tilespmem:$0x1FD50] =	vst v23  }
0x19: {  	v25 =	vor.u32 $0x17, v0;
	[tilespmem:$0x1FD60] =	vst v24  }
0x1a: {  	v26 =	vor.u32 $0x18, v0;
	[tilespmem:$0x1FD70] =	vst v25  }
0x1b: {  	v27 =	vor.u32 $0x19, v0;
	[tilespmem:$0x1FD80] =	vst v26  }
0x1c: {  	v28 =	vor.u32 $0x1A, v0;
	[tilespmem:$0x1FD90] =	vst v27  }
0x1d: {  	v29 =	vor.u32 $0x1B, v0;
	[tilespmem:$0x1FDA0] =	vst v28  }
0x1e: {  	v30 =	vor.u32 $0x1C, v0;
	[tilespmem:$0x1FDB0] =	vst v29  }
0x1f: {  	v31 =	vor.u32 $0x1D, v0;
	[tilespmem:$0x1FDC0] =	vst v30  }
0x20: {  	v32 =	vor.u32 $0x1E, v0;
	[tilespmem:$0x1FDD0] =	vst v31  }
0x21: {  	v33 =	vor.u32 $0x1F, v0;
	[tilespmem:$0x1FDE0] =	vst v32  }
0x22: {  	v34 =	vor.u32 $0x20, v0;
	[tilespmem:$0x1FDF0] =	vst v33  }
0x23: {  	v35 =	vor.u32 $0x21, v0;
	[tilespmem:$0x1FE00] =	vst v34  }
0x24: {  	v36 =	vor.u32 $0x22, v0;
	[tilespmem:$0x1FE10] =	vst v35  }
0x25: {  	v37 =	vor.u32 $0x23, v0;
	[tilespmem:$0x1FE20] =	vst v36  }
0x26: {  	v38 =	vor.u32 $0x24, v0;
	[tilespmem:$0x1FE30] =	vst v37  }
0x27: {  	v39 =	vor.u32 $0x25, v0;
	[tilespmem:$0x1FE40] =	vst v38  }
0x28: {  	v40 =	vor.u32 $0x26, v0;
	[tilespmem:$0x1FE50] =	vst v39  }
0x29: {  	v41 =	vor.u32 $0x27, v0;
	[tilespmem:$0x1FE60] =	vst v40  }
0x2a: {  	v42 =	vor.u32 $0x28, v0;
	[tilespmem:$0x1FE70] =	vst v41  }
0x2b: {  	v43 =	vor.u32 $0x29, v0;
	[tilespmem:$0x1FE80] =	vst v42  }
0x2c: {  	v44 =	vor.u32 $0x2A, v0;
	[tilespmem:$0x1FE90] =	vst v43  }
0x2d: {  	v45 =	vor.u32 $0x2B, v0;
	[tilespmem:$0x1FEA0] =	vst v44  }
0x2e: {  	v46 =	vor.u32 $0x2C, v0;
	[tilespmem:$0x1FEB0] =	vst v45  }
0x2f: {  	s2 =	simm.s32 $0x0;
	v47 =	vor.u32 $0x2D, v0;
	[tilespmem:$0x1FEC0] =	vst v46  }
0x30: {  	[smem:$0x7FF] =	sst s2;
	v48 =	vor.u32 $0x2E, v0;
	[tilespmem:$0x1FED0] =	vst v47  }
0x31: {  	s3 =	rddreg [dreg:$0x0];
	v49 =	vor.u32 $0x2F, v0;
	_ =	strace $0x8000004A;
	[tilespmem:$0x1FEE0] =	vst v48  }
0x32: {  	v50 =	vor.u32 $0x30, v0;
	[tilespmem:$0x1FEF0] =	vst v49  }
0x33: {  	v51 =	vor.u32 $0x31, v0;
	[tilespmem:$0x1FF00] =	vst v50  }
0x34: {  	v52 =	vor.u32 $0x32, v0;
	[tilespmem:$0x1FF10] =	vst v51  }
0x35: {  	v53 =	vor.u32 $0x33, v0;
	[tilespmem:$0x1FF20] =	vst v52  }
0x36: {  	v54 =	vor.u32 $0x34, v0;
	[tilespmem:$0x1FF30] =	vst v53  }
0x37: {  	v55 =	vor.u32 $0x35, v0;
	[tilespmem:$0x1FF40] =	vst v54  }
0x38: {  	v56 =	vor.u32 $0x36, v0;
	[tilespmem:$0x1FF50] =	vst v55  }
0x39: {  	s4 =	srdreg.scid;
	s0 =	stileid.u32;
	v57 =	vor.u32 $0x37, v0;
	[tilespmem:$0x1FF60] =	vst v56  }
0x3a: {  	s8 =	simm.s32 $0x1000;
	s9 =	simm.s32 $0x1280;
	s10 =	simm.s32 $0x1480;
	v58 =	vor.u32 $0x38, v0;
	[tilespmem:$0x1FF70] =	vst v57  }
0x3b: {  	s11 =	simm.s32 $0x0;
	s4 =	sand.u32 $0x1, s4;
	s5 =	sshll.u32 s0, $0x1;
	v59 =	vor.u32 $0x39, v0;
	[tilespmem:$0x1FF80] =	vst v58  }
0x3c: {  	s31 =	simm.s32 $0x200;
	s1 =	simm.s32 $0x280;
	s5 =	sor.u32 s4, s5;
	v60 =	vor.u32 $0x3A, v0;
	[tilespmem:$0x1FF90] =	vst v59  }
0x3d: {  	s4 =	ssub.s32 $0x2, s4;
	s6 =	sshll.u32 s5, $0x9;
	s5 =	sshll.u32 s5, $0x6;
	v61 =	vor.u32 $0x3B, v0;
	[tilespmem:$0x1FFA0] =	vst v60  }
0x3e: {  	s7 =	sshrl.u32 s4, $0x1;
	v62 =	vor.u32 $0x3C, v0;
	s6 =	sadd.s32 s6, s3;
	s5 =	sadd.s32 s5, s3;
	[tilespmem:$0x1FFB0] =	vst v61  }
0x3f: {  	v63 =	vor.u32 $0x3D, v0;
	s7 =	ssub.s32 s4, s7;
	s3 =	simm.s32 $0x2C0;
	s28 =	sadd.s32 $0xD600, s6;
	[tilespmem:$0x1FFC0] =	vst v62  }
0x40: {  	s4 =	simm.s32 $0x300;
	s29 =	sadd.s32 $0x11E00, s5;
	[tilespmem:$0x1FFD0] =	vst v63;
	[dreg:$0x2] =	wrdreg s28  }
0x41: {  	s30 =	sadd.s32 $0x11600, s5;
	s6 =	smax.u32 s7, $0x1;
	[tilespmem:$0x1FFE0] =	vst v0;
	v0 =	vor.u32 $0x3E, v0;
	[dreg:$0x3] =	wrdreg s29  }
0x42: {  	s7 =	simm.s32 $0x1;
	s5 =	simm.s32 $0x340;
	[dreg:$0x4] =	wrdreg s30;
	[tilespmem:$0x1FFF0] =	vst v0  }
.LBB2_1:
0x43: {  	s0 =	rddreg [dreg:$0x2]  }
0x44: {  	[tilespmem:s2], [sflag:$0x1] =	stream.linear.gather [hbm4b:s0+s2], $0x1000, $0x38;
	[tilespmem:$0x1680] =	vst v63  }
0x45: {  	_ =	swait.ge [sflag:s7], $0x1000  }
0x46: {  	v0 =	vld [tilespmem:$0x1FFE0]  }
0x47: {  	v1 =	vld [tilespmem:$0x1FC10]  }
0x48: {  	v43 =	vld [tilespmem:$0x1FC20]  }
0x49: {  	v44 =	vld [tilespmem:$0x1FC30]  }
0x4a: {  	v45 =	vld [tilespmem:$0x1FC40]  }
0x4b: {  	v46 =	vld [tilespmem:$0x1FC50]  }
0x4c: {  	[sflag:s7] =	ssyncset.done $0x0  }
0x4d: {  	[sflag:s7] =	ssyncadd.s32 $0xFFFFF000  }
0x4e: {  	v3 =	vld.idx.msk [tilespmem:v0+s2+$0x0], $0xffff  }
0x4f: {  	v4 =	vld.idx.msk [tilespmem:v1+s2+$0x0], $0xffff  }
0x50: {  	v5 =	vld.idx.msk [tilespmem:v43+s2+$0x0], $0xffff  }
0x51: {  	v6 =	vld.idx.msk [tilespmem:v44+s2+$0x0], $0xffff  }
0x52: {  	v7 =	vld.idx.msk [tilespmem:v45+s2+$0x0], $0xffff  }
0x53: {  	v8 =	vld.idx.msk [tilespmem:v46+s2+$0x0], $0xffff  }
0x54: {  	v1 =	vld [tilespmem:$0x1FC60]  }
0x55: {  	v47 =	vld [tilespmem:$0x1FC70]  }
0x56: {  	v48 =	vld [tilespmem:$0x1FC80]  }
0x57: {  	v49 =	vld [tilespmem:$0x1FC90]  }
0x58: {  	v50 =	vld [tilespmem:$0x1FCA0]  }
0x59: {  	v51 =	vld [tilespmem:$0x1FCB0]  }
0x5a: {  	v52 =	vld [tilespmem:$0x1FCC0]  }
0x5b: {  	v53 =	vld [tilespmem:$0x1FCD0]  }
0x5c: {  	v54 =	vld [tilespmem:$0x1FCE0]  }
0x5d: {  	v55 =	vld [tilespmem:$0x1FCF0]  }
0x5e: {  	v56 =	vld [tilespmem:$0x1FD00]  }
0x5f: {  	v57 =	vld [tilespmem:$0x1FD10]  }
0x60: {  	v58 =	vld [tilespmem:$0x1FD20]  }
0x61: {  	v59 =	vld [tilespmem:$0x1FD30]  }
0x62: {  	v60 =	vld [tilespmem:$0x1FD40]  }
0x63: {  	v61 =	vld [tilespmem:$0x1FD50]  }
0x64: {  	v62 =	vld [tilespmem:$0x1FD60]  }
0x65: {  	v63 =	vld [tilespmem:$0x1FD70]  }
0x66: {  	v32 =	vld [tilespmem:$0x1FD80]  }
0x67: {  	v33 =	vld [tilespmem:$0x1FD90]  }
0x68: {  	v34 =	vld [tilespmem:$0x1FDA0]  }
0x69: {  	v35 =	vld [tilespmem:$0x1FDB0]  }
0x6a: {  	v36 =	vld [tilespmem:$0x1FDC0]  }
0x6b: {  	v37 =	vld [tilespmem:$0x1FDD0]  }
0x6c: {  	v38 =	vld [tilespmem:$0x1FDE0]  }
0x6d: {  	v39 =	vld [tilespmem:$0x1FDF0]  }
0x6e: {  	v40 =	vld [tilespmem:$0x1FE00]  }
0x6f: {  	v41 =	vld [tilespmem:$0x1FE10]  }
0x70: {  	v42 =	vld [tilespmem:$0x1FE20]  }
0x71: {  	v43 =	vld [tilespmem:$0x1FE30]  }
0x72: {  	v44 =	vld [tilespmem:$0x1FE40]  }
0x73: {  	v45 =	vld [tilespmem:$0x1FE50]  }
0x74: {  	v46 =	vld [tilespmem:$0x1FE60]  }
0x75: {  	v9 =	vld.idx.msk [tilespmem:v1+s2+$0x0], $0xffff  }
0x76: {  	v10 =	vld.idx.msk [tilespmem:v47+s2+$0x0], $0xffff  }
0x77: {  	v11 =	vld.idx.msk [tilespmem:v48+s2+$0x0], $0xffff  }
0x78: {  	v12 =	vld.idx.msk [tilespmem:v49+s2+$0x0], $0xffff  }
0x79: {  	v13 =	vld.idx.msk [tilespmem:v50+s2+$0x0], $0xffff  }
0x7a: {  	v14 =	vld.idx.msk [tilespmem:v51+s2+$0x0], $0xffff  }
0x7b: {  	v15 =	vld.idx.msk [tilespmem:v52+s2+$0x0], $0xffff  }
0x7c: {  	v16 =	vld.idx.msk [tilespmem:v53+s2+$0x0], $0xffff  }
0x7d: {  	v17 =	vld.idx.msk [tilespmem:v54+s2+$0x0], $0xffff  }
0x7e: {  	v18 =	vld.idx.msk [tilespmem:v55+s2+$0x0], $0xffff  }
0x7f: {  	v19 =	vld.idx.msk [tilespmem:v56+s2+$0x0], $0xffff  }
0x80: {  	v20 =	vld.idx.msk [tilespmem:v57+s2+$0x0], $0xffff  }
0x81: {  	v21 =	vld.idx.msk [tilespmem:v58+s2+$0x0], $0xffff  }
0x82: {  	v22 =	vld.idx.msk [tilespmem:v59+s2+$0x0], $0xffff  }
0x83: {  	v23 =	vld.idx.msk [tilespmem:v60+s2+$0x0], $0xffff  }
0x84: {  	v24 =	vld.idx.msk [tilespmem:v61+s2+$0x0], $0xffff  }
0x85: {  	v25 =	vld.idx.msk [tilespmem:v62+s2+$0x0], $0xffff  }
0x86: {  	v26 =	vld.idx.msk [tilespmem:v63+s2+$0x0], $0xffff  }
0x87: {  	v27 =	vld.idx.msk [tilespmem:v32+s2+$0x0], $0xffff  }
0x88: {  	v28 =	vld.idx.msk [tilespmem:v33+s2+$0x0], $0xffff  }
0x89: {  	v29 =	vld.idx.msk [tilespmem:v34+s2+$0x0], $0xffff  }
0x8a: {  	v30 =	vld.idx.msk [tilespmem:v35+s2+$0x0], $0xffff  }
0x8b: {  	v31 =	vld.idx.msk [tilespmem:v36+s2+$0x0], $0xffff  }
0x8c: {  	v32 =	vld.idx.msk [tilespmem:v37+s2+$0x0], $0xffff  }
0x8d: {  	v33 =	vld.idx.msk [tilespmem:v38+s2+$0x0], $0xffff  }
0x8e: {  	v34 =	vld.idx.msk [tilespmem:v39+s2+$0x0], $0xffff  }
0x8f: {  	v35 =	vld.idx.msk [tilespmem:v40+s2+$0x0], $0xffff  }
0x90: {  	v36 =	vld.idx.msk [tilespmem:v41+s2+$0x0], $0xffff  }
0x91: {  	v37 =	vld.idx.msk [tilespmem:v42+s2+$0x0], $0xffff  }
0x92: {  	v38 =	vld.idx.msk [tilespmem:v43+s2+$0x0], $0xffff  }
0x93: {  	v39 =	vld.idx.msk [tilespmem:v44+s2+$0x0], $0xffff  }
0x94: {  	v40 =	vld.idx.msk [tilespmem:v45+s2+$0x0], $0xffff  }
0x95: {  	v41 =	vld.idx.msk [tilespmem:v46+s2+$0x0], $0xffff  }
0x96: {  	v47 =	vld [tilespmem:$0x1FE70]  }
0x97: {  	v48 =	vld [tilespmem:$0x1FE80]  }
0x98: {  	v49 =	vld [tilespmem:$0x1FE90]  }
0x99: {  	v50 =	vld [tilespmem:$0x1FEA0]  }
0x9a: {  	v51 =	vld [tilespmem:$0x1FEB0]  }
0x9b: {  	v52 =	vld [tilespmem:$0x1FEC0]  }
0x9c: {  	v54 =	vld [tilespmem:$0x1FED0]  }
0x9d: {  	v55 =	vld [tilespmem:$0x1FEE0]  }
0x9e: {  	v56 =	vld [tilespmem:$0x1FEF0]  }
0x9f: {  	v58 =	vld [tilespmem:$0x1FF00]  }
0xa0: {  	v60 =	vld [tilespmem:$0x1FF10]  }
0xa1: {  	v62 =	vld [tilespmem:$0x1FF20]  }
0xa2: {  	v46 =	vld [tilespmem:$0x1FFB0]  }
0xa3: {  	v42 =	vld.idx.msk [tilespmem:v47+s2+$0x0], $0xffff  }
0xa4: {  	v43 =	vld.idx.msk [tilespmem:v48+s2+$0x0], $0xffff  }
0xa5: {  	v44 =	vld.idx.msk [tilespmem:v49+s2+$0x0], $0xffff  }
0xa6: {  	v45 =	vld.idx.msk [tilespmem:v50+s2+$0x0], $0xffff  }
0xa7: {  	v3 =	vmax.f32 v3, v4;
	v4 =	vld.idx.msk [tilespmem:v51+s2+$0x0], $0xffff  }
0xa8: {  	v3 =	vmax.f32 v3, v5;
	v53 =	vld.idx.msk [tilespmem:v52+s2+$0x0], $0xffff  }
0xa9: {  	v3 =	vmax.f32 v3, v6;
	v6 =	vld.idx.msk [tilespmem:v54+s2+$0x0], $0xffff  }
0xaa: {  	v3 =	vmax.f32 v3, v7;
	v7 =	vld.idx.msk [tilespmem:v55+s2+$0x0], $0xffff  }
0xab: {  	v5 =	vmax.f32 v11, v12;
	v57 =	vld.idx.msk [tilespmem:v56+s2+$0x0], $0xffff  }
0xac: {  	v5 =	vmax.f32 v5, v13;
	v59 =	vld.idx.msk [tilespmem:v58+s2+$0x0], $0xffff  }
0xad: {  	v5 =	vmax.f32 v5, v14;
	v63 =	vld.idx.msk [tilespmem:v62+s2+$0x0], $0xffff  }
0xae: {  	v5 =	vmax.f32 v5, v15;
	v15 =	vmax.f32 v35, v36;
	v36 =	vld [tilespmem:$0x1FF30]  }
0xaf: {  	v3 =	vmax.f32 v3, v8;
	v47 =	vld [tilespmem:$0x1FFC0]  }
0xb0: {  	v8 =	vmax.f32 v19, v20;
	v3 =	vmax.f32 v3, v9;
	v49 =	vld [tilespmem:$0x1FFD0];
	v55 =	vor.u32 $0x400, v0  }
0xb1: {  	v8 =	vmax.f32 v8, v21;
	v10 =	vmax.f32 v3, v10;
	v50 =	vld [tilespmem:$0x1FFF0];
	v5 =	vmax.f32 v5, v16  }
0xb2: {  	v15 =	vmax.f32 v15, v37;
	v37 =	vld [tilespmem:$0x1FF40];
	v3 =	vmax.f32 v5, v17;
	v5 =	vmax.f32 v8, v22  }
0xb3: {  	v8 =	vld.idx.msk [tilespmem:v60+s2+$0x0], $0xffff;
	v61 =	vmax.f32 v3, v18;
	v3 =	vmax.f32 v5, v23;
	v5 =	vmax.f32 v27, v28  }
0xb4: {  	v3 =	vmax.f32 v3, v24;
	v5 =	vmax.f32 v5, v29;
	v19 =	vmax.f32 v43, v44;
	v43 =	vld [tilespmem:$0x1FFA0]  }
0xb5: {  	v62 =	vor.u32 $0x416, v0;
	v3 =	vmax.f32 v3, v25;
	v5 =	vmax.f32 v5, v30;
	v11 =	vld.idx.msk [tilespmem:v55+s2+$0x0], $0xffff  }
0xb6: {  	v18 =	vmax.f32 v3, v26;
	v3 =	vmax.f32 v5, v31;
	v5 =	vmax.f32 v15, v38;
	v38 =	vld [tilespmem:$0x1FF50]  }
0xb7: {  	v5 =	vmax.f32 v5, v39;
	v39 =	vld [tilespmem:$0x1FF60]  }
0xb8: {  	v16 =	vld.idx.msk [tilespmem:v36+s2+$0x0], $0xffff  }
0xb9: {  	v60 =	vor.u32 $0x414, v0;
	v3 =	vmax.f32 v3, v32;
	v5 =	vmax.f32 v5, v40;
	v40 =	vld [tilespmem:$0x1FF70]  }
0xba: {  	v3 =	vmax.f32 v3, v33;
	v36 =	vld.idx.msk [tilespmem:v62+s2+$0x0], $0xffff  }
0xbb: {  	v19 =	vmax.f32 v19, v45;
	v22 =	vmax.f32 v3, v34;
	v3 =	vmax.f32 v5, v41;
	v41 =	vld [tilespmem:$0x1FF80]  }
0xbc: {  	v4 =	vmax.f32 v19, v4;
	v19 =	vmax.f32 v3, v42;
	v42 =	vld [tilespmem:$0x1FF90]  }
0xbd: {  	v17 =	vld.idx.msk [tilespmem:v37+s2+$0x0], $0xffff  }
0xbe: {  	v1 =	vimm.s32 $0x0;
	v8 =	vmax.f32 v59, v8;
	v34 =	vld.idx.msk [tilespmem:v60+s2+$0x0], $0xffff;
	v3 =	vmax.f32 v4, v53  }
0xbf: {  	v56 =	vor.u32 $0x401, v0;
	v3 =	vmax.f32 v3, v6;
	v6 =	vmax.f32 v8, v63;
	v8 =	vld.idx.msk [tilespmem:v46+s2+$0x0], $0xffff  }
0xc0: {  	v28 =	vor.u32 $0x40F, v0;
	vm0 =	vgt.f32 v61, v10;
	v3 =	vmax.f32 v3, v7;
	v7 =	vld.idx.msk [tilespmem:v47+s2+$0x0], $0xffff  }
0xc1: {  	v24 =	vor.u32 $0x409, v0;
	v29 =	vor.u32 $0x410, v0;
	v23 =	vsel vm0, v61, v10;
	v44 =	vld.idx.msk [tilespmem:v43+s2+$0x0], $0xffff  }
0xc2: {  	v25 =	vor.u32 $0x40A, v0;
	v30 =	vor.u32 $0x411, v0;
	v59 =	vor.u32 $0x412, v0;
	v15 =	vld.idx.msk [tilespmem:v38+s2+$0x0], $0xffff  }
0xc3: {  	v55 =	vor.u32 $0x426, v0;
	v45 =	vor.u32 $0x3F, v0;
	vm1 =	vgt.f32 v18, v23;
	v5 =	vld.idx.msk [tilespmem:v41+s2+$0x0], $0xffff  }
0xc4: {  	v26 =	vor.u32 $0x40D, v0;
	v48 =	vsel vm1, v18, v23;
	v23 =	vor.u32 $0x408, v0;
	v4 =	vld.idx.msk [tilespmem:v42+s2+$0x0], $0xffff  }
0xc5: {  	v62 =	vor.u32 $0x41E, v0;
	v60 =	vor.u32 $0x41B, v0;
	vm2 =	vgt.f32 v22, v48;
	v20 =	vld.idx.msk [tilespmem:v39+s2+$0x0], $0xffff  }
0xc6: {  	v14 =	vsel vm2, v22, v48;
	v63 =	vor.u32 $0x417, v0;
	v46 =	vor.u32 $0x420, v0;
	v21 =	vld.idx.msk [tilespmem:v40+s2+$0x0], $0xffff  }
0xc7: {  	vm3 =	vgt.f32 v19, v14;
	v32 =	vld.idx.msk [tilespmem:v59+s2+$0x0], $0xffff;
	v59 =	vor.u32 $0x41A, v0;
	v6 =	vmax.f32 v6, v16  }
0xc8: {  	v47 =	vor.u32 $0x421, v0;
	v12 =	vmax.f32 v3, v57;
	v3 =	vmax.f32 v6, v17;
	v6 =	vld.idx.msk [tilespmem:v49+s2+$0x0], $0xffff  }
0xc9: {  	v16 =	vor.u32 $0x403, v0;
	v3 =	vmax.f32 v3, v15;
	v4 =	vmax.f32 v5, v4;
	v5 =	vld.idx.msk [tilespmem:v50+s2+$0x0], $0xffff  }
0xca: {  	v51 =	vld.idx.msk [tilespmem:v45+s2+$0x0], $0xffff;
	v17 =	vor.u32 $0x404, v0;
	v3 =	vmax.f32 v3, v20;
	v4 =	vmax.f32 v4, v44  }
0xcb: {  	v52 =	vmax.f32 v3, v21;
	v3 =	vmax.f32 v4, v8;
	v4 =	vsel vm3, v19, v14  }
0xcc: {  	v3 =	vmax.f32 v3, v7;
	v7 =	vsel vm0, $0x1, v1;
	vm0 =	vgt.f32 v12, v4  }
0xcd: {  	v3 =	vmax.f32 v3, v6;
	v6 =	vsel vm1, $0x2, v7;
	v4 =	vsel vm0, v12, v4  }
0xce: {  	v3 =	vmax.f32 v3, v5;
	v5 =	vsel vm2, $0x3, v6;
	vm1 =	vgt.f32 v52, v4  }
0xcf: {  	v6 =	vmax.f32 v3, v51;
	v3 =	vsel vm3, $0x4, v5;
	v4 =	vsel vm1, v52, v4  }
0xd0: {  	v49 =	vor.u32 $0x422, v0;
	v37 =	vld.idx.msk [tilespmem:v63+s2+$0x0], $0xffff;
	v3 =	vsel vm0, $0x5, v3;
	vm0 =	vgt.f32 v6, v4  }
0xd1: {  	v63 =	vor.u32 $0x41F, v0;
	v40 =	vld.idx.msk [tilespmem:v62+s2+$0x0], $0xffff;
	v3 =	vsel vm1, $0x6, v3;
	vm0 =	vmneg vm0  }
0xd2: {  	v62 =	vor.u32 $0x42B, v0;
	v42 =	vld.idx.msk [tilespmem:v60+s2+$0x0], $0xffff;
	v60 =	vor.u32 $0x42A, v0;
	v3 =	vnsel vm0, $0x7, v3  }
0xd3: {  	v15 =	vor.u32 $0x402, v0;
	vm1 =	vmand vm1, vm0;
	vm2 =	veq.s32 v3, $0x0  }
0xd4: {  	vm3 =	veq.s32 v3, $0x1;
	v20 =	vsel vm1, $0xBF800000, v52;
	v52 =	vor.u32 $0x423, v0  }
0xd5: {  	v5 =	vsel vm2, $0xBF800000, v10;
	v7 =	vsel vm3, $0xBF800000, v61;
	vm2 =	veq.s32 v3, $0x2  }
0xd6: {  	v8 =	vsel vm2, $0xBF800000, v18;
	vm2 =	veq.s32 v3, $0x3;
	vm3 =	vgt.f32 v7, v5  }
0xd7: {  	v24 =	vld.idx.msk [tilespmem:v24+s2+$0x0], $0xffff;
	v53 =	vsel vm2, $0xBF800000, v22;
	vm2 =	veq.s32 v3, $0x4;
	v4 =	vsel vm3, v7, v5  }
0xd8: {  	v23 =	vld.idx.msk [tilespmem:v23+s2+$0x0], $0xffff;
	v61 =	vor.u32 $0x415, v0;
	v54 =	vsel vm2, $0xBF800000, v19;
	vm2 =	vgt.f32 v8, v4  }
0xd9: {  	v21 =	vor.u32 $0x406, v0;
	v13 =	vld.idx.msk [tilespmem:v15+s2+$0x0], $0xffff;
	v6 =	vnsel vm0, $0xBF800000, v6;
	v4 =	vsel vm2, v8, v4  }
0xda: {  	v14 =	vld.idx.msk [tilespmem:v16+s2+$0x0], $0xffff;
	vm4 =	veq.s32 v3, $0x5;
	v18 =	vor.u32 $0x405, v0;
	vm15 =	vgt.f32 v53, v4  }
0xdb: {  	v57 =	vsel vm3, $0x1, v1;
	v19 =	vsel vm4, $0xBF800000, v12;
	v12 =	vld.idx.msk [tilespmem:v56+s2+$0x0], $0xffff;
	v4 =	vsel vm15, v53, v4  }
0xdc: {  	v22 =	vor.u32 $0x407, v0;
	v58 =	vsel vm2, $0x2, v57;
	v38 =	vld.idx.msk [tilespmem:v52+s2+$0x0], $0xffff;
	vm1 =	vgt.f32 v54, v4  }
0xdd: {  	v56 =	vor.u32 $0x800, v0;
	v35 =	vld.idx.msk [tilespmem:v61+s2+$0x0], $0xffff;
	v15 =	vsel vm15, $0x3, v58;
	v4 =	vsel vm1, v54, v4  }
0xde: {  	v52 =	vor.u32 $0x817, v0;
	v16 =	vsel vm1, $0x4, v15;
	v15 =	vld.idx.msk [tilespmem:v17+s2+$0x0], $0xffff;
	vm3 =	vgt.f32 v19, v4  }
0xdf: {  	v61 =	vor.u32 $0x41C, v0;
	v58 =	vor.u32 $0x419, v0;
	v17 =	vld.idx.msk [tilespmem:v18+s2+$0x0], $0xffff;
	v4 =	vsel vm3, v19, v4  }
0xe0: {  	v18 =	vld.idx.msk [tilespmem:v21+s2+$0x0], $0xffff;
	v21 =	vor.u32 $0x40B, v0;
	v11 =	vmax.f32 v11, v12;
	vm0 =	vgt.f32 v20, v4  }
0xe1: {  	v25 =	vld.idx.msk [tilespmem:v25+s2+$0x0], $0xffff;
	v11 =	vmax.f32 v11, v13;
	v16 =	vsel vm3, $0x5, v16;
	v4 =	vsel vm0, v20, v4  }
0xe2: {  	v11 =	vmax.f32 v11, v14;
	vm1 =	vgt.f32 v6, v4;
	v4 =	vsel vm0, $0x6, v16  }
0xe3: {  	v16 =	vld.idx.msk [tilespmem:v22+s2+$0x0], $0xffff;
	v22 =	vor.u32 $0x40C, v0;
	v11 =	vmax.f32 v11, v15;
	vm1 =	vmneg vm1  }
0xe4: {  	v11 =	vmax.f32 v11, v17;
	v17 =	vmax.f32 v23, v24;
	v24 =	vor.u32 $0x42D, v0  }
0xe5: {  	v4 =	vnsel vm1, $0x7, v4;
	vm0 =	vmand vm0, vm1;
	v2 =	vnsel vm1, $0xBF800000, v6  }
0xe6: {  	v11 =	vmax.f32 v11, v18;
	v17 =	vmax.f32 v17, v25;
	v25 =	vor.u32 $0x42E, v0  }
0xe7: {  	v21 =	vld.idx.msk [tilespmem:v21+s2+$0x0], $0xffff;
	vm2 =	veq.s32 v4, $0x0;
	vm3 =	veq.s32 v4, $0x4;
	vm8 =	veq.s32 v4, $0x5  }
0xe8: {  	v29 =	vld.idx.msk [tilespmem:v29+s2+$0x0], $0xffff;
	v20 =	vsel vm0, $0xBF800000, v20;
	v27 =	vsel vm2, $0xBF800000, v5;
	vm2 =	veq.s32 v4, $0x1  }
0xe9: {  	v30 =	vld.idx.msk [tilespmem:v30+s2+$0x0], $0xffff;
	v5 =	vor.u32 $0x40E, v0;
	v10 =	vsel vm3, $0xBF800000, v54;
	v19 =	vsel vm8, $0xBF800000, v19  }
0xea: {  	v26 =	vld.idx.msk [tilespmem:v26+s2+$0x0], $0xffff;
	v54 =	vor.u32 $0x425, v0;
	v7 =	vsel vm2, $0xBF800000, v7;
	vm2 =	veq.s32 v4, $0x2  }
0xeb: {  	v22 =	vld.idx.msk [tilespmem:v22+s2+$0x0], $0xffff;
	v11 =	vmax.f32 v11, v16;
	v8 =	vsel vm2, $0xBF800000, v8;
	vm2 =	veq.s32 v4, $0x3  }
0xec: {  	v41 =	vld.idx.msk [tilespmem:v59+s2+$0x0], $0xffff;
	v16 =	vmax.f32 v17, v21;
	v9 =	vsel vm2, $0xBF800000, v53;
	vm2 =	vgt.f32 v7, v27  }
0xed: {  	v17 =	vld.idx.msk [tilespmem:v60+s2+$0x0], $0xffff;
	v21 =	vor.u32 $0x42F, v0;
	v60 =	vor.u32 $0x80E, v0;
	v31 =	vsel vm2, v7, v27  }
0xee: {  	v53 =	vor.u32 $0x424, v0;
	v57 =	vsel vm2, $0x1, v1;
	vm3 =	vgt.f32 v8, v31;
	v33 =	vld.idx.msk [tilespmem:v5+s2+$0x0], $0xffff  }
0xef: {  	v5 =	vor.u32 $0x413, v0;
	v59 =	vld.idx.msk [tilespmem:v54+s2+$0x0], $0xffff;
	v54 =	vor.u32 $0x43F, v0;
	v31 =	vsel vm3, v8, v31  }
0xf0: {  	v28 =	vld.idx.msk [tilespmem:v28+s2+$0x0], $0xffff;
	v39 =	vsel vm3, $0x2, v57;
	v16 =	vmax.f32 v16, v22;
	vm9 =	vgt.f32 v9, v31  }
0xf1: {  	v46 =	vld.idx.msk [tilespmem:v46+s2+$0x0], $0xffff;
	v22 =	vmax.f32 v29, v30;
	v30 =	vor.u32 $0x430, v0;
	v31 =	vsel vm9, v9, v31  }
0xf2: {  	v47 =	vld.idx.msk [tilespmem:v47+s2+$0x0], $0xffff;
	v16 =	vmax.f32 v16, v26;
	v26 =	vor.u32 $0x431, v0;
	vm5 =	vgt.f32 v10, v31  }
0xf3: {  	v57 =	vor.u32 $0x429, v0;
	v29 =	vld.idx.msk [tilespmem:v62+s2+$0x0], $0xffff;
	v62 =	vor.u32 $0x810, v0;
	v6 =	vsel vm5, v10, v31  }
0xf4: {  	v22 =	vmax.f32 v22, v32;
	v31 =	vld.idx.msk [tilespmem:v5+s2+$0x0], $0xffff;
	v5 =	vor.u32 $0x418, v0;
	vm1 =	vgt.f32 v19, v6  }
0xf5: {  	v39 =	vsel vm9, $0x3, v39;
	v12 =	vld.idx.msk [tilespmem:v53+s2+$0x0], $0xffff;
	v53 =	vor.u32 $0x43E, v0;
	v6 =	vsel vm1, v19, v6  }
0xf6: {  	v39 =	vsel vm5, $0x4, v39;
	v16 =	vmax.f32 v16, v33;
	v30 =	vld.idx.msk [tilespmem:v30+s2+$0x0], $0xffff;
	vm0 =	vgt.f32 v20, v6  }
0xf7: {  	v16 =	vmax.f32 v16, v28;
	v28 =	vor.u32 $0x433, v0;
	v26 =	vld.idx.msk [tilespmem:v26+s2+$0x0], $0xffff;
	v6 =	vsel vm0, v20, v6  }
0xf8: {  	v45 =	vld.idx.msk [tilespmem:v63+s2+$0x0], $0xffff;
	v39 =	vsel vm1, $0x5, v39;
	vm1 =	vgt.f32 v2, v6;
	v6 =	vor.u32 $0x41D, v0  }
0xf9: {  	v44 =	vld.idx.msk [tilespmem:v5+s2+$0x0], $0xffff;
	v5 =	vsel vm0, $0x6, v39;
	v22 =	vmax.f32 v22, v31;
	v31 =	vor.u32 $0x432, v0  }
0xfa: {  	vm1 =	vmneg vm1;
	v22 =	vmax.f32 v22, v34;
	v34 =	vld.idx.msk [tilespmem:v60+s2+$0x0], $0xffff;
	v60 =	vor.u32 $0x81F, v0  }
0xfb: {  	v43 =	vld.idx.msk [tilespmem:v61+s2+$0x0], $0xffff;
	v5 =	vnsel vm1, $0x7, v5;
	vm0 =	vmand vm0, vm1;
	v22 =	vmax.f32 v22, v35  }
0xfc: {  	v39 =	vld.idx.msk [tilespmem:v58+s2+$0x0], $0xffff;
	v26 =	vmax.f32 v30, v26;
	vm2 =	veq.s32 v5, $0x0;
	vm3 =	veq.s32 v5, $0x2  }
0xfd: {  	v22 =	vmax.f32 v22, v36;
	v36 =	vld.idx.msk [tilespmem:v62+s2+$0x0], $0xffff;
	v62 =	vor.u32 $0x821, v0;
	v27 =	vsel vm2, $0xBF800000, v27  }
0xfe: {  	v61 =	vld.idx.msk [tilespmem:v55+s2+$0x0], $0xffff;
	vm2 =	veq.s32 v5, $0x1;
	v51 =	vsel vm3, $0xBF800000, v8;
	vm3 =	veq.s32 v5, $0x4  }
0xff: {  	v24 =	vld.idx.msk [tilespmem:v24+s2+$0x0], $0xffff;
	v8 =	vsel vm0, $0xBF800000, v20;
	v20 =	vor.u32 $0x427, v0;
	v22 =	vmax.f32 v22, v37  }
0x100: {  	v25 =	vld.idx.msk [tilespmem:v25+s2+$0x0], $0xffff;
	v50 =	vsel vm2, $0xBF800000, v7;
	vm2 =	veq.s32 v5, $0x3;
	v10 =	vsel vm3, $0xBF800000, v10  }
0x101: {  	v21 =	vld.idx.msk [tilespmem:v21+s2+$0x0], $0xffff;
	v63 =	vmax.f32 v44, v39;
	v44 =	vmax.f32 v46, v47;
	v46 =	vor.u32 $0x437, v0  }
0x102: {  	v48 =	vld.idx.msk [tilespmem:v6+s2+$0x0], $0xffff;
	v47 =	vor.u32 $0x438, v0;
	v6 =	vsel vm2, $0xBF800000, v9;
	vm2 =	veq.s32 v5, $0x5  }
0x103: {  	v18 =	vld.idx.msk [tilespmem:v57+s2+$0x0], $0xffff;
	v9 =	vnsel vm1, $0xBF800000, v2;
	vm0 =	vgt.f32 v50, v27;
	v2 =	vor.u32 $0x428, v0  }
0x104: {  	v32 =	vmax.f32 v63, v41;
	v41 =	vor.u32 $0x435, v0;
	v7 =	vsel vm2, $0xBF800000, v19;
	v19 =	vld.idx.msk [tilespmem:v49+s2+$0x0], $0xffff  }
0x105: {  	v28 =	vld.idx.msk [tilespmem:v28+s2+$0x0], $0xffff;
	vm1 =	vgt.f32 v16, v11;
	v63 =	vor.u32 $0x811, v0;
	v27 =	vsel vm0, v50, v27  }
0x106: {  	v58 =	vsel vm0, $0x1, v1;
	v32 =	vmax.f32 v32, v42;
	v15 =	vld.idx.msk [tilespmem:v20+s2+$0x0], $0xffff;
	v20 =	vor.u32 $0x42C, v0  }
0x107: {  	v31 =	vld.idx.msk [tilespmem:v31+s2+$0x0], $0xffff;
	v42 =	vor.u32 $0x436, v0;
	v49 =	vor.u32 $0x43A, v0;
	v55 =	vsel vm1, v16, v11  }
0x108: {  	vm0 =	vgt.f32 v51, v27;
	v32 =	vmax.f32 v32, v43;
	vm2 =	vgt.f32 v22, v55;
	v23 =	vld.idx.msk [tilespmem:v2+s2+$0x0], $0xffff  }
0x109: {  	v27 =	vsel vm0, v51, v27;
	v51 =	vld.idx.msk [tilespmem:v46+s2+$0x0], $0xffff;
	v2 =	vor.u32 $0x434, v0;
	v19 =	vmax.f32 v44, v19  }
0x10a: {  	v32 =	vmax.f32 v32, v48;
	v48 =	vor.u32 $0x439, v0;
	v37 =	vld.idx.msk [tilespmem:v63+s2+$0x0], $0xffff;
	v19 =	vmax.f32 v19, v38  }
0x10b: {  	v32 =	vmax.f32 v32, v40;
	v63 =	vor.u32 $0x822, v0;
	v20 =	vld.idx.msk [tilespmem:v20+s2+$0x0], $0xffff;
	v12 =	vmax.f32 v19, v12  }
0x10c: {  	v32 =	vmax.f32 v32, v45;
	v30 =	vld.idx.msk [tilespmem:v49+s2+$0x0], $0xffff;
	v49 =	vor.u32 $0x814, v0;
	v12 =	vmax.f32 v12, v59  }
0x10d: {  	v19 =	vld.idx.msk [tilespmem:v41+s2+$0x0], $0xffff;
	v50 =	vmax.f32 v23, v18;
	v23 =	vor.u32 $0x43B, v0;
	v12 =	vmax.f32 v12, v61  }
0x10e: {  	v33 =	vld.idx.msk [tilespmem:v2+s2+$0x0], $0xffff;
	v61 =	vor.u32 $0x80F, v0;
	v2 =	vor.u32 $0x813, v0;
	v13 =	vmax.f32 v50, v17  }
0x10f: {  	v18 =	vld.idx.msk [tilespmem:v42+s2+$0x0], $0xffff;
	v17 =	vor.u32 $0x43C, v0;
	v12 =	vmax.f32 v12, v15;
	v13 =	vmax.f32 v13, v29  }
0x110: {  	v15 =	vld.idx.msk [tilespmem:v47+s2+$0x0], $0xffff;
	v50 =	vor.u32 $0x815, v0;
	v29 =	vor.u32 $0x43D, v0;
	v13 =	vmax.f32 v13, v20  }
0x111: {  	v20 =	vld.idx.msk [tilespmem:v48+s2+$0x0], $0xffff;
	v13 =	vmax.f32 v13, v24;
	v24 =	vmax.f32 v26, v31;
	v26 =	vor.u32 $0x805, v0  }
0x112: {  	v23 =	vld.idx.msk [tilespmem:v23+s2+$0x0], $0xffff;
	v13 =	vmax.f32 v13, v25;
	v24 =	vmax.f32 v24, v28;
	v25 =	vsel vm2, v22, v55  }
0x113: {  	v28 =	vor.u32 $0x807, v0;
	v35 =	vld.idx.msk [tilespmem:v61+s2+$0x0], $0xffff;
	v55 =	vor.u32 $0x81A, v0;
	v61 =	vor.u32 $0x820, v0  }
0x114: {  	v17 =	vld.idx.msk [tilespmem:v17+s2+$0x0], $0xffff;
	v13 =	vmax.f32 v13, v21;
	v21 =	vmax.f32 v24, v33;
	vm3 =	vgt.f32 v32, v25  }
0x115: {  	v24 =	vld.idx.msk [tilespmem:v29+s2+$0x0], $0xffff;
	v19 =	vmax.f32 v21, v19;
	v21 =	vsel vm3, v32, v25;
	v29 =	vor.u32 $0x809, v0  }
0x116: {  	v15 =	vmax.f32 v15, v20;
	v20 =	vld.idx.msk [tilespmem:v53+s2+$0x0], $0xffff;
	v18 =	vmax.f32 v19, v18;
	vm10 =	vgt.f32 v12, v21  }
0x117: {  	v19 =	vld.idx.msk [tilespmem:v54+s2+$0x0], $0xffff;
	v53 =	vor.u32 $0x818, v0;
	v54 =	vor.u32 $0x819, v0;
	v15 =	vmax.f32 v15, v30  }
0x118: {  	v14 =	vmax.f32 v18, v51;
	v18 =	vsel vm10, v12, v21;
	v51 =	vor.u32 $0x816, v0  }
0x119: {  	v15 =	vmax.f32 v15, v23;
	vm11 =	vgt.f32 v13, v18;
	v46 =	vld.idx.msk [tilespmem:v55+s2+$0x0], $0xffff;
	v55 =	vor.u32 $0x830, v0  }
0x11a: {  	v15 =	vmax.f32 v15, v17;
	v17 =	vsel vm1, $0x1, v1;
	v18 =	vsel vm11, v13, v18  }
0x11b: {  	v15 =	vmax.f32 v15, v24;
	v17 =	vsel vm2, $0x2, v17;
	vm1 =	vgt.f32 v14, v18  }
0x11c: {  	vm2 =	vgt.f32 v6, v27;
	v15 =	vmax.f32 v15, v20;
	v17 =	vsel vm3, $0x3, v17;
	v39 =	vld.idx.msk [tilespmem:v53+s2+$0x0], $0xffff  }
0x11d: {  	v18 =	vsel vm1, v14, v18;
	v53 =	vld.idx.msk [tilespmem:v61+s2+$0x0], $0xffff;
	v61 =	vor.u32 $0x828, v0;
	v17 =	vsel vm10, $0x4, v17  }
0x11e: {  	v15 =	vmax.f32 v15, v19;
	v19 =	vsel vm0, $0x2, v58;
	v17 =	vsel vm11, $0x5, v17  }
0x11f: {  	vm0 =	vgt.f32 v15, v18;
	v18 =	vsel vm2, v6, v27;
	v19 =	vsel vm2, $0x3, v19  }
0x120: {  	v17 =	vsel vm1, $0x6, v17;
	vm0 =	vmneg vm0;
	vm2 =	vgt.f32 v10, v18  }
0x121: {  	v58 =	vor.u32 $0x801, v0;
	v6 =	vnsel vm0, $0x7, v17;
	v10 =	vsel vm2, v10, v18  }
0x122: {  	vm1 =	vmand vm1, vm0;
	vm3 =	veq.s32 v6, $0x0;
	vm12 =	veq.s32 v6, $0x1  }
0x123: {  	v25 =	vnsel vm0, $0xBF800000, v15;
	v11 =	vsel vm3, $0xBF800000, v11;
	v17 =	vsel vm12, $0xBF800000, v16  }
0x124: {  	v16 =	vsel vm2, $0x4, v19;
	vm2 =	veq.s32 v6, $0x2;
	vm3 =	vgt.f32 v17, v11  }
0x125: {  	vm13 =	vgt.f32 v7, v10;
	v18 =	vsel vm2, $0xBF800000, v22;
	v19 =	vsel vm3, v17, v11  }
0x126: {  	v10 =	vsel vm13, v7, v10;
	vm2 =	veq.s32 v6, $0x3;
	vm14 =	vgt.f32 v18, v19  }
0x127: {  	v20 =	vsel vm2, $0xBF800000, v32;
	vm2 =	veq.s32 v6, $0x4;
	v7 =	vsel vm14, v18, v19  }
0x128: {  	v15 =	vor.u32 $0x802, v0;
	v22 =	vsel vm2, $0xBF800000, v12;
	vm2 =	vgt.f32 v20, v7  }
0x129: {  	v21 =	vsel vm13, $0x5, v16;
	v16 =	vor.u32 $0x803, v0;
	v7 =	vsel vm2, v20, v7  }
0x12a: {  	vm15 =	veq.s32 v6, $0x5;
	v19 =	vor.u32 $0x804, v0;
	vm8 =	vgt.f32 v22, v7  }
0x12b: {  	v43 =	vld.idx.msk [tilespmem:v51+s2+$0x0], $0xffff;
	v23 =	vsel vm15, $0xBF800000, v13;
	v57 =	vsel vm3, $0x1, v1;
	v7 =	vsel vm8, v22, v7  }
0x12c: {  	v12 =	vld.idx.msk [tilespmem:v56+s2+$0x0], $0xffff;
	v13 =	vsel vm14, $0x2, v57;
	v57 =	vor.u32 $0x81C, v0;
	vm0 =	vgt.f32 v23, v7  }
0x12d: {  	v51 =	vor.u32 $0x82D, v0;
	v24 =	vsel vm1, $0xBF800000, v14;
	v14 =	vld.idx.msk [tilespmem:v15+s2+$0x0], $0xffff;
	v7 =	vsel vm0, v23, v7  }
0x12e: {  	v27 =	vor.u32 $0x806, v0;
	v13 =	vsel vm2, $0x3, v13;
	v15 =	vld.idx.msk [tilespmem:v16+s2+$0x0], $0xffff;
	vm1 =	vgt.f32 v24, v7  }
0x12f: {  	v56 =	vor.u32 $0x81B, v0;
	v13 =	vsel vm8, $0x4, v13;
	v16 =	vld.idx.msk [tilespmem:v19+s2+$0x0], $0xffff;
	v7 =	vsel vm1, v24, v7  }
0x130: {  	v19 =	vld.idx.msk [tilespmem:v28+s2+$0x0], $0xffff;
	v28 =	vor.u32 $0x80C, v0;
	v13 =	vsel vm0, $0x5, v13;
	vm0 =	vgt.f32 v25, v7  }
0x131: {  	v45 =	vld.idx.msk [tilespmem:v57+s2+$0x0], $0xffff;
	v57 =	vor.u32 $0x824, v0;
	v7 =	vsel vm1, $0x6, v13;
	vm2 =	vmneg vm0  }
0x132: {  	v13 =	vld.idx.msk [tilespmem:v58+s2+$0x0], $0xffff;
	v58 =	vor.u32 $0x81D, v0;
	vm0 =	vgt.f32 v8, v10;
	v7 =	vnsel vm2, $0x7, v7  }
0x133: {  	v10 =	vsel vm0, v8, v10;
	v8 =	vor.u32 $0x808, v0;
	vm1 =	vmand vm1, vm2  }
0x134: {  	v25 =	vnsel vm2, $0xBF800000, v25;
	v21 =	vsel vm0, $0x6, v21;
	vm3 =	veq.s32 v7, $0x0  }
0x135: {  	vm9 =	veq.s32 v7, $0x4;
	vm11 =	veq.s32 v7, $0x5;
	v24 =	vsel vm1, $0xBF800000, v24  }
0x136: {  	vm0 =	vgt.f32 v9, v10;
	v11 =	vsel vm3, $0xBF800000, v11;
	vm3 =	veq.s32 v7, $0x1  }
0x137: {  	v29 =	vld.idx.msk [tilespmem:v29+s2+$0x0], $0xffff;
	v22 =	vsel vm9, $0xBF800000, v22;
	v23 =	vsel vm11, $0xBF800000, v23;
	v9 =	vsel vm0, $0x7, v21  }
0x138: {  	v21 =	vld.idx.msk [tilespmem:v52+s2+$0x0], $0xffff;
	v52 =	vor.u32 $0xC08, v0;
	v30 =	vsel vm3, $0xBF800000, v17;
	vm3 =	veq.s32 v7, $0x2  }
0x139: {  	v17 =	vld.idx.msk [tilespmem:v26+s2+$0x0], $0xffff;
	v26 =	vor.u32 $0x80A, v0;
	v12 =	vmax.f32 v12, v13;
	v31 =	vsel vm3, $0xBF800000, v18  }
0x13a: {  	vm3 =	veq.s32 v7, $0x3;
	v18 =	vld.idx.msk [tilespmem:v27+s2+$0x0], $0xffff;
	v27 =	vor.u32 $0x80B, v0;
	v12 =	vmax.f32 v12, v14  }
0x13b: {  	v20 =	vsel vm3, $0xBF800000, v20;
	vm3 =	vgt.f32 v30, v11;
	v33 =	vld.idx.msk [tilespmem:v8+s2+$0x0], $0xffff;
	v8 =	vor.u32 $0x80D, v0  }
0x13c: {  	v13 =	vld.idx.msk [tilespmem:v57+s2+$0x0], $0xffff;
	v57 =	vor.u32 $0x831, v0;
	v12 =	vmax.f32 v12, v15;
	v59 =	vsel vm3, v30, v11  }
0x13d: {  	v41 =	vld.idx.msk [tilespmem:v54+s2+$0x0], $0xffff;
	v48 =	vsel vm3, $0x1, v1;
	v12 =	vmax.f32 v12, v16;
	vm10 =	vgt.f32 v31, v59  }
0x13e: {  	v32 =	vsel vm10, v31, v59;
	v26 =	vld.idx.msk [tilespmem:v26+s2+$0x0], $0xffff;
	v59 =	vor.u32 $0x81E, v0;
	v12 =	vmax.f32 v12, v17  }
0x13f: {  	v40 =	vsel vm10, $0x2, v48;
	vm12 =	vgt.f32 v20, v32;
	v27 =	vld.idx.msk [tilespmem:v27+s2+$0x0], $0xffff;
	v12 =	vmax.f32 v12, v18  }
0x140: {  	v32 =	vsel vm12, v20, v32;
	v38 =	vld.idx.msk [tilespmem:v8+s2+$0x0], $0xffff;
	v8 =	vor.u32 $0x812, v0;
	v40 =	vsel vm12, $0x3, v40  }
0x141: {  	v28 =	vld.idx.msk [tilespmem:v28+s2+$0x0], $0xffff;
	v17 =	vmax.f32 v33, v29;
	v12 =	vmax.f32 v12, v19;
	vm6 =	vgt.f32 v22, v32  }
0x142: {  	v29 =	vld.idx.msk [tilespmem:v61+s2+$0x0], $0xffff;
	v61 =	vmax.f32 v39, v41;
	v32 =	vsel vm6, v22, v32;
	v40 =	vsel vm6, $0x4, v40  }
0x143: {  	vm2 =	vgt.f32 v23, v32;
	v48 =	vld.idx.msk [tilespmem:v59+s2+$0x0], $0xffff;
	v59 =	vor.u32 $0x827, v0;
	v17 =	vmax.f32 v17, v26  }
0x144: {  	v26 =	vor.u32 $0x82E, v0;
	v32 =	vsel vm2, v23, v32;
	v17 =	vmax.f32 v17, v27  }
0x145: {  	v27 =	vor.u32 $0x82F, v0;
	vm1 =	vgt.f32 v24, v32;
	v44 =	vld.idx.msk [tilespmem:v8+s2+$0x0], $0xffff;
	v8 =	vsel vm2, $0x5, v40  }
0x146: {  	v17 =	vmax.f32 v17, v28;
	v28 =	vmax.f32 v36, v37;
	v36 =	vld.idx.msk [tilespmem:v55+s2+$0x0], $0xffff;
	v55 =	vor.u32 $0xC0A, v0  }
0x147: {  	v32 =	vsel vm1, v24, v32;
	v8 =	vsel vm1, $0x6, v8;
	v17 =	vmax.f32 v17, v38  }
0x148: {  	vm2 =	vgt.f32 v25, v32;
	v32 =	vld.idx.msk [tilespmem:v2+s2+$0x0], $0xffff;
	v2 =	vor.u32 $0x823, v0;
	v17 =	vmax.f32 v17, v34  }
0x149: {  	vm2 =	vmneg vm2;
	v16 =	vld.idx.msk [tilespmem:v59+s2+$0x0], $0xffff;
	v59 =	vor.u32 $0x832, v0;
	v17 =	vmax.f32 v17, v35  }
0x14a: {  	v42 =	vld.idx.msk [tilespmem:v50+s2+$0x0], $0xffff;
	v35 =	vmax.f32 v61, v46;
	v46 =	vor.u32 $0x83E, v0;
	v8 =	vnsel vm2, $0x7, v8  }
0x14b: {  	v40 =	vld.idx.msk [tilespmem:v49+s2+$0x0], $0xffff;
	v61 =	vor.u32 $0xC13, v0;
	vm1 =	vmand vm1, vm2;
	vm3 =	veq.s32 v8, $0x0  }
0x14c: {  	v49 =	vld.idx.msk [tilespmem:v60+s2+$0x0], $0xffff;
	vm0 =	veq.s32 v8, $0x1;
	v10 =	vsel vm1, $0xBF800000, v24;
	v24 =	vor.u32 $0x826, v0  }
0x14d: {  	v28 =	vmax.f32 v28, v44;
	v44 =	vor.u32 $0x83A, v0;
	v39 =	vld.idx.msk [tilespmem:v55+s2+$0x0], $0xffff;
	v55 =	vor.u32 $0xC37, v0  }
0x14e: {  	v26 =	vld.idx.msk [tilespmem:v26+s2+$0x0], $0xffff;
	v11 =	vsel vm3, $0xBF800000, v11;
	vm3 =	veq.s32 v8, $0x2;
	v30 =	vsel vm0, $0xBF800000, v30  }
0x14f: {  	v27 =	vld.idx.msk [tilespmem:v27+s2+$0x0], $0xffff;
	v31 =	vsel vm3, $0xBF800000, v31;
	vm3 =	veq.s32 v8, $0x3;
	vm0 =	vgt.f32 v30, v11  }
0x150: {  	v28 =	vmax.f32 v28, v32;
	v20 =	vsel vm3, $0xBF800000, v20;
	v11 =	vsel vm0, v30, v11;
	v30 =	vld.idx.msk [tilespmem:v56+s2+$0x0], $0xffff  }
0x151: {  	vm3 =	veq.s32 v8, $0x4;
	v60 =	vsel vm0, $0x1, v1;
	v28 =	vmax.f32 v28, v40;
	v33 =	vld.idx.msk [tilespmem:v59+s2+$0x0], $0xffff  }
0x152: {  	vm0 =	vgt.f32 v17, v12;
	v59 =	vor.u32 $0xC0F, v0;
	v38 =	vld.idx.msk [tilespmem:v61+s2+$0x0], $0xffff;
	vm13 =	vgt.f32 v31, v11  }
0x153: {  	v22 =	vsel vm3, $0xBF800000, v22;
	vm3 =	veq.s32 v8, $0x5;
	v11 =	vsel vm13, v31, v11;
	v31 =	vld.idx.msk [tilespmem:v58+s2+$0x0], $0xffff  }
0x154: {  	v28 =	vmax.f32 v28, v42;
	v58 =	vor.u32 $0x825, v0;
	v15 =	vld.idx.msk [tilespmem:v24+s2+$0x0], $0xffff;
	vm14 =	vgt.f32 v20, v11  }
0x155: {  	v23 =	vsel vm3, $0xBF800000, v23;
	v28 =	vmax.f32 v28, v43;
	v47 =	vld.idx.msk [tilespmem:v44+s2+$0x0], $0xffff;
	v11 =	vsel vm14, v20, v11  }
0x156: {  	v21 =	vmax.f32 v28, v21;
	vm3 =	vgt.f32 v22, v11;
	v28 =	vmax.f32 v35, v30;
	v30 =	vld.idx.msk [tilespmem:v57+s2+$0x0], $0xffff  }
0x157: {  	v61 =	vor.u32 $0xC1F, v0;
	v20 =	vsel vm3, v22, v11;
	v22 =	vld.idx.msk [tilespmem:v62+s2+$0x0], $0xffff;
	v62 =	vor.u32 $0x829, v0  }
0x158: {  	v42 =	vor.u32 $0x837, v0;
	v11 =	vnsel vm2, $0xBF800000, v25;
	v25 =	vld.idx.msk [tilespmem:v63+s2+$0x0], $0xffff;
	v63 =	vor.u32 $0x82A, v0  }
0x159: {  	v50 =	vsel vm13, $0x2, v60;
	v24 =	vor.u32 $0x82B, v0;
	v60 =	vor.u32 $0x833, v0;
	v14 =	vld.idx.msk [tilespmem:v58+s2+$0x0], $0xffff  }
0x15a: {  	v43 =	vor.u32 $0x839, v0;
	v50 =	vsel vm14, $0x3, v50;
	vm1 =	vgt.f32 v23, v20;
	v58 =	vld.idx.msk [tilespmem:v51+s2+$0x0], $0xffff  }
0x15b: {  	v28 =	vmax.f32 v28, v45;
	v20 =	vsel vm1, v23, v20;
	v23 =	vld.idx.msk [tilespmem:v2+s2+$0x0], $0xffff;
	v2 =	vor.u32 $0x82C, v0  }
0x15c: {  	v50 =	vsel vm3, $0x4, v50;
	v28 =	vmax.f32 v28, v31;
	v18 =	vld.idx.msk [tilespmem:v62+s2+$0x0], $0xffff;
	v62 =	vor.u32 $0x834, v0  }
0x15d: {  	v31 =	vor.u32 $0x838, v0;
	v51 =	vor.u32 $0xC03, v0;
	v19 =	vld.idx.msk [tilespmem:v63+s2+$0x0], $0xffff;
	v63 =	vor.u32 $0x835, v0  }
0x15e: {  	v24 =	vld.idx.msk [tilespmem:v24+s2+$0x0], $0xffff;
	v50 =	vsel vm1, $0x5, v50;
	v28 =	vmax.f32 v28, v48;
	v22 =	vmax.f32 v53, v22  }
0x15f: {  	v48 =	vor.u32 $0x83F, v0;
	v28 =	vmax.f32 v28, v49;
	v22 =	vmax.f32 v22, v25;
	v25 =	vld.idx.msk [tilespmem:v60+s2+$0x0], $0xffff  }
0x160: {  	v49 =	vsel vm0, v17, v12;
	v30 =	vmax.f32 v36, v30;
	v56 =	vld.idx.msk [tilespmem:v2+s2+$0x0], $0xffff;
	v22 =	vmax.f32 v22, v23  }
0x161: {  	vm1 =	vgt.f32 v21, v49;
	v2 =	vor.u32 $0x836, v0;
	v13 =	vmax.f32 v22, v13;
	v23 =	vld.idx.msk [tilespmem:v62+s2+$0x0], $0xffff  }
0x162: {  	v13 =	vmax.f32 v13, v14;
	v22 =	vld.idx.msk [tilespmem:v63+s2+$0x0], $0xffff;
	v45 =	vmax.f32 v29, v18;
	v29 =	vor.u32 $0x83B, v0  }
0x163: {  	v30 =	vmax.f32 v30, v33;
	v13 =	vmax.f32 v13, v15;
	v15 =	vld.idx.msk [tilespmem:v42+s2+$0x0], $0xffff;
	v63 =	vor.u32 $0xC16, v0  }
0x164: {  	v14 =	vmax.f32 v45, v19;
	v19 =	vor.u32 $0x83C, v0;
	v13 =	vmax.f32 v13, v16;
	v16 =	vld.idx.msk [tilespmem:v31+s2+$0x0], $0xffff  }
0x165: {  	v53 =	vor.u32 $0xC09, v0;
	v62 =	vor.u32 $0xC14, v0;
	v31 =	vld.idx.msk [tilespmem:v43+s2+$0x0], $0xffff;
	v14 =	vmax.f32 v14, v24  }
0x166: {  	v25 =	vmax.f32 v30, v25;
	v18 =	vld.idx.msk [tilespmem:v2+s2+$0x0], $0xffff;
	v24 =	vor.u32 $0x83D, v0;
	v14 =	vmax.f32 v14, v56  }
0x167: {  	v30 =	vor.u32 $0xC07, v0;
	v2 =	vor.u32 $0xC19, v0;
	v14 =	vmax.f32 v14, v58;
	v29 =	vld.idx.msk [tilespmem:v29+s2+$0x0], $0xffff  }
0x168: {  	v56 =	vor.u32 $0xC0D, v0;
	v58 =	vor.u32 $0xC0E, v0;
	v14 =	vmax.f32 v14, v26;
	v45 =	vld.idx.msk [tilespmem:v63+s2+$0x0], $0xffff  }
0x169: {  	v26 =	vsel vm1, v21, v49;
	v23 =	vmax.f32 v25, v23;
	v63 =	vor.u32 $0xC20, v0;
	v19 =	vld.idx.msk [tilespmem:v19+s2+$0x0], $0xffff  }
0x16a: {  	v14 =	vmax.f32 v14, v27;
	vm2 =	vgt.f32 v28, v26;
	v22 =	vmax.f32 v23, v22;
	v23 =	vld.idx.msk [tilespmem:v46+s2+$0x0], $0xffff  }
0x16b: {  	v16 =	vmax.f32 v16, v31;
	v24 =	vld.idx.msk [tilespmem:v24+s2+$0x0], $0xffff;
	v25 =	vsel vm2, v28, v26;
	v18 =	vmax.f32 v22, v18  }
0x16c: {  	v16 =	vmax.f32 v16, v47;
	v22 =	vld.idx.msk [tilespmem:v48+s2+$0x0], $0xffff;
	v26 =	vor.u32 $0xC05, v0;
	vm3 =	vgt.f32 v13, v25  }
0x16d: {  	v43 =	vld.idx.msk [tilespmem:v2+s2+$0x0], $0xffff;
	v2 =	vor.u32 $0xC21, v0;
	v15 =	vmax.f32 v18, v15;
	v18 =	vsel vm3, v13, v25  }
0x16e: {  	v25 =	vor.u32 $0xC04, v0;
	v16 =	vmax.f32 v16, v29;
	vm15 =	vgt.f32 v14, v18  }
0x16f: {  	v16 =	vmax.f32 v16, v19;
	v19 =	vsel vm0, $0x1, v1;
	v18 =	vsel vm15, v14, v18  }
0x170: {  	v16 =	vmax.f32 v16, v24;
	v19 =	vsel vm1, $0x2, v19;
	vm0 =	vgt.f32 v15, v18  }
0x171: {  	v16 =	vmax.f32 v16, v23;
	v19 =	vsel vm2, $0x3, v19;
	v18 =	vsel vm0, v15, v18  }
0x172: {  	vm2 =	vgt.f32 v10, v20;
	v16 =	vmax.f32 v16, v22;
	v19 =	vsel vm3, $0x4, v19  }
0x173: {  	v23 =	vor.u32 $0xC02, v0;
	v19 =	vsel vm15, $0x5, v19;
	vm1 =	vgt.f32 v16, v18  }
0x174: {  	v20 =	vsel vm2, v10, v20;
	v18 =	vsel vm0, $0x6, v19;
	vm1 =	vmneg vm1  }
0x175: {  	v22 =	vsel vm2, $0x6, v50;
	v19 =	vor.u32 $0xC00, v0;
	v10 =	vnsel vm1, $0x7, v18  }
0x176: {  	v18 =	vor.u32 $0xC01, v0;
	vm0 =	vmand vm0, vm1;
	v36 =	vnsel vm1, $0xBF800000, v16  }
0x177: {  	v32 =	vld.idx.msk [tilespmem:v53+s2+$0x0], $0xffff;
	vm2 =	veq.s32 v10, $0x0;
	vm3 =	veq.s32 v10, $0x4;
	vm8 =	veq.s32 v10, $0x5  }
0x178: {  	v31 =	vld.idx.msk [tilespmem:v51+s2+$0x0], $0xffff;
	v35 =	vsel vm0, $0xBF800000, v15;
	v24 =	vsel vm2, $0xBF800000, v12;
	vm2 =	veq.s32 v10, $0x1  }
0x179: {  	v25 =	vld.idx.msk [tilespmem:v25+s2+$0x0], $0xffff;
	v15 =	vor.u32 $0xC0C, v0;
	v17 =	vsel vm2, $0xBF800000, v17;
	vm2 =	veq.s32 v10, $0x2  }
0x17a: {  	v13 =	vsel vm3, $0xBF800000, v13;
	v21 =	vsel vm2, $0xBF800000, v21;
	vm2 =	veq.s32 v10, $0x3;
	v19 =	vld.idx.msk [tilespmem:v19+s2+$0x0], $0xffff  }
0x17b: {  	v27 =	vsel vm2, $0xBF800000, v28;
	vm2 =	vgt.f32 v17, v24;
	v28 =	vld.idx.msk [tilespmem:v18+s2+$0x0], $0xffff;
	v18 =	vor.u32 $0xC06, v0  }
0x17c: {  	v23 =	vld.idx.msk [tilespmem:v23+s2+$0x0], $0xffff;
	v54 =	vsel vm8, $0xBF800000, v14;
	v29 =	vsel vm2, v17, v24;
	v57 =	vsel vm2, $0x1, v1  }
0x17d: {  	vm2 =	vgt.f32 v11, v20;
	v20 =	vld.idx.msk [tilespmem:v59+s2+$0x0], $0xffff;
	v59 =	vor.u32 $0xC1D, v0;
	vm3 =	vgt.f32 v21, v29  }
0x17e: {  	v41 =	vld.idx.msk [tilespmem:v15+s2+$0x0], $0xffff;
	v15 =	vor.u32 $0xC11, v0;
	v12 =	vsel vm2, $0x7, v22;
	v29 =	vsel vm3, v21, v29  }
0x17f: {  	v26 =	vld.idx.msk [tilespmem:v26+s2+$0x0], $0xffff;
	v37 =	vsel vm3, $0x2, v57;
	v57 =	vor.u32 $0xC1B, v0;
	vm9 =	vgt.f32 v27, v29  }
0x180: {  	v29 =	vsel vm9, v27, v29;
	v34 =	vld.idx.msk [tilespmem:v18+s2+$0x0], $0xffff;
	v18 =	vor.u32 $0xC0B, v0;
	v19 =	vmax.f32 v19, v28  }
0x181: {  	v30 =	vld.idx.msk [tilespmem:v30+s2+$0x0], $0xffff;
	v37 =	vsel vm9, $0x3, v37;
	vm10 =	vgt.f32 v13, v29;
	v19 =	vmax.f32 v19, v23  }
0x182: {  	v23 =	vld.idx.msk [tilespmem:v59+s2+$0x0], $0xffff;
	v59 =	vor.u32 $0xC24, v0;
	v16 =	vsel vm10, v13, v29;
	v19 =	vmax.f32 v19, v31  }
0x183: {  	v29 =	vld.idx.msk [tilespmem:v52+s2+$0x0], $0xffff;
	v37 =	vsel vm10, $0x4, v37;
	vm1 =	vgt.f32 v54, v16;
	v19 =	vmax.f32 v19, v25  }
0x184: {  	v16 =	vsel vm1, v54, v16;
	v37 =	vsel vm1, $0x5, v37;
	v19 =	vmax.f32 v19, v26;
	v26 =	vld.idx.msk [tilespmem:v63+s2+$0x0], $0xffff  }
0x185: {  	v63 =	vor.u32 $0xC27, v0;
	vm0 =	vgt.f32 v35, v16;
	v40 =	vld.idx.msk [tilespmem:v18+s2+$0x0], $0xffff;
	v18 =	vor.u32 $0xC10, v0  }
0x186: {  	v19 =	vmax.f32 v19, v34;
	v34 =	vld.idx.msk [tilespmem:v2+s2+$0x0], $0xffff;
	v2 =	vor.u32 $0xC28, v0;
	v16 =	vsel vm0, v35, v16  }
0x187: {  	v60 =	vsel vm0, $0x6, v37;
	v37 =	vld.idx.msk [tilespmem:v58+s2+$0x0], $0xffff;
	v58 =	vor.u32 $0xC1C, v0;
	vm1 =	vgt.f32 v36, v16  }
0x188: {  	v42 =	vld.idx.msk [tilespmem:v56+s2+$0x0], $0xffff;
	v16 =	vor.u32 $0xC12, v0;
	v29 =	vmax.f32 v29, v32;
	vm1 =	vmneg vm1  }
0x189: {  	v44 =	vld.idx.msk [tilespmem:v15+s2+$0x0], $0xffff;
	v19 =	vmax.f32 v19, v30;
	v29 =	vmax.f32 v29, v39;
	v11 =	vnsel vm1, $0x7, v60  }
0x18a: {  	v25 =	vld.idx.msk [tilespmem:v61+s2+$0x0], $0xffff;
	vm0 =	vmand vm0, vm1;
	v60 =	vor.u32 $0xC1E, v0;
	vm2 =	veq.s32 v11, $0x0  }
0x18b: {  	v22 =	vld.idx.msk [tilespmem:v18+s2+$0x0], $0xffff;
	v18 =	vor.u32 $0xC15, v0;
	vm3 =	veq.s32 v11, $0x4;
	vm11 =	veq.s32 v11, $0x5  }
0x18c: {  	v29 =	vmax.f32 v29, v40;
	v24 =	vsel vm2, $0xBF800000, v24;
	vm2 =	veq.s32 v11, $0x1;
	v28 =	vld.idx.msk [tilespmem:v58+s2+$0x0], $0xffff  }
0x18d: {  	v58 =	vor.u32 $0xC23, v0;
	v29 =	vmax.f32 v29, v41;
	v46 =	vsel vm2, $0xBF800000, v17;
	v47 =	vld.idx.msk [tilespmem:v16+s2+$0x0], $0xffff  }
0x18e: {  	vm2 =	veq.s32 v11, $0x2;
	v16 =	vor.u32 $0xC17, v0;
	v29 =	vmax.f32 v29, v42;
	v42 =	vld.idx.msk [tilespmem:v63+s2+$0x0], $0xffff  }
0x18f: {  	v21 =	vsel vm2, $0xBF800000, v21;
	vm2 =	veq.s32 v11, $0x3;
	v29 =	vmax.f32 v29, v37;
	v37 =	vld.idx.msk [tilespmem:v2+s2+$0x0], $0xffff  }
0x190: {  	v26 =	vmax.f32 v26, v34;
	v17 =	vor.u32 $0xC18, v0;
	v14 =	vsel vm2, $0xBF800000, v27;
	v27 =	vld.idx.msk [tilespmem:v62+s2+$0x0], $0xffff  }
0x191: {  	v15 =	vsel vm3, $0xBF800000, v13;
	v63 =	vor.u32 $0xC2E, v0;
	v2 =	vor.u32 $0xC2F, v0;
	v31 =	vld.idx.msk [tilespmem:v60+s2+$0x0], $0xffff  }
0x192: {  	vm2 =	vgt.f32 v46, v24;
	v60 =	vor.u32 $0xC25, v0;
	v20 =	vmax.f32 v29, v20;
	v49 =	vld.idx.msk [tilespmem:v18+s2+$0x0], $0xffff  }
0x193: {  	v56 =	vsel vm2, v46, v24;
	v18 =	vor.u32 $0xC1A, v0;
	v61 =	vsel vm2, $0x1, v1;
	v32 =	vld.idx.msk [tilespmem:v58+s2+$0x0], $0xffff  }
0x194: {  	v22 =	vmax.f32 v22, v44;
	vm3 =	vgt.f32 v21, v56;
	v58 =	vor.u32 $0xC2A, v0;
	v50 =	vld.idx.msk [tilespmem:v16+s2+$0x0], $0xffff  }
0x195: {  	v48 =	vsel vm3, v21, v56;
	v16 =	vsel vm11, $0xBF800000, v54;
	v33 =	vld.idx.msk [tilespmem:v17+s2+$0x0], $0xffff;
	v17 =	vsel vm0, $0xBF800000, v35  }
0x196: {  	v39 =	vld.idx.msk [tilespmem:v59+s2+$0x0], $0xffff;
	v22 =	vmax.f32 v22, v47;
	v56 =	vor.u32 $0xC39, v0;
	vm12 =	vgt.f32 v14, v48  }
0x197: {  	v22 =	vmax.f32 v22, v38;
	v48 =	vsel vm12, v14, v48;
	v40 =	vld.idx.msk [tilespmem:v60+s2+$0x0], $0xffff;
	v60 =	vor.u32 $0xC2B, v0  }
0x198: {  	v22 =	vmax.f32 v22, v27;
	vm13 =	vgt.f32 v15, v48;
	v35 =	vld.idx.msk [tilespmem:v18+s2+$0x0], $0xffff;
	v18 =	vnsel vm1, $0xBF800000, v36  }
0x199: {  	v22 =	vmax.f32 v22, v49;
	v62 =	vsel vm13, v15, v48;
	v48 =	vld.idx.msk [tilespmem:v57+s2+$0x0], $0xffff;
	v57 =	vor.u32 $0xC22, v0  }
0x19a: {  	v44 =	vld.idx.msk [tilespmem:v58+s2+$0x0], $0xffff;
	v58 =	vor.u32 $0xC31, v0;
	v22 =	vmax.f32 v22, v45;
	vm1 =	vgt.f32 v16, v62  }
0x19b: {  	v34 =	vld.idx.msk [tilespmem:v55+s2+$0x0], $0xffff;
	v45 =	vlaneseq.u32;
	v33 =	vmax.f32 v33, v43;
	v36 =	vsel vm1, v16, v62  }
0x19c: {  	v22 =	vmax.f32 v22, v50;
	vm0 =	vgt.f32 v17, v36;
	v41 =	vld.idx.msk [tilespmem:v60+s2+$0x0], $0xffff;
	v60 =	vor.u32 $0xC33, v0  }
0x19d: {  	v49 =	vld.idx.msk [tilespmem:v63+s2+$0x0], $0xffff;
	v62 =	vor.u32 $0xC26, v0;
	v36 =	vsel vm0, v17, v36;
	v33 =	vmax.f32 v33, v35  }
0x19e: {  	vm14 =	vgt.f32 v18, v36;
	v36 =	vsel vm3, $0x2, v61;
	v30 =	vld.idx.msk [tilespmem:v57+s2+$0x0], $0xffff;
	v57 =	vor.u32 $0xC29, v0  }
0x19f: {  	v43 =	vld.idx.msk [tilespmem:v2+s2+$0x0], $0xffff;
	v2 =	vor.u32 $0xC36, v0;
	v33 =	vmax.f32 v33, v48;
	v36 =	vsel vm12, $0x3, v36  }
0x1a0: {  	v61 =	vor.u32 $0xC2C, v0;
	v63 =	vld.idx.msk [tilespmem:v58+s2+$0x0], $0xffff;
	v28 =	vmax.f32 v33, v28;
	v36 =	vsel vm13, $0x4, v36  }
0x1a1: {  	vm3 =	vgt.f32 v20, v19;
	v23 =	vmax.f32 v28, v23;
	v36 =	vsel vm1, $0x5, v36;
	v28 =	vld.idx.msk [tilespmem:v60+s2+$0x0], $0xffff  }
0x1a2: {  	vm1 =	vmneg vm14;
	v59 =	vsel vm0, $0x6, v36;
	v36 =	vld.idx.msk [tilespmem:v62+s2+$0x0], $0xffff;
	v62 =	vor.u32 $0xC2D, v0  }
0x1a3: {  	v23 =	vmax.f32 v23, v31;
	v60 =	vor.u32 $0xC3C, v0;
	v29 =	vld.idx.msk [tilespmem:v57+s2+$0x0], $0xffff;
	v57 =	vor.u32 $0xC30, v0  }
0x1a4: {  	v58 =	vld.idx.msk [tilespmem:v2+s2+$0x0], $0xffff;
	v23 =	vmax.f32 v23, v25;
	v13 =	vnsel vm1, $0x7, v59;
	v59 =	vor.u32 $0xC32, v0  }
0x1a5: {  	v38 =	vld.idx.msk [tilespmem:v61+s2+$0x0], $0xffff;
	v61 =	vor.u32 $0xC34, v0;
	v26 =	vmax.f32 v26, v30;
	vm2 =	veq.s32 v13, $0x0  }
0x1a6: {  	v30 =	vor.u32 $0xC38, v0;
	v26 =	vmax.f32 v26, v32;
	v32 =	vld.idx.msk [tilespmem:v56+s2+$0x0], $0xffff;
	v24 =	vsel vm2, $0xBF800000, v24  }
0x1a7: {  	vm2 =	veq.s32 v13, $0x1;
	v25 =	vmax.f32 v26, v39;
	v27 =	vld.idx.msk [tilespmem:v62+s2+$0x0], $0xffff;
	v62 =	vor.u32 $0xC35, v0  }
0x1a8: {  	v46 =	vsel vm2, $0xBF800000, v46;
	vm2 =	veq.s32 v13, $0x2;
	v35 =	vld.idx.msk [tilespmem:v57+s2+$0x0], $0xffff;
	v57 =	vor.u32 $0xC3A, v0  }
0x1a9: {  	v25 =	vmax.f32 v25, v40;
	v54 =	vld.idx.msk [tilespmem:v59+s2+$0x0], $0xffff;
	v29 =	vmax.f32 v37, v29;
	v59 =	vor.u32 $0xC3B, v0  }
0x1aa: {  	v21 =	vsel vm2, $0xBF800000, v21;
	vm2 =	veq.s32 v13, $0x3;
	v31 =	vld.idx.msk [tilespmem:v61+s2+$0x0], $0xffff;
	v29 =	vmax.f32 v29, v44  }
0x1ab: {  	v25 =	vmax.f32 v25, v36;
	v30 =	vld.idx.msk [tilespmem:v30+s2+$0x0], $0xffff;
	v61 =	vor.u32 $0xC3D, v0;
	v29 =	vmax.f32 v29, v41  }
0x1ac: {  	v25 =	vmax.f32 v25, v42;
	v29 =	vmax.f32 v29, v38;
	v26 =	vld.idx.msk [tilespmem:v62+s2+$0x0], $0xffff;
	v62 =	vor.u32 $0xC3E, v0  }
0x1ad: {  	v35 =	vmax.f32 v35, v63;
	v39 =	vld.idx.msk [tilespmem:v57+s2+$0x0], $0xffff;
	v63 =	vor.u32 $0xC3F, v0;
	v0 =	vsel vm3, v20, v19  }
0x1ae: {  	v27 =	vmax.f32 v29, v27;
	v2 =	vld.idx.msk [tilespmem:v59+s2+$0x0], $0xffff;
	v29 =	vmax.f32 v35, v54;
	vm15 =	vgt.f32 v22, v0  }
0x1af: {  	v27 =	vmax.f32 v27, v49;
	v28 =	vmax.f32 v29, v28;
	v29 =	vld.idx.msk [tilespmem:v60+s2+$0x0], $0xffff;
	v40 =	vsel vm15, v22, v0  }
0x1b0: {  	v27 =	vmax.f32 v27, v43;
	v28 =	vmax.f32 v28, v31;
	v31 =	vld.idx.msk [tilespmem:v61+s2+$0x0], $0xffff;
	vm9 =	vgt.f32 v23, v40  }
0x1b1: {  	v26 =	vmax.f32 v28, v26;
	v28 =	vmax.f32 v30, v32;
	v30 =	vld.idx.msk [tilespmem:v62+s2+$0x0], $0xffff;
	v41 =	vsel vm9, v23, v40  }
0x1b2: {  	v26 =	vmax.f32 v26, v58;
	v28 =	vmax.f32 v28, v39;
	v43 =	vld.idx.msk [tilespmem:v63+s2+$0x0], $0xffff;
	vm10 =	vgt.f32 v25, v41  }
0x1b3: {  	v26 =	vmax.f32 v26, v34;
	v28 =	vmax.f32 v28, v2;
	v32 =	vsel vm10, v25, v41  }
0x1b4: {  	v28 =	vmax.f32 v28, v29;
	v29 =	vsel vm3, $0x1, v1;
	vm7 =	vgt.f32 v27, v32  }
0x1b5: {  	v28 =	vmax.f32 v28, v31;
	v29 =	vsel vm15, $0x2, v29;
	v31 =	vsel vm7, v27, v32  }
0x1b6: {  	v28 =	vmax.f32 v28, v30;
	v29 =	vsel vm9, $0x3, v29;
	vm3 =	vgt.f32 v26, v31  }
0x1b7: {  	v28 =	vmax.f32 v28, v43;
	v29 =	vsel vm10, $0x4, v29;
	v30 =	vsel vm3, v26, v31  }
0x1b8: {  	v31 =	vsel vm2, $0xBF800000, v14;
	v44 =	vsel vm7, $0x5, v29;
	vm2 =	vgt.f32 v28, v30  }
0x1b9: {  	vm0 =	vmand vm0, vm1;
	v14 =	vsel vm3, $0x6, v44;
	vm2 =	vmneg vm2  }
0x1ba: {  	v18 =	vnsel vm1, $0xBF800000, v18;
	v17 =	vsel vm0, $0xBF800000, v17;
	v14 =	vnsel vm2, $0x7, v14  }
0x1bb: {  	vm11 =	veq.s32 v13, $0x4;
	vm13 =	veq.s32 v14, $0x0;
	vm14 =	veq.s32 v14, $0x1  }
0x1bc: {  	vm12 =	veq.s32 v13, $0x5;
	v19 =	vsel vm13, $0xBF800000, v19;
	v20 =	vsel vm14, $0xBF800000, v20  }
0x1bd: {  	v15 =	vsel vm11, $0xBF800000, v15;
	vm0 =	veq.s32 v14, $0x2;
	vm4 =	vgt.f32 v20, v19  }
0x1be: {  	v16 =	vsel vm12, $0xBF800000, v16;
	v22 =	vsel vm0, $0xBF800000, v22;
	v29 =	vsel vm4, v20, v19  }
0x1bf: {  	vm1 =	veq.s32 v14, $0x3;
	vm0 =	vgt.f32 v46, v24;
	vm15 =	vgt.f32 v22, v29  }
0x1c0: {  	v23 =	vsel vm1, $0xBF800000, v23;
	v24 =	vsel vm0, v46, v24;
	v29 =	vsel vm15, v22, v29  }
0x1c1: {  	v30 =	vsel vm0, $0x1, v1;
	vm0 =	veq.s32 v14, $0x4;
	vm1 =	vgt.f32 v23, v29  }
0x1c2: {  	vm9 =	vgt.f32 v21, v24;
	v25 =	vsel vm0, $0xBF800000, v25;
	v29 =	vsel vm1, v23, v29  }
0x1c3: {  	vm0 =	veq.s32 v14, $0x5;
	v21 =	vsel vm9, v21, v24;
	vm10 =	vgt.f32 v25, v29  }
0x1c4: {  	v24 =	vsel vm9, $0x2, v30;
	v27 =	vsel vm0, $0xBF800000, v27;
	v29 =	vsel vm10, v25, v29  }
0x1c5: {  	vm0 =	vmand vm3, vm2;
	v30 =	vsel vm4, $0x1, v1;
	vm3 =	vgt.f32 v27, v29  }
0x1c6: {  	v26 =	vsel vm0, $0xBF800000, v26;
	v30 =	vsel vm15, $0x2, v30;
	v29 =	vsel vm3, v27, v29  }
0x1c7: {  	v28 =	vnsel vm2, $0xBF800000, v28;
	v30 =	vsel vm1, $0x3, v30;
	vm1 =	vgt.f32 v26, v29  }
0x1c8: {  	vm11 =	vgt.f32 v31, v21;
	v30 =	vsel vm10, $0x4, v30;
	v29 =	vsel vm1, v26, v29  }
0x1c9: {  	v21 =	vsel vm11, v31, v21;
	v30 =	vsel vm3, $0x5, v30;
	vm0 =	vgt.f32 v28, v29  }
0x1ca: {  	vm2 =	vgt.f32 v15, v21;
	v29 =	vsel vm1, $0x6, v30;
	vm0 =	vmneg vm0  }
0x1cb: {  	v24 =	vsel vm11, $0x3, v24;
	v15 =	vsel vm2, v15, v21;
	v21 =	vnsel vm0, $0x7, v29  }
0x1cc: {  	v24 =	vsel vm2, $0x4, v24;
	vm2 =	veq.s32 v21, $0x0;
	vm3 =	veq.s32 v21, $0x1  }
0x1cd: {  	vm12 =	vgt.f32 v16, v15;
	v19 =	vsel vm2, $0xBF800000, v19;
	v20 =	vsel vm3, $0xBF800000, v20  }
0x1ce: {  	v15 =	vsel vm12, v16, v15;
	vm2 =	veq.s32 v21, $0x2;
	vm3 =	vgt.f32 v20, v19  }
0x1cf: {  	v16 =	vsel vm2, $0xBF800000, v22;
	vm2 =	veq.s32 v21, $0x3;
	v22 =	vsel vm3, v20, v19  }
0x1d0: {  	v24 =	vsel vm12, $0x5, v24;
	v23 =	vsel vm2, $0xBF800000, v23;
	vm2 =	vgt.f32 v16, v22  }
0x1d1: {  	v29 =	vmul.u32 $0x8, v45;
	vm1 =	vmand vm1, vm0;
	v22 =	vsel vm2, v16, v22  }
0x1d2: {  	v28 =	vnsel vm0, $0xBF800000, v28;
	vm13 =	veq.s32 v21, $0x4;
	vm15 =	vgt.f32 v23, v22  }
0x1d3: {  	vm14 =	veq.s32 v21, $0x5;
	v25 =	vsel vm13, $0xBF800000, v25;
	v22 =	vsel vm15, v23, v22  }
0x1d4: {  	v26 =	vsel vm1, $0xBF800000, v26;
	v30 =	vsel vm3, $0x1, v1;
	vm3 =	vgt.f32 v25, v22  }
0x1d5: {  	v27 =	vsel vm14, $0xBF800000, v27;
	v31 =	vor.u32 $0x1, v29;
	v22 =	vsel vm3, v25, v22  }
0x1d6: {  	v46 =	vor.u32 $0x2, v29;
	v30 =	vsel vm2, $0x2, v30;
	vm2 =	vgt.f32 v27, v22  }
0x1d7: {  	v48 =	vor.u32 $0x80, v29;
	v49 =	vor.u32 $0x81, v29;
	v22 =	vsel vm2, v27, v22  }
0x1d8: {  	v50 =	vor.u32 $0x82, v29;
	v30 =	vsel vm15, $0x3, v30;
	vm1 =	vgt.f32 v26, v22  }
0x1d9: {  	v51 =	vor.u32 $0x100, v29;
	v30 =	vsel vm3, $0x4, v30;
	v22 =	vsel vm1, v26, v22  }
0x1da: {  	vm3 =	vgt.f32 v17, v15;
	v30 =	vsel vm2, $0x5, v30;
	vm0 =	vgt.f32 v28, v22  }
0x1db: {  	v15 =	vsel vm3, v17, v15;
	v17 =	vsel vm1, $0x6, v30;
	vm0 =	vmneg vm0  }
0x1dc: {  	vm2 =	vgt.f32 v18, v15;
	v22 =	vsel vm3, $0x6, v24;
	v15 =	vnsel vm0, $0x7, v17  }
0x1dd: {  	v52 =	vor.u32 $0x180, v29;
	v18 =	vsel vm2, $0x7, v22;
	vm2 =	veq.s32 v15, $0x0  }
0x1de: {  	vm3 =	veq.s32 v15, $0x2;
	v19 =	vsel vm2, $0xBF800000, v19;
	vm2 =	veq.s32 v15, $0x1  }
0x1df: {  	[tilespmem:v29+s8+$0x0] =	vst.idx.msk $0xffff, v3;
	v16 =	vsel vm3, $0xBF800000, v16;
	v3 =	vsel vm2, $0xBF800000, v20;
	vm2 =	veq.s32 v15, $0x3  }
0x1e0: {  	[tilespmem:v31+s8+$0x0] =	vst.idx.msk $0xffff, v4;
	v4 =	vsel vm2, $0xBF800000, v23;
	vm2 =	veq.s32 v15, $0x4;
	vm3 =	vgt.f32 v3, v19  }
0x1e1: {  	[tilespmem:v46+s8+$0x0] =	vst.idx.msk $0xffff, v5;
	v5 =	vsel vm2, $0xBF800000, v25;
	vm2 =	veq.s32 v15, $0x5;
	v3 =	vsel vm3, v3, v19  }
0x1e2: {  	v53 =	vor.u32 $0x181, v29;
	[tilespmem:v48+s8+$0x0] =	vst.idx.msk $0xffff, v6;
	v19 =	vsel vm2, $0xBF800000, v27;
	vm2 =	vgt.f32 v16, v3  }
0x1e3: {  	v6 =	vor.u32 $0x101, v29;
	[tilespmem:v51+s8+$0x0] =	vst.idx.msk $0xffff, v10;
	vm1 =	vmand vm1, vm0;
	v3 =	vsel vm2, v16, v3  }
0x1e4: {  	[tilespmem:v49+s8+$0x0] =	vst.idx.msk $0xffff, v7;
	v7 =	vor.u32 $0x102, v29;
	v16 =	vsel vm1, $0xBF800000, v26;
	vm1 =	vgt.f32 v4, v3  }
0x1e5: {  	[tilespmem:v50+s8+$0x0] =	vst.idx.msk $0xffff, v8;
	v8 =	vor.u32 $0x103, v29;
	v20 =	vsel vm3, $0x1, v1;
	v3 =	vsel vm1, v4, v3  }
0x1e6: {  	v47 =	vor.u32 $0x3, v29;
	[tilespmem:v52+s8+$0x0] =	vst.idx.msk $0xffff, v14;
	v4 =	vsel vm2, $0x2, v20;
	vm2 =	vgt.f32 v5, v3  }
0x1e7: {  	v54 =	vor.u32 $0x182, v29;
	[tilespmem:v53+s8+$0x0] =	vst.idx.msk $0xffff, v21;
	v17 =	vor.u32 $0x83, v29;
	v5 =	vsel vm2, v5, v3  }
0x1e8: {  	[tilespmem:v6+s8+$0x0] =	vst.idx.msk $0xffff, v11;
	v1 =	vshrl.u32 v45, $0x3;
	v6 =	vsel vm1, $0x3, v4;
	vm1 =	vgt.f32 v19, v5  }
0x1e9: {  	s14 =	simm.s32 $0x38;
	[tilespmem:v7+s8+$0x0] =	vst.idx.msk $0xffff, v13;
	v7 =	vor.u32 $0x183, v29;
	v2 =	vor.u32 $0x2, v1;
	v5 =	vsel vm1, v19, v5  }
0x1ea: {  	[tilespmem:v8+s8+$0x0] =	vst.idx.msk $0xffff, v18;
	v8 =	vor.u32 s14, v2;
	v6 =	vsel vm2, $0x4, v6;
	vm2 =	vgt.f32 v16, v5  }
0x1eb: {  	[tilespmem:v47+s8+$0x0] =	vst.idx.msk $0xffff, v9;
	v55 =	vnsel vm0, $0xBF800000, v28;
	v6 =	vsel vm1, $0x5, v6;
	v5 =	vsel vm2, v16, v5  }
0x1ec: {  	s15 =	simm.s32 $0x8;
	[tilespmem:v54+s8+$0x0] =	vst.idx.msk $0xffff, v15;
	v6 =	vsel vm2, $0x6, v6;
	vm0 =	vgt.f32 v55, v5;
	v5 =	vor.u32 s14, v1  }
0x1ed: {  	s19 =	simm.s32 $0x18;
	[tilespmem:v17+s8+$0x0] =	vst.idx.msk $0xffff, v12;
	v56 =	vor.u32 s15, v2;
	v6 =	vsel vm0, $0x7, v6  }
0x1ee: {  	s17 =	simm.s32 $0x20;
	v57 =	vor.u32 s19, v2;
	[tilespmem:v7+s8+$0x0] =	vst.idx.msk $0xffff, v6  }
0x1ef: {  	s18 =	simm.s32 $0x0;
	v58 =	vor.u32 s17, v2;
	v8 =	vld.idx.msk [tilespmem:v8+s8+$0x0], $0xffff  }
0x1f0: {  	s20 =	simm.s32 $0x28;
	v6 =	vor.u32 s18, v2  }
0x1f1: {  	s21 =	simm.s32 $0x30;
	v59 =	vor.u32 s20, v2;
	v5 =	vld.idx.msk [tilespmem:v5+s8+$0x0], $0xffff  }
0x1f2: {  	s16 =	simm.s32 $0x10;
	v60 =	vor.u32 s21, v2;
	v9 =	vld.idx.msk [tilespmem:v56+s8+$0x0], $0xffff  }
0x1f3: {  	v7 =	vor.u32 s16, v2;
	v10 =	vld.idx.msk [tilespmem:v57+s8+$0x0], $0xffff  }
0x1f4: {  	v25 =	vand.u32 $0x7, v45;
	v61 =	vor.u32 s18, v1;
	v11 =	vld.idx.msk [tilespmem:v58+s8+$0x0], $0xffff;
	v8 =	vshll.u32 v8, $0x3  }
0x1f5: {  	s12 =	simm.s32 $0x1C0;
	v15 =	vor.u32 s15, v1;
	v6 =	vld.idx.msk [tilespmem:v6+s8+$0x0], $0xffff;
	v8 =	vor.u32 v25, v8  }
0x1f6: {  	v12 =	vld.idx.msk [tilespmem:v59+s8+$0x0], $0xffff;
	v5 =	vshll.u32 v5, $0x3;
	v16 =	vadd.s32 s12, v8  }
0x1f7: {  	v17 =	vor.u32 s16, v1;
	v13 =	vld.idx.msk [tilespmem:v60+s8+$0x0], $0xffff;
	v5 =	vor.u32 v25, v5  }
0x1f8: {  	v7 =	vld.idx.msk [tilespmem:v7+s8+$0x0], $0xffff;
	v18 =	vadd.s32 s12, v5  }
0x1f9: {  	v19 =	vor.u32 s19, v1;
	v14 =	vld.idx.msk [tilespmem:v61+s8+$0x0], $0xffff  }
0x1fa: {  	v20 =	vor.u32 s17, v1;
	v15 =	vld.idx.msk [tilespmem:v15+s8+$0x0], $0xffff;
	v6 =	vshll.u32 v6, $0x3  }
0x1fb: {  	s30 =	simm.s32 $0x0;
	v21 =	vor.u32 s20, v1;
	v6 =	vor.u32 v25, v6;
	v16 =	vld.idx.msk [tilespmem:v16+s2+$0x0], $0xffff  }
0x1fc: {  	v17 =	vld.idx.msk [tilespmem:v17+s8+$0x0], $0xffff;
	v9 =	vshll.u32 v9, $0x3;
	v23 =	vadd.s32 s30, v6  }
0x1fd: {  	s13 =	simm.s32 $0x40;
	v22 =	vor.u32 s21, v1;
	v9 =	vor.u32 v25, v9;
	v7 =	vshll.u32 v7, $0x3;
	v18 =	vld.idx.msk [tilespmem:v18+s2+$0x0], $0xffff  }
0x1fe: {  	s22 =	simm.s32 $0x80;
	v19 =	vld.idx.msk [tilespmem:v19+s8+$0x0], $0xffff;
	v10 =	vshll.u32 v10, $0x3;
	v24 =	vadd.s32 s13, v9;
	v7 =	vor.u32 v25, v7  }
0x1ff: {  	s23 =	simm.s32 $0xC0;
	v20 =	vld.idx.msk [tilespmem:v20+s8+$0x0], $0xffff;
	v11 =	vshll.u32 v11, $0x3;
	v10 =	vor.u32 v25, v10;
	v26 =	vadd.s32 s22, v7  }
0x200: {  	s24 =	simm.s32 $0x100;
	v21 =	vld.idx.msk [tilespmem:v21+s8+$0x0], $0xffff;
	v12 =	vshll.u32 v12, $0x3;
	v11 =	vor.u32 v25, v11;
	v27 =	vadd.s32 s23, v10;
	(xrf1) =	vsort.dscd.msk.f32 $0xffff, v16, v8  }
0x201: {  	s25 =	simm.s32 $0x140;
	v62 =	vshll.u32 v13, $0x3;
	v63 =	vadd.s32 s24, v11;
	v23 =	vld.idx.msk [tilespmem:v23+s2+$0x0], $0xffff;
	v8 =	vor.u32 v25, v12  }
0x202: {  	s26 =	simm.s32 $0x180;
	v14 =	vshll.u32 v14, $0x3;
	v16 =	vld.idx.msk [tilespmem:v22+s8+$0x0], $0xffff;
	v12 =	vor.u32 v25, v62;
	v22 =	vadd.s32 s25, v8;
	(xrf1) =	vsort.dscd.msk.f32 $0xffff, v18, v5  }
0x203: {  	v15 =	vshll.u32 v15, $0x3;
	v14 =	vor.u32 v25, v14;
	v5 =	vadd.s32 s26, v12;
	v18 =	vld.idx.msk [tilespmem:v24+s2+$0x0], $0xffff  }
0x204: {  	v15 =	vor.u32 v25, v15;
	v26 =	vld.idx.msk [tilespmem:v26+s2+$0x0], $0xffff;
	v24 =	vadd.s32 s30, v14  }
0x205: {  	v17 =	vshll.u32 v17, $0x3;
	v28 =	vadd.s32 s13, v15;
	v27 =	vld.idx.msk [tilespmem:v27+s2+$0x0], $0xffff  }
0x206: {  	v19 =	vshll.u32 v19, $0x3;
	v17 =	vor.u32 v25, v17;
	v13 =	vld.idx.msk [tilespmem:v63+s2+$0x0], $0xffff  }
0x207: {  	v20 =	vshll.u32 v20, $0x3;
	v19 =	vor.u32 v25, v19;
	v29 =	vadd.s32 s22, v17;
	(xrf1) =	vsort.dscd.msk.f32 $0xffff, v23, v6;
	v22 =	vld.idx.msk [tilespmem:v22+s2+$0x0], $0xffff  }
0x208: {  	v20 =	vor.u32 v25, v20;
	v30 =	vadd.s32 s23, v19;
	v5 =	vld.idx.msk [tilespmem:v5+s2+$0x0], $0xffff;
	(xrf1) =	vsort.dscd.msk.f32 $0xffff, v18, v9  }
0x209: {  	v6 =	vadd.s32 s24, v20;
	v32 =	vld.idx.msk [tilespmem:v24+s2+$0x0], $0xffff;
	(xrf1) =	vsort.dscd.msk.f32 $0xffff, v26, v7  }
0x20a: {  	v7 =	vld.idx.msk [tilespmem:v28+s2+$0x0], $0xffff;
	(xrf1) =	vsort.dscd.msk.f32 $0xffff, v27, v10  }
0x20b: {  	(xrf1) =	vsort.dscd.msk.f32 $0xffff, v13, v11  }
0x20c: {  	v35 =	vmul.u32 $0xFFFFFFFF, v45;
	v33 =	vld.idx.msk [tilespmem:v29+s2+$0x0], $0xffff;
	(xrf1) =	vsort.dscd.msk.f32 $0xffff, v22, v8  }
0x20d: {  	v34 =	vld.idx.msk [tilespmem:v30+s2+$0x0], $0xffff;
	(xrf1) =	vsort.dscd.msk.f32 $0xffff, v5, v12  }
0x20e: {  	v8 =	vld.idx.msk [tilespmem:v6+s2+$0x0], $0xffff;
	v6 =	vadd.s32 $0xF, v35;
	v5 =	vshll.u32 v21, $0x3;
	(xrf1) =	vsort.dscd.msk.f32 $0xffff, v32, v14;
	v37, v36, _ =	vpop (xrf1)  }
0x20f: {  	v5 =	vor.u32 v25, v5;
	(xrf1) =	vsort.dscd.msk.f32 $0xffff, v7, v15;
	v7 =	vshll.u32 v16, $0x3;
	v9 =	vperm.xlane v37, v6  }
0x210: {  	v38 =	vadd.s32 s25, v5;
	v7 =	vor.u32 v25, v7;
	v40, v39, _ =	vpop (xrf1)  }
0x211: {  	v41 =	vadd.s32 s26, v7;
	vm0 =	vge.f32 v40, v9  }
0x212: {  	v12 =	vperm.xlane v36, v6;
	(xrf1) =	vsort.dscd.msk.f32 $0xffff, v33, v17;
	v9 =	vsel vm0, v40, v9  }
0x213: {  	s12 =	simm.s32 $0x78;
	(xrf1) =	vsort.dscd.msk.f32 $0xffff, v34, v19  }
0x214: {  	v54 =	vor.u32 s12, v1;
	(xrf1) =	vsort.dscd.msk.f32 $0xffff, v8, v20;
	v42 =	vsel vm0, v39, v12  }
0x215: {  	(xrf1) =	vsort.dscd.msk.f32 $0xffff, v9, v42;
	v8 =	vld.idx.msk [tilespmem:v38+s2+$0x0], $0xffff;
	v9, v10, _ =	vpop (xrf1)  }
0x216: {  	v11 =	vld.idx.msk [tilespmem:v41+s2+$0x0], $0xffff;
	v43, v44, _ =	vpop (xrf1)  }
0x217: {  	v45, v15, _ =	vpop (xrf1)  }
0x218: {  	v16, v17, _ =	vpop (xrf1)  }
0x219: {  	v13 =	vld.idx.msk [tilespmem:v54+s8+$0x0], $0xffff;
	v18, v19, _ =	vpop (xrf1)  }
0x21a: {  	s23 =	simm.s32 $0x60;
	(xrf1) =	vsort.dscd.msk.f32 $0xffff, v8, v5;
	v5, v8, _ =	vpop (xrf1)  }
0x21b: {  	v57 =	vor.u32 s23, v1;
	v9 =	vperm.xlane v9, v6;
	v10 =	vperm.xlane v10, v6;
	v20, v21, _ =	vpop (xrf1);
	(xrf1) =	vsort.dscd.msk.f32 $0xffff, v11, v7  }
0x21c: {  	v51 =	vor.u32 s12, v2;
	s25 =	simm.s32 $0x48;
	v46 =	vperm.xlane v44, v6;
	v14 =	vperm.xlane v45, v6  }
0x21d: {  	v52 =	vor.u32 s25, v2;
	v15 =	vperm.xlane v15, v6;
	v24 =	vperm.xlane v16, v6  }
0x21e: {  	v13 =	vshll.u32 v13, $0x3;
	v17 =	vperm.xlane v17, v6;
	v18 =	vperm.xlane v18, v6  }
0x21f: {  	v13 =	vor.u32 v25, v13;
	v19 =	vperm.xlane v19, v6;
	v7 =	vperm.xlane v43, v6;
	v47, v48, _ =	vpop (xrf1)  }
0x220: {  	s29 =	simm.s32 $0x40;
	v30 =	vperm.xlane v5, v6;
	v53 =	vperm.xlane v21, v6;
	v22, v23, _ =	vpop (xrf1);
	vm0 =	vge.f32 v47, v9  }
0x221: {  	v21 =	vor.u32 s29, v2;
	v9 =	vsel vm0, v47, v9;
	vm1 =	vge.f32 v22, v7  }
0x222: {  	s26 =	simm.s32 $0x50;
	v26, v27, _ =	vpop (xrf1);
	v10 =	vsel vm0, v48, v10;
	vm0 =	vmmov $0xff;
	v7 =	vsel vm1, v22, v7  }
0x223: {  	s28 =	simm.s32 $0x58;
	v28, v29, _ =	vpop (xrf1);
	vm2 =	vge.f32 v26, v14;
	v11 =	vsel vm1, v23, v46;
	v22 =	vor.u32 s26, v2  }
0x224: {  	s24 =	simm.s32 $0x68;
	(xrf1) =	vsort.dscd.msk.f32 $0xffff, v9, v10;
	v23 =	vor.u32 s28, v2;
	v49, v31, _ =	vpop (xrf1);
	v14 =	vsel vm2, v26, v14;
	vm1 =	vge.f32 v28, v24  }
0x225: {  	v9 =	vld.idx.msk [tilespmem:v52+s8+$0x0], $0xffff;
	v15 =	vsel vm2, v27, v15;
	v50, v5, _ =	vpop (xrf1);
	v17 =	vsel vm1, v29, v17;
	v29 =	vor.u32 s24, v2  }
0x226: {  	s22 =	simm.s32 $0x70;
	v26 =	vld.idx.msk [tilespmem:v51+s8+$0x0], $0xffff;
	v27 =	vor.u32 s23, v2;
	(xrf1) =	vsort.dscd.msk.f32 $0xffff, v7, v11;
	[tilespmem:$0x1FB60] =	vst v2;
	v16 =	vnsel vm0, $0x0, v50  }
0x227: {  	v56 =	vor.u32 s26, v1;
	v7 =	vor.u32 s22, v2;
	vm2 =	vge.f32 v49, v18;
	v55 =	vld.idx.msk [tilespmem:v21+s8+$0x0], $0xffff;
	(xrf2) =	vadd.scan.msk.f32 $0xffff, v16  }
0x228: {  	s13 =	simm.s32 $0x3C0;
	v20 =	vperm.xlane v20, v6;
	v24 =	vsel vm1, v28, v24;
	v12 =	vsel vm2, v49, v18;
	v22 =	vld.idx.msk [tilespmem:v22+s8+$0x0], $0xffff;
	v18, v28, _ =	vpop (xrf1)  }
0x229: {  	v61 =	vadd.s32 s13, v13;
	v21 =	vsel vm2, v31, v19;
	v23 =	vld.idx.msk [tilespmem:v23+s8+$0x0], $0xffff;
	vm1 =	vge.f32 v18, v30;
	v19, v31, _ =	vpop (xrf1)  }
0x22a: {  	v8 =	vperm.xlane v8, v6;
	v29 =	vld.idx.msk [tilespmem:v29+s8+$0x0], $0xffff;
	v18 =	vsel vm1, v18, v30;
	vm2 =	vge.f32 v19, v20  }
0x22b: {  	v33 =	vld.idx.msk [tilespmem:v27+s8+$0x0], $0xffff;
	v30 =	vor.u32 s29, v1;
	v20 =	vsel vm2, v19, v20;
	v19 =	vshll.u32 v26, $0x3  }
0x22c: {  	v7 =	vld.idx.msk [tilespmem:v7+s8+$0x0], $0xffff;
	v11 =	vshll.u32 v55, $0x3;
	v26 =	vor.u32 s28, v1;
	v58 =	vor.u32 v25, v19  }
0x22d: {  	(xrf1) =	vsort.dscd.msk.f32 $0xffff, v14, v15;
	v9 =	vshll.u32 v9, $0x3;
	v11 =	vor.u32 v25, v11;
	v59 =	vadd.s32 s13, v58  }
0x22e: {  	v0 =	vld.idx.msk [tilespmem:v57+s8+$0x0], $0xffff;
	(xrf1) =	vsort.dscd.msk.f32 $0xffff, v24, v17;
	v15 =	vadd.s32 s31, v11;
	v8 =	vsel vm1, v28, v8;
	v28 =	vor.u32 s25, v1  }
0x22f: {  	(xrf1) =	vsort.dscd.msk.f32 $0xffff, v12, v21;
	v62 =	vshll.u32 v22, $0x3;
	v23 =	vshll.u32 v23, $0x3;
	v21 =	vshll.u32 v29, $0x3;
	v29 =	vld.idx.msk [tilespmem:v61+s2+$0x0], $0xffff  }
0x230: {  	s0 =	simm.s32 $0x240;
	v9 =	vor.u32 v25, v9;
	v14 =	vor.u32 v25, v62;
	v23 =	vor.u32 v25, v23;
	v30 =	vld.idx.msk [tilespmem:v30+s8+$0x0], $0xffff  }
0x231: {  	v24 =	vshll.u32 v33, $0x3;
	v7 =	vshll.u32 v7, $0x3;
	v27, _, _ =	vpop (xrf2);
	v22 =	vld.idx.msk [tilespmem:v26+s8+$0x0], $0xffff;
	v26 =	vadd.s32 s0, v9  }
0x232: {  	(xrf1) =	vsort.dscd.msk.f32 $0xffff, v18, v8;
	v10 =	vsel vm2, v31, v53;
	v17 =	vadd.s32 s1, v14;
	v19 =	vbroadcast v27, $0xF;
	v63 =	vld.idx.msk [tilespmem:v59+s2+$0x0], $0xffff  }
0x233: {  	v2 =	vor.u32 v25, v24;
	v24 =	vadd.s32 s3, v23;
	v8 =	vor.u32 v25, v21;
	v15 =	vld.idx.msk [tilespmem:v15+s2+$0x0], $0xffff;
	v31, v27, _ =	vpop (xrf1)  }
0x234: {  	v18 =	vadd.s32 s4, v2;
	(xrf1) =	vsort.dscd.msk.f32 $0xffff, v20, v10;
	v28 =	vld.idx.msk [tilespmem:v28+s8+$0x0], $0xffff;
	(erf) = vrcp.f32 v19;
	v19 =	vnsel vm0, $0x0, v31  }
0x235: {  	s30 =	simm.s32 $0x380;
	v7 =	vor.u32 v25, v7;
	v20 =	vadd.s32 s5, v8;
	v31 =	vld.idx.msk [tilespmem:v56+s8+$0x0], $0xffff;
	(xrf2) =	vadd.scan.msk.f32 $0xffff, v19;
	v34 =	vshll.u32 v30, $0x3  }
0x236: {  	v30 =	vadd.s32 s30, v7;
	v36 =	vor.u32 v25, v34;
	v26 =	vld.idx.msk [tilespmem:v26+s2+$0x0], $0xffff  }
0x237: {  	v38, v61, _ =	vpop (xrf1);
	v17 =	vld.idx.msk [tilespmem:v17+s2+$0x0], $0xffff;
	v37 =	vadd.s32 s31, v36;
	(xrf1) =	vsort.dscd.msk.f32 $0xffff, v63, v58  }
0x238: {  	v60 =	vor.u32 s24, v1;
	v39 =	vld.idx.msk [tilespmem:v24+s2+$0x0], $0xffff;
	(xrf1) =	vsort.dscd.msk.f32 $0xffff, v29, v13;
	v29 =	vnsel vm0, $0x0, v38  }
0x239: {  	v18 =	vld.idx.msk [tilespmem:v18+s2+$0x0], $0xffff;
	(xrf2) =	vadd.scan.msk.f32 $0xffff, v29  }
0x23a: {  	v20 =	vld.idx.msk [tilespmem:v20+s2+$0x0], $0xffff;
	v28 =	vshll.u32 v28, $0x3;
	(xrf1) =	vsort.dscd.msk.f32 $0xffff, v15, v11  }
0x23b: {  	v28 =	vor.u32 v25, v28;
	v15 =	vld.idx.msk [tilespmem:v30+s2+$0x0], $0xffff;
	(xrf1) =	vsort.dscd.msk.f32 $0xffff, v26, v9  }
0x23c: {  	v24 =	vadd.s32 s0, v28;
	v44 =	vshll.u32 v22, $0x3;
	v22, v62, _ =	vpop (xrf1);
	v26 =	vld.idx.msk [tilespmem:v37+s2+$0x0], $0xffff;
	(xrf1) =	vsort.dscd.msk.f32 $0xffff, v17, v14  }
0x23d: {  	v21 =	vld.idx.msk [tilespmem:v60+s8+$0x0], $0xffff;
	v41 =	vshll.u32 v31, $0x3;
	v31, v60, _ =	vpop (xrf1);
	(xrf1) =	vsort.dscd.msk.f32 $0xffff, v39, v23  }
0x23e: {  	v42 =	vor.u32 s22, v1;
	v35, v59, _ =	vpop (xrf1);
	v30 =	vor.u32 v25, v41;
	(xrf1) =	vsort.dscd.msk.f32 $0xffff, v18, v2  }
0x23f: {  	v43 =	vadd.s32 s1, v30;
	v40, _, _ =	vpop (xrf2);
	(xrf1) =	vsort.dscd.msk.f32 $0xffff, v20, v8  }
0x240: {  	[tilespmem:$0x1FB70] =	vst v1;
	v11 =	vbroadcast v40, $0xF;
	v23 =	vpop (erf);
	(xrf1) =	vsort.dscd.msk.f32 $0xffff, v15, v7  }
0x241: {  	v45 =	vshll.u32 v0, $0x3;
	v17 =	vld.idx.msk [tilespmem:v24+s2+$0x0], $0xffff;
	v24 =	vor.u32 v25, v44;
	(xrf1) =	vsort.dscd.msk.f32 $0xffff, v26, v36;
	v26, v58, _ =	vpop (xrf1)  }
0x242: {  	v32 =	vor.u32 v25, v45;
	(erf) = vrcp.f32 v11;
	v20 =	vadd.s32 s3, v24;
	v38, v50, _ =	vpop (xrf1)  }
0x243: {  	v54 =	vor.u32 s15, v25;
	v46 =	vadd.s32 s4, v32;
	v47 =	vshll.u32 v21, $0x3;
	v48 =	vld.idx.msk [tilespmem:v42+s8+$0x0], $0xffff;
	[tilespmem:$0x1FB80] =	vst v50  }
0x244: {  	v55 =	vor.u32 s16, v25;
	v36 =	vor.u32 v25, v47;
	v51 =	vld.idx.msk [tilespmem:v43+s2+$0x0], $0xffff;
	[tilespmem:$0x1FB90] =	vst v54  }
0x245: {  	v56 =	vor.u32 s19, v25;
	v49 =	vadd.s32 s5, v36;
	[tilespmem:$0x1FBA0] =	vst v55  }
0x246: {  	v57 =	vor.u32 s20, v25;
	v16 =	vmul.f32 $2.500000000e+00, v16;
	[tilespmem:$0x1FBB0] =	vst v56  }
0x247: {  	v45 =	vor.u32 s14, v25;
	v63 =	vor.u32 s17, v25;
	v20 =	vld.idx.msk [tilespmem:v20+s2+$0x0], $0xffff;
	[tilespmem:$0x1FBC0] =	vst v57  }
0x248: {  	v23 =	vmul.f32 v23, v16;
	v34 =	vshll.u32 v48, $0x3;
	(xrf1) =	vsort.dscd.msk.f32 $0xffff, v17, v28;
	v28 =	vor.u32 s18, v25;
	v52, v53, _ =	vpop (xrf1);
	v33 =	vld.idx.msk [tilespmem:v46+s2+$0x0], $0xffff  }
0x249: {  	v47 =	vor.u32 v25, v34;
	v42, _, _ =	vpop (xrf2);
	v54 =	vnsel vm0, $0x0, v35;
	v12 =	vperm.xlane v52, v6  }
0x24a: {  	v14 =	vadd.s32 s30, v47;
	v50 =	vnsel vm0, $0x0, v22;
	v34 =	vmul.f32 $2.500000000e+00, v54;
	v10, v9, _ =	vpop (xrf1);
	v11 =	vld.idx.msk [tilespmem:v49+s2+$0x0], $0xffff;
	(xrf1) =	vsort.dscd.msk.f32 $0xffff, v51, v30  }
0x24b: {  	v16 =	vperm.xlane v53, v6;
	v46 =	vpop (erf);
	v51 =	vnsel vm0, $0x0, v31;
	vm1 =	vge.f32 v10, v12  }
0x24c: {  	v13, v40, _ =	vpop (xrf1);
	v31 =	vmul.f32 $2.500000000e+00, v19;
	v30 =	vmul.f32 $2.500000000e+00, v29;
	(xrf1) =	vsort.dscd.msk.f32 $0xffff, v20, v24;
	v22 =	vsel vm1, v10, v12  }
0x24d: {  	v57, v49, _ =	vpop (xrf1);
	v16 =	vsel vm1, v9, v16;
	v9 =	vor.u32 s29, v25;
	v10 =	vmul.f32 $2.500000000e+00, v50;
	(xrf1) =	vsort.dscd.msk.f32 $0xffff, v33, v32  }
0x24e: {  	v40 =	vperm.xlane v40, v6;
	v52, v53, _ =	vpop (xrf1);
	v12 =	vor.u32 s28, v25;
	[tilespmem:$0x1FBD0] =	vst v9;
	(xrf1) =	vsort.dscd.msk.f32 $0xffff, v22, v16  }
0x24f: {  	v41 =	vperm.xlane v57, v6;
	v57 =	vmul.f32 $2.500000000e+00, v51;
	v35, v37, _ =	vpop (xrf1);
	[tilespmem:$0x1FBE0] =	vst v10;
	(xrf1) =	vsort.dscd.msk.f32 $0xffff, v11, v36  }
0x250: {  	v2 =	vperm.xlane v49, v6;
	v32 =	vnsel vm0, $0x0, v26;
	v26 =	vnsel vm0, $0x0, v38;
	v38, v43, _ =	vpop (xrf1);
	v29 =	vld.idx.msk [tilespmem:v14+s2+$0x0], $0xffff  }
0x251: {  	v17 =	vor.u32 s21, v25;
	v9 =	vperm.xlane v52, v6;
	v10 =	vperm.xlane v35, v6;
	v36, v44, _ =	vpop (xrf1);
	[tilespmem:$0x1FBF0] =	vst v12  }
0x252: {  	v24 =	vor.u32 s25, v25;
	v11 =	vperm.xlane v13, v6;
	v13 =	vbroadcast v42, $0xF;
	v39, v48, _ =	vpop (xrf1);
	[tilespmem:v45+s9+$0x0] =	vst.idx.msk $0xff, v23  }
0x253: {  	v20 =	vor.u32 s26, v25;
	v14 =	vmul.f32 v46, v31;
	v12 =	vperm.xlane v38, v6;
	v31, v46, _ =	vpop (xrf1);
	[tilespmem:$0x1FC00] =	vst v57  }
0x254: {  	v33 =	vmul.f32 $2.500000000e+00, v32;
	v42 =	vperm.xlane v43, v6;
	vm1 =	vge.f32 v31, v11;
	[tilespmem:v45+s10+$0x0] =	vst.idx.msk $0xff, v5  }
0x255: {  	(erf) = vrcp.f32 v13;
	[tilespmem:v28+s9+$0x0] =	vst.idx.msk $0xff, v14;
	v1 =	vsel vm1, v31, v11;
	(xrf1) =	vsort.dscd.msk.f32 $0xffff, v29, v47  }
0x256: {  	v31, v56, _ =	vpop (xrf1);
	v5 =	vsel vm1, v46, v40;
	[tilespmem:v28+s10+$0x0] =	vst.idx.msk $0xff, v27;
	v27 =	vor.u32 s24, v25;
	v28 =	vperm.xlane v53, v6  }
0x257: {  	v11 =	vperm.xlane v37, v6;
	v40 =	vperm.xlane v44, v6;
	vm1 =	vge.f32 v31, v41  }
0x258: {  	v29 =	vor.u32 s23, v25;
	v57 =	vsel vm1, v31, v41;
	v31 =	vmul.f32 $2.500000000e+00, v26;
	v14, v47, _ =	vpop (xrf1)  }
0x259: {  	(xrf2) =	vadd.scan.msk.f32 $0xffff, v50;
	v13 =	vsel vm1, v56, v2;
	v41 =	vperm.xlane v36, v6;
	vm1 =	vge.f32 v14, v9  }
0x25a: {  	(xrf2) =	vadd.scan.msk.f32 $0xffff, v51;
	v36 =	vperm.xlane v39, v6;
	v39 =	vperm.xlane v48, v6;
	v50, v51, _ =	vpop (xrf1);
	v35 =	vsel vm1, v14, v9  }
0x25b: {  	(xrf1) =	vsort.dscd.msk.f32 $0xffff, v1, v5;
	v37 =	vsel vm1, v47, v28;
	v28 =	vor.u32 s22, v25;
	vm2 =	vge.f32 v50, v10;
	v5, v47, _ =	vpop (xrf1)  }
0x25c: {  	(xrf2) =	vadd.scan.msk.f32 $0xffff, v54;
	v45 =	vsel vm2, v50, v10;
	vm1 =	vge.f32 v5, v12;
	v46 =	vsel vm2, v51, v11;
	v56, v38, _ =	vpop (xrf1)  }
0x25d: {  	s15 =	simm.s32 $0x8;
	s14 =	simm.s32 $0x78;
	(xrf1) =	vsort.dscd.msk.f32 $0xffff, v57, v13;
	v43 =	vsel vm1, v5, v12;
	v44 =	vnsel vm0, $0x0, v56;
	v49, v48, _ =	vpop (xrf1);
	v5 =	vmov v25  }
.LBB2_2:
0x25e: {  	v1 =	vld [tilespmem:$0x1FB60];
	_ =	sdelay $0x1  }
0x25f: {  	(xrf2) =	vadd.scan.msk.f32 $0xffff, v44;
	v0 =	vld [tilespmem:$0x1FB70];
	_ =	sdelay $0x1  }
0x260: {  	s12 =	sadd.s32 $0x40, s12  }
0x261: {  	v42 =	vsel vm1, v47, v42;
	v11, v50, _ =	vpop (xrf1);
	s21 =	sadd.s32 $0xFFFFFFD0, s12;
	v12 =	vor.u32 s12, v1  }
0x262: {  	vm2 =	vge.f32 v49, v41;
	(xrf1) =	vsort.dscd.msk.f32 $0xffff, v35, v37;
	vm1 =	vge.f32 v11, v36;
	v14 =	vor.u32 s21, v1  }
0x263: {  	v41 =	vsel vm2, v49, v41;
	(xrf1) =	vsort.dscd.msk.f32 $0xffff, v45, v46;
	s22 =	sadd.s32 $0xFFFFFFC8, s12;
	v47 =	vsel vm1, v11, v36;
	v11 =	vld [tilespmem:$0x1FB80];
	v53 =	vor.u32 s12, v0  }
0x264: {  	s19 =	sadd.s32 $0xFFFFFFD8, s12;
	(xrf1) =	vsort.dscd.msk.f32 $0xffff, v43, v42;
	v43 =	vld [tilespmem:$0x1FBC0];
	v54 =	vor.u32 s22, v1  }
0x265: {  	v13 =	vsel vm2, v48, v40;
	s20 =	sadd.s32 $0xFFFFFFE0, s12;
	v36 =	vmov v63;
	v63 =	vld [tilespmem:$0x1FB90];
	v48 =	vor.u32 s19, v1;
	v37, _, _ =	vpop (xrf2)  }
0x266: {  	v3 =	vmov v29;
	s18 =	sadd.s32 $0xFFFFFFE8, s12;
	s16 =	sadd.s32 $0xFFFFFFF0, s12;
	(xrf1) =	vsort.dscd.msk.f32 $0xffff, v41, v13;
	v41 =	vmov v31;
	v51 =	vor.u32 s20, v1;
	v10, _, _ =	vpop (xrf2);
	v49 =	vld.idx.msk [tilespmem:v12+s8+$0x0], $0xffff  }
0x267: {  	v52 =	vor.u32 s18, v1;
	v55 =	vor.u32 s16, v1;
	v13 =	vbroadcast v37, $0xF;
	v29, _, _ =	vpop (xrf2);
	v46 =	vld.idx.msk [tilespmem:v14+s8+$0x0], $0xffff  }
0x268: {  	v21 =	vor.u32 s22, v0;
	v12 =	vsel vm1, v50, v39;
	v14 =	vbroadcast v10, $0xF;
	v31 =	vld.idx.msk [tilespmem:v53+s8+$0x0], $0xffff;
	v53, _, _ =	vpop (xrf2)  }
0x269: {  	v9 =	vpop (erf);
	(erf) = vrcp.f32 v13;
	(xrf1) =	vsort.dscd.msk.f32 $0xffff, v47, v12;
	v47 =	vld.idx.msk [tilespmem:v54+s8+$0x0], $0xffff;
	v54 =	vmov v27;
	v27 =	vbroadcast v53, $0xF  }
0x26a: {  	v30 =	vmul.f32 v9, v30;
	(xrf2) =	vadd.scan.msk.f32 $0xffff, v32;
	v32 =	vld.idx.msk [tilespmem:v48+s8+$0x0], $0xffff;
	(erf) = vrcp.f32 v14  }
0x26b: {  	v18 =	vmov v28;
	s17 =	sadd.s32 $0xFFFFFFF8, s12;
	v28 =	vld.idx.msk [tilespmem:v51+s8+$0x0], $0xffff;
	(erf) = vrcp.f32 v27  }
0x26c: {  	[tilespmem:$0x1FB40] =	vst v58;
	v4 =	vmovc v20;
	v40 =	vmovc v34;
	v56 =	vor.u32 s17, v1;
	v2 =	vmov v11;
	v9 =	vmov v24;
	v24 =	vld.idx.msk [tilespmem:v52+s8+$0x0], $0xffff  }
0x26d: {  	v45 =	vor.u32 s21, v0;
	v58 =	vor.u32 s18, v0;
	v37 =	vmovc v17;
	[tilespmem:$0x1FB50] =	vst v2;
	v39 =	vmovc v43;
	v50 =	vor.u32 s14, v5;
	v12 =	vld.idx.msk [tilespmem:v55+s8+$0x0], $0xffff  }
0x26e: {  	[tilespmem:v63+s9+$0x0] =	vst.idx.msk $0xff, v30;
	v55 =	vld.idx.msk [tilespmem:v21+s8+$0x0], $0xffff;
	v30, v43, _ =	vpop (xrf1);
	v10 =	vshll.u32 v49, $0x3;
	v31 =	vshll.u32 v31, $0x3;
	v21 =	vshll.u32 v47, $0x3  }
0x26f: {  	[tilespmem:v63+s10+$0x0] =	vst.idx.msk $0xff, v61;
	v49, v17, _ =	vpop (xrf1);
	v51 =	vor.u32 v25, v10;
	v61 =	vor.u32 v25, v21;
	v21 =	vshll.u32 v32, $0x3  }
0x270: {  	s13 =	sadd.s32 $0x200, s13;
	[tilespmem:$0x1FBC0] =	vst v54;
	v54, v48, _ =	vpop (xrf1);
	v31 =	vor.u32 v25, v31;
	v2 =	vor.u32 v25, v21;
	v21 =	vshll.u32 v28, $0x3  }
0x271: {  	v13 =	vld.idx.msk [tilespmem:v56+s8+$0x0], $0xffff;
	v14 =	vadd.s32 s13, v51;
	v56, v47, _ =	vpop (xrf1);
	v1 =	vor.u32 v25, v21;
	v21 =	vshll.u32 v24, $0x3  }
0x272: {  	v32 =	vadd.s32 s13, v31;
	v7 =	vpop (erf);
	v8 =	vor.u32 v25, v21;
	v21 =	vshll.u32 v12, $0x3  }
0x273: {  	v34 =	vor.u32 s19, v0;
	[tilespmem:$0x1FB90] =	vst v9;
	v9 =	vor.u32 v25, v21;
	v21 =	vmul.f32 $2.500000000e+00, v44;
	v52 =	vpop (erf)  }
0x274: {  	v20 =	vmov v62;
	v42 =	vmov v33;
	v58 =	vld.idx.msk [tilespmem:v58+s8+$0x0], $0xffff;
	v11 =	vshll.u32 v46, $0x3;
	v15 =	vpop (erf)  }
0x275: {  	s26 =	sadd.s32 $0xFFFFFE80, s13;
	v62 =	vld.idx.msk [tilespmem:v45+s8+$0x0], $0xffff;
	v27 =	vnsel vm0, $0x0, v30;
	v30 =	vor.u32 v25, v11;
	v63, v46, _ =	vpop (xrf1);
	v15 =	vmul.f32 v15, v21  }
0x276: {  	[tilespmem:$0x1FB30] =	vst v59;
	s29 =	sadd.s32 $0xFFFFFE40, s13;
	v57 =	vor.u32 s20, v0;
	v59 =	vor.u32 s16, v0;
	v33 =	vadd.s32 s26, v30;
	v28, v45, _ =	vpop (xrf1);
	v24 =	vld.idx.msk [tilespmem:v14+s2+$0x0], $0xffff  }
0x277: {  	v35 =	vmov v60;
	s30 =	sadd.s32 $0xFFFFFF00, s13;
	v60 =	vor.u32 s17, v0;
	v0 =	vadd.s32 s29, v61;
	v32 =	vld.idx.msk [tilespmem:v32+s2+$0x0], $0xffff;
	v16, v5, _ =	vpop (xrf1);
	[tilespmem:v50+s9+$0x0] =	vst.idx.msk $0xff, v15  }
0x278: {  	s25 =	sadd.s32 $0xFFFFFEC0, s13;
	v34 =	vld.idx.msk [tilespmem:v34+s8+$0x0], $0xffff;
	(xrf2) =	vadd.scan.msk.f32 $0xffff, v27;
	v44 =	vadd.s32 s30, v1;
	[tilespmem:$0x1FB80] =	vst v5  }
0x279: {  	(xrf2) =	vadd.scan.msk.f32 $0xffff, v26;
	v26 =	vadd.s32 s25, v2;
	v5 =	vmovc v25;
	[tilespmem:v50+s10+$0x0] =	vst.idx.msk $0xff, v38;
	v38 =	vshll.u32 v58, $0x3  }
0x27a: {  	v58 =	vor.u32 v5, v38;
	v38 =	vnsel vm0, $0x0, v63;
	v63 =	vmov v3;
	v3 =	vld [tilespmem:$0x1FBE0]  }
0x27b: {  	v33 =	vld.idx.msk [tilespmem:v33+s2+$0x0], $0xffff  }
0x27c: {  	v0 =	vld.idx.msk [tilespmem:v0+s2+$0x0], $0xffff  }
0x27d: {  	v34 =	vshll.u32 v34, $0x3;
	v23 =	vld.idx.msk [tilespmem:v44+s2+$0x0], $0xffff  }
0x27e: {  	v21 =	vor.u32 v5, v34;
	v34 =	vld.idx.msk [tilespmem:v26+s2+$0x0], $0xffff  }
0x27f: {  	(xrf1) =	vsort.dscd.msk.f32 $0xffff, v24, v51;
	v7 =	vmul.f32 v7, v3;
	v3 =	vld [tilespmem:$0x1FC00]  }
0x280: {  	(xrf1) =	vsort.dscd.msk.f32 $0xffff, v32, v31  }
0x281: {  	(xrf1) =	vsort.dscd.msk.f32 $0xffff, v0, v61  }
0x282: {  	(xrf1) =	vsort.dscd.msk.f32 $0xffff, v33, v30  }
0x283: {  	v57 =	vld.idx.msk [tilespmem:v57+s8+$0x0], $0xffff;
	(xrf1) =	vsort.dscd.msk.f32 $0xffff, v34, v2  }
0x284: {  	(xrf1) =	vsort.dscd.msk.f32 $0xffff, v23, v1;
	v23 =	vmul.f32 v52, v3;
	v3 =	vld [tilespmem:$0x1FBA0]  }
0x285: {  	s28 =	sadd.s32 $0xFFFFFF40, s13  }
0x286: {  	v10 =	vadd.s32 s28, v8;
	v14 =	vshll.u32 v13, $0x3  }
0x287: {  	s23 =	sadd.s32 $0xFFFFFF80, s13;
	v51 =	vadd.s32 s25, v21  }
0x288: {  	v29 =	vbroadcast v29, $0xF;
	v59 =	vld.idx.msk [tilespmem:v59+s8+$0x0], $0xffff;
	v57 =	vshll.u32 v57, $0x3;
	v53, _, _ =	vpop (xrf2);
	v12 =	vadd.s32 s23, v9  }
0x289: {  	s24 =	sadd.s32 $0xFFFFFFC0, s13;
	v55 =	vshll.u32 v55, $0x3;
	v62 =	vshll.u32 v62, $0x3;
	v11 =	vor.u32 v25, v14;
	v14, _, _ =	vpop (xrf2)  }
0x28a: {  	v60 =	vld.idx.msk [tilespmem:v60+s8+$0x0], $0xffff;
	v13 =	vadd.s32 s24, v11;
	v55 =	vor.u32 v5, v55;
	v0 =	vbroadcast v14, $0xF  }
0x28b: {  	(erf) = vrcp.f32 v29;
	v10 =	vld.idx.msk [tilespmem:v10+s2+$0x0], $0xffff;
	v62 =	vor.u32 v5, v62;
	v19 =	vadd.s32 s29, v55  }
0x28c: {  	v50 =	vor.u32 v5, v57;
	v24 =	vadd.s32 s26, v62;
	(erf) = vrcp.f32 v0;
	v0 =	vld.idx.msk [tilespmem:v51+s2+$0x0], $0xffff;
	[tilespmem:v3+s9+$0x0] =	vst.idx.msk $0xff, v7  }
0x28d: {  	v26 =	vshll.u32 v59, $0x3;
	v59 =	vnsel vm0, $0x0, v49;
	v12 =	vld.idx.msk [tilespmem:v12+s2+$0x0], $0xffff;
	[tilespmem:v3+s10+$0x0] =	vst.idx.msk $0xff, v20;
	v3 =	vmov v4  }
0x28e: {  	v57 =	vadd.s32 s30, v50;
	v22 =	vadd.s32 s28, v58;
	v15 =	vor.u32 v5, v26;
	[tilespmem:$0x1FBA0] =	vst v3;
	v3 =	vld [tilespmem:$0x1FBB0]  }
0x28f: {  	v31, _, _ =	vpop (xrf2);
	v26 =	vshll.u32 v60, $0x3;
	v32 =	vnsel vm0, $0x0, v28;
	v13 =	vld.idx.msk [tilespmem:v13+s2+$0x0], $0xffff;
	v14 =	vbroadcast v53, $0xF  }
0x290: {  	v60 =	vor.u32 v5, v26;
	v26 =	vnsel vm0, $0x0, v16;
	v28 =	vbroadcast v31, $0xF;
	v16 =	vld.idx.msk [tilespmem:v19+s2+$0x0], $0xffff  }
0x291: {  	v49 =	vnsel vm0, $0x0, v54;
	(xrf2) =	vadd.scan.msk.f32 $0xffff, v59;
	v54 =	vadd.s32 s23, v15;
	(erf) = vrcp.f32 v14;
	v53 =	vld.idx.msk [tilespmem:v24+s2+$0x0], $0xffff  }
0x292: {  	(erf) = vrcp.f32 v28;
	(xrf1) =	vsort.dscd.msk.f32 $0xffff, v10, v8;
	v8 =	vmul.f32 $2.500000000e+00, v49  }
0x293: {  	v30 =	vmul.f32 $2.500000000e+00, v59;
	v59 =	vld.idx.msk [tilespmem:v57+s2+$0x0], $0xffff;
	(xrf1) =	vsort.dscd.msk.f32 $0xffff, v12, v9  }
0x294: {  	v10 =	vld.idx.msk [tilespmem:v22+s2+$0x0], $0xffff;
	(xrf1) =	vsort.dscd.msk.f32 $0xffff, v13, v11;
	v4 =	vmov v8  }
0x295: {  	v44 =	vnsel vm0, $0x0, v56;
	v56 =	vadd.s32 s24, v60;
	(xrf1) =	vsort.dscd.msk.f32 $0xffff, v16, v55;
	v57, v16, _ =	vpop (xrf1);
	[tilespmem:$0x1FBE0] =	vst v4;
	v4 =	vld [tilespmem:$0x1FBD0]  }
0x296: {  	v54 =	vld.idx.msk [tilespmem:v54+s2+$0x0], $0xffff;
	(xrf1) =	vsort.dscd.msk.f32 $0xffff, v53, v62;
	v13 =	vperm.xlane v57, v6;
	[tilespmem:v3+s9+$0x0] =	vst.idx.msk $0xff, v23  }
0x297: {  	v16 =	vperm.xlane v16, v6;
	(xrf1) =	vsort.dscd.msk.f32 $0xffff, v0, v21;
	v0, v21, _ =	vpop (xrf1);
	[tilespmem:v3+s10+$0x0] =	vst.idx.msk $0xff, v35;
	v3 =	vld [tilespmem:$0x1FBF0]  }
0x298: {  	(xrf1) =	vsort.dscd.msk.f32 $0xffff, v59, v50;
	v59 =	vpop (erf);
	vm1 =	vge.f32 v0, v13  }
0x299: {  	v2 =	vmul.f32 $2.500000000e+00, v27;
	v62 =	vmov v48;
	v50 =	vpop (erf);
	v48 =	vsel vm1, v21, v16  }
0x29a: {  	v56 =	vld.idx.msk [tilespmem:v56+s2+$0x0], $0xffff;
	(xrf1) =	vsort.dscd.msk.f32 $0xffff, v10, v58;
	v0 =	vsel vm1, v0, v13;
	v53 =	vpop (erf)  }
0x29b: {  	v52 =	vmul.f32 v50, v2;
	(xrf1) =	vsort.dscd.msk.f32 $0xffff, v0, v48;
	v7 =	vpop (erf)  }
0x29c: {  	(xrf1) =	vsort.dscd.msk.f32 $0xffff, v54, v15;
	v8, v54, _ =	vpop (xrf1);
	v48 =	vmov v3;
	v3 =	vld [tilespmem:$0x1FB30]  }
0x29d: {  	v19 =	vor.u32 s22, v5;
	v1 =	vmul.f32 v59, v40;
	v55 =	vmul.f32 v7, v41;
	v40, v41, _ =	vpop (xrf1);
	[tilespmem:v4+s9+$0x0] =	vst.idx.msk $0xff, v52  }
0x29e: {  	v29 =	vor.u32 s18, v5;
	v33 =	vmul.f32 $2.500000000e+00, v32;
	v2 =	vmul.f32 v53, v42;
	[tilespmem:v4+s10+$0x0] =	vst.idx.msk $0xff, v43;
	v43, v42, _ =	vpop (xrf1)  }
0x29f: {  	v31 =	vmul.f32 $2.500000000e+00, v26;
	v51 =	vor.u32 s19, v5;
	(xrf1) =	vsort.dscd.msk.f32 $0xffff, v56, v60;
	v60 =	vmov v47;
	v47, v15, _ =	vpop (xrf1)  }
0x2a0: {  	v14 =	vor.u32 s20, v5;
	v20 =	vmov v51;
	[tilespmem:v36+s9+$0x0] =	vst.idx.msk $0xff, v1;
	v51 =	vperm.xlane v15, v6;
	v15, v16, _ =	vpop (xrf1)  }
0x2a1: {  	v34 =	vmul.f32 $2.500000000e+00, v38;
	v9 =	vmul.f32 $2.500000000e+00, v44;
	v4 =	vmov v19;
	[tilespmem:v36+s10+$0x0] =	vst.idx.msk $0xff, v3;
	v3, v19, _ =	vpop (xrf1)  }
0x2a2: {  	v61 =	vmovc v17;
	v27 =	vor.u32 s16, v5;
	v10 =	vperm.xlane v41, v6;
	v41 =	vperm.xlane v3, v6;
	v3 =	vld [tilespmem:$0x1FB40]  }
0x2a3: {  	v24 =	vor.u32 s21, v5;
	v28 =	vor.u32 s17, v5;
	v22, _, _ =	vpop (xrf2);
	v7 =	vmov v9  }
0x2a4: {  	v17 =	vmovc v18;
	(xrf2) =	vadd.scan.msk.f32 $0xffff, v49;
	v22 =	vbroadcast v22, $0xF;
	[tilespmem:$0x1FC00] =	vst v7;
	v7 =	vperm.xlane v8, v6  }
0x2a5: {  	v59 =	vmov v46;
	v8 =	vperm.xlane v54, v6;
	[tilespmem:v39+s9+$0x0] =	vst.idx.msk $0xff, v2;
	v9 =	vperm.xlane v40, v6  }
0x2a6: {  	v58 =	vmov v45;
	[tilespmem:v37+s9+$0x0] =	vst.idx.msk $0xff, v55;
	v12 =	vperm.xlane v42, v6;
	v42 =	vperm.xlane v16, v6;
	v52, v16, _ =	vpop (xrf1)  }
0x2a7: {  	v11 =	vperm.xlane v43, v6;
	[tilespmem:v39+s10+$0x0] =	vst.idx.msk $0xff, v3;
	v39 =	vperm.xlane v16, v6;
	v53, v16, _ =	vpop (xrf1);
	v3 =	vmov v14  }
0x2a8: {  	s15 =	sadd.s32 $0x8, s15;
	v50 =	vperm.xlane v47, v6;
	v15 =	vperm.xlane v15, v6;
	[tilespmem:$0x1FBF0] =	vst v3;
	vm1 =	vge.f32 v53, v7;
	v54, v55, _ =	vpop (xrf1);
	v3 =	vld [tilespmem:$0x1FB50]  }
0x2a9: {  	p0 =	slt.u32 s15, $0x38;
	(xrf2) =	vadd.scan.msk.f32 $0xffff, v44;
	v2 =	vsel vm1, v53, v7;
	v7 =	vsel vm1, v16, v8;
	vm1 =	vge.f32 v54, v9;
	v8, v16, _ =	vpop (xrf1)  }
.Ltmp0:
0x2aa: {  	(xrf2) =	vadd.scan.msk.f32 $0xffff, v38;
	v40 =	vperm.xlane v19, v6;
	v36 =	vperm.xlane v52, v6;
	v56 =	vsel vm1, v55, v10;
	v10, v14, _ =	vpop (xrf1);
	(pc) =	sbr.rel @p0 .LBB2_2-.Ltmp0, $4  }
0x2ab: {  	[tilespmem:$0x1FBD0] =	vst v4;
	v0 =	vsel vm1, v54, v9;
	vm1 =	vge.f32 v8, v11;
	vm2 =	vge.f32 v10, v50  }
0x2ac: {  	[tilespmem:$0x1FBB0] =	vst v48;
	v35 =	vsel vm1, v8, v11;
	v8, v47, _ =	vpop (xrf1);
	(xrf1) =	vsort.dscd.msk.f32 $0xffff, v2, v7;
	v45 =	vsel vm2, v10, v50  }
0x2ad: {  	(erf) = vrcp.f32 v22;
	v57, v38, _ =	vpop (xrf1);
	[tilespmem:v37+s10+$0x0] =	vst.idx.msk $0xff, v3;
	v37 =	vsel vm1, v16, v12;
	vm1 =	vge.f32 v8, v15  }
0x2ae: {  	s14 =	smov.u32 s12;
	v46 =	vsel vm2, v14, v51;
	(xrf1) =	vsort.dscd.msk.f32 $0xffff, v0, v56;
	v44 =	vnsel vm0, $0x0, v57;
	v49, v48, _ =	vpop (xrf1);
	v43 =	vsel vm1, v8, v15  }
0x2af: {  	(xrf2) =	vadd.scan.msk.f32 $0xffff, v44;
	_ =	sdelay $0x5  }
0x2b0: {  	(xrf1) =	vsort.dscd.msk.f32 $0xffff, v35, v37;
	v1, v2, _ =	vpop (xrf1)  }
0x2b1: {  	v0 =	vsel vm1, v47, v42;
	vm14 =	vge.f32 v49, v41;
	v50, _, _ =	vpop (xrf2);
	(xrf1) =	vsort.dscd.msk.f32 $0xffff, v45, v46  }
0x2b2: {  	v3 =	vsel vm14, v49, v41;
	v4 =	vsel vm14, v48, v40;
	(xrf1) =	vsort.dscd.msk.f32 $0xffff, v43, v0;
	v6, _, _ =	vpop (xrf2)  }
0x2b3: {  	vm15 =	vge.f32 v1, v36;
	(xrf1) =	vsort.dscd.msk.f32 $0xffff, v3, v4;
	v4 =	vbroadcast v50, $0xF;
	v7, _, _ =	vpop (xrf2)  }
0x2b4: {  	v1 =	vsel vm15, v1, v36;
	v2 =	vsel vm15, v2, v39;
	v6 =	vbroadcast v6, $0xF;
	v51, _, _ =	vpop (xrf2)  }
0x2b5: {  	(erf) = vrcp.f32 v4;
	v48, v49, _ =	vpop (xrf1);
	(xrf1) =	vsort.dscd.msk.f32 $0xffff, v1, v2;
	v1 =	vbroadcast v51, $0xF  }
0x2b6: {  	(erf) = vrcp.f32 v6  }
0x2b7: {  	(erf) = vrcp.f32 v1;
	_ =	sdelay $0x1  }
0x2b8: {  	v18 =	vld [tilespmem:$0x1FB90];
	_ =	sdelay $0x3  }
0x2b9: {  	v52 =	vpop (erf)  }
0x2ba: {  	v5 =	vor.u32 s14, v5;
	v55 =	vpop (erf)  }
0x2bb: {  	v21 =	vmul.f32 $2.500000000e+00, v44;
	v2 =	vmul.f32 v52, v30;
	v56 =	vpop (erf)  }
0x2bc: {  	v19 =	vpop (erf)  }
0x2bd: {  	[tilespmem:v18+s9+$0x0] =	vst.idx.msk $0xff, v2;
	v21 =	vmul.f32 v19, v21  }
0x2be: {  	[tilespmem:v18+s10+$0x0] =	vst.idx.msk $0xff, v61  }
0x2bf: {  	[tilespmem:v5+s9+$0x0] =	vst.idx.msk $0xff, v21  }
0x2c0: {  	v2 =	vld [tilespmem:$0x1FBE0];
	[tilespmem:v5+s10+$0x0] =	vst.idx.msk $0xff, v38  }
0x2c1: {  	v35 =	vld [tilespmem:$0x1FBA0]  }
0x2c2: {  	(xrf2) =	vadd.scan.msk.f32 $0xffff, v32;
	v0 =	vnsel vm0, $0x0, v48  }
0x2c3: {  	(xrf2) =	vadd.scan.msk.f32 $0xffff, v0;
	_ =	sdelay $0x3  }
0x2c4: {  	v2 =	vmul.f32 v55, v2;
	_ =	sdelay $0x1  }
0x2c5: {  	v5 =	vld [tilespmem:$0x1FC00];
	[tilespmem:v35+s9+$0x0] =	vst.idx.msk $0xff, v2  }
0x2c6: {  	[tilespmem:v35+s10+$0x0] =	vst.idx.msk $0xff, v62  }
0x2c7: {  	v18 =	vld [tilespmem:$0x1FBB0]  }
0x2c8: {  	v7 =	vbroadcast v7, $0xF;
	v11, _, _ =	vpop (xrf2);
	(xrf2) =	vadd.scan.msk.f32 $0xffff, v26  }
0x2c9: {  	v12, _, _ =	vpop (xrf2)  }
0x2ca: {  	v53, v6, _ =	vpop (xrf1);
	(erf) = vrcp.f32 v7;
	v12 =	vbroadcast v12, $0xF  }
0x2cb: {  	v54, v8, _ =	vpop (xrf1);
	v4 =	vnsel vm0, $0x0, v53  }
0x2cc: {  	v1 =	vnsel vm0, $0x0, v54;
	(xrf2) =	vadd.scan.msk.f32 $0xffff, v4;
	(erf) = vrcp.f32 v12  }
0x2cd: {  	(xrf2) =	vadd.scan.msk.f32 $0xffff, v1;
	v5 =	vmul.f32 v56, v5;
	_ =	sdelay $0x1  }
0x2ce: {  	v9, v10, _ =	vpop (xrf1);
	[tilespmem:v18+s9+$0x0] =	vst.idx.msk $0xff, v5  }
0x2cf: {  	v13, v14, _ =	vpop (xrf1);
	v40 =	vld [tilespmem:$0x1FBD0]  }
0x2d0: {  	v9 =	vnsel vm0, $0x0, v9;
	v15, v16, _ =	vpop (xrf1)  }
0x2d1: {  	v11 =	vbroadcast v11, $0xF;
	(xrf2) =	vadd.scan.msk.f32 $0xffff, v9;
	v22, _, _ =	vpop (xrf2)  }
0x2d2: {  	v0 =	vmul.f32 $2.500000000e+00, v0;
	v32 =	vpop (erf);
	v22 =	vbroadcast v22, $0xF  }
0x2d3: {  	v13 =	vnsel vm0, $0x0, v13;
	v39 =	vmul.f32 v32, v34;
	v57, v23, _ =	vpop (xrf1);
	(erf) = vrcp.f32 v11  }
0x2d4: {  	v15 =	vnsel vm0, $0x0, v15;
	(xrf2) =	vadd.scan.msk.f32 $0xffff, v13;
	(erf) = vrcp.f32 v22;
	v36 =	vpop (erf);
	[tilespmem:v18+s10+$0x0] =	vst.idx.msk $0xff, v60  }
0x2d5: {  	v25, _, _ =	vpop (xrf2);
	(xrf2) =	vadd.scan.msk.f32 $0xffff, v15;
	v11 =	vnsel vm0, $0x0, v57;
	v0 =	vmul.f32 v36, v0;
	[tilespmem:v63+s9+$0x0] =	vst.idx.msk $0xff, v39  }
0x2d6: {  	v30 =	vbroadcast v25, $0xF;
	(xrf2) =	vadd.scan.msk.f32 $0xffff, v11;
	v26, _, _ =	vpop (xrf2);
	[tilespmem:v63+s10+$0x0] =	vst.idx.msk $0xff, v59  }
0x2d7: {  	v37 =	vbroadcast v26, $0xF;
	[tilespmem:v40+s9+$0x0] =	vst.idx.msk $0xff, v0  }
0x2d8: {  	(erf) = vrcp.f32 v30;
	[tilespmem:v40+s10+$0x0] =	vst.idx.msk $0xff, v49  }
0x2d9: {  	(erf) = vrcp.f32 v37;
	v49 =	vld [tilespmem:$0x1FBC0];
	_ =	sdelay $0x1  }
0x2da: {  	v38, _, _ =	vpop (xrf2)  }
0x2db: {  	v42 =	vpop (erf)  }
0x2dc: {  	v46 =	vmul.f32 $2.500000000e+00, v4;
	v1 =	vmul.f32 $2.500000000e+00, v1;
	v45 =	vpop (erf)  }
0x2dd: {  	v2 =	vbroadcast v38, $0xF;
	v41, _, _ =	vpop (xrf2);
	v47 =	vmul.f32 v45, v31  }
0x2de: {  	v44, _, _ =	vpop (xrf2);
	v43 =	vmul.f32 v42, v33;
	v0 =	vbroadcast v41, $0xF  }
0x2df: {  	(erf) = vrcp.f32 v2;
	v3 =	vbroadcast v44, $0xF;
	v48, _, _ =	vpop (xrf2);
	[tilespmem:v17+s9+$0x0] =	vst.idx.msk $0xff, v47  }
0x2e0: {  	v50 =	vbroadcast v48, $0xF;
	v51 =	vpop (erf);
	(erf) = vrcp.f32 v0;
	[tilespmem:v49+s9+$0x0] =	vst.idx.msk $0xff, v43  }
0x2e1: {  	v52 =	vpop (erf);
	v0 =	vmul.f32 v51, v46;
	(erf) = vrcp.f32 v3;
	[tilespmem:v49+s10+$0x0] =	vst.idx.msk $0xff, v58  }
0x2e2: {  	v55 =	vmul.f32 v52, v1;
	(erf) = vrcp.f32 v50;
	v53 =	vld [tilespmem:$0x1FB80]  }
0x2e3: {  	[tilespmem:v24+s9+$0x0] =	vst.idx.msk $0xff, v0  }
0x2e4: {  	[tilespmem:v20+s9+$0x0] =	vst.idx.msk $0xff, v55  }
0x2e5: {  	[tilespmem:v24+s10+$0x0] =	vst.idx.msk $0xff, v6  }
0x2e6: {  	[tilespmem:v20+s10+$0x0] =	vst.idx.msk $0xff, v8  }
0x2e7: {  	[tilespmem:v17+s10+$0x0] =	vst.idx.msk $0xff, v53  }
0x2e8: {  	v57 =	vmul.f32 $2.500000000e+00, v13;
	v56 =	vpop (erf);
	v60 =	vld [tilespmem:$0x1FBF0]  }
0x2e9: {  	v58 =	vpop (erf)  }
0x2ea: {  	v62 =	vmul.f32 $2.500000000e+00, v11;
	v0 =	vmul.f32 v58, v57;
	v61 =	vpop (erf)  }
0x2eb: {  	v63 =	vpop (erf)  }
0x2ec: {  	v54 =	vmul.f32 $2.500000000e+00, v9;
	[tilespmem:v29+s9+$0x0] =	vst.idx.msk $0xff, v0;
	v0 =	vmul.f32 v63, v62  }
0x2ed: {  	[tilespmem:v29+s10+$0x0] =	vst.idx.msk $0xff, v14  }
0x2ee: {  	v1 =	vmul.f32 v56, v54;
	v59 =	vmul.f32 $2.500000000e+00, v15;
	[tilespmem:v28+s9+$0x0] =	vst.idx.msk $0xff, v0  }
0x2ef: {  	[tilespmem:v28+s10+$0x0] =	vst.idx.msk $0xff, v23  }
0x2f0: {  	[tilespmem:v60+s9+$0x0] =	vst.idx.msk $0xff, v1;
	v1 =	vmul.f32 v61, v59  }
0x2f1: {  	[tilespmem:v60+s10+$0x0] =	vst.idx.msk $0xff, v10  }
0x2f2: {  	[tilespmem:v27+s9+$0x0] =	vst.idx.msk $0xff, v1  }
0x2f3: {  	[tilespmem:v27+s10+$0x0] =	vst.idx.msk $0xff, v16  }
0x2f4: {  	s0 =	rddreg [dreg:$0x3]  }
0x2f5: {  	[hbm4b:s0+s2] =	stream.linear.scatter [tilespmem:s9], [sflag:$0x1], $0x200, $0x38;
	[tilespmem:$0x1680] =	vst v63  }
0x2f6: {  	s11 =	sadd.s32 $0x1, s11;
	_ =	swait.ge [sflag:s7], $0x200  }
0x2f7: {  	p0 =	sne.s32 s11, s6;
	[sflag:s7] =	ssyncset.done $0x0  }
.Ltmp1:
0x2f8: {  	s30 =	rddreg [dreg:$0x4];
	[sflag:s7] =	ssyncadd.s32 $0xFFFFFE00;
	(pc) =	sbr.rel @p0 .LBB2_1-.Ltmp1, $4  }
0x2f9: {  	[hbm4b:s30+s2] =	stream.linear.scatter [tilespmem:s10], [sflag:$0x1], $0x200, $0x38;
	[tilespmem:$0x1680] =	vst v63  }
0x2fa: {  	_ =	swait.ge [sflag:s7], $0x200  }
0x2fb: {  	[sflag:s7] =	ssyncset.done $0x0  }
0x2fc: {  	[sflag:s7] =	ssyncadd.s32 $0xFFFFFE00  }
0x2fd: {  	_ =	sfence.sel $0x180000  }
0x2fe: {  	[bflag:$0x0] =	sbarrier.arrive $0xFFFF  }
0x2ff: {  	_ =	strace $0x9000004A  }
0x300: {  	s0 =	stileid.u32;
	[bflag:$0x2] =	sbarrier.arrive $0xFFFF  }
0x301: {  	p0 =	sne.s32 s0, $0x0;
	s0 =	rddreg [dreg:$0x1]  }
0x302: {  	s0 =	sadd.s32 @!p0 $0x100000, s0  }
0x303: {  	[sflag:s0] =	ssyncadd.tile.s32 @!p0 $0x1;
	_ =	shalt  }
.Lfunc_end2:
_tile_overlayer_lowered:
.L_overlay_start_2:
0x304: {  	(tag) =	ssettag $0x2  }
0x305: {  	s0 =	rddreg [dreg:$0x0];
	s2 =	stileid.u32  }
0x306: {  	s1 =	rddreg [dreg:$0x1];
	p0 =	sne.s32 s2, $0x0  }
0x307: {  	s3 =	rddreg [dreg:$0x2];
	[bflag:$0x3] =	sbarrier.arrive $0xFFFF;
	s2 =	simm.s32 @!p0 $0x1C01  }
0x308: {  	[timem:s3], [sflag:s2] =	dma.local @!p0 [hbm:s0], s1  }
0x309: {  	s0 =	simm.s32 @!p0 $0x1  }
0x30a: {  	_ =	swait.ge @!p0 [sflag:s0], s1  }
0x30b: {  	s1 =	ssub.s32 @!p0 $0x0, s1;
	[sflag:s0] =	ssyncset.done @!p0 $0x0  }
0x30c: {  	[sflag:s0] =	ssyncadd.s32 @!p0 s1  }
0x30d: {  	[bflag:$0x3] =	sbarrier.arrive $0xFFFF  }
0x30e: {  	_ =	shalt  }

</sc_bundles>
